<compile_context>
chip_gen: v7x
topology: tpu7x:2x2x1
jax: 0.10.2.dev20260603
libtpu: 0.0.44.dev20260713+nightly
codegen_flags: <defaults>
</compile_context>

<pallas_src>
import jax
import jax.numpy as jnp
from jax import lax
from jax.experimental import pallas as pl
from jax.experimental.pallas import tpu as pltpu
from jax.experimental.pallas import tpu_sc as plsc

N = 10000
E = 320000
D = 128

NC = 2
NS = 16
NW = NC * NS
L = 16

B = 80
EDGES_PER_W = E // NW
CPW = EDGES_PER_W // B
NPB = (CPW - 1) // 4
ZROWS = B
NBLK = N // ZROWS


def _sc_body(w_hbm, x_hbm, src_hbm, dst_hbm, parts_hbm, acc_sh,
             s0, s1, s2, s3, d0, d1, d2, d3, w0, w1, x0, x1,
             is0, is1, is2, is3, ls0, ls1, gs0, gs1, ss0, ss1):
    cid = lax.axis_index("c")
    sid = lax.axis_index("s")
    wid = sid * NC + cid

    srcb = [s0, s1, s2, s3]
    dstb = [d0, d1, d2, d3]
    wbuf = [w0, w1]
    xbuf = [x0, x1]
    isem = [is0, is1, is2, is3]
    lsem = [ls0, ls1]
    gsem = [gs0, gs1]
    ssem = [ss0, ss1]

    @plsc.parallel_loop(0, ZROWS, unroll=4)
    def _zero_row(r):
        for j in range(D // L):
            w0[r, pl.ds(j * L, L)] = jnp.zeros((L,), jnp.float32)
    for k in range((NBLK + NS - 1) // NS):
        blk = sid + k * NS
        @pl.when(blk < NBLK)
        def _():
            pltpu.sync_copy(w0, acc_sh.at[pl.ds(blk * ZROWS, ZROWS)])
    plsc.subcore_barrier()

    e_base = wid * EDGES_PER_W

    def idx_start(i, slot):
        e0 = e_base + i * B
        pltpu.async_copy(src_hbm.at[pl.ds(e0, B)], srcb[slot], isem[slot])
        pltpu.async_copy(dst_hbm.at[pl.ds(e0, B)], dstb[slot], isem[slot])

    def idx_wait(slot):
        pltpu.make_async_copy(src_hbm.at[pl.ds(0, B)], srcb[slot],
                              isem[slot]).wait()
        pltpu.make_async_copy(dst_hbm.at[pl.ds(0, B)], dstb[slot],
                              isem[slot]).wait()

    def wload_start(i, buf):
        pltpu.async_copy(w_hbm.at[pl.ds(e_base + i * B, B)], wbuf[buf],
                         lsem[buf])

    def gather_start(slot, buf):
        pltpu.async_copy(x_hbm.at[srcb[slot]], xbuf[buf], gsem[buf])

    def data_wait(buf):
        pltpu.make_async_copy(w_hbm.at[pl.ds(0, B)], wbuf[buf],
                              lsem[buf]).wait()
        pltpu.make_async_copy(x_hbm.at[srcb[0]], xbuf[buf],
                              gsem[buf]).wait()

    def scat_start(i, slot, buf):
        pltpu.async_copy(wbuf[buf], acc_sh.at[dstb[slot]], ssem[buf],
                         add=True)

    def scat_wait(buf):
        pltpu.make_async_copy(wbuf[buf], acc_sh.at[dstb[0]],
                              ssem[buf]).wait()

    def compute(buf):
        wb = wbuf[buf]
        xb = xbuf[buf]
        @plsc.parallel_loop(0, B, unroll=8)
        def _row(r):
            for j in range(D // L):
                sl = pl.ds(j * L, L)
                wb[r, sl] = xb[r, sl] * wb[r, sl]

    idx_start(0, 0)
    idx_start(1, 1)
    idx_wait(0)
    wload_start(0, 0)
    gather_start(0, 0)

    def _body(q, _):
        c0 = 4 * q
        for pos in range(4):
            c = c0 + pos
            slot = pos % 4
            nslot = (pos + 1) % 4
            pslot = (pos + 2) % 4
            buf = pos % 2
            nbuf = (pos + 1) % 2
            if pos == 3:
                @pl.when(q < NPB - 1)
                def _():
                    idx_start(c + 2, pslot)
            else:
                idx_start(c + 2, pslot)
            idx_wait(nslot)
            gather_start(nslot, nbuf)
            if pos == 0:
                @pl.when(q > 0)
                def _():
                    scat_wait(nbuf)
            else:
                scat_wait(nbuf)
            wload_start(c + 1, nbuf)
            data_wait(buf)
            compute(buf)
            scat_start(c, slot, buf)
        return 0

    lax.fori_loop(0, NPB, _body, 0)

    scat_wait(1)
    data_wait(0)
    compute(0)
    scat_start(CPW - 1, 0, 0)
    scat_wait(0)
    plsc.subcore_barrier()

    for k in range((NBLK + NS - 1) // NS):
        blk = sid + k * NS
        @pl.when(blk < NBLK)
        def _():
            r0 = blk * ZROWS
            pltpu.sync_copy(acc_sh.at[pl.ds(r0, ZROWS)],
                            parts_hbm.at[cid, pl.ds(r0, ZROWS)])


@jax.jit
def _sc_scatter(w, x, src, dst):
    mesh = plsc.VectorSubcoreMesh(core_axis_name="c", subcore_axis_name="s")
    return pl.kernel(
        _sc_body,
        out_type=jax.ShapeDtypeStruct((NC, N, D), jnp.float32),
        mesh=mesh,
        scratch_types=(
            [pltpu.VMEM_SHARED((N, D), jnp.float32)]
            + [pltpu.VMEM((B,), jnp.int32) for _ in range(8)]
            + [pltpu.VMEM((B, D), jnp.float32) for _ in range(4)]
            + [pltpu.SemaphoreType.DMA for _ in range(10)]
        ),
    )(w, x, src, dst)


def _add_body(a_ref, b_ref, o_ref):
    o_ref[...] = a_ref[0] + b_ref[0]


@jax.jit
def _combine(parts):
    blk = 2000
    return pl.pallas_call(
        _add_body,
        grid=(N // blk,),
        in_specs=[
            pl.BlockSpec((1, blk, D), lambda i: (0, i, 0)),
            pl.BlockSpec((1, blk, D), lambda i: (1, i, 0)),
        ],
        out_specs=pl.BlockSpec((blk, D), lambda i: (i, 0)),
        out_shape=jax.ShapeDtypeStruct((N, D), jnp.float32),
    )(parts, parts)


def kernel(w, x, src, dst):
    parts = _sc_scatter(w, x, src, dst)
    return _combine(parts)

# --- scband reference (transcript-rebuilt; emitter-appended) ---
"""Pipeline reference for scband-segmented-polynomial-31129922961522 (READ-ONLY COPY).

The authoritative reference and input builder live on the scoring server;
editing this copy changes nothing except your own understanding.
"""

import jax, jax.numpy as jnp
import numpy as np

N = 10000   # number of nodes
E = 320000  # number of edges
D = 128     # operand size (128 uniform 1D segments of size 1, channelwise product)


def setup_inputs(seed: int = 0) -> dict:
    key = jax.random.key(seed)
    k1, k2, k3, k4 = jax.random.split(key, 4)
    w = jax.random.normal(k1, (E, D), dtype=jnp.float32)   # per-edge, per-segment weights (input buffer 0, batched over edges)
    x = jax.random.normal(k2, (N, D), dtype=jnp.float32)   # node features (input buffer 1, indexed by src)
    src = jax.random.randint(k3, (E,), 0, N, dtype=jnp.int32)  # input_indices[1]
    dst = jax.random.randint(k4, (E,), 0, N, dtype=jnp.int32)  # output_indices[0]
    return {"w": w, "x": x, "src": src, "dst": dst}


def reference(w, x, src, dst):
    # SegmentedPolynomial (method='uniform_1d') computing a channelwise segmented
    # product polynomial: for each edge e and each of the 128 uniform segments c:
    #   out[dst[e], c] += w[e, c] * x[src[e], c]
    # This mirrors inputs=[w, x], input_indices={1: src},
    # output_shapes={0: tensor with shape[0]=N}, output_indices={0: dst}.
    gathered = jnp.take(x, src, axis=0)                      # gather: [E, D]
    msg = w * gathered                                       # segmented (channelwise) polynomial evaluation
    out = jnp.zeros((N, D), dtype=w.dtype).at[dst].add(msg)  # scatter-add into indexed output buffer
    return out

if __name__ == "__main__":
    import jax
    _d = setup_inputs()
    print(jax.jit(kernel)(*tuple(_d.values())))

</pallas_src>

<mosaic_0001>
#map = affine_map<(d0, d1) -> (0, 0)>
#map1 = affine_map<(d0, d1) -> (0)>
#map2 = affine_map<(d0, d1) -> (0, 0, 0)>
module attributes {stable_mosaic.version = 14 : i64} {
  func.func @_sc_body(%arg0: i32, %arg1: i32, %arg2: memref<320000x128xf32, #tpu.memory_space<hbm>>, %arg3: memref<10000x128xf32, #tpu.memory_space<hbm>>, %arg4: memref<320000xi32, #tpu.memory_space<hbm>>, %arg5: memref<320000xi32, #tpu.memory_space<hbm>>, %arg6: memref<2x10000x128xf32, #tpu.memory_space<hbm>>, %arg7: memref<10000x128xf32, #tpu.memory_space<vmem_shared>>, %arg8: memref<80xi32, #tpu.memory_space<vmem>>, %arg9: memref<80xi32, #tpu.memory_space<vmem>>, %arg10: memref<80xi32, #tpu.memory_space<vmem>>, %arg11: memref<80xi32, #tpu.memory_space<vmem>>, %arg12: memref<80xi32, #tpu.memory_space<vmem>>, %arg13: memref<80xi32, #tpu.memory_space<vmem>>, %arg14: memref<80xi32, #tpu.memory_space<vmem>>, %arg15: memref<80xi32, #tpu.memory_space<vmem>>, %arg16: memref<80x128xf32, #tpu.memory_space<vmem>>, %arg17: memref<80x128xf32, #tpu.memory_space<vmem>>, %arg18: memref<80x128xf32, #tpu.memory_space<vmem>>, %arg19: memref<80x128xf32, #tpu.memory_space<vmem>>, %arg20: memref<!tpu.dma_semaphore, #tpu.memory_space<semaphore_mem>>, %arg21: memref<!tpu.dma_semaphore, #tpu.memory_space<semaphore_mem>>, %arg22: memref<!tpu.dma_semaphore, #tpu.memory_space<semaphore_mem>>, %arg23: memref<!tpu.dma_semaphore, #tpu.memory_space<semaphore_mem>>, %arg24: memref<!tpu.dma_semaphore, #tpu.memory_space<semaphore_mem>>, %arg25: memref<!tpu.dma_semaphore, #tpu.memory_space<semaphore_mem>>, %arg26: memref<!tpu.dma_semaphore, #tpu.memory_space<semaphore_mem>>, %arg27: memref<!tpu.dma_semaphore, #tpu.memory_space<semaphore_mem>>, %arg28: memref<!tpu.dma_semaphore, #tpu.memory_space<semaphore_mem>>, %arg29: memref<!tpu.dma_semaphore, #tpu.memory_space<semaphore_mem>>) attributes {dimension_semantics = [#tpu.dimension_semantics<core_parallel>, #tpu.dimension_semantics<subcore_parallel>], iteration_bounds = array<i64: 2, 16>, scalar_prefetch = 0 : i64, scratch_operands = 23 : i64, tpu.core_type = #tpu.core_type<sc_vector_subcore>, window_params = [{transform_indices = #map}, {transform_indices = #map}, {transform_indices = #map1}, {transform_indices = #map1}, {transform_indices = #map2}]} {
    %mul3A = arith.constant 2 : i32
    %mul3A_0 = arith.muli %arg1, %mul3A : i32
    %add3A = arith.addi %mul3A_0, %arg0 : i32
    %parallel_loop3A = arith.constant 0 : i32
    %parallel_loop3A_1 = arith.constant 80 : i32
    %parallel_loop3A_2 = arith.constant 1 : i32
    scf.for %parallel_loop3A_169 = %parallel_loop3A to %parallel_loop3A_1 step %parallel_loop3A_2  : i32 {
      %parallel_loop3A_170 = arith.constant 0.000000e+00 : f32
      %parallel_loop3A_171 = vector.broadcast %parallel_loop3A_170 : f32 to vector<16xf32>
      %parallel_loop3A_172 = arith.index_cast %parallel_loop3A_169 : i32 to index
      %parallel_loop3A_173 = arith.constant 0 : index
      %parallel_loop3A_174 = tpu.vector_load %arg16[%parallel_loop3A_172, %parallel_loop3A_173] {strides = array<i32>} : memref<80x128xf32, #tpu.memory_space<vmem>>, vector<1x16xf32>,
      %parallel_loop3A_175 = vector.shape_cast %parallel_loop3A_174 : vector<1x16xf32> to vector<16xf32>
      %parallel_loop3A_176 = vector.shape_cast %parallel_loop3A_171 : vector<16xf32> to vector<1x16xf32>
      tpu.vector_store %arg16[%parallel_loop3A_172, %parallel_loop3A_173], %parallel_loop3A_176 {strides = array<i32>} : memref<80x128xf32, #tpu.memory_space<vmem>>, vector<1x16xf32>,
      %parallel_loop3A_177 = arith.constant 0.000000e+00 : f32
      %parallel_loop3A_178 = vector.broadcast %parallel_loop3A_177 : f32 to vector<16xf32>
      %parallel_loop3A_179 = arith.index_cast %parallel_loop3A_169 : i32 to index
      %parallel_loop3A_180 = arith.constant 16 : index
      %parallel_loop3A_181 = tpu.vector_load %arg16[%parallel_loop3A_179, %parallel_loop3A_180] {strides = array<i32>} : memref<80x128xf32, #tpu.memory_space<vmem>>, vector<1x16xf32>,
      %parallel_loop3A_182 = vector.shape_cast %parallel_loop3A_181 : vector<1x16xf32> to vector<16xf32>
      %parallel_loop3A_183 = vector.shape_cast %parallel_loop3A_178 : vector<16xf32> to vector<1x16xf32>
      tpu.vector_store %arg16[%parallel_loop3A_179, %parallel_loop3A_180], %parallel_loop3A_183 {strides = array<i32>} : memref<80x128xf32, #tpu.memory_space<vmem>>, vector<1x16xf32>,
      %parallel_loop3A_184 = arith.constant 0.000000e+00 : f32
      %parallel_loop3A_185 = vector.broadcast %parallel_loop3A_184 : f32 to vector<16xf32>
      %parallel_loop3A_186 = arith.index_cast %parallel_loop3A_169 : i32 to index
      %parallel_loop3A_187 = arith.constant 32 : index
      %parallel_loop3A_188 = tpu.vector_load %arg16[%parallel_loop3A_186, %parallel_loop3A_187] {strides = array<i32>} : memref<80x128xf32, #tpu.memory_space<vmem>>, vector<1x16xf32>,
      %parallel_loop3A_189 = vector.shape_cast %parallel_loop3A_188 : vector<1x16xf32> to vector<16xf32>
      %parallel_loop3A_190 = vector.shape_cast %parallel_loop3A_185 : vector<16xf32> to vector<1x16xf32>
      tpu.vector_store %arg16[%parallel_loop3A_186, %parallel_loop3A_187], %parallel_loop3A_190 {strides = array<i32>} : memref<80x128xf32, #tpu.memory_space<vmem>>, vector<1x16xf32>,
      %parallel_loop3A_191 = arith.constant 0.000000e+00 : f32
      %parallel_loop3A_192 = vector.broadcast %parallel_loop3A_191 : f32 to vector<16xf32>
      %parallel_loop3A_193 = arith.index_cast %parallel_loop3A_169 : i32 to index
      %parallel_loop3A_194 = arith.constant 48 : index
      %parallel_loop3A_195 = tpu.vector_load %arg16[%parallel_loop3A_193, %parallel_loop3A_194] {strides = array<i32>} : memref<80x128xf32, #tpu.memory_space<vmem>>, vector<1x16xf32>,
      %parallel_loop3A_196 = vector.shape_cast %parallel_loop3A_195 : vector<1x16xf32> to vector<16xf32>
      %parallel_loop3A_197 = vector.shape_cast %parallel_loop3A_192 : vector<16xf32> to vector<1x16xf32>
      tpu.vector_store %arg16[%parallel_loop3A_193, %parallel_loop3A_194], %parallel_loop3A_197 {strides = array<i32>} : memref<80x128xf32, #tpu.memory_space<vmem>>, vector<1x16xf32>,
      %parallel_loop3A_198 = arith.constant 0.000000e+00 : f32
      %parallel_loop3A_199 = vector.broadcast %parallel_loop3A_198 : f32 to vector<16xf32>
      %parallel_loop3A_200 = arith.index_cast %parallel_loop3A_169 : i32 to index
      %parallel_loop3A_201 = arith.constant 64 : index
      %parallel_loop3A_202 = tpu.vector_load %arg16[%parallel_loop3A_200, %parallel_loop3A_201] {strides = array<i32>} : memref<80x128xf32, #tpu.memory_space<vmem>>, vector<1x16xf32>,
      %parallel_loop3A_203 = vector.shape_cast %parallel_loop3A_202 : vector<1x16xf32> to vector<16xf32>
      %parallel_loop3A_204 = vector.shape_cast %parallel_loop3A_199 : vector<16xf32> to vector<1x16xf32>
      tpu.vector_store %arg16[%parallel_loop3A_200, %parallel_loop3A_201], %parallel_loop3A_204 {strides = array<i32>} : memref<80x128xf32, #tpu.memory_space<vmem>>, vector<1x16xf32>,
      %parallel_loop3A_205 = arith.constant 0.000000e+00 : f32
      %parallel_loop3A_206 = vector.broadcast %parallel_loop3A_205 : f32 to vector<16xf32>
      %parallel_loop3A_207 = arith.index_cast %parallel_loop3A_169 : i32 to index
      %parallel_loop3A_208 = arith.constant 80 : index
      %parallel_loop3A_209 = tpu.vector_load %arg16[%parallel_loop3A_207, %parallel_loop3A_208] {strides = array<i32>} : memref<80x128xf32, #tpu.memory_space<vmem>>, vector<1x16xf32>,
      %parallel_loop3A_210 = vector.shape_cast %parallel_loop3A_209 : vector<1x16xf32> to vector<16xf32>
      %parallel_loop3A_211 = vector.shape_cast %parallel_loop3A_206 : vector<16xf32> to vector<1x16xf32>
      tpu.vector_store %arg16[%parallel_loop3A_207, %parallel_loop3A_208], %parallel_loop3A_211 {strides = array<i32>} : memref<80x128xf32, #tpu.memory_space<vmem>>, vector<1x16xf32>,
      %parallel_loop3A_212 = arith.constant 0.000000e+00 : f32
      %parallel_loop3A_213 = vector.broadcast %parallel_loop3A_212 : f32 to vector<16xf32>
      %parallel_loop3A_214 = arith.index_cast %parallel_loop3A_169 : i32 to index
      %parallel_loop3A_215 = arith.constant 96 : index
      %parallel_loop3A_216 = tpu.vector_load %arg16[%parallel_loop3A_214, %parallel_loop3A_215] {strides = array<i32>} : memref<80x128xf32, #tpu.memory_space<vmem>>, vector<1x16xf32>,
      %parallel_loop3A_217 = vector.shape_cast %parallel_loop3A_216 : vector<1x16xf32> to vector<16xf32>
      %parallel_loop3A_218 = vector.shape_cast %parallel_loop3A_213 : vector<16xf32> to vector<1x16xf32>
      tpu.vector_store %arg16[%parallel_loop3A_214, %parallel_loop3A_215], %parallel_loop3A_218 {strides = array<i32>} : memref<80x128xf32, #tpu.memory_space<vmem>>, vector<1x16xf32>,
      %parallel_loop3A_219 = arith.constant 0.000000e+00 : f32
      %parallel_loop3A_220 = vector.broadcast %parallel_loop3A_219 : f32 to vector<16xf32>
      %parallel_loop3A_221 = arith.index_cast %parallel_loop3A_169 : i32 to index
      %parallel_loop3A_222 = arith.constant 112 : index
      %parallel_loop3A_223 = tpu.vector_load %arg16[%parallel_loop3A_221, %parallel_loop3A_222] {strides = array<i32>} : memref<80x128xf32, #tpu.memory_space<vmem>>, vector<1x16xf32>,
      %parallel_loop3A_224 = vector.shape_cast %parallel_loop3A_223 : vector<1x16xf32> to vector<16xf32>
      %parallel_loop3A_225 = vector.shape_cast %parallel_loop3A_220 : vector<16xf32> to vector<1x16xf32>
      tpu.vector_store %arg16[%parallel_loop3A_221, %parallel_loop3A_222], %parallel_loop3A_225 {strides = array<i32>} : memref<80x128xf32, #tpu.memory_space<vmem>>, vector<1x16xf32>,
    } {sc.loop_unroll_factor = 4 : i64, sc.parallel_access}
    %add3A_3 = arith.constant 0 : i32
    %add3A_4 = arith.addi %arg1, %add3A_3 : i32
    %lt3A = arith.constant 125 : i32
    %lt3A_5 = arith.cmpi slt, %add3A_4, %lt3A : i32
    %convert_element_type3A = arith.extui %lt3A_5 : i1 to i32
    %cond3A = arith.constant 0 : i32
    %cond3A_6 = arith.cmpi ne, %convert_element_type3A, %cond3A : i32
    scf.if %cond3A_6 {
      %mul3A_169 = arith.constant 80 : i32
      %mul3A_170 = arith.muli %add3A_4, %mul3A_169 : i32
      "tpu.region"() ({
        %run_scoped3A = tpu.sem_alloc : memref<!tpu.dma_semaphore, #tpu.memory_space<semaphore_mem>>
        %dma_start3A_171 = arith.constant 0 : i32
        %dma_start3A_172 = tpu.memref_slice %arg7[%mul3A_170, %dma_start3A_171] : memref<10000x128xf32, #tpu.memory_space<vmem_shared>> -> memref<80x128xf32, #tpu.memory_space<vmem_shared>>
        %dma_start3A_173 = arith.constant 0 : i32
        %dma_start3A_174 = tpu.memref_slice %arg7[%mul3A_170, %dma_start3A_173] : memref<10000x128xf32, #tpu.memory_space<vmem_shared>> -> memref<80x128xf32, #tpu.memory_space<vmem_shared>>
        tpu.enqueue_dma source(%arg16 : memref<80x128xf32, #tpu.memory_space<vmem>>) target(%dma_start3A_174 : memref<80x128xf32, #tpu.memory_space<vmem_shared>>) target_semaphore(%run_scoped3A : memref<!tpu.dma_semaphore, #tpu.memory_space<semaphore_mem>>)
        %dma_wait3A_175 = arith.constant 0 : i32
        %dma_wait3A_176 = tpu.memref_slice %arg7[%mul3A_170, %dma_wait3A_175] : memref<10000x128xf32, #tpu.memory_space<vmem_shared>> -> memref<80x128xf32, #tpu.memory_space<vmem_shared>>
        %dma_wait3A_177 = arith.constant 0 : i32
        %dma_wait3A_178 = tpu.memref_slice %arg7[%mul3A_170, %dma_wait3A_177] : memref<10000x128xf32, #tpu.memory_space<vmem_shared>> -> memref<80x128xf32, #tpu.memory_space<vmem_shared>>
        tpu.wait_dma2 semaphore(%run_scoped3A : memref<!tpu.dma_semaphore, #tpu.memory_space<semaphore_mem>>) src(%arg16 : memref<80x128xf32, #tpu.memory_space<vmem>>) dst(%dma_wait3A_178 : memref<80x128xf32, #tpu.memory_space<vmem_shared>>)
        tpu.yield
      }) : () -> ()
    } else {
    }
    %add3A_7 = arith.constant 16 : i32
    %add3A_8 = arith.addi %arg1, %add3A_7 : i32
    %lt3A_9 = arith.constant 125 : i32
    %lt3A_10 = arith.cmpi slt, %add3A_8, %lt3A_9 : i32
    %convert_element_type3A_11 = arith.extui %lt3A_10 : i1 to i32
    %cond3A_12 = arith.constant 0 : i32
    %cond3A_13 = arith.cmpi ne, %convert_element_type3A_11, %cond3A_12 : i32
    scf.if %cond3A_13 {
      %mul3A_169 = arith.constant 80 : i32
      %mul3A_170 = arith.muli %add3A_8, %mul3A_169 : i32
      "tpu.region"() ({
        %run_scoped3A = tpu.sem_alloc : memref<!tpu.dma_semaphore, #tpu.memory_space<semaphore_mem>>
        %dma_start3A_171 = arith.constant 0 : i32
        %dma_start3A_172 = tpu.memref_slice %arg7[%mul3A_170, %dma_start3A_171] : memref<10000x128xf32, #tpu.memory_space<vmem_shared>> -> memref<80x128xf32, #tpu.memory_space<vmem_shared>>
        %dma_start3A_173 = arith.constant 0 : i32
        %dma_start3A_174 = tpu.memref_slice %arg7[%mul3A_170, %dma_start3A_173] : memref<10000x128xf32, #tpu.memory_space<vmem_shared>> -> memref<80x128xf32, #tpu.memory_space<vmem_shared>>
        tpu.enqueue_dma source(%arg16 : memref<80x128xf32, #tpu.memory_space<vmem>>) target(%dma_start3A_174 : memref<80x128xf32, #tpu.memory_space<vmem_shared>>) target_semaphore(%run_scoped3A : memref<!tpu.dma_semaphore, #tpu.memory_space<semaphore_mem>>)
        %dma_wait3A_175 = arith.constant 0 : i32
        %dma_wait3A_176 = tpu.memref_slice %arg7[%mul3A_170, %dma_wait3A_175] : memref<10000x128xf32, #tpu.memory_space<vmem_shared>> -> memref<80x128xf32, #tpu.memory_space<vmem_shared>>
        %dma_wait3A_177 = arith.constant 0 : i32
        %dma_wait3A_178 = tpu.memref_slice %arg7[%mul3A_170, %dma_wait3A_177] : memref<10000x128xf32, #tpu.memory_space<vmem_shared>> -> memref<80x128xf32, #tpu.memory_space<vmem_shared>>
        tpu.wait_dma2 semaphore(%run_scoped3A : memref<!tpu.dma_semaphore, #tpu.memory_space<semaphore_mem>>) src(%arg16 : memref<80x128xf32, #tpu.memory_space<vmem>>) dst(%dma_wait3A_178 : memref<80x128xf32, #tpu.memory_space<vmem_shared>>)
        tpu.yield
      }) : () -> ()
    } else {
    }
    %add3A_14 = arith.constant 32 : i32
    %add3A_15 = arith.addi %arg1, %add3A_14 : i32
    %lt3A_16 = arith.constant 125 : i32
    %lt3A_17 = arith.cmpi slt, %add3A_15, %lt3A_16 : i32
    %convert_element_type3A_18 = arith.extui %lt3A_17 : i1 to i32
    %cond3A_19 = arith.constant 0 : i32
    %cond3A_20 = arith.cmpi ne, %convert_element_type3A_18, %cond3A_19 : i32
    scf.if %cond3A_20 {
      %mul3A_169 = arith.constant 80 : i32
      %mul3A_170 = arith.muli %add3A_15, %mul3A_169 : i32
      "tpu.region"() ({
        %run_scoped3A = tpu.sem_alloc : memref<!tpu.dma_semaphore, #tpu.memory_space<semaphore_mem>>
        %dma_start3A_171 = arith.constant 0 : i32
        %dma_start3A_172 = tpu.memref_slice %arg7[%mul3A_170, %dma_start3A_171] : memref<10000x128xf32, #tpu.memory_space<vmem_shared>> -> memref<80x128xf32, #tpu.memory_space<vmem_shared>>
        %dma_start3A_173 = arith.constant 0 : i32
        %dma_start3A_174 = tpu.memref_slice %arg7[%mul3A_170, %dma_start3A_173] : memref<10000x128xf32, #tpu.memory_space<vmem_shared>> -> memref<80x128xf32, #tpu.memory_space<vmem_shared>>
        tpu.enqueue_dma source(%arg16 : memref<80x128xf32, #tpu.memory_space<vmem>>) target(%dma_start3A_174 : memref<80x128xf32, #tpu.memory_space<vmem_shared>>) target_semaphore(%run_scoped3A : memref<!tpu.dma_semaphore, #tpu.memory_space<semaphore_mem>>)
        %dma_wait3A_175 = arith.constant 0 : i32
        %dma_wait3A_176 = tpu.memref_slice %arg7[%mul3A_170, %dma_wait3A_175] : memref<10000x128xf32, #tpu.memory_space<vmem_shared>> -> memref<80x128xf32, #tpu.memory_space<vmem_shared>>
        %dma_wait3A_177 = arith.constant 0 : i32
        %dma_wait3A_178 = tpu.memref_slice %arg7[%mul3A_170, %dma_wait3A_177] : memref<10000x128xf32, #tpu.memory_space<vmem_shared>> -> memref<80x128xf32, #tpu.memory_space<vmem_shared>>
        tpu.wait_dma2 semaphore(%run_scoped3A : memref<!tpu.dma_semaphore, #tpu.memory_space<semaphore_mem>>) src(%arg16 : memref<80x128xf32, #tpu.memory_space<vmem>>) dst(%dma_wait3A_178 : memref<80x128xf32, #tpu.memory_space<vmem_shared>>)
        tpu.yield
      }) : () -> ()
    } else {
    }
    %add3A_21 = arith.constant 48 : i32
    %add3A_22 = arith.addi %arg1, %add3A_21 : i32
    %lt3A_23 = arith.constant 125 : i32
    %lt3A_24 = arith.cmpi slt, %add3A_22, %lt3A_23 : i32
    %convert_element_type3A_25 = arith.extui %lt3A_24 : i1 to i32
    %cond3A_26 = arith.constant 0 : i32
    %cond3A_27 = arith.cmpi ne, %convert_element_type3A_25, %cond3A_26 : i32
    scf.if %cond3A_27 {
      %mul3A_169 = arith.constant 80 : i32
      %mul3A_170 = arith.muli %add3A_22, %mul3A_169 : i32
      "tpu.region"() ({
        %run_scoped3A = tpu.sem_alloc : memref<!tpu.dma_semaphore, #tpu.memory_space<semaphore_mem>>
        %dma_start3A_171 = arith.constant 0 : i32
        %dma_start3A_172 = tpu.memref_slice %arg7[%mul3A_170, %dma_start3A_171] : memref<10000x128xf32, #tpu.memory_space<vmem_shared>> -> memref<80x128xf32, #tpu.memory_space<vmem_shared>>
        %dma_start3A_173 = arith.constant 0 : i32
        %dma_start3A_174 = tpu.memref_slice %arg7[%mul3A_170, %dma_start3A_173] : memref<10000x128xf32, #tpu.memory_space<vmem_shared>> -> memref<80x128xf32, #tpu.memory_space<vmem_shared>>
        tpu.enqueue_dma source(%arg16 : memref<80x128xf32, #tpu.memory_space<vmem>>) target(%dma_start3A_174 : memref<80x128xf32, #tpu.memory_space<vmem_shared>>) target_semaphore(%run_scoped3A : memref<!tpu.dma_semaphore, #tpu.memory_space<semaphore_mem>>)
        %dma_wait3A_175 = arith.constant 0 : i32
        %dma_wait3A_176 = tpu.memref_slice %arg7[%mul3A_170, %dma_wait3A_175] : memref<10000x128xf32, #tpu.memory_space<vmem_shared>> -> memref<80x128xf32, #tpu.memory_space<vmem_shared>>
        %dma_wait3A_177 = arith.constant 0 : i32
        %dma_wait3A_178 = tpu.memref_slice %arg7[%mul3A_170, %dma_wait3A_177] : memref<10000x128xf32, #tpu.memory_space<vmem_shared>> -> memref<80x128xf32, #tpu.memory_space<vmem_shared>>
        tpu.wait_dma2 semaphore(%run_scoped3A : memref<!tpu.dma_semaphore, #tpu.memory_space<semaphore_mem>>) src(%arg16 : memref<80x128xf32, #tpu.memory_space<vmem>>) dst(%dma_wait3A_178 : memref<80x128xf32, #tpu.memory_space<vmem_shared>>)
        tpu.yield
      }) : () -> ()
    } else {
    }
    %add3A_28 = arith.constant 64 : i32
    %add3A_29 = arith.addi %arg1, %add3A_28 : i32
    %lt3A_30 = arith.constant 125 : i32
    %lt3A_31 = arith.cmpi slt, %add3A_29, %lt3A_30 : i32
    %convert_element_type3A_32 = arith.extui %lt3A_31 : i1 to i32
    %cond3A_33 = arith.constant 0 : i32
    %cond3A_34 = arith.cmpi ne, %convert_element_type3A_32, %cond3A_33 : i32
    scf.if %cond3A_34 {
      %mul3A_169 = arith.constant 80 : i32
      %mul3A_170 = arith.muli %add3A_29, %mul3A_169 : i32
      "tpu.region"() ({
        %run_scoped3A = tpu.sem_alloc : memref<!tpu.dma_semaphore, #tpu.memory_space<semaphore_mem>>
        %dma_start3A_171 = arith.constant 0 : i32
        %dma_start3A_172 = tpu.memref_slice %arg7[%mul3A_170, %dma_start3A_171] : memref<10000x128xf32, #tpu.memory_space<vmem_shared>> -> memref<80x128xf32, #tpu.memory_space<vmem_shared>>
        %dma_start3A_173 = arith.constant 0 : i32
        %dma_start3A_174 = tpu.memref_slice %arg7[%mul3A_170, %dma_start3A_173] : memref<10000x128xf32, #tpu.memory_space<vmem_shared>> -> memref<80x128xf32, #tpu.memory_space<vmem_shared>>
        tpu.enqueue_dma source(%arg16 : memref<80x128xf32, #tpu.memory_space<vmem>>) target(%dma_start3A_174 : memref<80x128xf32, #tpu.memory_space<vmem_shared>>) target_semaphore(%run_scoped3A : memref<!tpu.dma_semaphore, #tpu.memory_space<semaphore_mem>>)
        %dma_wait3A_175 = arith.constant 0 : i32
        %dma_wait3A_176 = tpu.memref_slice %arg7[%mul3A_170, %dma_wait3A_175] : memref<10000x128xf32, #tpu.memory_space<vmem_shared>> -> memref<80x128xf32, #tpu.memory_space<vmem_shared>>
        %dma_wait3A_177 = arith.constant 0 : i32
        %dma_wait3A_178 = tpu.memref_slice %arg7[%mul3A_170, %dma_wait3A_177] : memref<10000x128xf32, #tpu.memory_space<vmem_shared>> -> memref<80x128xf32, #tpu.memory_space<vmem_shared>>
        tpu.wait_dma2 semaphore(%run_scoped3A : memref<!tpu.dma_semaphore, #tpu.memory_space<semaphore_mem>>) src(%arg16 : memref<80x128xf32, #tpu.memory_space<vmem>>) dst(%dma_wait3A_178 : memref<80x128xf32, #tpu.memory_space<vmem_shared>>)
        tpu.yield
      }) : () -> ()
    } else {
    }
    %add3A_35 = arith.constant 80 : i32
    %add3A_36 = arith.addi %arg1, %add3A_35 : i32
    %lt3A_37 = arith.constant 125 : i32
    %lt3A_38 = arith.cmpi slt, %add3A_36, %lt3A_37 : i32
    %convert_element_type3A_39 = arith.extui %lt3A_38 : i1 to i32
    %cond3A_40 = arith.constant 0 : i32
    %cond3A_41 = arith.cmpi ne, %convert_element_type3A_39, %cond3A_40 : i32
    scf.if %cond3A_41 {
      %mul3A_169 = arith.constant 80 : i32
      %mul3A_170 = arith.muli %add3A_36, %mul3A_169 : i32
      "tpu.region"() ({
        %run_scoped3A = tpu.sem_alloc : memref<!tpu.dma_semaphore, #tpu.memory_space<semaphore_mem>>
        %dma_start3A_171 = arith.constant 0 : i32
        %dma_start3A_172 = tpu.memref_slice %arg7[%mul3A_170, %dma_start3A_171] : memref<10000x128xf32, #tpu.memory_space<vmem_shared>> -> memref<80x128xf32, #tpu.memory_space<vmem_shared>>
        %dma_start3A_173 = arith.constant 0 : i32
        %dma_start3A_174 = tpu.memref_slice %arg7[%mul3A_170, %dma_start3A_173] : memref<10000x128xf32, #tpu.memory_space<vmem_shared>> -> memref<80x128xf32, #tpu.memory_space<vmem_shared>>
        tpu.enqueue_dma source(%arg16 : memref<80x128xf32, #tpu.memory_space<vmem>>) target(%dma_start3A_174 : memref<80x128xf32, #tpu.memory_space<vmem_shared>>) target_semaphore(%run_scoped3A : memref<!tpu.dma_semaphore, #tpu.memory_space<semaphore_mem>>)
        %dma_wait3A_175 = arith.constant 0 : i32
        %dma_wait3A_176 = tpu.memref_slice %arg7[%mul3A_170, %dma_wait3A_175] : memref<10000x128xf32, #tpu.memory_space<vmem_shared>> -> memref<80x128xf32, #tpu.memory_space<vmem_shared>>
        %dma_wait3A_177 = arith.constant 0 : i32
        %dma_wait3A_178 = tpu.memref_slice %arg7[%mul3A_170, %dma_wait3A_177] : memref<10000x128xf32, #tpu.memory_space<vmem_shared>> -> memref<80x128xf32, #tpu.memory_space<vmem_shared>>
        tpu.wait_dma2 semaphore(%run_scoped3A : memref<!tpu.dma_semaphore, #tpu.memory_space<semaphore_mem>>) src(%arg16 : memref<80x128xf32, #tpu.memory_space<vmem>>) dst(%dma_wait3A_178 : memref<80x128xf32, #tpu.memory_space<vmem_shared>>)
        tpu.yield
      }) : () -> ()
    } else {
    }
    %add3A_42 = arith.constant 96 : i32
    %add3A_43 = arith.addi %arg1, %add3A_42 : i32
    %lt3A_44 = arith.constant 125 : i32
    %lt3A_45 = arith.cmpi slt, %add3A_43, %lt3A_44 : i32
    %convert_element_type3A_46 = arith.extui %lt3A_45 : i1 to i32
    %cond3A_47 = arith.constant 0 : i32
    %cond3A_48 = arith.cmpi ne, %convert_element_type3A_46, %cond3A_47 : i32
    scf.if %cond3A_48 {
      %mul3A_169 = arith.constant 80 : i32
      %mul3A_170 = arith.muli %add3A_43, %mul3A_169 : i32
      "tpu.region"() ({
        %run_scoped3A = tpu.sem_alloc : memref<!tpu.dma_semaphore, #tpu.memory_space<semaphore_mem>>
        %dma_start3A_171 = arith.constant 0 : i32
        %dma_start3A_172 = tpu.memref_slice %arg7[%mul3A_170, %dma_start3A_171] : memref<10000x128xf32, #tpu.memory_space<vmem_shared>> -> memref<80x128xf32, #tpu.memory_space<vmem_shared>>
        %dma_start3A_173 = arith.constant 0 : i32
        %dma_start3A_174 = tpu.memref_slice %arg7[%mul3A_170, %dma_start3A_173] : memref<10000x128xf32, #tpu.memory_space<vmem_shared>> -> memref<80x128xf32, #tpu.memory_space<vmem_shared>>
        tpu.enqueue_dma source(%arg16 : memref<80x128xf32, #tpu.memory_space<vmem>>) target(%dma_start3A_174 : memref<80x128xf32, #tpu.memory_space<vmem_shared>>) target_semaphore(%run_scoped3A : memref<!tpu.dma_semaphore, #tpu.memory_space<semaphore_mem>>)
        %dma_wait3A_175 = arith.constant 0 : i32
        %dma_wait3A_176 = tpu.memref_slice %arg7[%mul3A_170, %dma_wait3A_175] : memref<10000x128xf32, #tpu.memory_space<vmem_shared>> -> memref<80x128xf32, #tpu.memory_space<vmem_shared>>
        %dma_wait3A_177 = arith.constant 0 : i32
        %dma_wait3A_178 = tpu.memref_slice %arg7[%mul3A_170, %dma_wait3A_177] : memref<10000x128xf32, #tpu.memory_space<vmem_shared>> -> memref<80x128xf32, #tpu.memory_space<vmem_shared>>
        tpu.wait_dma2 semaphore(%run_scoped3A : memref<!tpu.dma_semaphore, #tpu.memory_space<semaphore_mem>>) src(%arg16 : memref<80x128xf32, #tpu.memory_space<vmem>>) dst(%dma_wait3A_178 : memref<80x128xf32, #tpu.memory_space<vmem_shared>>)
        tpu.yield
      }) : () -> ()
    } else {
    }
    %add3A_49 = arith.constant 112 : i32
    %add3A_50 = arith.addi %arg1, %add3A_49 : i32
    %lt3A_51 = arith.constant 125 : i32
    %lt3A_52 = arith.cmpi slt, %add3A_50, %lt3A_51 : i32
    %convert_element_type3A_53 = arith.extui %lt3A_52 : i1 to i32
    %cond3A_54 = arith.constant 0 : i32
    %cond3A_55 = arith.cmpi ne, %convert_element_type3A_53, %cond3A_54 : i32
    scf.if %cond3A_55 {
      %mul3A_169 = arith.constant 80 : i32
      %mul3A_170 = arith.muli %add3A_50, %mul3A_169 : i32
      "tpu.region"() ({
        %run_scoped3A = tpu.sem_alloc : memref<!tpu.dma_semaphore, #tpu.memory_space<semaphore_mem>>
        %dma_start3A_171 = arith.constant 0 : i32
        %dma_start3A_172 = tpu.memref_slice %arg7[%mul3A_170, %dma_start3A_171] : memref<10000x128xf32, #tpu.memory_space<vmem_shared>> -> memref<80x128xf32, #tpu.memory_space<vmem_shared>>
        %dma_start3A_173 = arith.constant 0 : i32
        %dma_start3A_174 = tpu.memref_slice %arg7[%mul3A_170, %dma_start3A_173] : memref<10000x128xf32, #tpu.memory_space<vmem_shared>> -> memref<80x128xf32, #tpu.memory_space<vmem_shared>>
        tpu.enqueue_dma source(%arg16 : memref<80x128xf32, #tpu.memory_space<vmem>>) target(%dma_start3A_174 : memref<80x128xf32, #tpu.memory_space<vmem_shared>>) target_semaphore(%run_scoped3A : memref<!tpu.dma_semaphore, #tpu.memory_space<semaphore_mem>>)
        %dma_wait3A_175 = arith.constant 0 : i32
        %dma_wait3A_176 = tpu.memref_slice %arg7[%mul3A_170, %dma_wait3A_175] : memref<10000x128xf32, #tpu.memory_space<vmem_shared>> -> memref<80x128xf32, #tpu.memory_space<vmem_shared>>
        %dma_wait3A_177 = arith.constant 0 : i32
        %dma_wait3A_178 = tpu.memref_slice %arg7[%mul3A_170, %dma_wait3A_177] : memref<10000x128xf32, #tpu.memory_space<vmem_shared>> -> memref<80x128xf32, #tpu.memory_space<vmem_shared>>
        tpu.wait_dma2 semaphore(%run_scoped3A : memref<!tpu.dma_semaphore, #tpu.memory_space<semaphore_mem>>) src(%arg16 : memref<80x128xf32, #tpu.memory_space<vmem>>) dst(%dma_wait3A_178 : memref<80x128xf32, #tpu.memory_space<vmem_shared>>)
        tpu.yield
      }) : () -> ()
    } else {
    }
    %barrier3A = arith.constant 0 : index
    tpu.barrier barrier_id(%barrier3A)
    %mul3A_56 = arith.constant 10000 : i32
    %mul3A_57 = arith.muli %add3A, %mul3A_56 : i32
    %add3A_58 = arith.constant 0 : i32
    %add3A_59 = arith.addi %mul3A_57, %add3A_58 : i32
    %dma_start3A = tpu.memref_slice %arg4[%add3A_59] : memref<320000xi32, #tpu.memory_space<hbm>> -> memref<80xi32, #tpu.memory_space<hbm>>
    %dma_start3A_60 = tpu.memref_slice %arg4[%add3A_59] : memref<320000xi32, #tpu.memory_space<hbm>> -> memref<80xi32, #tpu.memory_space<hbm>>
    tpu.enqueue_dma source(%dma_start3A_60 : memref<80xi32, #tpu.memory_space<hbm>>) target(%arg8 : memref<80xi32, #tpu.memory_space<vmem>>) target_semaphore(%arg20 : memref<!tpu.dma_semaphore, #tpu.memory_space<semaphore_mem>>)
    %dma_start3A_61 = tpu.memref_slice %arg5[%add3A_59] : memref<320000xi32, #tpu.memory_space<hbm>> -> memref<80xi32, #tpu.memory_space<hbm>>
    %dma_start3A_62 = tpu.memref_slice %arg5[%add3A_59] : memref<320000xi32, #tpu.memory_space<hbm>> -> memref<80xi32, #tpu.memory_space<hbm>>
    tpu.enqueue_dma source(%dma_start3A_62 : memref<80xi32, #tpu.memory_space<hbm>>) target(%arg12 : memref<80xi32, #tpu.memory_space<vmem>>) target_semaphore(%arg20 : memref<!tpu.dma_semaphore, #tpu.memory_space<semaphore_mem>>)
    %add3A_63 = arith.constant 80 : i32
    %add3A_64 = arith.addi %mul3A_57, %add3A_63 : i32
    %dma_start3A_65 = tpu.memref_slice %arg4[%add3A_64] : memref<320000xi32, #tpu.memory_space<hbm>> -> memref<80xi32, #tpu.memory_space<hbm>>
    %dma_start3A_66 = tpu.memref_slice %arg4[%add3A_64] : memref<320000xi32, #tpu.memory_space<hbm>> -> memref<80xi32, #tpu.memory_space<hbm>>
    tpu.enqueue_dma source(%dma_start3A_66 : memref<80xi32, #tpu.memory_space<hbm>>) target(%arg9 : memref<80xi32, #tpu.memory_space<vmem>>) target_semaphore(%arg21 : memref<!tpu.dma_semaphore, #tpu.memory_space<semaphore_mem>>)
    %dma_start3A_67 = tpu.memref_slice %arg5[%add3A_64] : memref<320000xi32, #tpu.memory_space<hbm>> -> memref<80xi32, #tpu.memory_space<hbm>>
    %dma_start3A_68 = tpu.memref_slice %arg5[%add3A_64] : memref<320000xi32, #tpu.memory_space<hbm>> -> memref<80xi32, #tpu.memory_space<hbm>>
    tpu.enqueue_dma source(%dma_start3A_68 : memref<80xi32, #tpu.memory_space<hbm>>) target(%arg13 : memref<80xi32, #tpu.memory_space<vmem>>) target_semaphore(%arg21 : memref<!tpu.dma_semaphore, #tpu.memory_space<semaphore_mem>>)
    %dma_wait3A = arith.constant 0 : i32
    %dma_wait3A_69 = tpu.memref_slice %arg4[%dma_wait3A] : memref<320000xi32, #tpu.memory_space<hbm>> -> memref<80xi32, #tpu.memory_space<hbm>>
    %dma_wait3A_70 = arith.constant 0 : i32
    %dma_wait3A_71 = tpu.memref_slice %arg4[%dma_wait3A_70] : memref<320000xi32, #tpu.memory_space<hbm>> -> memref<80xi32, #tpu.memory_space<hbm>>
    tpu.wait_dma2 semaphore(%arg20 : memref<!tpu.dma_semaphore, #tpu.memory_space<semaphore_mem>>) src(%dma_wait3A_71 : memref<80xi32, #tpu.memory_space<hbm>>) dst(%arg8 : memref<80xi32, #tpu.memory_space<vmem>>)
    %dma_wait3A_72 = arith.constant 0 : i32
    %dma_wait3A_73 = tpu.memref_slice %arg5[%dma_wait3A_72] : memref<320000xi32, #tpu.memory_space<hbm>> -> memref<80xi32, #tpu.memory_space<hbm>>
    %dma_wait3A_74 = arith.constant 0 : i32
    %dma_wait3A_75 = tpu.memref_slice %arg5[%dma_wait3A_74] : memref<320000xi32, #tpu.memory_space<hbm>> -> memref<80xi32, #tpu.memory_space<hbm>>
    tpu.wait_dma2 semaphore(%arg20 : memref<!tpu.dma_semaphore, #tpu.memory_space<semaphore_mem>>) src(%dma_wait3A_75 : memref<80xi32, #tpu.memory_space<hbm>>) dst(%arg12 : memref<80xi32, #tpu.memory_space<vmem>>)
    %add3A_76 = arith.constant 0 : i32
    %add3A_77 = arith.addi %mul3A_57, %add3A_76 : i32
    %dma_start3A_78 = arith.constant 0 : i32
    %dma_start3A_79 = tpu.memref_slice %arg2[%add3A_77, %dma_start3A_78] : memref<320000x128xf32, #tpu.memory_space<hbm>> -> memref<80x128xf32, #tpu.memory_space<hbm>>
    %dma_start3A_80 = arith.constant 0 : i32
    %dma_start3A_81 = tpu.memref_slice %arg2[%add3A_77, %dma_start3A_80] : memref<320000x128xf32, #tpu.memory_space<hbm>> -> memref<80x128xf32, #tpu.memory_space<hbm>>
    tpu.enqueue_dma source(%dma_start3A_81 : memref<80x128xf32, #tpu.memory_space<hbm>>) target(%arg16 : memref<80x128xf32, #tpu.memory_space<vmem>>) target_semaphore(%arg24 : memref<!tpu.dma_semaphore, #tpu.memory_space<semaphore_mem>>)
    %dma_start3A_82 = arith.constant 0 : i32
    %dma_start3A_83 = arith.constant 0 : i32
    %dma_start3A_84 = tpu.memref_slice %arg3[%dma_start3A_82, %dma_start3A_83] : memref<10000x128xf32, #tpu.memory_space<hbm>> -> memref<10000x128xf32, #tpu.memory_space<hbm>>
    tpu.enqueue_indirect_dma source(%dma_start3A_84 : memref<10000x128xf32, #tpu.memory_space<hbm>>) target(%arg18 : memref<80x128xf32, #tpu.memory_space<vmem>>) offsets(%arg8 : memref<80xi32, #tpu.memory_space<vmem>>) semaphore(%arg26 : memref<!tpu.dma_semaphore, #tpu.memory_space<semaphore_mem>>)
    %scan3A = arith.constant 0 : i32
    %scan3A_85 = arith.constant 0 : i32
    %scan3A_86 = arith.constant 31 : i32
    %scan3A_87 = arith.addi %scan3A_85, %scan3A_86 : i32
    %scan3A_88 = arith.constant 1 : i32
    %scan3A_89 = scf.for %scan3A_169 = %scan3A_85 to %scan3A_87 step %scan3A_88 iter_args(%scan3A_170 = %scan3A) -> (i32)  : i32 {
      %mul3A_171 = arith.constant 4 : i32
      %mul3A_172 = arith.muli %mul3A_171, %scan3A_169 : i32
      %add3A_173 = arith.constant 0 : i32
      %add3A_174 = arith.addi %mul3A_172, %add3A_173 : i32
      %add3A_175 = arith.constant 2 : i32
      %add3A_176 = arith.addi %add3A_174, %add3A_175 : i32
      %mul3A_177 = arith.constant 80 : i32
      %mul3A_178 = arith.muli %add3A_176, %mul3A_177 : i32
      %add3A_179 = arith.addi %mul3A_57, %mul3A_178 : i32
      %dma_start3A_180 = tpu.memref_slice %arg4[%add3A_179] : memref<320000xi32, #tpu.memory_space<hbm>> -> memref<80xi32, #tpu.memory_space<hbm>>
      %dma_start3A_181 = tpu.memref_slice %arg4[%add3A_179] : memref<320000xi32, #tpu.memory_space<hbm>> -> memref<80xi32, #tpu.memory_space<hbm>>
      tpu.enqueue_dma source(%dma_start3A_181 : memref<80xi32, #tpu.memory_space<hbm>>) target(%arg10 : memref<80xi32, #tpu.memory_space<vmem>>) target_semaphore(%arg22 : memref<!tpu.dma_semaphore, #tpu.memory_space<semaphore_mem>>)
      %dma_start3A_182 = tpu.memref_slice %arg5[%add3A_179] : memref<320000xi32, #tpu.memory_space<hbm>> -> memref<80xi32, #tpu.memory_space<hbm>>
      %dma_start3A_183 = tpu.memref_slice %arg5[%add3A_179] : memref<320000xi32, #tpu.memory_space<hbm>> -> memref<80xi32, #tpu.memory_space<hbm>>
      tpu.enqueue_dma source(%dma_start3A_183 : memref<80xi32, #tpu.memory_space<hbm>>) target(%arg14 : memref<80xi32, #tpu.memory_space<vmem>>) target_semaphore(%arg22 : memref<!tpu.dma_semaphore, #tpu.memory_space<semaphore_mem>>)
      %dma_wait3A_184 = arith.constant 0 : i32
      %dma_wait3A_185 = tpu.memref_slice %arg4[%dma_wait3A_184] : memref<320000xi32, #tpu.memory_space<hbm>> -> memref<80xi32, #tpu.memory_space<hbm>>
      %dma_wait3A_186 = arith.constant 0 : i32
      %dma_wait3A_187 = tpu.memref_slice %arg4[%dma_wait3A_186] : memref<320000xi32, #tpu.memory_space<hbm>> -> memref<80xi32, #tpu.memory_space<hbm>>
      tpu.wait_dma2 semaphore(%arg21 : memref<!tpu.dma_semaphore, #tpu.memory_space<semaphore_mem>>) src(%dma_wait3A_187 : memref<80xi32, #tpu.memory_space<hbm>>) dst(%arg9 : memref<80xi32, #tpu.memory_space<vmem>>)
      %dma_wait3A_188 = arith.constant 0 : i32
      %dma_wait3A_189 = tpu.memref_slice %arg5[%dma_wait3A_188] : memref<320000xi32, #tpu.memory_space<hbm>> -> memref<80xi32, #tpu.memory_space<hbm>>
      %dma_wait3A_190 = arith.constant 0 : i32
      %dma_wait3A_191 = tpu.memref_slice %arg5[%dma_wait3A_190] : memref<320000xi32, #tpu.memory_space<hbm>> -> memref<80xi32, #tpu.memory_space<hbm>>
      tpu.wait_dma2 semaphore(%arg21 : memref<!tpu.dma_semaphore, #tpu.memory_space<semaphore_mem>>) src(%dma_wait3A_191 : memref<80xi32, #tpu.memory_space<hbm>>) dst(%arg13 : memref<80xi32, #tpu.memory_space<vmem>>)
      %dma_start3A_192 = arith.constant 0 : i32
      %dma_start3A_193 = arith.constant 0 : i32
      %dma_start3A_194 = tpu.memref_slice %arg3[%dma_start3A_192, %dma_start3A_193] : memref<10000x128xf32, #tpu.memory_space<hbm>> -> memref<10000x128xf32, #tpu.memory_space<hbm>>
      tpu.enqueue_indirect_dma source(%dma_start3A_194 : memref<10000x128xf32, #tpu.memory_space<hbm>>) target(%arg19 : memref<80x128xf32, #tpu.memory_space<vmem>>) offsets(%arg9 : memref<80xi32, #tpu.memory_space<vmem>>) semaphore(%arg27 : memref<!tpu.dma_semaphore, #tpu.memory_space<semaphore_mem>>)
      %gt3A = arith.constant 0 : i32
      %gt3A_195 = arith.cmpi sgt, %scan3A_169, %gt3A : i32
      %convert_element_type3A_196 = arith.extui %gt3A_195 : i1 to i32
      %cond3A_197 = arith.constant 0 : i32
      %cond3A_198 = arith.cmpi ne, %convert_element_type3A_196, %cond3A_197 : i32
      scf.if %cond3A_198 {
        %dma_wait3A_367 = arith.constant 0 : i32
        %dma_wait3A_368 = arith.constant 0 : i32
        %dma_wait3A_369 = tpu.memref_slice %arg7[%dma_wait3A_367, %dma_wait3A_368] : memref<10000x128xf32, #tpu.memory_space<vmem_shared>> -> memref<10000x128xf32, #tpu.memory_space<vmem_shared>>
        tpu.wait_indirect_dma semaphore(%arg29 : memref<!tpu.dma_semaphore, #tpu.memory_space<semaphore_mem>>) src(%arg17 : memref<80x128xf32, #tpu.memory_space<vmem>>) dst(%dma_wait3A_369 : memref<10000x128xf32, #tpu.memory_space<vmem_shared>>)
      } else {
      }
      %add3A_199 = arith.constant 1 : i32
      %add3A_200 = arith.addi %add3A_174, %add3A_199 : i32
      %mul3A_201 = arith.constant 80 : i32
      %mul3A_202 = arith.muli %add3A_200, %mul3A_201 : i32
      %add3A_203 = arith.addi %mul3A_57, %mul3A_202 : i32
      %dma_start3A_204 = arith.constant 0 : i32
      %dma_start3A_205 = tpu.memref_slice %arg2[%add3A_203, %dma_start3A_204] : memref<320000x128xf32, #tpu.memory_space<hbm>> -> memref<80x128xf32, #tpu.memory_space<hbm>>
      %dma_start3A_206 = arith.constant 0 : i32
      %dma_start3A_207 = tpu.memref_slice %arg2[%add3A_203, %dma_start3A_206] : memref<320000x128xf32, #tpu.memory_space<hbm>> -> memref<80x128xf32, #tpu.memory_space<hbm>>
      tpu.enqueue_dma source(%dma_start3A_207 : memref<80x128xf32, #tpu.memory_space<hbm>>) target(%arg17 : memref<80x128xf32, #tpu.memory_space<vmem>>) target_semaphore(%arg25 : memref<!tpu.dma_semaphore, #tpu.memory_space<semaphore_mem>>)
      %dma_wait3A_208 = arith.constant 0 : i32
      %dma_wait3A_209 = arith.constant 0 : i32
      %dma_wait3A_210 = tpu.memref_slice %arg2[%dma_wait3A_208, %dma_wait3A_209] : memref<320000x128xf32, #tpu.memory_space<hbm>> -> memref<80x128xf32, #tpu.memory_space<hbm>>
      %dma_wait3A_211 = arith.constant 0 : i32
      %dma_wait3A_212 = arith.constant 0 : i32
      %dma_wait3A_213 = tpu.memref_slice %arg2[%dma_wait3A_211, %dma_wait3A_212] : memref<320000x128xf32, #tpu.memory_space<hbm>> -> memref<80x128xf32, #tpu.memory_space<hbm>>
      tpu.wait_dma2 semaphore(%arg24 : memref<!tpu.dma_semaphore, #tpu.memory_space<semaphore_mem>>) src(%dma_wait3A_213 : memref<80x128xf32, #tpu.memory_space<hbm>>) dst(%arg16 : memref<80x128xf32, #tpu.memory_space<vmem>>)
      %dma_wait3A_214 = arith.constant 0 : i32
      %dma_wait3A_215 = arith.constant 0 : i32
      %dma_wait3A_216 = tpu.memref_slice %arg3[%dma_wait3A_214, %dma_wait3A_215] : memref<10000x128xf32, #tpu.memory_space<hbm>> -> memref<10000x128xf32, #tpu.memory_space<hbm>>
      tpu.wait_indirect_dma semaphore(%arg26 : memref<!tpu.dma_semaphore, #tpu.memory_space<semaphore_mem>>) src(%dma_wait3A_216 : memref<10000x128xf32, #tpu.memory_space<hbm>>) dst(%arg18 : memref<80x128xf32, #tpu.memory_space<vmem>>)
      %parallel_loop3A_217 = arith.constant 0 : i32
      %parallel_loop3A_218 = arith.constant 80 : i32
      %parallel_loop3A_219 = arith.constant 1 : i32
      scf.for %parallel_loop3A_367 = %parallel_loop3A_217 to %parallel_loop3A_218 step %parallel_loop3A_219  : i32 {
        %parallel_loop3A_368 = arith.index_cast %parallel_loop3A_367 : i32 to index
        %parallel_loop3A_369 = arith.constant 0 : index
        %parallel_loop3A_370 = tpu.vector_load %arg18[%parallel_loop3A_368, %parallel_loop3A_369] {strides = array<i32>} : memref<80x128xf32, #tpu.memory_space<vmem>>, vector<1x16xf32>,
        %parallel_loop3A_371 = vector.shape_cast %parallel_loop3A_370 : vector<1x16xf32> to vector<16xf32>
        %parallel_loop3A_372 = arith.index_cast %parallel_loop3A_367 : i32 to index
        %parallel_loop3A_373 = arith.constant 0 : index
        %parallel_loop3A_374 = tpu.vector_load %arg16[%parallel_loop3A_372, %parallel_loop3A_373] {strides = array<i32>} : memref<80x128xf32, #tpu.memory_space<vmem>>, vector<1x16xf32>,
        %parallel_loop3A_375 = vector.shape_cast %parallel_loop3A_374 : vector<1x16xf32> to vector<16xf32>
        %parallel_loop3A_376 = arith.mulf %parallel_loop3A_371, %parallel_loop3A_375 : vector<16xf32>
        %parallel_loop3A_377 = arith.index_cast %parallel_loop3A_367 : i32 to index
        %parallel_loop3A_378 = arith.constant 0 : index
        %parallel_loop3A_379 = tpu.vector_load %arg16[%parallel_loop3A_377, %parallel_loop3A_378] {strides = array<i32>} : memref<80x128xf32, #tpu.memory_space<vmem>>, vector<1x16xf32>,
        %parallel_loop3A_380 = vector.shape_cast %parallel_loop3A_379 : vector<1x16xf32> to vector<16xf32>
        %parallel_loop3A_381 = vector.shape_cast %parallel_loop3A_376 : vector<16xf32> to vector<1x16xf32>
        tpu.vector_store %arg16[%parallel_loop3A_377, %parallel_loop3A_378], %parallel_loop3A_381 {strides = array<i32>} : memref<80x128xf32, #tpu.memory_space<vmem>>, vector<1x16xf32>,
        %parallel_loop3A_382 = arith.index_cast %parallel_loop3A_367 : i32 to index
        %parallel_loop3A_383 = arith.constant 16 : index
        %parallel_loop3A_384 = tpu.vector_load %arg18[%parallel_loop3A_382, %parallel_loop3A_383] {strides = array<i32>} : memref<80x128xf32, #tpu.memory_space<vmem>>, vector<1x16xf32>,
        %parallel_loop3A_385 = vector.shape_cast %parallel_loop3A_384 : vector<1x16xf32> to vector<16xf32>
        %parallel_loop3A_386 = arith.index_cast %parallel_loop3A_367 : i32 to index
        %parallel_loop3A_387 = arith.constant 16 : index
        %parallel_loop3A_388 = tpu.vector_load %arg16[%parallel_loop3A_386, %parallel_loop3A_387] {strides = array<i32>} : memref<80x128xf32, #tpu.memory_space<vmem>>, vector<1x16xf32>,
        %parallel_loop3A_389 = vector.shape_cast %parallel_loop3A_388 : vector<1x16xf32> to vector<16xf32>
        %parallel_loop3A_390 = arith.mulf %parallel_loop3A_385, %parallel_loop3A_389 : vector<16xf32>
        %parallel_loop3A_391 = arith.index_cast %parallel_loop3A_367 : i32 to index
        %parallel_loop3A_392 = arith.constant 16 : index
        %parallel_loop3A_393 = tpu.vector_load %arg16[%parallel_loop3A_391, %parallel_loop3A_392] {strides = array<i32>} : memref<80x128xf32, #tpu.memory_space<vmem>>, vector<1x16xf32>,
        %parallel_loop3A_394 = vector.shape_cast %parallel_loop3A_393 : vector<1x16xf32> to vector<16xf32>
        %parallel_loop3A_395 = vector.shape_cast %parallel_loop3A_390 : vector<16xf32> to vector<1x16xf32>
        tpu.vector_store %arg16[%parallel_loop3A_391, %parallel_loop3A_392], %parallel_loop3A_395 {strides = array<i32>} : memref<80x128xf32, #tpu.memory_space<vmem>>, vector<1x16xf32>,
        %parallel_loop3A_396 = arith.index_cast %parallel_loop3A_367 : i32 to index
        %parallel_loop3A_397 = arith.constant 32 : index
        %parallel_loop3A_398 = tpu.vector_load %arg18[%parallel_loop3A_396, %parallel_loop3A_397] {strides = array<i32>} : memref<80x128xf32, #tpu.memory_space<vmem>>, vector<1x16xf32>,
        %parallel_loop3A_399 = vector.shape_cast %parallel_loop3A_398 : vector<1x16xf32> to vector<16xf32>
        %parallel_loop3A_400 = arith.index_cast %parallel_loop3A_367 : i32 to index
        %parallel_loop3A_401 = arith.constant 32 : index
        %parallel_loop3A_402 = tpu.vector_load %arg16[%parallel_loop3A_400, %parallel_loop3A_401] {strides = array<i32>} : memref<80x128xf32, #tpu.memory_space<vmem>>, vector<1x16xf32>,
        %parallel_loop3A_403 = vector.shape_cast %parallel_loop3A_402 : vector<1x16xf32> to vector<16xf32>
        %parallel_loop3A_404 = arith.mulf %parallel_loop3A_399, %parallel_loop3A_403 : vector<16xf32>
        %parallel_loop3A_405 = arith.index_cast %parallel_loop3A_367 : i32 to index
        %parallel_loop3A_406 = arith.constant 32 : index
        %parallel_loop3A_407 = tpu.vector_load %arg16[%parallel_loop3A_405, %parallel_loop3A_406] {strides = array<i32>} : memref<80x128xf32, #tpu.memory_space<vmem>>, vector<1x16xf32>,
        %parallel_loop3A_408 = vector.shape_cast %parallel_loop3A_407 : vector<1x16xf32> to vector<16xf32>
        %parallel_loop3A_409 = vector.shape_cast %parallel_loop3A_404 : vector<16xf32> to vector<1x16xf32>
        tpu.vector_store %arg16[%parallel_loop3A_405, %parallel_loop3A_406], %parallel_loop3A_409 {strides = array<i32>} : memref<80x128xf32, #tpu.memory_space<vmem>>, vector<1x16xf32>,
        %parallel_loop3A_410 = arith.index_cast %parallel_loop3A_367 : i32 to index
        %parallel_loop3A_411 = arith.constant 48 : index
        %parallel_loop3A_412 = tpu.vector_load %arg18[%parallel_loop3A_410, %parallel_loop3A_411] {strides = array<i32>} : memref<80x128xf32, #tpu.memory_space<vmem>>, vector<1x16xf32>,
        %parallel_loop3A_413 = vector.shape_cast %parallel_loop3A_412 : vector<1x16xf32> to vector<16xf32>
        %parallel_loop3A_414 = arith.index_cast %parallel_loop3A_367 : i32 to index
        %parallel_loop3A_415 = arith.constant 48 : index
        %parallel_loop3A_416 = tpu.vector_load %arg16[%parallel_loop3A_414, %parallel_loop3A_415] {strides = array<i32>} : memref<80x128xf32, #tpu.memory_space<vmem>>, vector<1x16xf32>,
        %parallel_loop3A_417 = vector.shape_cast %parallel_loop3A_416 : vector<1x16xf32> to vector<16xf32>
        %parallel_loop3A_418 = arith.mulf %parallel_loop3A_413, %parallel_loop3A_417 : vector<16xf32>
        %parallel_loop3A_419 = arith.index_cast %parallel_loop3A_367 : i32 to index
        %parallel_loop3A_420 = arith.constant 48 : index
        %parallel_loop3A_421 = tpu.vector_load %arg16[%parallel_loop3A_419, %parallel_loop3A_420] {strides = array<i32>} : memref<80x128xf32, #tpu.memory_space<vmem>>, vector<1x16xf32>,
        %parallel_loop3A_422 = vector.shape_cast %parallel_loop3A_421 : vector<1x16xf32> to vector<16xf32>
        %parallel_loop3A_423 = vector.shape_cast %parallel_loop3A_418 : vector<16xf32> to vector<1x16xf32>
        tpu.vector_store %arg16[%parallel_loop3A_419, %parallel_loop3A_420], %parallel_loop3A_423 {strides = array<i32>} : memref<80x128xf32, #tpu.memory_space<vmem>>, vector<1x16xf32>,
        %parallel_loop3A_424 = arith.index_cast %parallel_loop3A_367 : i32 to index
        %parallel_loop3A_425 = arith.constant 64 : index
        %parallel_loop3A_426 = tpu.vector_load %arg18[%parallel_loop3A_424, %parallel_loop3A_425] {strides = array<i32>} : memref<80x128xf32, #tpu.memory_space<vmem>>, vector<1x16xf32>,
        %parallel_loop3A_427 = vector.shape_cast %parallel_loop3A_426 : vector<1x16xf32> to vector<16xf32>
        %parallel_loop3A_428 = arith.index_cast %parallel_loop3A_367 : i32 to index
        %parallel_loop3A_429 = arith.constant 64 : index
        %parallel_loop3A_430 = tpu.vector_load %arg16[%parallel_loop3A_428, %parallel_loop3A_429] {strides = array<i32>} : memref<80x128xf32, #tpu.memory_space<vmem>>, vector<1x16xf32>,
        %parallel_loop3A_431 = vector.shape_cast %parallel_loop3A_430 : vector<1x16xf32> to vector<16xf32>
        %parallel_loop3A_432 = arith.mulf %parallel_loop3A_427, %parallel_loop3A_431 : vector<16xf32>
        %parallel_loop3A_433 = arith.index_cast %parallel_loop3A_367 : i32 to index
        %parallel_loop3A_434 = arith.constant 64 : index
        %parallel_loop3A_435 = tpu.vector_load %arg16[%parallel_loop3A_433, %parallel_loop3A_434] {strides = array<i32>} : memref<80x128xf32, #tpu.memory_space<vmem>>, vector<1x16xf32>,
        %parallel_loop3A_436 = vector.shape_cast %parallel_loop3A_435 : vector<1x16xf32> to vector<16xf32>
        %parallel_loop3A_437 = vector.shape_cast %parallel_loop3A_432 : vector<16xf32> to vector<1x16xf32>
        tpu.vector_store %arg16[%parallel_loop3A_433, %parallel_loop3A_434], %parallel_loop3A_437 {strides = array<i32>} : memref<80x128xf32, #tpu.memory_space<vmem>>, vector<1x16xf32>,
        %parallel_loop3A_438 = arith.index_cast %parallel_loop3A_367 : i32 to index
        %parallel_loop3A_439 = arith.constant 80 : index
        %parallel_loop3A_440 = tpu.vector_load %arg18[%parallel_loop3A_438, %parallel_loop3A_439] {strides = array<i32>} : memref<80x128xf32, #tpu.memory_space<vmem>>, vector<1x16xf32>,
        %parallel_loop3A_441 = vector.shape_cast %parallel_loop3A_440 : vector<1x16xf32> to vector<16xf32>
        %parallel_loop3A_442 = arith.index_cast %parallel_loop3A_367 : i32 to index
        %parallel_loop3A_443 = arith.constant 80 : index
        %parallel_loop3A_444 = tpu.vector_load %arg16[%parallel_loop3A_442, %parallel_loop3A_443] {strides = array<i32>} : memref<80x128xf32, #tpu.memory_space<vmem>>, vector<1x16xf32>,
        %parallel_loop3A_445 = vector.shape_cast %parallel_loop3A_444 : vector<1x16xf32> to vector<16xf32>
        %parallel_loop3A_446 = arith.mulf %parallel_loop3A_441, %parallel_loop3A_445 : vector<16xf32>
        %parallel_loop3A_447 = arith.index_cast %parallel_loop3A_367 : i32 to index
        %parallel_loop3A_448 = arith.constant 80 : index
        %parallel_loop3A_449 = tpu.vector_load %arg16[%parallel_loop3A_447, %parallel_loop3A_448] {strides = array<i32>} : memref<80x128xf32, #tpu.memory_space<vmem>>, vector<1x16xf32>,
        %parallel_loop3A_450 = vector.shape_cast %parallel_loop3A_449 : vector<1x16xf32> to vector<16xf32>
        %parallel_loop3A_451 = vector.shape_cast %parallel_loop3A_446 : vector<16xf32> to vector<1x16xf32>
        tpu.vector_store %arg16[%parallel_loop3A_447, %parallel_loop3A_448], %parallel_loop3A_451 {strides = array<i32>} : memref<80x128xf32, #tpu.memory_space<vmem>>, vector<1x16xf32>,
        %parallel_loop3A_452 = arith.index_cast %parallel_loop3A_367 : i32 to index
        %parallel_loop3A_453 = arith.constant 96 : index
        %parallel_loop3A_454 = tpu.vector_load %arg18[%parallel_loop3A_452, %parallel_loop3A_453] {strides = array<i32>} : memref<80x128xf32, #tpu.memory_space<vmem>>, vector<1x16xf32>,
        %parallel_loop3A_455 = vector.shape_cast %parallel_loop3A_454 : vector<1x16xf32> to vector<16xf32>
        %parallel_loop3A_456 = arith.index_cast %parallel_loop3A_367 : i32 to index
        %parallel_loop3A_457 = arith.constant 96 : index
        %parallel_loop3A_458 = tpu.vector_load %arg16[%parallel_loop3A_456, %parallel_loop3A_457] {strides = array<i32>} : memref<80x128xf32, #tpu.memory_space<vmem>>, vector<1x16xf32>,
        %parallel_loop3A_459 = vector.shape_cast %parallel_loop3A_458 : vector<1x16xf32> to vector<16xf32>
        %parallel_loop3A_460 = arith.mulf %parallel_loop3A_455, %parallel_loop3A_459 : vector<16xf32>
        %parallel_loop3A_461 = arith.index_cast %parallel_loop3A_367 : i32 to index
        %parallel_loop3A_462 = arith.constant 96 : index
        %parallel_loop3A_463 = tpu.vector_load %arg16[%parallel_loop3A_461, %parallel_loop3A_462] {strides = array<i32>} : memref<80x128xf32, #tpu.memory_space<vmem>>, vector<1x16xf32>,
        %parallel_loop3A_464 = vector.shape_cast %parallel_loop3A_463 : vector<1x16xf32> to vector<16xf32>
        %parallel_loop3A_465 = vector.shape_cast %parallel_loop3A_460 : vector<16xf32> to vector<1x16xf32>
        tpu.vector_store %arg16[%parallel_loop3A_461, %parallel_loop3A_462], %parallel_loop3A_465 {strides = array<i32>} : memref<80x128xf32, #tpu.memory_space<vmem>>, vector<1x16xf32>,
        %parallel_loop3A_466 = arith.index_cast %parallel_loop3A_367 : i32 to index
        %parallel_loop3A_467 = arith.constant 112 : index
        %parallel_loop3A_468 = tpu.vector_load %arg18[%parallel_loop3A_466, %parallel_loop3A_467] {strides = array<i32>} : memref<80x128xf32, #tpu.memory_space<vmem>>, vector<1x16xf32>,
        %parallel_loop3A_469 = vector.shape_cast %parallel_loop3A_468 : vector<1x16xf32> to vector<16xf32>
        %parallel_loop3A_470 = arith.index_cast %parallel_loop3A_367 : i32 to index
        %parallel_loop3A_471 = arith.constant 112 : index
        %parallel_loop3A_472 = tpu.vector_load %arg16[%parallel_loop3A_470, %parallel_loop3A_471] {strides = array<i32>} : memref<80x128xf32, #tpu.memory_space<vmem>>, vector<1x16xf32>,
        %parallel_loop3A_473 = vector.shape_cast %parallel_loop3A_472 : vector<1x16xf32> to vector<16xf32>
        %parallel_loop3A_474 = arith.mulf %parallel_loop3A_469, %parallel_loop3A_473 : vector<16xf32>
        %parallel_loop3A_475 = arith.index_cast %parallel_loop3A_367 : i32 to index
        %parallel_loop3A_476 = arith.constant 112 : index
        %parallel_loop3A_477 = tpu.vector_load %arg16[%parallel_loop3A_475, %parallel_loop3A_476] {strides = array<i32>} : memref<80x128xf32, #tpu.memory_space<vmem>>, vector<1x16xf32>,
        %parallel_loop3A_478 = vector.shape_cast %parallel_loop3A_477 : vector<1x16xf32> to vector<16xf32>
        %parallel_loop3A_479 = vector.shape_cast %parallel_loop3A_474 : vector<16xf32> to vector<1x16xf32>
        tpu.vector_store %arg16[%parallel_loop3A_475, %parallel_loop3A_476], %parallel_loop3A_479 {strides = array<i32>} : memref<80x128xf32, #tpu.memory_space<vmem>>, vector<1x16xf32>,
      } {sc.loop_unroll_factor = 8 : i64, sc.parallel_access}
      %dma_start3A_220 = arith.constant 0 : i32
      %dma_start3A_221 = arith.constant 0 : i32
      %dma_start3A_222 = tpu.memref_slice %arg7[%dma_start3A_220, %dma_start3A_221] : memref<10000x128xf32, #tpu.memory_space<vmem_shared>> -> memref<10000x128xf32, #tpu.memory_space<vmem_shared>>
      tpu.enqueue_indirect_dma source(%arg16 : memref<80x128xf32, #tpu.memory_space<vmem>>) target(%dma_start3A_222 : memref<10000x128xf32, #tpu.memory_space<vmem_shared>>) offsets(%arg12 : memref<80xi32, #tpu.memory_space<vmem>>) semaphore(%arg28 : memref<!tpu.dma_semaphore, #tpu.memory_space<semaphore_mem>>) {add = true}
      %add3A_223 = arith.constant 1 : i32
      %add3A_224 = arith.addi %mul3A_172, %add3A_223 : i32
      %add3A_225 = arith.constant 2 : i32
      %add3A_226 = arith.addi %add3A_224, %add3A_225 : i32
      %mul3A_227 = arith.constant 80 : i32
      %mul3A_228 = arith.muli %add3A_226, %mul3A_227 : i32
      %add3A_229 = arith.addi %mul3A_57, %mul3A_228 : i32
      %dma_start3A_230 = tpu.memref_slice %arg4[%add3A_229] : memref<320000xi32, #tpu.memory_space<hbm>> -> memref<80xi32, #tpu.memory_space<hbm>>
      %dma_start3A_231 = tpu.memref_slice %arg4[%add3A_229] : memref<320000xi32, #tpu.memory_space<hbm>> -> memref<80xi32, #tpu.memory_space<hbm>>
      tpu.enqueue_dma source(%dma_start3A_231 : memref<80xi32, #tpu.memory_space<hbm>>) target(%arg11 : memref<80xi32, #tpu.memory_space<vmem>>) target_semaphore(%arg23 : memref<!tpu.dma_semaphore, #tpu.memory_space<semaphore_mem>>)
      %dma_start3A_232 = tpu.memref_slice %arg5[%add3A_229] : memref<320000xi32, #tpu.memory_space<hbm>> -> memref<80xi32, #tpu.memory_space<hbm>>
      %dma_start3A_233 = tpu.memref_slice %arg5[%add3A_229] : memref<320000xi32, #tpu.memory_space<hbm>> -> memref<80xi32, #tpu.memory_space<hbm>>
      tpu.enqueue_dma source(%dma_start3A_233 : memref<80xi32, #tpu.memory_space<hbm>>) target(%arg15 : memref<80xi32, #tpu.memory_space<vmem>>) target_semaphore(%arg23 : memref<!tpu.dma_semaphore, #tpu.memory_space<semaphore_mem>>)
      %dma_wait3A_234 = arith.constant 0 : i32
      %dma_wait3A_235 = tpu.memref_slice %arg4[%dma_wait3A_234] : memref<320000xi32, #tpu.memory_space<hbm>> -> memref<80xi32, #tpu.memory_space<hbm>>
      %dma_wait3A_236 = arith.constant 0 : i32
      %dma_wait3A_237 = tpu.memref_slice %arg4[%dma_wait3A_236] : memref<320000xi32, #tpu.memory_space<hbm>> -> memref<80xi32, #tpu.memory_space<hbm>>
      tpu.wait_dma2 semaphore(%arg22 : memref<!tpu.dma_semaphore, #tpu.memory_space<semaphore_mem>>) src(%dma_wait3A_237 : memref<80xi32, #tpu.memory_space<hbm>>) dst(%arg10 : memref<80xi32, #tpu.memory_space<vmem>>)
      %dma_wait3A_238 = arith.constant 0 : i32
      %dma_wait3A_239 = tpu.memref_slice %arg5[%dma_wait3A_238] : memref<320000xi32, #tpu.memory_space<hbm>> -> memref<80xi32, #tpu.memory_space<hbm>>
      %dma_wait3A_240 = arith.constant 0 : i32
      %dma_wait3A_241 = tpu.memref_slice %arg5[%dma_wait3A_240] : memref<320000xi32, #tpu.memory_space<hbm>> -> memref<80xi32, #tpu.memory_space<hbm>>
      tpu.wait_dma2 semaphore(%arg22 : memref<!tpu.dma_semaphore, #tpu.memory_space<semaphore_mem>>) src(%dma_wait3A_241 : memref<80xi32, #tpu.memory_space<hbm>>) dst(%arg14 : memref<80xi32, #tpu.memory_space<vmem>>)
      %dma_start3A_242 = arith.constant 0 : i32
      %dma_start3A_243 = arith.constant 0 : i32
      %dma_start3A_244 = tpu.memref_slice %arg3[%dma_start3A_242, %dma_start3A_243] : memref<10000x128xf32, #tpu.memory_space<hbm>> -> memref<10000x128xf32, #tpu.memory_space<hbm>>
      tpu.enqueue_indirect_dma source(%dma_start3A_244 : memref<10000x128xf32, #tpu.memory_space<hbm>>) target(%arg18 : memref<80x128xf32, #tpu.memory_space<vmem>>) offsets(%arg10 : memref<80xi32, #tpu.memory_space<vmem>>) semaphore(%arg26 : memref<!tpu.dma_semaphore, #tpu.memory_space<semaphore_mem>>)
      %dma_wait3A_245 = arith.constant 0 : i32
      %dma_wait3A_246 = arith.constant 0 : i32
      %dma_wait3A_247 = tpu.memref_slice %arg7[%dma_wait3A_245, %dma_wait3A_246] : memref<10000x128xf32, #tpu.memory_space<vmem_shared>> -> memref<10000x128xf32, #tpu.memory_space<vmem_shared>>
      tpu.wait_indirect_dma semaphore(%arg28 : memref<!tpu.dma_semaphore, #tpu.memory_space<semaphore_mem>>) src(%arg16 : memref<80x128xf32, #tpu.memory_space<vmem>>) dst(%dma_wait3A_247 : memref<10000x128xf32, #tpu.memory_space<vmem_shared>>)
      %add3A_248 = arith.constant 1 : i32
      %add3A_249 = arith.addi %add3A_224, %add3A_248 : i32
      %mul3A_250 = arith.constant 80 : i32
      %mul3A_251 = arith.muli %add3A_249, %mul3A_250 : i32
      %add3A_252 = arith.addi %mul3A_57, %mul3A_251 : i32
      %dma_start3A_253 = arith.constant 0 : i32
      %dma_start3A_254 = tpu.memref_slice %arg2[%add3A_252, %dma_start3A_253] : memref<320000x128xf32, #tpu.memory_space<hbm>> -> memref<80x128xf32, #tpu.memory_space<hbm>>
      %dma_start3A_255 = arith.constant 0 : i32
      %dma_start3A_256 = tpu.memref_slice %arg2[%add3A_252, %dma_start3A_255] : memref<320000x128xf32, #tpu.memory_space<hbm>> -> memref<80x128xf32, #tpu.memory_space<hbm>>
      tpu.enqueue_dma source(%dma_start3A_256 : memref<80x128xf32, #tpu.memory_space<hbm>>) target(%arg16 : memref<80x128xf32, #tpu.memory_space<vmem>>) target_semaphore(%arg24 : memref<!tpu.dma_semaphore, #tpu.memory_space<semaphore_mem>>)
      %dma_wait3A_257 = arith.constant 0 : i32
      %dma_wait3A_258 = arith.constant 0 : i32
      %dma_wait3A_259 = tpu.memref_slice %arg2[%dma_wait3A_257, %dma_wait3A_258] : memref<320000x128xf32, #tpu.memory_space<hbm>> -> memref<80x128xf32, #tpu.memory_space<hbm>>
      %dma_wait3A_260 = arith.constant 0 : i32
      %dma_wait3A_261 = arith.constant 0 : i32
      %dma_wait3A_262 = tpu.memref_slice %arg2[%dma_wait3A_260, %dma_wait3A_261] : memref<320000x128xf32, #tpu.memory_space<hbm>> -> memref<80x128xf32, #tpu.memory_space<hbm>>
      tpu.wait_dma2 semaphore(%arg25 : memref<!tpu.dma_semaphore, #tpu.memory_space<semaphore_mem>>) src(%dma_wait3A_262 : memref<80x128xf32, #tpu.memory_space<hbm>>) dst(%arg17 : memref<80x128xf32, #tpu.memory_space<vmem>>)
      %dma_wait3A_263 = arith.constant 0 : i32
      %dma_wait3A_264 = arith.constant 0 : i32
      %dma_wait3A_265 = tpu.memref_slice %arg3[%dma_wait3A_263, %dma_wait3A_264] : memref<10000x128xf32, #tpu.memory_space<hbm>> -> memref<10000x128xf32, #tpu.memory_space<hbm>>
      tpu.wait_indirect_dma semaphore(%arg27 : memref<!tpu.dma_semaphore, #tpu.memory_space<semaphore_mem>>) src(%dma_wait3A_265 : memref<10000x128xf32, #tpu.memory_space<hbm>>) dst(%arg19 : memref<80x128xf32, #tpu.memory_space<vmem>>)
      %parallel_loop3A_266 = arith.constant 0 : i32
      %parallel_loop3A_267 = arith.constant 80 : i32
      %parallel_loop3A_268 = arith.constant 1 : i32
      scf.for %parallel_loop3A_367 = %parallel_loop3A_266 to %parallel_loop3A_267 step %parallel_loop3A_268  : i32 {
        %parallel_loop3A_368 = arith.index_cast %parallel_loop3A_367 : i32 to index
        %parallel_loop3A_369 = arith.constant 0 : index
        %parallel_loop3A_370 = tpu.vector_load %arg19[%parallel_loop3A_368, %parallel_loop3A_369] {strides = array<i32>} : memref<80x128xf32, #tpu.memory_space<vmem>>, vector<1x16xf32>,
        %parallel_loop3A_371 = vector.shape_cast %parallel_loop3A_370 : vector<1x16xf32> to vector<16xf32>
        %parallel_loop3A_372 = arith.index_cast %parallel_loop3A_367 : i32 to index
        %parallel_loop3A_373 = arith.constant 0 : index
        %parallel_loop3A_374 = tpu.vector_load %arg17[%parallel_loop3A_372, %parallel_loop3A_373] {strides = array<i32>} : memref<80x128xf32, #tpu.memory_space<vmem>>, vector<1x16xf32>,
        %parallel_loop3A_375 = vector.shape_cast %parallel_loop3A_374 : vector<1x16xf32> to vector<16xf32>
        %parallel_loop3A_376 = arith.mulf %parallel_loop3A_371, %parallel_loop3A_375 : vector<16xf32>
        %parallel_loop3A_377 = arith.index_cast %parallel_loop3A_367 : i32 to index
        %parallel_loop3A_378 = arith.constant 0 : index
        %parallel_loop3A_379 = tpu.vector_load %arg17[%parallel_loop3A_377, %parallel_loop3A_378] {strides = array<i32>} : memref<80x128xf32, #tpu.memory_space<vmem>>, vector<1x16xf32>,
        %parallel_loop3A_380 = vector.shape_cast %parallel_loop3A_379 : vector<1x16xf32> to vector<16xf32>
        %parallel_loop3A_381 = vector.shape_cast %parallel_loop3A_376 : vector<16xf32> to vector<1x16xf32>
        tpu.vector_store %arg17[%parallel_loop3A_377, %parallel_loop3A_378], %parallel_loop3A_381 {strides = array<i32>} : memref<80x128xf32, #tpu.memory_space<vmem>>, vector<1x16xf32>,
        %parallel_loop3A_382 = arith.index_cast %parallel_loop3A_367 : i32 to index
        %parallel_loop3A_383 = arith.constant 16 : index
        %parallel_loop3A_384 = tpu.vector_load %arg19[%parallel_loop3A_382, %parallel_loop3A_383] {strides = array<i32>} : memref<80x128xf32, #tpu.memory_space<vmem>>, vector<1x16xf32>,
        %parallel_loop3A_385 = vector.shape_cast %parallel_loop3A_384 : vector<1x16xf32> to vector<16xf32>
        %parallel_loop3A_386 = arith.index_cast %parallel_loop3A_367 : i32 to index
        %parallel_loop3A_387 = arith.constant 16 : index
        %parallel_loop3A_388 = tpu.vector_load %arg17[%parallel_loop3A_386, %parallel_loop3A_387] {strides = array<i32>} : memref<80x128xf32, #tpu.memory_space<vmem>>, vector<1x16xf32>,
        %parallel_loop3A_389 = vector.shape_cast %parallel_loop3A_388 : vector<1x16xf32> to vector<16xf32>
        %parallel_loop3A_390 = arith.mulf %parallel_loop3A_385, %parallel_loop3A_389 : vector<16xf32>
        %parallel_loop3A_391 = arith.index_cast %parallel_loop3A_367 : i32 to index
        %parallel_loop3A_392 = arith.constant 16 : index
        %parallel_loop3A_393 = tpu.vector_load %arg17[%parallel_loop3A_391, %parallel_loop3A_392] {strides = array<i32>} : memref<80x128xf32, #tpu.memory_space<vmem>>, vector<1x16xf32>,
        %parallel_loop3A_394 = vector.shape_cast %parallel_loop3A_393 : vector<1x16xf32> to vector<16xf32>
        %parallel_loop3A_395 = vector.shape_cast %parallel_loop3A_390 : vector<16xf32> to vector<1x16xf32>
        tpu.vector_store %arg17[%parallel_loop3A_391, %parallel_loop3A_392], %parallel_loop3A_395 {strides = array<i32>} : memref<80x128xf32, #tpu.memory_space<vmem>>, vector<1x16xf32>,
        %parallel_loop3A_396 = arith.index_cast %parallel_loop3A_367 : i32 to index
        %parallel_loop3A_397 = arith.constant 32 : index
        %parallel_loop3A_398 = tpu.vector_load %arg19[%parallel_loop3A_396, %parallel_loop3A_397] {strides = array<i32>} : memref<80x128xf32, #tpu.memory_space<vmem>>, vector<1x16xf32>,
        %parallel_loop3A_399 = vector.shape_cast %parallel_loop3A_398 : vector<1x16xf32> to vector<16xf32>
        %parallel_loop3A_400 = arith.index_cast %parallel_loop3A_367 : i32 to index
        %parallel_loop3A_401 = arith.constant 32 : index
        %parallel_loop3A_402 = tpu.vector_load %arg17[%parallel_loop3A_400, %parallel_loop3A_401] {strides = array<i32>} : memref<80x128xf32, #tpu.memory_space<vmem>>, vector<1x16xf32>,
        %parallel_loop3A_403 = vector.shape_cast %parallel_loop3A_402 : vector<1x16xf32> to vector<16xf32>
        %parallel_loop3A_404 = arith.mulf %parallel_loop3A_399, %parallel_loop3A_403 : vector<16xf32>
        %parallel_loop3A_405 = arith.index_cast %parallel_loop3A_367 : i32 to index
        %parallel_loop3A_406 = arith.constant 32 : index
        %parallel_loop3A_407 = tpu.vector_load %arg17[%parallel_loop3A_405, %parallel_loop3A_406] {strides = array<i32>} : memref<80x128xf32, #tpu.memory_space<vmem>>, vector<1x16xf32>,
        %parallel_loop3A_408 = vector.shape_cast %parallel_loop3A_407 : vector<1x16xf32> to vector<16xf32>
        %parallel_loop3A_409 = vector.shape_cast %parallel_loop3A_404 : vector<16xf32> to vector<1x16xf32>
        tpu.vector_store %arg17[%parallel_loop3A_405, %parallel_loop3A_406], %parallel_loop3A_409 {strides = array<i32>} : memref<80x128xf32, #tpu.memory_space<vmem>>, vector<1x16xf32>,
        %parallel_loop3A_410 = arith.index_cast %parallel_loop3A_367 : i32 to index
        %parallel_loop3A_411 = arith.constant 48 : index
        %parallel_loop3A_412 = tpu.vector_load %arg19[%parallel_loop3A_410, %parallel_loop3A_411] {strides = array<i32>} : memref<80x128xf32, #tpu.memory_space<vmem>>, vector<1x16xf32>,
        %parallel_loop3A_413 = vector.shape_cast %parallel_loop3A_412 : vector<1x16xf32> to vector<16xf32>
        %parallel_loop3A_414 = arith.index_cast %parallel_loop3A_367 : i32 to index
        %parallel_loop3A_415 = arith.constant 48 : index
        %parallel_loop3A_416 = tpu.vector_load %arg17[%parallel_loop3A_414, %parallel_loop3A_415] {strides = array<i32>} : memref<80x128xf32, #tpu.memory_space<vmem>>, vector<1x16xf32>,
        %parallel_loop3A_417 = vector.shape_cast %parallel_loop3A_416 : vector<1x16xf32> to vector<16xf32>
        %parallel_loop3A_418 = arith.mulf %parallel_loop3A_413, %parallel_loop3A_417 : vector<16xf32>
        %parallel_loop3A_419 = arith.index_cast %parallel_loop3A_367 : i32 to index
        %parallel_loop3A_420 = arith.constant 48 : index
        %parallel_loop3A_421 = tpu.vector_load %arg17[%parallel_loop3A_419, %parallel_loop3A_420] {strides = array<i32>} : memref<80x128xf32, #tpu.memory_space<vmem>>, vector<1x16xf32>,
        %parallel_loop3A_422 = vector.shape_cast %parallel_loop3A_421 : vector<1x16xf32> to vector<16xf32>
        %parallel_loop3A_423 = vector.shape_cast %parallel_loop3A_418 : vector<16xf32> to vector<1x16xf32>
        tpu.vector_store %arg17[%parallel_loop3A_419, %parallel_loop3A_420], %parallel_loop3A_423 {strides = array<i32>} : memref<80x128xf32, #tpu.memory_space<vmem>>, vector<1x16xf32>,
        %parallel_loop3A_424 = arith.index_cast %parallel_loop3A_367 : i32 to index
        %parallel_loop3A_425 = arith.constant 64 : index
        %parallel_loop3A_426 = tpu.vector_load %arg19[%parallel_loop3A_424, %parallel_loop3A_425] {strides = array<i32>} : memref<80x128xf32, #tpu.memory_space<vmem>>, vector<1x16xf32>,
        %parallel_loop3A_427 = vector.shape_cast %parallel_loop3A_426 : vector<1x16xf32> to vector<16xf32>
        %parallel_loop3A_428 = arith.index_cast %parallel_loop3A_367 : i32 to index
        %parallel_loop3A_429 = arith.constant 64 : index
        %parallel_loop3A_430 = tpu.vector_load %arg17[%parallel_loop3A_428, %parallel_loop3A_429] {strides = array<i32>} : memref<80x128xf32, #tpu.memory_space<vmem>>, vector<1x16xf32>,
        %parallel_loop3A_431 = vector.shape_cast %parallel_loop3A_430 : vector<1x16xf32> to vector<16xf32>
        %parallel_loop3A_432 = arith.mulf %parallel_loop3A_427, %parallel_loop3A_431 : vector<16xf32>
        %parallel_loop3A_433 = arith.index_cast %parallel_loop3A_367 : i32 to index
        %parallel_loop3A_434 = arith.constant 64 : index
        %parallel_loop3A_435 = tpu.vector_load %arg17[%parallel_loop3A_433, %parallel_loop3A_434] {strides = array<i32>} : memref<80x128xf32, #tpu.memory_space<vmem>>, vector<1x16xf32>,
        %parallel_loop3A_436 = vector.shape_cast %parallel_loop3A_435 : vector<1x16xf32> to vector<16xf32>
        %parallel_loop3A_437 = vector.shape_cast %parallel_loop3A_432 : vector<16xf32> to vector<1x16xf32>
        tpu.vector_store %arg17[%parallel_loop3A_433, %parallel_loop3A_434], %parallel_loop3A_437 {strides = array<i32>} : memref<80x128xf32, #tpu.memory_space<vmem>>, vector<1x16xf32>,
        %parallel_loop3A_438 = arith.index_cast %parallel_loop3A_367 : i32 to index
        %parallel_loop3A_439 = arith.constant 80 : index
        %parallel_loop3A_440 = tpu.vector_load %arg19[%parallel_loop3A_438, %parallel_loop3A_439] {strides = array<i32>} : memref<80x128xf32, #tpu.memory_space<vmem>>, vector<1x16xf32>,
        %parallel_loop3A_441 = vector.shape_cast %parallel_loop3A_440 : vector<1x16xf32> to vector<16xf32>
        %parallel_loop3A_442 = arith.index_cast %parallel_loop3A_367 : i32 to index
        %parallel_loop3A_443 = arith.constant 80 : index
        %parallel_loop3A_444 = tpu.vector_load %arg17[%parallel_loop3A_442, %parallel_loop3A_443] {strides = array<i32>} : memref<80x128xf32, #tpu.memory_space<vmem>>, vector<1x16xf32>,
        %parallel_loop3A_445 = vector.shape_cast %parallel_loop3A_444 : vector<1x16xf32> to vector<16xf32>
        %parallel_loop3A_446 = arith.mulf %parallel_loop3A_441, %parallel_loop3A_445 : vector<16xf32>
        %parallel_loop3A_447 = arith.index_cast %parallel_loop3A_367 : i32 to index
        %parallel_loop3A_448 = arith.constant 80 : index
        %parallel_loop3A_449 = tpu.vector_load %arg17[%parallel_loop3A_447, %parallel_loop3A_448] {strides = array<i32>} : memref<80x128xf32, #tpu.memory_space<vmem>>, vector<1x16xf32>,
        %parallel_loop3A_450 = vector.shape_cast %parallel_loop3A_449 : vector<1x16xf32> to vector<16xf32>
        %parallel_loop3A_451 = vector.shape_cast %parallel_loop3A_446 : vector<16xf32> to vector<1x16xf32>
        tpu.vector_store %arg17[%parallel_loop3A_447, %parallel_loop3A_448], %parallel_loop3A_451 {strides = array<i32>} : memref<80x128xf32, #tpu.memory_space<vmem>>, vector<1x16xf32>,
        %parallel_loop3A_452 = arith.index_cast %parallel_loop3A_367 : i32 to index
        %parallel_loop3A_453 = arith.constant 96 : index
        %parallel_loop3A_454 = tpu.vector_load %arg19[%parallel_loop3A_452, %parallel_loop3A_453] {strides = array<i32>} : memref<80x128xf32, #tpu.memory_space<vmem>>, vector<1x16xf32>,
        %parallel_loop3A_455 = vector.shape_cast %parallel_loop3A_454 : vector<1x16xf32> to vector<16xf32>
        %parallel_loop3A_456 = arith.index_cast %parallel_loop3A_367 : i32 to index
        %parallel_loop3A_457 = arith.constant 96 : index
        %parallel_loop3A_458 = tpu.vector_load %arg17[%parallel_loop3A_456, %parallel_loop3A_457] {strides = array<i32>} : memref<80x128xf32, #tpu.memory_space<vmem>>, vector<1x16xf32>,
        %parallel_loop3A_459 = vector.shape_cast %parallel_loop3A_458 : vector<1x16xf32> to vector<16xf32>
        %parallel_loop3A_460 = arith.mulf %parallel_loop3A_455, %parallel_loop3A_459 : vector<16xf32>
        %parallel_loop3A_461 = arith.index_cast %parallel_loop3A_367 : i32 to index
        %parallel_loop3A_462 = arith.constant 96 : index
        %parallel_loop3A_463 = tpu.vector_load %arg17[%parallel_loop3A_461, %parallel_loop3A_462] {strides = array<i32>} : memref<80x128xf32, #tpu.memory_space<vmem>>, vector<1x16xf32>,
        %parallel_loop3A_464 = vector.shape_cast %parallel_loop3A_463 : vector<1x16xf32> to vector<16xf32>
        %parallel_loop3A_465 = vector.shape_cast %parallel_loop3A_460 : vector<16xf32> to vector<1x16xf32>
        tpu.vector_store %arg17[%parallel_loop3A_461, %parallel_loop3A_462], %parallel_loop3A_465 {strides = array<i32>} : memref<80x128xf32, #tpu.memory_space<vmem>>, vector<1x16xf32>,
        %parallel_loop3A_466 = arith.index_cast %parallel_loop3A_367 : i32 to index
        %parallel_loop3A_467 = arith.constant 112 : index
        %parallel_loop3A_468 = tpu.vector_load %arg19[%parallel_loop3A_466, %parallel_loop3A_467] {strides = array<i32>} : memref<80x128xf32, #tpu.memory_space<vmem>>, vector<1x16xf32>,
        %parallel_loop3A_469 = vector.shape_cast %parallel_loop3A_468 : vector<1x16xf32> to vector<16xf32>
        %parallel_loop3A_470 = arith.index_cast %parallel_loop3A_367 : i32 to index
        %parallel_loop3A_471 = arith.constant 112 : index
        %parallel_loop3A_472 = tpu.vector_load %arg17[%parallel_loop3A_470, %parallel_loop3A_471] {strides = array<i32>} : memref<80x128xf32, #tpu.memory_space<vmem>>, vector<1x16xf32>,
        %parallel_loop3A_473 = vector.shape_cast %parallel_loop3A_472 : vector<1x16xf32> to vector<16xf32>
        %parallel_loop3A_474 = arith.mulf %parallel_loop3A_469, %parallel_loop3A_473 : vector<16xf32>
        %parallel_loop3A_475 = arith.index_cast %parallel_loop3A_367 : i32 to index
        %parallel_loop3A_476 = arith.constant 112 : index
        %parallel_loop3A_477 = tpu.vector_load %arg17[%parallel_loop3A_475, %parallel_loop3A_476] {strides = array<i32>} : memref<80x128xf32, #tpu.memory_space<vmem>>, vector<1x16xf32>,
        %parallel_loop3A_478 = vector.shape_cast %parallel_loop3A_477 : vector<1x16xf32> to vector<16xf32>
        %parallel_loop3A_479 = vector.shape_cast %parallel_loop3A_474 : vector<16xf32> to vector<1x16xf32>
        tpu.vector_store %arg17[%parallel_loop3A_475, %parallel_loop3A_476], %parallel_loop3A_479 {strides = array<i32>} : memref<80x128xf32, #tpu.memory_space<vmem>>, vector<1x16xf32>,
      } {sc.loop_unroll_factor = 8 : i64, sc.parallel_access}
      %dma_start3A_269 = arith.constant 0 : i32
      %dma_start3A_270 = arith.constant 0 : i32
      %dma_start3A_271 = tpu.memref_slice %arg7[%dma_start3A_269, %dma_start3A_270] : memref<10000x128xf32, #tpu.memory_space<vmem_shared>> -> memref<10000x128xf32, #tpu.memory_space<vmem_shared>>
      tpu.enqueue_indirect_dma source(%arg17 : memref<80x128xf32, #tpu.memory_space<vmem>>) target(%dma_start3A_271 : memref<10000x128xf32, #tpu.memory_space<vmem_shared>>) offsets(%arg13 : memref<80xi32, #tpu.memory_space<vmem>>) semaphore(%arg29 : memref<!tpu.dma_semaphore, #tpu.memory_space<semaphore_mem>>) {add = true}
      %add3A_272 = arith.constant 2 : i32
      %add3A_273 = arith.addi %mul3A_172, %add3A_272 : i32
      %add3A_274 = arith.constant 2 : i32
      %add3A_275 = arith.addi %add3A_273, %add3A_274 : i32
      %mul3A_276 = arith.constant 80 : i32
      %mul3A_277 = arith.muli %add3A_275, %mul3A_276 : i32
      %add3A_278 = arith.addi %mul3A_57, %mul3A_277 : i32
      %dma_start3A_279 = tpu.memref_slice %arg4[%add3A_278] : memref<320000xi32, #tpu.memory_space<hbm>> -> memref<80xi32, #tpu.memory_space<hbm>>
      %dma_start3A_280 = tpu.memref_slice %arg4[%add3A_278] : memref<320000xi32, #tpu.memory_space<hbm>> -> memref<80xi32, #tpu.memory_space<hbm>>
      tpu.enqueue_dma source(%dma_start3A_280 : memref<80xi32, #tpu.memory_space<hbm>>) target(%arg8 : memref<80xi32, #tpu.memory_space<vmem>>) target_semaphore(%arg20 : memref<!tpu.dma_semaphore, #tpu.memory_space<semaphore_mem>>)
      %dma_start3A_281 = tpu.memref_slice %arg5[%add3A_278] : memref<320000xi32, #tpu.memory_space<hbm>> -> memref<80xi32, #tpu.memory_space<hbm>>
      %dma_start3A_282 = tpu.memref_slice %arg5[%add3A_278] : memref<320000xi32, #tpu.memory_space<hbm>> -> memref<80xi32, #tpu.memory_space<hbm>>
      tpu.enqueue_dma source(%dma_start3A_282 : memref<80xi32, #tpu.memory_space<hbm>>) target(%arg12 : memref<80xi32, #tpu.memory_space<vmem>>) target_semaphore(%arg20 : memref<!tpu.dma_semaphore, #tpu.memory_space<semaphore_mem>>)
      %dma_wait3A_283 = arith.constant 0 : i32
      %dma_wait3A_284 = tpu.memref_slice %arg4[%dma_wait3A_283] : memref<320000xi32, #tpu.memory_space<hbm>> -> memref<80xi32, #tpu.memory_space<hbm>>
      %dma_wait3A_285 = arith.constant 0 : i32
      %dma_wait3A_286 = tpu.memref_slice %arg4[%dma_wait3A_285] : memref<320000xi32, #tpu.memory_space<hbm>> -> memref<80xi32, #tpu.memory_space<hbm>>
      tpu.wait_dma2 semaphore(%arg23 : memref<!tpu.dma_semaphore, #tpu.memory_space<semaphore_mem>>) src(%dma_wait3A_286 : memref<80xi32, #tpu.memory_space<hbm>>) dst(%arg11 : memref<80xi32, #tpu.memory_space<vmem>>)
      %dma_wait3A_287 = arith.constant 0 : i32
      %dma_wait3A_288 = tpu.memref_slice %arg5[%dma_wait3A_287] : memref<320000xi32, #tpu.memory_space<hbm>> -> memref<80xi32, #tpu.memory_space<hbm>>
      %dma_wait3A_289 = arith.constant 0 : i32
      %dma_wait3A_290 = tpu.memref_slice %arg5[%dma_wait3A_289] : memref<320000xi32, #tpu.memory_space<hbm>> -> memref<80xi32, #tpu.memory_space<hbm>>
      tpu.wait_dma2 semaphore(%arg23 : memref<!tpu.dma_semaphore, #tpu.memory_space<semaphore_mem>>) src(%dma_wait3A_290 : memref<80xi32, #tpu.memory_space<hbm>>) dst(%arg15 : memref<80xi32, #tpu.memory_space<vmem>>)
      %dma_start3A_291 = arith.constant 0 : i32
      %dma_start3A_292 = arith.constant 0 : i32
      %dma_start3A_293 = tpu.memref_slice %arg3[%dma_start3A_291, %dma_start3A_292] : memref<10000x128xf32, #tpu.memory_space<hbm>> -> memref<10000x128xf32, #tpu.memory_space<hbm>>
      tpu.enqueue_indirect_dma source(%dma_start3A_293 : memref<10000x128xf32, #tpu.memory_space<hbm>>) target(%arg19 : memref<80x128xf32, #tpu.memory_space<vmem>>) offsets(%arg11 : memref<80xi32, #tpu.memory_space<vmem>>) semaphore(%arg27 : memref<!tpu.dma_semaphore, #tpu.memory_space<semaphore_mem>>)
      %dma_wait3A_294 = arith.constant 0 : i32
      %dma_wait3A_295 = arith.constant 0 : i32
      %dma_wait3A_296 = tpu.memref_slice %arg7[%dma_wait3A_294, %dma_wait3A_295] : memref<10000x128xf32, #tpu.memory_space<vmem_shared>> -> memref<10000x128xf32, #tpu.memory_space<vmem_shared>>
      tpu.wait_indirect_dma semaphore(%arg29 : memref<!tpu.dma_semaphore, #tpu.memory_space<semaphore_mem>>) src(%arg17 : memref<80x128xf32, #tpu.memory_space<vmem>>) dst(%dma_wait3A_296 : memref<10000x128xf32, #tpu.memory_space<vmem_shared>>)
      %add3A_297 = arith.constant 1 : i32
      %add3A_298 = arith.addi %add3A_273, %add3A_297 : i32
      %mul3A_299 = arith.constant 80 : i32
      %mul3A_300 = arith.muli %add3A_298, %mul3A_299 : i32
      %add3A_301 = arith.addi %mul3A_57, %mul3A_300 : i32
      %dma_start3A_302 = arith.constant 0 : i32
      %dma_start3A_303 = tpu.memref_slice %arg2[%add3A_301, %dma_start3A_302] : memref<320000x128xf32, #tpu.memory_space<hbm>> -> memref<80x128xf32, #tpu.memory_space<hbm>>
      %dma_start3A_304 = arith.constant 0 : i32
      %dma_start3A_305 = tpu.memref_slice %arg2[%add3A_301, %dma_start3A_304] : memref<320000x128xf32, #tpu.memory_space<hbm>> -> memref<80x128xf32, #tpu.memory_space<hbm>>
      tpu.enqueue_dma source(%dma_start3A_305 : memref<80x128xf32, #tpu.memory_space<hbm>>) target(%arg17 : memref<80x128xf32, #tpu.memory_space<vmem>>) target_semaphore(%arg25 : memref<!tpu.dma_semaphore, #tpu.memory_space<semaphore_mem>>)
      %dma_wait3A_306 = arith.constant 0 : i32
      %dma_wait3A_307 = arith.constant 0 : i32
      %dma_wait3A_308 = tpu.memref_slice %arg2[%dma_wait3A_306, %dma_wait3A_307] : memref<320000x128xf32, #tpu.memory_space<hbm>> -> memref<80x128xf32, #tpu.memory_space<hbm>>
      %dma_wait3A_309 = arith.constant 0 : i32
      %dma_wait3A_310 = arith.constant 0 : i32
      %dma_wait3A_311 = tpu.memref_slice %arg2[%dma_wait3A_309, %dma_wait3A_310] : memref<320000x128xf32, #tpu.memory_space<hbm>> -> memref<80x128xf32, #tpu.memory_space<hbm>>
      tpu.wait_dma2 semaphore(%arg24 : memref<!tpu.dma_semaphore, #tpu.memory_space<semaphore_mem>>) src(%dma_wait3A_311 : memref<80x128xf32, #tpu.memory_space<hbm>>) dst(%arg16 : memref<80x128xf32, #tpu.memory_space<vmem>>)
      %dma_wait3A_312 = arith.constant 0 : i32
      %dma_wait3A_313 = arith.constant 0 : i32
      %dma_wait3A_314 = tpu.memref_slice %arg3[%dma_wait3A_312, %dma_wait3A_313] : memref<10000x128xf32, #tpu.memory_space<hbm>> -> memref<10000x128xf32, #tpu.memory_space<hbm>>
      tpu.wait_indirect_dma semaphore(%arg26 : memref<!tpu.dma_semaphore, #tpu.memory_space<semaphore_mem>>) src(%dma_wait3A_314 : memref<10000x128xf32, #tpu.memory_space<hbm>>) dst(%arg18 : memref<80x128xf32, #tpu.memory_space<vmem>>)
      %parallel_loop3A_315 = arith.constant 0 : i32
      %parallel_loop3A_316 = arith.constant 80 : i32
      %parallel_loop3A_317 = arith.constant 1 : i32
      scf.for %parallel_loop3A_367 = %parallel_loop3A_315 to %parallel_loop3A_316 step %parallel_loop3A_317  : i32 {
        %parallel_loop3A_368 = arith.index_cast %parallel_loop3A_367 : i32 to index
        %parallel_loop3A_369 = arith.constant 0 : index
        %parallel_loop3A_370 = tpu.vector_load %arg18[%parallel_loop3A_368, %parallel_loop3A_369] {strides = array<i32>} : memref<80x128xf32, #tpu.memory_space<vmem>>, vector<1x16xf32>,
        %parallel_loop3A_371 = vector.shape_cast %parallel_loop3A_370 : vector<1x16xf32> to vector<16xf32>
        %parallel_loop3A_372 = arith.index_cast %parallel_loop3A_367 : i32 to index
        %parallel_loop3A_373 = arith.constant 0 : index
        %parallel_loop3A_374 = tpu.vector_load %arg16[%parallel_loop3A_372, %parallel_loop3A_373] {strides = array<i32>} : memref<80x128xf32, #tpu.memory_space<vmem>>, vector<1x16xf32>,
        %parallel_loop3A_375 = vector.shape_cast %parallel_loop3A_374 : vector<1x16xf32> to vector<16xf32>
        %parallel_loop3A_376 = arith.mulf %parallel_loop3A_371, %parallel_loop3A_375 : vector<16xf32>
        %parallel_loop3A_377 = arith.index_cast %parallel_loop3A_367 : i32 to index
        %parallel_loop3A_378 = arith.constant 0 : index
        %parallel_loop3A_379 = tpu.vector_load %arg16[%parallel_loop3A_377, %parallel_loop3A_378] {strides = array<i32>} : memref<80x128xf32, #tpu.memory_space<vmem>>, vector<1x16xf32>,
        %parallel_loop3A_380 = vector.shape_cast %parallel_loop3A_379 : vector<1x16xf32> to vector<16xf32>
        %parallel_loop3A_381 = vector.shape_cast %parallel_loop3A_376 : vector<16xf32> to vector<1x16xf32>
        tpu.vector_store %arg16[%parallel_loop3A_377, %parallel_loop3A_378], %parallel_loop3A_381 {strides = array<i32>} : memref<80x128xf32, #tpu.memory_space<vmem>>, vector<1x16xf32>,
        %parallel_loop3A_382 = arith.index_cast %parallel_loop3A_367 : i32 to index
        %parallel_loop3A_383 = arith.constant 16 : index
        %parallel_loop3A_384 = tpu.vector_load %arg18[%parallel_loop3A_382, %parallel_loop3A_383] {strides = array<i32>} : memref<80x128xf32, #tpu.memory_space<vmem>>, vector<1x16xf32>,
        %parallel_loop3A_385 = vector.shape_cast %parallel_loop3A_384 : vector<1x16xf32> to vector<16xf32>
        %parallel_loop3A_386 = arith.index_cast %parallel_loop3A_367 : i32 to index
        %parallel_loop3A_387 = arith.constant 16 : index
        %parallel_loop3A_388 = tpu.vector_load %arg16[%parallel_loop3A_386, %parallel_loop3A_387] {strides = array<i32>} : memref<80x128xf32, #tpu.memory_space<vmem>>, vector<1x16xf32>,
        %parallel_loop3A_389 = vector.shape_cast %parallel_loop3A_388 : vector<1x16xf32> to vector<16xf32>
        %parallel_loop3A_390 = arith.mulf %parallel_loop3A_385, %parallel_loop3A_389 : vector<16xf32>
        %parallel_loop3A_391 = arith.index_cast %parallel_loop3A_367 : i32 to index
        %parallel_loop3A_392 = arith.constant 16 : index
        %parallel_loop3A_393 = tpu.vector_load %arg16[%parallel_loop3A_391, %parallel_loop3A_392] {strides = array<i32>} : memref<80x128xf32, #tpu.memory_space<vmem>>, vector<1x16xf32>,
        %parallel_loop3A_394 = vector.shape_cast %parallel_loop3A_393 : vector<1x16xf32> to vector<16xf32>
        %parallel_loop3A_395 = vector.shape_cast %parallel_loop3A_390 : vector<16xf32> to vector<1x16xf32>
        tpu.vector_store %arg16[%parallel_loop3A_391, %parallel_loop3A_392], %parallel_loop3A_395 {strides = array<i32>} : memref<80x128xf32, #tpu.memory_space<vmem>>, vector<1x16xf32>,
        %parallel_loop3A_396 = arith.index_cast %parallel_loop3A_367 : i32 to index
        %parallel_loop3A_397 = arith.constant 32 : index
        %parallel_loop3A_398 = tpu.vector_load %arg18[%parallel_loop3A_396, %parallel_loop3A_397] {strides = array<i32>} : memref<80x128xf32, #tpu.memory_space<vmem>>, vector<1x16xf32>,
        %parallel_loop3A_399 = vector.shape_cast %parallel_loop3A_398 : vector<1x16xf32> to vector<16xf32>
        %parallel_loop3A_400 = arith.index_cast %parallel_loop3A_367 : i32 to index
        %parallel_loop3A_401 = arith.constant 32 : index
        %parallel_loop3A_402 = tpu.vector_load %arg16[%parallel_loop3A_400, %parallel_loop3A_401] {strides = array<i32>} : memref<80x128xf32, #tpu.memory_space<vmem>>, vector<1x16xf32>,
        %parallel_loop3A_403 = vector.shape_cast %parallel_loop3A_402 : vector<1x16xf32> to vector<16xf32>
        %parallel_loop3A_404 = arith.mulf %parallel_loop3A_399, %parallel_loop3A_403 : vector<16xf32>
        %parallel_loop3A_405 = arith.index_cast %parallel_loop3A_367 : i32 to index
        %parallel_loop3A_406 = arith.constant 32 : index
        %parallel_loop3A_407 = tpu.vector_load %arg16[%parallel_loop3A_405, %parallel_loop3A_406] {strides = array<i32>} : memref<80x128xf32, #tpu.memory_space<vmem>>, vector<1x16xf32>,
        %parallel_loop3A_408 = vector.shape_cast %parallel_loop3A_407 : vector<1x16xf32> to vector<16xf32>
        %parallel_loop3A_409 = vector.shape_cast %parallel_loop3A_404 : vector<16xf32> to vector<1x16xf32>
        tpu.vector_store %arg16[%parallel_loop3A_405, %parallel_loop3A_406], %parallel_loop3A_409 {strides = array<i32>} : memref<80x128xf32, #tpu.memory_space<vmem>>, vector<1x16xf32>,
        %parallel_loop3A_410 = arith.index_cast %parallel_loop3A_367 : i32 to index
        %parallel_loop3A_411 = arith.constant 48 : index
        %parallel_loop3A_412 = tpu.vector_load %arg18[%parallel_loop3A_410, %parallel_loop3A_411] {strides = array<i32>} : memref<80x128xf32, #tpu.memory_space<vmem>>, vector<1x16xf32>,
        %parallel_loop3A_413 = vector.shape_cast %parallel_loop3A_412 : vector<1x16xf32> to vector<16xf32>
        %parallel_loop3A_414 = arith.index_cast %parallel_loop3A_367 : i32 to index
        %parallel_loop3A_415 = arith.constant 48 : index
        %parallel_loop3A_416 = tpu.vector_load %arg16[%parallel_loop3A_414, %parallel_loop3A_415] {strides = array<i32>} : memref<80x128xf32, #tpu.memory_space<vmem>>, vector<1x16xf32>,
        %parallel_loop3A_417 = vector.shape_cast %parallel_loop3A_416 : vector<1x16xf32> to vector<16xf32>
        %parallel_loop3A_418 = arith.mulf %parallel_loop3A_413, %parallel_loop3A_417 : vector<16xf32>
        %parallel_loop3A_419 = arith.index_cast %parallel_loop3A_367 : i32 to index
        %parallel_loop3A_420 = arith.constant 48 : index
        %parallel_loop3A_421 = tpu.vector_load %arg16[%parallel_loop3A_419, %parallel_loop3A_420] {strides = array<i32>} : memref<80x128xf32, #tpu.memory_space<vmem>>, vector<1x16xf32>,
        %parallel_loop3A_422 = vector.shape_cast %parallel_loop3A_421 : vector<1x16xf32> to vector<16xf32>
        %parallel_loop3A_423 = vector.shape_cast %parallel_loop3A_418 : vector<16xf32> to vector<1x16xf32>
        tpu.vector_store %arg16[%parallel_loop3A_419, %parallel_loop3A_420], %parallel_loop3A_423 {strides = array<i32>} : memref<80x128xf32, #tpu.memory_space<vmem>>, vector<1x16xf32>,
        %parallel_loop3A_424 = arith.index_cast %parallel_loop3A_367 : i32 to index
        %parallel_loop3A_425 = arith.constant 64 : index
        %parallel_loop3A_426 = tpu.vector_load %arg18[%parallel_loop3A_424, %parallel_loop3A_425] {strides = array<i32>} : memref<80x128xf32, #tpu.memory_space<vmem>>, vector<1x16xf32>,
        %parallel_loop3A_427 = vector.shape_cast %parallel_loop3A_426 : vector<1x16xf32> to vector<16xf32>
        %parallel_loop3A_428 = arith.index_cast %parallel_loop3A_367 : i32 to index
        %parallel_loop3A_429 = arith.constant 64 : index
        %parallel_loop3A_430 = tpu.vector_load %arg16[%parallel_loop3A_428, %parallel_loop3A_429] {strides = array<i32>} : memref<80x128xf32, #tpu.memory_space<vmem>>, vector<1x16xf32>,
        %parallel_loop3A_431 = vector.shape_cast %parallel_loop3A_430 : vector<1x16xf32> to vector<16xf32>
        %parallel_loop3A_432 = arith.mulf %parallel_loop3A_427, %parallel_loop3A_431 : vector<16xf32>
        %parallel_loop3A_433 = arith.index_cast %parallel_loop3A_367 : i32 to index
        %parallel_loop3A_434 = arith.constant 64 : index
        %parallel_loop3A_435 = tpu.vector_load %arg16[%parallel_loop3A_433, %parallel_loop3A_434] {strides = array<i32>} : memref<80x128xf32, #tpu.memory_space<vmem>>, vector<1x16xf32>,
        %parallel_loop3A_436 = vector.shape_cast %parallel_loop3A_435 : vector<1x16xf32> to vector<16xf32>
        %parallel_loop3A_437 = vector.shape_cast %parallel_loop3A_432 : vector<16xf32> to vector<1x16xf32>
        tpu.vector_store %arg16[%parallel_loop3A_433, %parallel_loop3A_434], %parallel_loop3A_437 {strides = array<i32>} : memref<80x128xf32, #tpu.memory_space<vmem>>, vector<1x16xf32>,
        %parallel_loop3A_438 = arith.index_cast %parallel_loop3A_367 : i32 to index
        %parallel_loop3A_439 = arith.constant 80 : index
        %parallel_loop3A_440 = tpu.vector_load %arg18[%parallel_loop3A_438, %parallel_loop3A_439] {strides = array<i32>} : memref<80x128xf32, #tpu.memory_space<vmem>>, vector<1x16xf32>,
        %parallel_loop3A_441 = vector.shape_cast %parallel_loop3A_440 : vector<1x16xf32> to vector<16xf32>
        %parallel_loop3A_442 = arith.index_cast %parallel_loop3A_367 : i32 to index
        %parallel_loop3A_443 = arith.constant 80 : index
        %parallel_loop3A_444 = tpu.vector_load %arg16[%parallel_loop3A_442, %parallel_loop3A_443] {strides = array<i32>} : memref<80x128xf32, #tpu.memory_space<vmem>>, vector<1x16xf32>,
        %parallel_loop3A_445 = vector.shape_cast %parallel_loop3A_444 : vector<1x16xf32> to vector<16xf32>
        %parallel_loop3A_446 = arith.mulf %parallel_loop3A_441, %parallel_loop3A_445 : vector<16xf32>
        %parallel_loop3A_447 = arith.index_cast %parallel_loop3A_367 : i32 to index
        %parallel_loop3A_448 = arith.constant 80 : index
        %parallel_loop3A_449 = tpu.vector_load %arg16[%parallel_loop3A_447, %parallel_loop3A_448] {strides = array<i32>} : memref<80x128xf32, #tpu.memory_space<vmem>>, vector<1x16xf32>,
        %parallel_loop3A_450 = vector.shape_cast %parallel_loop3A_449 : vector<1x16xf32> to vector<16xf32>
        %parallel_loop3A_451 = vector.shape_cast %parallel_loop3A_446 : vector<16xf32> to vector<1x16xf32>
        tpu.vector_store %arg16[%parallel_loop3A_447, %parallel_loop3A_448], %parallel_loop3A_451 {strides = array<i32>} : memref<80x128xf32, #tpu.memory_space<vmem>>, vector<1x16xf32>,
        %parallel_loop3A_452 = arith.index_cast %parallel_loop3A_367 : i32 to index
        %parallel_loop3A_453 = arith.constant 96 : index
        %parallel_loop3A_454 = tpu.vector_load %arg18[%parallel_loop3A_452, %parallel_loop3A_453] {strides = array<i32>} : memref<80x128xf32, #tpu.memory_space<vmem>>, vector<1x16xf32>,
        %parallel_loop3A_455 = vector.shape_cast %parallel_loop3A_454 : vector<1x16xf32> to vector<16xf32>
        %parallel_loop3A_456 = arith.index_cast %parallel_loop3A_367 : i32 to index
        %parallel_loop3A_457 = arith.constant 96 : index
        %parallel_loop3A_458 = tpu.vector_load %arg16[%parallel_loop3A_456, %parallel_loop3A_457] {strides = array<i32>} : memref<80x128xf32, #tpu.memory_space<vmem>>, vector<1x16xf32>,
        %parallel_loop3A_459 = vector.shape_cast %parallel_loop3A_458 : vector<1x16xf32> to vector<16xf32>
        %parallel_loop3A_460 = arith.mulf %parallel_loop3A_455, %parallel_loop3A_459 : vector<16xf32>
        %parallel_loop3A_461 = arith.index_cast %parallel_loop3A_367 : i32 to index
        %parallel_loop3A_462 = arith.constant 96 : index
        %parallel_loop3A_463 = tpu.vector_load %arg16[%parallel_loop3A_461, %parallel_loop3A_462] {strides = array<i32>} : memref<80x128xf32, #tpu.memory_space<vmem>>, vector<1x16xf32>,
        %parallel_loop3A_464 = vector.shape_cast %parallel_loop3A_463 : vector<1x16xf32> to vector<16xf32>
        %parallel_loop3A_465 = vector.shape_cast %parallel_loop3A_460 : vector<16xf32> to vector<1x16xf32>
        tpu.vector_store %arg16[%parallel_loop3A_461, %parallel_loop3A_462], %parallel_loop3A_465 {strides = array<i32>} : memref<80x128xf32, #tpu.memory_space<vmem>>, vector<1x16xf32>,
        %parallel_loop3A_466 = arith.index_cast %parallel_loop3A_367 : i32 to index
        %parallel_loop3A_467 = arith.constant 112 : index
        %parallel_loop3A_468 = tpu.vector_load %arg18[%parallel_loop3A_466, %parallel_loop3A_467] {strides = array<i32>} : memref<80x128xf32, #tpu.memory_space<vmem>>, vector<1x16xf32>,
        %parallel_loop3A_469 = vector.shape_cast %parallel_loop3A_468 : vector<1x16xf32> to vector<16xf32>
        %parallel_loop3A_470 = arith.index_cast %parallel_loop3A_367 : i32 to index
        %parallel_loop3A_471 = arith.constant 112 : index
        %parallel_loop3A_472 = tpu.vector_load %arg16[%parallel_loop3A_470, %parallel_loop3A_471] {strides = array<i32>} : memref<80x128xf32, #tpu.memory_space<vmem>>, vector<1x16xf32>,
        %parallel_loop3A_473 = vector.shape_cast %parallel_loop3A_472 : vector<1x16xf32> to vector<16xf32>
        %parallel_loop3A_474 = arith.mulf %parallel_loop3A_469, %parallel_loop3A_473 : vector<16xf32>
        %parallel_loop3A_475 = arith.index_cast %parallel_loop3A_367 : i32 to index
        %parallel_loop3A_476 = arith.constant 112 : index
        %parallel_loop3A_477 = tpu.vector_load %arg16[%parallel_loop3A_475, %parallel_loop3A_476] {strides = array<i32>} : memref<80x128xf32, #tpu.memory_space<vmem>>, vector<1x16xf32>,
        %parallel_loop3A_478 = vector.shape_cast %parallel_loop3A_477 : vector<1x16xf32> to vector<16xf32>
        %parallel_loop3A_479 = vector.shape_cast %parallel_loop3A_474 : vector<16xf32> to vector<1x16xf32>
        tpu.vector_store %arg16[%parallel_loop3A_475, %parallel_loop3A_476], %parallel_loop3A_479 {strides = array<i32>} : memref<80x128xf32, #tpu.memory_space<vmem>>, vector<1x16xf32>,
      } {sc.loop_unroll_factor = 8 : i64, sc.parallel_access}
      %dma_start3A_318 = arith.constant 0 : i32
      %dma_start3A_319 = arith.constant 0 : i32
      %dma_start3A_320 = tpu.memref_slice %arg7[%dma_start3A_318, %dma_start3A_319] : memref<10000x128xf32, #tpu.memory_space<vmem_shared>> -> memref<10000x128xf32, #tpu.memory_space<vmem_shared>>
      tpu.enqueue_indirect_dma source(%arg16 : memref<80x128xf32, #tpu.memory_space<vmem>>) target(%dma_start3A_320 : memref<10000x128xf32, #tpu.memory_space<vmem_shared>>) offsets(%arg14 : memref<80xi32, #tpu.memory_space<vmem>>) semaphore(%arg28 : memref<!tpu.dma_semaphore, #tpu.memory_space<semaphore_mem>>) {add = true}
      %add3A_321 = arith.constant 3 : i32
      %add3A_322 = arith.addi %mul3A_172, %add3A_321 : i32
      %lt3A_323 = arith.constant 30 : i32
      %lt3A_324 = arith.cmpi slt, %scan3A_169, %lt3A_323 : i32
      %convert_element_type3A_325 = arith.extui %lt3A_324 : i1 to i32
      %cond3A_326 = arith.constant 0 : i32
      %cond3A_327 = arith.cmpi ne, %convert_element_type3A_325, %cond3A_326 : i32
      scf.if %cond3A_327 {
        %add3A_367 = arith.constant 2 : i32
        %add3A_368 = arith.addi %add3A_322, %add3A_367 : i32
        %mul3A_369 = arith.constant 80 : i32
        %mul3A_370 = arith.muli %add3A_368, %mul3A_369 : i32
        %add3A_371 = arith.addi %mul3A_57, %mul3A_370 : i32
        %dma_start3A_372 = tpu.memref_slice %arg4[%add3A_371] : memref<320000xi32, #tpu.memory_space<hbm>> -> memref<80xi32, #tpu.memory_space<hbm>>
        %dma_start3A_373 = tpu.memref_slice %arg4[%add3A_371] : memref<320000xi32, #tpu.memory_space<hbm>> -> memref<80xi32, #tpu.memory_space<hbm>>
        tpu.enqueue_dma source(%dma_start3A_373 : memref<80xi32, #tpu.memory_space<hbm>>) target(%arg9 : memref<80xi32, #tpu.memory_space<vmem>>) target_semaphore(%arg21 : memref<!tpu.dma_semaphore, #tpu.memory_space<semaphore_mem>>)
        %dma_start3A_374 = tpu.memref_slice %arg5[%add3A_371] : memref<320000xi32, #tpu.memory_space<hbm>> -> memref<80xi32, #tpu.memory_space<hbm>>
        %dma_start3A_375 = tpu.memref_slice %arg5[%add3A_371] : memref<320000xi32, #tpu.memory_space<hbm>> -> memref<80xi32, #tpu.memory_space<hbm>>
        tpu.enqueue_dma source(%dma_start3A_375 : memref<80xi32, #tpu.memory_space<hbm>>) target(%arg13 : memref<80xi32, #tpu.memory_space<vmem>>) target_semaphore(%arg21 : memref<!tpu.dma_semaphore, #tpu.memory_space<semaphore_mem>>)
      } else {
      }
      %dma_wait3A_328 = arith.constant 0 : i32
      %dma_wait3A_329 = tpu.memref_slice %arg4[%dma_wait3A_328] : memref<320000xi32, #tpu.memory_space<hbm>> -> memref<80xi32, #tpu.memory_space<hbm>>
      %dma_wait3A_330 = arith.constant 0 : i32
      %dma_wait3A_331 = tpu.memref_slice %arg4[%dma_wait3A_330] : memref<320000xi32, #tpu.memory_space<hbm>> -> memref<80xi32, #tpu.memory_space<hbm>>
      tpu.wait_dma2 semaphore(%arg20 : memref<!tpu.dma_semaphore, #tpu.memory_space<semaphore_mem>>) src(%dma_wait3A_331 : memref<80xi32, #tpu.memory_space<hbm>>) dst(%arg8 : memref<80xi32, #tpu.memory_space<vmem>>)
      %dma_wait3A_332 = arith.constant 0 : i32
      %dma_wait3A_333 = tpu.memref_slice %arg5[%dma_wait3A_332] : memref<320000xi32, #tpu.memory_space<hbm>> -> memref<80xi32, #tpu.memory_space<hbm>>
      %dma_wait3A_334 = arith.constant 0 : i32
      %dma_wait3A_335 = tpu.memref_slice %arg5[%dma_wait3A_334] : memref<320000xi32, #tpu.memory_space<hbm>> -> memref<80xi32, #tpu.memory_space<hbm>>
      tpu.wait_dma2 semaphore(%arg20 : memref<!tpu.dma_semaphore, #tpu.memory_space<semaphore_mem>>) src(%dma_wait3A_335 : memref<80xi32, #tpu.memory_space<hbm>>) dst(%arg12 : memref<80xi32, #tpu.memory_space<vmem>>)
      %dma_start3A_336 = arith.constant 0 : i32
      %dma_start3A_337 = arith.constant 0 : i32
      %dma_start3A_338 = tpu.memref_slice %arg3[%dma_start3A_336, %dma_start3A_337] : memref<10000x128xf32, #tpu.memory_space<hbm>> -> memref<10000x128xf32, #tpu.memory_space<hbm>>
      tpu.enqueue_indirect_dma source(%dma_start3A_338 : memref<10000x128xf32, #tpu.memory_space<hbm>>) target(%arg18 : memref<80x128xf32, #tpu.memory_space<vmem>>) offsets(%arg8 : memref<80xi32, #tpu.memory_space<vmem>>) semaphore(%arg26 : memref<!tpu.dma_semaphore, #tpu.memory_space<semaphore_mem>>)
      %dma_wait3A_339 = arith.constant 0 : i32
      %dma_wait3A_340 = arith.constant 0 : i32
      %dma_wait3A_341 = tpu.memref_slice %arg7[%dma_wait3A_339, %dma_wait3A_340] : memref<10000x128xf32, #tpu.memory_space<vmem_shared>> -> memref<10000x128xf32, #tpu.memory_space<vmem_shared>>
      tpu.wait_indirect_dma semaphore(%arg28 : memref<!tpu.dma_semaphore, #tpu.memory_space<semaphore_mem>>) src(%arg16 : memref<80x128xf32, #tpu.memory_space<vmem>>) dst(%dma_wait3A_341 : memref<10000x128xf32, #tpu.memory_space<vmem_shared>>)
      %add3A_342 = arith.constant 1 : i32
      %add3A_343 = arith.addi %add3A_322, %add3A_342 : i32
      %mul3A_344 = arith.constant 80 : i32
      %mul3A_345 = arith.muli %add3A_343, %mul3A_344 : i32
      %add3A_346 = arith.addi %mul3A_57, %mul3A_345 : i32
      %dma_start3A_347 = arith.constant 0 : i32
      %dma_start3A_348 = tpu.memref_slice %arg2[%add3A_346, %dma_start3A_347] : memref<320000x128xf32, #tpu.memory_space<hbm>> -> memref<80x128xf32, #tpu.memory_space<hbm>>
      %dma_start3A_349 = arith.constant 0 : i32
      %dma_start3A_350 = tpu.memref_slice %arg2[%add3A_346, %dma_start3A_349] : memref<320000x128xf32, #tpu.memory_space<hbm>> -> memref<80x128xf32, #tpu.memory_space<hbm>>
      tpu.enqueue_dma source(%dma_start3A_350 : memref<80x128xf32, #tpu.memory_space<hbm>>) target(%arg16 : memref<80x128xf32, #tpu.memory_space<vmem>>) target_semaphore(%arg24 : memref<!tpu.dma_semaphore, #tpu.memory_space<semaphore_mem>>)
      %dma_wait3A_351 = arith.constant 0 : i32
      %dma_wait3A_352 = arith.constant 0 : i32
      %dma_wait3A_353 = tpu.memref_slice %arg2[%dma_wait3A_351, %dma_wait3A_352] : memref<320000x128xf32, #tpu.memory_space<hbm>> -> memref<80x128xf32, #tpu.memory_space<hbm>>
      %dma_wait3A_354 = arith.constant 0 : i32
      %dma_wait3A_355 = arith.constant 0 : i32
      %dma_wait3A_356 = tpu.memref_slice %arg2[%dma_wait3A_354, %dma_wait3A_355] : memref<320000x128xf32, #tpu.memory_space<hbm>> -> memref<80x128xf32, #tpu.memory_space<hbm>>
      tpu.wait_dma2 semaphore(%arg25 : memref<!tpu.dma_semaphore, #tpu.memory_space<semaphore_mem>>) src(%dma_wait3A_356 : memref<80x128xf32, #tpu.memory_space<hbm>>) dst(%arg17 : memref<80x128xf32, #tpu.memory_space<vmem>>)
      %dma_wait3A_357 = arith.constant 0 : i32
      %dma_wait3A_358 = arith.constant 0 : i32
      %dma_wait3A_359 = tpu.memref_slice %arg3[%dma_wait3A_357, %dma_wait3A_358] : memref<10000x128xf32, #tpu.memory_space<hbm>> -> memref<10000x128xf32, #tpu.memory_space<hbm>>
      tpu.wait_indirect_dma semaphore(%arg27 : memref<!tpu.dma_semaphore, #tpu.memory_space<semaphore_mem>>) src(%dma_wait3A_359 : memref<10000x128xf32, #tpu.memory_space<hbm>>) dst(%arg19 : memref<80x128xf32, #tpu.memory_space<vmem>>)
      %parallel_loop3A_360 = arith.constant 0 : i32
      %parallel_loop3A_361 = arith.constant 80 : i32
      %parallel_loop3A_362 = arith.constant 1 : i32
      scf.for %parallel_loop3A_367 = %parallel_loop3A_360 to %parallel_loop3A_361 step %parallel_loop3A_362  : i32 {
        %parallel_loop3A_368 = arith.index_cast %parallel_loop3A_367 : i32 to index
        %parallel_loop3A_369 = arith.constant 0 : index
        %parallel_loop3A_370 = tpu.vector_load %arg19[%parallel_loop3A_368, %parallel_loop3A_369] {strides = array<i32>} : memref<80x128xf32, #tpu.memory_space<vmem>>, vector<1x16xf32>,
        %parallel_loop3A_371 = vector.shape_cast %parallel_loop3A_370 : vector<1x16xf32> to vector<16xf32>
        %parallel_loop3A_372 = arith.index_cast %parallel_loop3A_367 : i32 to index
        %parallel_loop3A_373 = arith.constant 0 : index
        %parallel_loop3A_374 = tpu.vector_load %arg17[%parallel_loop3A_372, %parallel_loop3A_373] {strides = array<i32>} : memref<80x128xf32, #tpu.memory_space<vmem>>, vector<1x16xf32>,
        %parallel_loop3A_375 = vector.shape_cast %parallel_loop3A_374 : vector<1x16xf32> to vector<16xf32>
        %parallel_loop3A_376 = arith.mulf %parallel_loop3A_371, %parallel_loop3A_375 : vector<16xf32>
        %parallel_loop3A_377 = arith.index_cast %parallel_loop3A_367 : i32 to index
        %parallel_loop3A_378 = arith.constant 0 : index
        %parallel_loop3A_379 = tpu.vector_load %arg17[%parallel_loop3A_377, %parallel_loop3A_378] {strides = array<i32>} : memref<80x128xf32, #tpu.memory_space<vmem>>, vector<1x16xf32>,
        %parallel_loop3A_380 = vector.shape_cast %parallel_loop3A_379 : vector<1x16xf32> to vector<16xf32>
        %parallel_loop3A_381 = vector.shape_cast %parallel_loop3A_376 : vector<16xf32> to vector<1x16xf32>
        tpu.vector_store %arg17[%parallel_loop3A_377, %parallel_loop3A_378], %parallel_loop3A_381 {strides = array<i32>} : memref<80x128xf32, #tpu.memory_space<vmem>>, vector<1x16xf32>,
        %parallel_loop3A_382 = arith.index_cast %parallel_loop3A_367 : i32 to index
        %parallel_loop3A_383 = arith.constant 16 : index
        %parallel_loop3A_384 = tpu.vector_load %arg19[%parallel_loop3A_382, %parallel_loop3A_383] {strides = array<i32>} : memref<80x128xf32, #tpu.memory_space<vmem>>, vector<1x16xf32>,
        %parallel_loop3A_385 = vector.shape_cast %parallel_loop3A_384 : vector<1x16xf32> to vector<16xf32>
        %parallel_loop3A_386 = arith.index_cast %parallel_loop3A_367 : i32 to index
        %parallel_loop3A_387 = arith.constant 16 : index
        %parallel_loop3A_388 = tpu.vector_load %arg17[%parallel_loop3A_386, %parallel_loop3A_387] {strides = array<i32>} : memref<80x128xf32, #tpu.memory_space<vmem>>, vector<1x16xf32>,
        %parallel_loop3A_389 = vector.shape_cast %parallel_loop3A_388 : vector<1x16xf32> to vector<16xf32>
        %parallel_loop3A_390 = arith.mulf %parallel_loop3A_385, %parallel_loop3A_389 : vector<16xf32>
        %parallel_loop3A_391 = arith.index_cast %parallel_loop3A_367 : i32 to index
        %parallel_loop3A_392 = arith.constant 16 : index
        %parallel_loop3A_393 = tpu.vector_load %arg17[%parallel_loop3A_391, %parallel_loop3A_392] {strides = array<i32>} : memref<80x128xf32, #tpu.memory_space<vmem>>, vector<1x16xf32>,
        %parallel_loop3A_394 = vector.shape_cast %parallel_loop3A_393 : vector<1x16xf32> to vector<16xf32>
        %parallel_loop3A_395 = vector.shape_cast %parallel_loop3A_390 : vector<16xf32> to vector<1x16xf32>
        tpu.vector_store %arg17[%parallel_loop3A_391, %parallel_loop3A_392], %parallel_loop3A_395 {strides = array<i32>} : memref<80x128xf32, #tpu.memory_space<vmem>>, vector<1x16xf32>,
        %parallel_loop3A_396 = arith.index_cast %parallel_loop3A_367 : i32 to index
        %parallel_loop3A_397 = arith.constant 32 : index
        %parallel_loop3A_398 = tpu.vector_load %arg19[%parallel_loop3A_396, %parallel_loop3A_397] {strides = array<i32>} : memref<80x128xf32, #tpu.memory_space<vmem>>, vector<1x16xf32>,
        %parallel_loop3A_399 = vector.shape_cast %parallel_loop3A_398 : vector<1x16xf32> to vector<16xf32>
        %parallel_loop3A_400 = arith.index_cast %parallel_loop3A_367 : i32 to index
        %parallel_loop3A_401 = arith.constant 32 : index
        %parallel_loop3A_402 = tpu.vector_load %arg17[%parallel_loop3A_400, %parallel_loop3A_401] {strides = array<i32>} : memref<80x128xf32, #tpu.memory_space<vmem>>, vector<1x16xf32>,
        %parallel_loop3A_403 = vector.shape_cast %parallel_loop3A_402 : vector<1x16xf32> to vector<16xf32>
        %parallel_loop3A_404 = arith.mulf %parallel_loop3A_399, %parallel_loop3A_403 : vector<16xf32>
        %parallel_loop3A_405 = arith.index_cast %parallel_loop3A_367 : i32 to index
        %parallel_loop3A_406 = arith.constant 32 : index
        %parallel_loop3A_407 = tpu.vector_load %arg17[%parallel_loop3A_405, %parallel_loop3A_406] {strides = array<i32>} : memref<80x128xf32, #tpu.memory_space<vmem>>, vector<1x16xf32>,
        %parallel_loop3A_408 = vector.shape_cast %parallel_loop3A_407 : vector<1x16xf32> to vector<16xf32>
        %parallel_loop3A_409 = vector.shape_cast %parallel_loop3A_404 : vector<16xf32> to vector<1x16xf32>
        tpu.vector_store %arg17[%parallel_loop3A_405, %parallel_loop3A_406], %parallel_loop3A_409 {strides = array<i32>} : memref<80x128xf32, #tpu.memory_space<vmem>>, vector<1x16xf32>,
        %parallel_loop3A_410 = arith.index_cast %parallel_loop3A_367 : i32 to index
        %parallel_loop3A_411 = arith.constant 48 : index
        %parallel_loop3A_412 = tpu.vector_load %arg19[%parallel_loop3A_410, %parallel_loop3A_411] {strides = array<i32>} : memref<80x128xf32, #tpu.memory_space<vmem>>, vector<1x16xf32>,
        %parallel_loop3A_413 = vector.shape_cast %parallel_loop3A_412 : vector<1x16xf32> to vector<16xf32>
        %parallel_loop3A_414 = arith.index_cast %parallel_loop3A_367 : i32 to index
        %parallel_loop3A_415 = arith.constant 48 : index
        %parallel_loop3A_416 = tpu.vector_load %arg17[%parallel_loop3A_414, %parallel_loop3A_415] {strides = array<i32>} : memref<80x128xf32, #tpu.memory_space<vmem>>, vector<1x16xf32>,
        %parallel_loop3A_417 = vector.shape_cast %parallel_loop3A_416 : vector<1x16xf32> to vector<16xf32>
        %parallel_loop3A_418 = arith.mulf %parallel_loop3A_413, %parallel_loop3A_417 : vector<16xf32>
        %parallel_loop3A_419 = arith.index_cast %parallel_loop3A_367 : i32 to index
        %parallel_loop3A_420 = arith.constant 48 : index
        %parallel_loop3A_421 = tpu.vector_load %arg17[%parallel_loop3A_419, %parallel_loop3A_420] {strides = array<i32>} : memref<80x128xf32, #tpu.memory_space<vmem>>, vector<1x16xf32>,
        %parallel_loop3A_422 = vector.shape_cast %parallel_loop3A_421 : vector<1x16xf32> to vector<16xf32>
        %parallel_loop3A_423 = vector.shape_cast %parallel_loop3A_418 : vector<16xf32> to vector<1x16xf32>
        tpu.vector_store %arg17[%parallel_loop3A_419, %parallel_loop3A_420], %parallel_loop3A_423 {strides = array<i32>} : memref<80x128xf32, #tpu.memory_space<vmem>>, vector<1x16xf32>,
        %parallel_loop3A_424 = arith.index_cast %parallel_loop3A_367 : i32 to index
        %parallel_loop3A_425 = arith.constant 64 : index
        %parallel_loop3A_426 = tpu.vector_load %arg19[%parallel_loop3A_424, %parallel_loop3A_425] {strides = array<i32>} : memref<80x128xf32, #tpu.memory_space<vmem>>, vector<1x16xf32>,
        %parallel_loop3A_427 = vector.shape_cast %parallel_loop3A_426 : vector<1x16xf32> to vector<16xf32>
        %parallel_loop3A_428 = arith.index_cast %parallel_loop3A_367 : i32 to index
        %parallel_loop3A_429 = arith.constant 64 : index
        %parallel_loop3A_430 = tpu.vector_load %arg17[%parallel_loop3A_428, %parallel_loop3A_429] {strides = array<i32>} : memref<80x128xf32, #tpu.memory_space<vmem>>, vector<1x16xf32>,
        %parallel_loop3A_431 = vector.shape_cast %parallel_loop3A_430 : vector<1x16xf32> to vector<16xf32>
        %parallel_loop3A_432 = arith.mulf %parallel_loop3A_427, %parallel_loop3A_431 : vector<16xf32>
        %parallel_loop3A_433 = arith.index_cast %parallel_loop3A_367 : i32 to index
        %parallel_loop3A_434 = arith.constant 64 : index
        %parallel_loop3A_435 = tpu.vector_load %arg17[%parallel_loop3A_433, %parallel_loop3A_434] {strides = array<i32>} : memref<80x128xf32, #tpu.memory_space<vmem>>, vector<1x16xf32>,
        %parallel_loop3A_436 = vector.shape_cast %parallel_loop3A_435 : vector<1x16xf32> to vector<16xf32>
        %parallel_loop3A_437 = vector.shape_cast %parallel_loop3A_432 : vector<16xf32> to vector<1x16xf32>
        tpu.vector_store %arg17[%parallel_loop3A_433, %parallel_loop3A_434], %parallel_loop3A_437 {strides = array<i32>} : memref<80x128xf32, #tpu.memory_space<vmem>>, vector<1x16xf32>,
        %parallel_loop3A_438 = arith.index_cast %parallel_loop3A_367 : i32 to index
        %parallel_loop3A_439 = arith.constant 80 : index
        %parallel_loop3A_440 = tpu.vector_load %arg19[%parallel_loop3A_438, %parallel_loop3A_439] {strides = array<i32>} : memref<80x128xf32, #tpu.memory_space<vmem>>, vector<1x16xf32>,
        %parallel_loop3A_441 = vector.shape_cast %parallel_loop3A_440 : vector<1x16xf32> to vector<16xf32>
        %parallel_loop3A_442 = arith.index_cast %parallel_loop3A_367 : i32 to index
        %parallel_loop3A_443 = arith.constant 80 : index
        %parallel_loop3A_444 = tpu.vector_load %arg17[%parallel_loop3A_442, %parallel_loop3A_443] {strides = array<i32>} : memref<80x128xf32, #tpu.memory_space<vmem>>, vector<1x16xf32>,
        %parallel_loop3A_445 = vector.shape_cast %parallel_loop3A_444 : vector<1x16xf32> to vector<16xf32>
        %parallel_loop3A_446 = arith.mulf %parallel_loop3A_441, %parallel_loop3A_445 : vector<16xf32>
        %parallel_loop3A_447 = arith.index_cast %parallel_loop3A_367 : i32 to index
        %parallel_loop3A_448 = arith.constant 80 : index
        %parallel_loop3A_449 = tpu.vector_load %arg17[%parallel_loop3A_447, %parallel_loop3A_448] {strides = array<i32>} : memref<80x128xf32, #tpu.memory_space<vmem>>, vector<1x16xf32>,
        %parallel_loop3A_450 = vector.shape_cast %parallel_loop3A_449 : vector<1x16xf32> to vector<16xf32>
        %parallel_loop3A_451 = vector.shape_cast %parallel_loop3A_446 : vector<16xf32> to vector<1x16xf32>
        tpu.vector_store %arg17[%parallel_loop3A_447, %parallel_loop3A_448], %parallel_loop3A_451 {strides = array<i32>} : memref<80x128xf32, #tpu.memory_space<vmem>>, vector<1x16xf32>,
        %parallel_loop3A_452 = arith.index_cast %parallel_loop3A_367 : i32 to index
        %parallel_loop3A_453 = arith.constant 96 : index
        %parallel_loop3A_454 = tpu.vector_load %arg19[%parallel_loop3A_452, %parallel_loop3A_453] {strides = array<i32>} : memref<80x128xf32, #tpu.memory_space<vmem>>, vector<1x16xf32>,
        %parallel_loop3A_455 = vector.shape_cast %parallel_loop3A_454 : vector<1x16xf32> to vector<16xf32>
        %parallel_loop3A_456 = arith.index_cast %parallel_loop3A_367 : i32 to index
        %parallel_loop3A_457 = arith.constant 96 : index
        %parallel_loop3A_458 = tpu.vector_load %arg17[%parallel_loop3A_456, %parallel_loop3A_457] {strides = array<i32>} : memref<80x128xf32, #tpu.memory_space<vmem>>, vector<1x16xf32>,
        %parallel_loop3A_459 = vector.shape_cast %parallel_loop3A_458 : vector<1x16xf32> to vector<16xf32>
        %parallel_loop3A_460 = arith.mulf %parallel_loop3A_455, %parallel_loop3A_459 : vector<16xf32>
        %parallel_loop3A_461 = arith.index_cast %parallel_loop3A_367 : i32 to index
        %parallel_loop3A_462 = arith.constant 96 : index
        %parallel_loop3A_463 = tpu.vector_load %arg17[%parallel_loop3A_461, %parallel_loop3A_462] {strides = array<i32>} : memref<80x128xf32, #tpu.memory_space<vmem>>, vector<1x16xf32>,
        %parallel_loop3A_464 = vector.shape_cast %parallel_loop3A_463 : vector<1x16xf32> to vector<16xf32>
        %parallel_loop3A_465 = vector.shape_cast %parallel_loop3A_460 : vector<16xf32> to vector<1x16xf32>
        tpu.vector_store %arg17[%parallel_loop3A_461, %parallel_loop3A_462], %parallel_loop3A_465 {strides = array<i32>} : memref<80x128xf32, #tpu.memory_space<vmem>>, vector<1x16xf32>,
        %parallel_loop3A_466 = arith.index_cast %parallel_loop3A_367 : i32 to index
        %parallel_loop3A_467 = arith.constant 112 : index
        %parallel_loop3A_468 = tpu.vector_load %arg19[%parallel_loop3A_466, %parallel_loop3A_467] {strides = array<i32>} : memref<80x128xf32, #tpu.memory_space<vmem>>, vector<1x16xf32>,
        %parallel_loop3A_469 = vector.shape_cast %parallel_loop3A_468 : vector<1x16xf32> to vector<16xf32>
        %parallel_loop3A_470 = arith.index_cast %parallel_loop3A_367 : i32 to index
        %parallel_loop3A_471 = arith.constant 112 : index
        %parallel_loop3A_472 = tpu.vector_load %arg17[%parallel_loop3A_470, %parallel_loop3A_471] {strides = array<i32>} : memref<80x128xf32, #tpu.memory_space<vmem>>, vector<1x16xf32>,
        %parallel_loop3A_473 = vector.shape_cast %parallel_loop3A_472 : vector<1x16xf32> to vector<16xf32>
        %parallel_loop3A_474 = arith.mulf %parallel_loop3A_469, %parallel_loop3A_473 : vector<16xf32>
        %parallel_loop3A_475 = arith.index_cast %parallel_loop3A_367 : i32 to index
        %parallel_loop3A_476 = arith.constant 112 : index
        %parallel_loop3A_477 = tpu.vector_load %arg17[%parallel_loop3A_475, %parallel_loop3A_476] {strides = array<i32>} : memref<80x128xf32, #tpu.memory_space<vmem>>, vector<1x16xf32>,
        %parallel_loop3A_478 = vector.shape_cast %parallel_loop3A_477 : vector<1x16xf32> to vector<16xf32>
        %parallel_loop3A_479 = vector.shape_cast %parallel_loop3A_474 : vector<16xf32> to vector<1x16xf32>
        tpu.vector_store %arg17[%parallel_loop3A_475, %parallel_loop3A_476], %parallel_loop3A_479 {strides = array<i32>} : memref<80x128xf32, #tpu.memory_space<vmem>>, vector<1x16xf32>,
      } {sc.loop_unroll_factor = 8 : i64, sc.parallel_access}
      %dma_start3A_363 = arith.constant 0 : i32
      %dma_start3A_364 = arith.constant 0 : i32
      %dma_start3A_365 = tpu.memref_slice %arg7[%dma_start3A_363, %dma_start3A_364] : memref<10000x128xf32, #tpu.memory_space<vmem_shared>> -> memref<10000x128xf32, #tpu.memory_space<vmem_shared>>
      tpu.enqueue_indirect_dma source(%arg17 : memref<80x128xf32, #tpu.memory_space<vmem>>) target(%dma_start3A_365 : memref<10000x128xf32, #tpu.memory_space<vmem_shared>>) offsets(%arg15 : memref<80xi32, #tpu.memory_space<vmem>>) semaphore(%arg29 : memref<!tpu.dma_semaphore, #tpu.memory_space<semaphore_mem>>) {add = true}
      %scan3A_366 = arith.constant 0 : i32
      scf.yield %scan3A_366 : i32
    }
    %scan3A_90 = arith.constant 31 : i32
    %dma_wait3A_91 = arith.constant 0 : i32
    %dma_wait3A_92 = arith.constant 0 : i32
    %dma_wait3A_93 = tpu.memref_slice %arg7[%dma_wait3A_91, %dma_wait3A_92] : memref<10000x128xf32, #tpu.memory_space<vmem_shared>> -> memref<10000x128xf32, #tpu.memory_space<vmem_shared>>
    tpu.wait_indirect_dma semaphore(%arg29 : memref<!tpu.dma_semaphore, #tpu.memory_space<semaphore_mem>>) src(%arg17 : memref<80x128xf32, #tpu.memory_space<vmem>>) dst(%dma_wait3A_93 : memref<10000x128xf32, #tpu.memory_space<vmem_shared>>)
    %dma_wait3A_94 = arith.constant 0 : i32
    %dma_wait3A_95 = arith.constant 0 : i32
    %dma_wait3A_96 = tpu.memref_slice %arg2[%dma_wait3A_94, %dma_wait3A_95] : memref<320000x128xf32, #tpu.memory_space<hbm>> -> memref<80x128xf32, #tpu.memory_space<hbm>>
    %dma_wait3A_97 = arith.constant 0 : i32
    %dma_wait3A_98 = arith.constant 0 : i32
    %dma_wait3A_99 = tpu.memref_slice %arg2[%dma_wait3A_97, %dma_wait3A_98] : memref<320000x128xf32, #tpu.memory_space<hbm>> -> memref<80x128xf32, #tpu.memory_space<hbm>>
    tpu.wait_dma2 semaphore(%arg24 : memref<!tpu.dma_semaphore, #tpu.memory_space<semaphore_mem>>) src(%dma_wait3A_99 : memref<80x128xf32, #tpu.memory_space<hbm>>) dst(%arg16 : memref<80x128xf32, #tpu.memory_space<vmem>>)
    %dma_wait3A_100 = arith.constant 0 : i32
    %dma_wait3A_101 = arith.constant 0 : i32
    %dma_wait3A_102 = tpu.memref_slice %arg3[%dma_wait3A_100, %dma_wait3A_101] : memref<10000x128xf32, #tpu.memory_space<hbm>> -> memref<10000x128xf32, #tpu.memory_space<hbm>>
    tpu.wait_indirect_dma semaphore(%arg26 : memref<!tpu.dma_semaphore, #tpu.memory_space<semaphore_mem>>) src(%dma_wait3A_102 : memref<10000x128xf32, #tpu.memory_space<hbm>>) dst(%arg18 : memref<80x128xf32, #tpu.memory_space<vmem>>)
    %parallel_loop3A_103 = arith.constant 0 : i32
    %parallel_loop3A_104 = arith.constant 80 : i32
    %parallel_loop3A_105 = arith.constant 1 : i32
    scf.for %parallel_loop3A_169 = %parallel_loop3A_103 to %parallel_loop3A_104 step %parallel_loop3A_105  : i32 {
      %parallel_loop3A_170 = arith.index_cast %parallel_loop3A_169 : i32 to index
      %parallel_loop3A_171 = arith.constant 0 : index
      %parallel_loop3A_172 = tpu.vector_load %arg18[%parallel_loop3A_170, %parallel_loop3A_171] {strides = array<i32>} : memref<80x128xf32, #tpu.memory_space<vmem>>, vector<1x16xf32>,
      %parallel_loop3A_173 = vector.shape_cast %parallel_loop3A_172 : vector<1x16xf32> to vector<16xf32>
      %parallel_loop3A_174 = arith.index_cast %parallel_loop3A_169 : i32 to index
      %parallel_loop3A_175 = arith.constant 0 : index
      %parallel_loop3A_176 = tpu.vector_load %arg16[%parallel_loop3A_174, %parallel_loop3A_175] {strides = array<i32>} : memref<80x128xf32, #tpu.memory_space<vmem>>, vector<1x16xf32>,
      %parallel_loop3A_177 = vector.shape_cast %parallel_loop3A_176 : vector<1x16xf32> to vector<16xf32>
      %parallel_loop3A_178 = arith.mulf %parallel_loop3A_173, %parallel_loop3A_177 : vector<16xf32>
      %parallel_loop3A_179 = arith.index_cast %parallel_loop3A_169 : i32 to index
      %parallel_loop3A_180 = arith.constant 0 : index
      %parallel_loop3A_181 = tpu.vector_load %arg16[%parallel_loop3A_179, %parallel_loop3A_180] {strides = array<i32>} : memref<80x128xf32, #tpu.memory_space<vmem>>, vector<1x16xf32>,
      %parallel_loop3A_182 = vector.shape_cast %parallel_loop3A_181 : vector<1x16xf32> to vector<16xf32>
      %parallel_loop3A_183 = vector.shape_cast %parallel_loop3A_178 : vector<16xf32> to vector<1x16xf32>
      tpu.vector_store %arg16[%parallel_loop3A_179, %parallel_loop3A_180], %parallel_loop3A_183 {strides = array<i32>} : memref<80x128xf32, #tpu.memory_space<vmem>>, vector<1x16xf32>,
      %parallel_loop3A_184 = arith.index_cast %parallel_loop3A_169 : i32 to index
      %parallel_loop3A_185 = arith.constant 16 : index
      %parallel_loop3A_186 = tpu.vector_load %arg18[%parallel_loop3A_184, %parallel_loop3A_185] {strides = array<i32>} : memref<80x128xf32, #tpu.memory_space<vmem>>, vector<1x16xf32>,
      %parallel_loop3A_187 = vector.shape_cast %parallel_loop3A_186 : vector<1x16xf32> to vector<16xf32>
      %parallel_loop3A_188 = arith.index_cast %parallel_loop3A_169 : i32 to index
      %parallel_loop3A_189 = arith.constant 16 : index
      %parallel_loop3A_190 = tpu.vector_load %arg16[%parallel_loop3A_188, %parallel_loop3A_189] {strides = array<i32>} : memref<80x128xf32, #tpu.memory_space<vmem>>, vector<1x16xf32>,
      %parallel_loop3A_191 = vector.shape_cast %parallel_loop3A_190 : vector<1x16xf32> to vector<16xf32>
      %parallel_loop3A_192 = arith.mulf %parallel_loop3A_187, %parallel_loop3A_191 : vector<16xf32>
      %parallel_loop3A_193 = arith.index_cast %parallel_loop3A_169 : i32 to index
      %parallel_loop3A_194 = arith.constant 16 : index
      %parallel_loop3A_195 = tpu.vector_load %arg16[%parallel_loop3A_193, %parallel_loop3A_194] {strides = array<i32>} : memref<80x128xf32, #tpu.memory_space<vmem>>, vector<1x16xf32>,
      %parallel_loop3A_196 = vector.shape_cast %parallel_loop3A_195 : vector<1x16xf32> to vector<16xf32>
      %parallel_loop3A_197 = vector.shape_cast %parallel_loop3A_192 : vector<16xf32> to vector<1x16xf32>
      tpu.vector_store %arg16[%parallel_loop3A_193, %parallel_loop3A_194], %parallel_loop3A_197 {strides = array<i32>} : memref<80x128xf32, #tpu.memory_space<vmem>>, vector<1x16xf32>,
      %parallel_loop3A_198 = arith.index_cast %parallel_loop3A_169 : i32 to index
      %parallel_loop3A_199 = arith.constant 32 : index
      %parallel_loop3A_200 = tpu.vector_load %arg18[%parallel_loop3A_198, %parallel_loop3A_199] {strides = array<i32>} : memref<80x128xf32, #tpu.memory_space<vmem>>, vector<1x16xf32>,
      %parallel_loop3A_201 = vector.shape_cast %parallel_loop3A_200 : vector<1x16xf32> to vector<16xf32>
      %parallel_loop3A_202 = arith.index_cast %parallel_loop3A_169 : i32 to index
      %parallel_loop3A_203 = arith.constant 32 : index
      %parallel_loop3A_204 = tpu.vector_load %arg16[%parallel_loop3A_202, %parallel_loop3A_203] {strides = array<i32>} : memref<80x128xf32, #tpu.memory_space<vmem>>, vector<1x16xf32>,
      %parallel_loop3A_205 = vector.shape_cast %parallel_loop3A_204 : vector<1x16xf32> to vector<16xf32>
      %parallel_loop3A_206 = arith.mulf %parallel_loop3A_201, %parallel_loop3A_205 : vector<16xf32>
      %parallel_loop3A_207 = arith.index_cast %parallel_loop3A_169 : i32 to index
      %parallel_loop3A_208 = arith.constant 32 : index
      %parallel_loop3A_209 = tpu.vector_load %arg16[%parallel_loop3A_207, %parallel_loop3A_208] {strides = array<i32>} : memref<80x128xf32, #tpu.memory_space<vmem>>, vector<1x16xf32>,
      %parallel_loop3A_210 = vector.shape_cast %parallel_loop3A_209 : vector<1x16xf32> to vector<16xf32>
      %parallel_loop3A_211 = vector.shape_cast %parallel_loop3A_206 : vector<16xf32> to vector<1x16xf32>
      tpu.vector_store %arg16[%parallel_loop3A_207, %parallel_loop3A_208], %parallel_loop3A_211 {strides = array<i32>} : memref<80x128xf32, #tpu.memory_space<vmem>>, vector<1x16xf32>,
      %parallel_loop3A_212 = arith.index_cast %parallel_loop3A_169 : i32 to index
      %parallel_loop3A_213 = arith.constant 48 : index
      %parallel_loop3A_214 = tpu.vector_load %arg18[%parallel_loop3A_212, %parallel_loop3A_213] {strides = array<i32>} : memref<80x128xf32, #tpu.memory_space<vmem>>, vector<1x16xf32>,
      %parallel_loop3A_215 = vector.shape_cast %parallel_loop3A_214 : vector<1x16xf32> to vector<16xf32>
      %parallel_loop3A_216 = arith.index_cast %parallel_loop3A_169 : i32 to index
      %parallel_loop3A_217 = arith.constant 48 : index
      %parallel_loop3A_218 = tpu.vector_load %arg16[%parallel_loop3A_216, %parallel_loop3A_217] {strides = array<i32>} : memref<80x128xf32, #tpu.memory_space<vmem>>, vector<1x16xf32>,
      %parallel_loop3A_219 = vector.shape_cast %parallel_loop3A_218 : vector<1x16xf32> to vector<16xf32>
      %parallel_loop3A_220 = arith.mulf %parallel_loop3A_215, %parallel_loop3A_219 : vector<16xf32>
      %parallel_loop3A_221 = arith.index_cast %parallel_loop3A_169 : i32 to index
      %parallel_loop3A_222 = arith.constant 48 : index
      %parallel_loop3A_223 = tpu.vector_load %arg16[%parallel_loop3A_221, %parallel_loop3A_222] {strides = array<i32>} : memref<80x128xf32, #tpu.memory_space<vmem>>, vector<1x16xf32>,
      %parallel_loop3A_224 = vector.shape_cast %parallel_loop3A_223 : vector<1x16xf32> to vector<16xf32>
      %parallel_loop3A_225 = vector.shape_cast %parallel_loop3A_220 : vector<16xf32> to vector<1x16xf32>
      tpu.vector_store %arg16[%parallel_loop3A_221, %parallel_loop3A_222], %parallel_loop3A_225 {strides = array<i32>} : memref<80x128xf32, #tpu.memory_space<vmem>>, vector<1x16xf32>,
      %parallel_loop3A_226 = arith.index_cast %parallel_loop3A_169 : i32 to index
      %parallel_loop3A_227 = arith.constant 64 : index
      %parallel_loop3A_228 = tpu.vector_load %arg18[%parallel_loop3A_226, %parallel_loop3A_227] {strides = array<i32>} : memref<80x128xf32, #tpu.memory_space<vmem>>, vector<1x16xf32>,
      %parallel_loop3A_229 = vector.shape_cast %parallel_loop3A_228 : vector<1x16xf32> to vector<16xf32>
      %parallel_loop3A_230 = arith.index_cast %parallel_loop3A_169 : i32 to index
      %parallel_loop3A_231 = arith.constant 64 : index
      %parallel_loop3A_232 = tpu.vector_load %arg16[%parallel_loop3A_230, %parallel_loop3A_231] {strides = array<i32>} : memref<80x128xf32, #tpu.memory_space<vmem>>, vector<1x16xf32>,
      %parallel_loop3A_233 = vector.shape_cast %parallel_loop3A_232 : vector<1x16xf32> to vector<16xf32>
      %parallel_loop3A_234 = arith.mulf %parallel_loop3A_229, %parallel_loop3A_233 : vector<16xf32>
      %parallel_loop3A_235 = arith.index_cast %parallel_loop3A_169 : i32 to index
      %parallel_loop3A_236 = arith.constant 64 : index
      %parallel_loop3A_237 = tpu.vector_load %arg16[%parallel_loop3A_235, %parallel_loop3A_236] {strides = array<i32>} : memref<80x128xf32, #tpu.memory_space<vmem>>, vector<1x16xf32>,
      %parallel_loop3A_238 = vector.shape_cast %parallel_loop3A_237 : vector<1x16xf32> to vector<16xf32>
      %parallel_loop3A_239 = vector.shape_cast %parallel_loop3A_234 : vector<16xf32> to vector<1x16xf32>
      tpu.vector_store %arg16[%parallel_loop3A_235, %parallel_loop3A_236], %parallel_loop3A_239 {strides = array<i32>} : memref<80x128xf32, #tpu.memory_space<vmem>>, vector<1x16xf32>,
      %parallel_loop3A_240 = arith.index_cast %parallel_loop3A_169 : i32 to index
      %parallel_loop3A_241 = arith.constant 80 : index
      %parallel_loop3A_242 = tpu.vector_load %arg18[%parallel_loop3A_240, %parallel_loop3A_241] {strides = array<i32>} : memref<80x128xf32, #tpu.memory_space<vmem>>, vector<1x16xf32>,
      %parallel_loop3A_243 = vector.shape_cast %parallel_loop3A_242 : vector<1x16xf32> to vector<16xf32>
      %parallel_loop3A_244 = arith.index_cast %parallel_loop3A_169 : i32 to index
      %parallel_loop3A_245 = arith.constant 80 : index
      %parallel_loop3A_246 = tpu.vector_load %arg16[%parallel_loop3A_244, %parallel_loop3A_245] {strides = array<i32>} : memref<80x128xf32, #tpu.memory_space<vmem>>, vector<1x16xf32>,
      %parallel_loop3A_247 = vector.shape_cast %parallel_loop3A_246 : vector<1x16xf32> to vector<16xf32>
      %parallel_loop3A_248 = arith.mulf %parallel_loop3A_243, %parallel_loop3A_247 : vector<16xf32>
      %parallel_loop3A_249 = arith.index_cast %parallel_loop3A_169 : i32 to index
      %parallel_loop3A_250 = arith.constant 80 : index
      %parallel_loop3A_251 = tpu.vector_load %arg16[%parallel_loop3A_249, %parallel_loop3A_250] {strides = array<i32>} : memref<80x128xf32, #tpu.memory_space<vmem>>, vector<1x16xf32>,
      %parallel_loop3A_252 = vector.shape_cast %parallel_loop3A_251 : vector<1x16xf32> to vector<16xf32>
      %parallel_loop3A_253 = vector.shape_cast %parallel_loop3A_248 : vector<16xf32> to vector<1x16xf32>
      tpu.vector_store %arg16[%parallel_loop3A_249, %parallel_loop3A_250], %parallel_loop3A_253 {strides = array<i32>} : memref<80x128xf32, #tpu.memory_space<vmem>>, vector<1x16xf32>,
      %parallel_loop3A_254 = arith.index_cast %parallel_loop3A_169 : i32 to index
      %parallel_loop3A_255 = arith.constant 96 : index
      %parallel_loop3A_256 = tpu.vector_load %arg18[%parallel_loop3A_254, %parallel_loop3A_255] {strides = array<i32>} : memref<80x128xf32, #tpu.memory_space<vmem>>, vector<1x16xf32>,
      %parallel_loop3A_257 = vector.shape_cast %parallel_loop3A_256 : vector<1x16xf32> to vector<16xf32>
      %parallel_loop3A_258 = arith.index_cast %parallel_loop3A_169 : i32 to index
      %parallel_loop3A_259 = arith.constant 96 : index
      %parallel_loop3A_260 = tpu.vector_load %arg16[%parallel_loop3A_258, %parallel_loop3A_259] {strides = array<i32>} : memref<80x128xf32, #tpu.memory_space<vmem>>, vector<1x16xf32>,
      %parallel_loop3A_261 = vector.shape_cast %parallel_loop3A_260 : vector<1x16xf32> to vector<16xf32>
      %parallel_loop3A_262 = arith.mulf %parallel_loop3A_257, %parallel_loop3A_261 : vector<16xf32>
      %parallel_loop3A_263 = arith.index_cast %parallel_loop3A_169 : i32 to index
      %parallel_loop3A_264 = arith.constant 96 : index
      %parallel_loop3A_265 = tpu.vector_load %arg16[%parallel_loop3A_263, %parallel_loop3A_264] {strides = array<i32>} : memref<80x128xf32, #tpu.memory_space<vmem>>, vector<1x16xf32>,
      %parallel_loop3A_266 = vector.shape_cast %parallel_loop3A_265 : vector<1x16xf32> to vector<16xf32>
      %parallel_loop3A_267 = vector.shape_cast %parallel_loop3A_262 : vector<16xf32> to vector<1x16xf32>
      tpu.vector_store %arg16[%parallel_loop3A_263, %parallel_loop3A_264], %parallel_loop3A_267 {strides = array<i32>} : memref<80x128xf32, #tpu.memory_space<vmem>>, vector<1x16xf32>,
      %parallel_loop3A_268 = arith.index_cast %parallel_loop3A_169 : i32 to index
      %parallel_loop3A_269 = arith.constant 112 : index
      %parallel_loop3A_270 = tpu.vector_load %arg18[%parallel_loop3A_268, %parallel_loop3A_269] {strides = array<i32>} : memref<80x128xf32, #tpu.memory_space<vmem>>, vector<1x16xf32>,
      %parallel_loop3A_271 = vector.shape_cast %parallel_loop3A_270 : vector<1x16xf32> to vector<16xf32>
      %parallel_loop3A_272 = arith.index_cast %parallel_loop3A_169 : i32 to index
      %parallel_loop3A_273 = arith.constant 112 : index
      %parallel_loop3A_274 = tpu.vector_load %arg16[%parallel_loop3A_272, %parallel_loop3A_273] {strides = array<i32>} : memref<80x128xf32, #tpu.memory_space<vmem>>, vector<1x16xf32>,
      %parallel_loop3A_275 = vector.shape_cast %parallel_loop3A_274 : vector<1x16xf32> to vector<16xf32>
      %parallel_loop3A_276 = arith.mulf %parallel_loop3A_271, %parallel_loop3A_275 : vector<16xf32>
      %parallel_loop3A_277 = arith.index_cast %parallel_loop3A_169 : i32 to index
      %parallel_loop3A_278 = arith.constant 112 : index
      %parallel_loop3A_279 = tpu.vector_load %arg16[%parallel_loop3A_277, %parallel_loop3A_278] {strides = array<i32>} : memref<80x128xf32, #tpu.memory_space<vmem>>, vector<1x16xf32>,
      %parallel_loop3A_280 = vector.shape_cast %parallel_loop3A_279 : vector<1x16xf32> to vector<16xf32>
      %parallel_loop3A_281 = vector.shape_cast %parallel_loop3A_276 : vector<16xf32> to vector<1x16xf32>
      tpu.vector_store %arg16[%parallel_loop3A_277, %parallel_loop3A_278], %parallel_loop3A_281 {strides = array<i32>} : memref<80x128xf32, #tpu.memory_space<vmem>>, vector<1x16xf32>,
    } {sc.loop_unroll_factor = 8 : i64, sc.parallel_access}
    %dma_start3A_106 = arith.constant 0 : i32
    %dma_start3A_107 = arith.constant 0 : i32
    %dma_start3A_108 = tpu.memref_slice %arg7[%dma_start3A_106, %dma_start3A_107] : memref<10000x128xf32, #tpu.memory_space<vmem_shared>> -> memref<10000x128xf32, #tpu.memory_space<vmem_shared>>
    tpu.enqueue_indirect_dma source(%arg16 : memref<80x128xf32, #tpu.memory_space<vmem>>) target(%dma_start3A_108 : memref<10000x128xf32, #tpu.memory_space<vmem_shared>>) offsets(%arg12 : memref<80xi32, #tpu.memory_space<vmem>>) semaphore(%arg28 : memref<!tpu.dma_semaphore, #tpu.memory_space<semaphore_mem>>) {add = true}
    %dma_wait3A_109 = arith.constant 0 : i32
    %dma_wait3A_110 = arith.constant 0 : i32
    %dma_wait3A_111 = tpu.memref_slice %arg7[%dma_wait3A_109, %dma_wait3A_110] : memref<10000x128xf32, #tpu.memory_space<vmem_shared>> -> memref<10000x128xf32, #tpu.memory_space<vmem_shared>>
    tpu.wait_indirect_dma semaphore(%arg28 : memref<!tpu.dma_semaphore, #tpu.memory_space<semaphore_mem>>) src(%arg16 : memref<80x128xf32, #tpu.memory_space<vmem>>) dst(%dma_wait3A_111 : memref<10000x128xf32, #tpu.memory_space<vmem_shared>>)
    %barrier3A_112 = arith.constant 0 : index
    tpu.barrier barrier_id(%barrier3A_112)
    %add3A_113 = arith.constant 0 : i32
    %add3A_114 = arith.addi %arg1, %add3A_113 : i32
    %lt3A_115 = arith.constant 125 : i32
    %lt3A_116 = arith.cmpi slt, %add3A_114, %lt3A_115 : i32
    %convert_element_type3A_117 = arith.extui %lt3A_116 : i1 to i32
    %cond3A_118 = arith.constant 0 : i32
    %cond3A_119 = arith.cmpi ne, %convert_element_type3A_117, %cond3A_118 : i32
    scf.if %cond3A_119 {
      %mul3A_169 = arith.constant 80 : i32
      %mul3A_170 = arith.muli %add3A_114, %mul3A_169 : i32
      "tpu.region"() ({
        %run_scoped3A = tpu.sem_alloc : memref<!tpu.dma_semaphore, #tpu.memory_space<semaphore_mem>>
        %dma_start3A_171 = arith.constant 0 : i32
        %dma_start3A_172 = tpu.memref_slice %arg6[%arg0, %mul3A_170, %dma_start3A_171] : memref<2x10000x128xf32, #tpu.memory_space<hbm>> -> memref<1x80x128xf32, #tpu.memory_space<hbm>>
        %dma_start3A_173 = tpu.memref_squeeze %dma_start3A_172 : memref<1x80x128xf32, #tpu.memory_space<hbm>> -> memref<80x128xf32, #tpu.memory_space<hbm>>
        %dma_start3A_174 = arith.constant 0 : i32
        %dma_start3A_175 = tpu.memref_slice %arg7[%mul3A_170, %dma_start3A_174] : memref<10000x128xf32, #tpu.memory_space<vmem_shared>> -> memref<80x128xf32, #tpu.memory_space<vmem_shared>>
        tpu.enqueue_dma source(%dma_start3A_175 : memref<80x128xf32, #tpu.memory_space<vmem_shared>>) target(%dma_start3A_173 : memref<80x128xf32, #tpu.memory_space<hbm>>) target_semaphore(%run_scoped3A : memref<!tpu.dma_semaphore, #tpu.memory_space<semaphore_mem>>)
        %dma_wait3A_176 = arith.constant 0 : i32
        %dma_wait3A_177 = tpu.memref_slice %arg6[%arg0, %mul3A_170, %dma_wait3A_176] : memref<2x10000x128xf32, #tpu.memory_space<hbm>> -> memref<1x80x128xf32, #tpu.memory_space<hbm>>
        %dma_wait3A_178 = tpu.memref_squeeze %dma_wait3A_177 : memref<1x80x128xf32, #tpu.memory_space<hbm>> -> memref<80x128xf32, #tpu.memory_space<hbm>>
        %dma_wait3A_179 = arith.constant 0 : i32
        %dma_wait3A_180 = tpu.memref_slice %arg7[%mul3A_170, %dma_wait3A_179] : memref<10000x128xf32, #tpu.memory_space<vmem_shared>> -> memref<80x128xf32, #tpu.memory_space<vmem_shared>>
        tpu.wait_dma2 semaphore(%run_scoped3A : memref<!tpu.dma_semaphore, #tpu.memory_space<semaphore_mem>>) src(%dma_wait3A_180 : memref<80x128xf32, #tpu.memory_space<vmem_shared>>) dst(%dma_wait3A_178 : memref<80x128xf32, #tpu.memory_space<hbm>>)
        tpu.yield
      }) : () -> ()
    } else {
    }
    %add3A_120 = arith.constant 16 : i32
    %add3A_121 = arith.addi %arg1, %add3A_120 : i32
    %lt3A_122 = arith.constant 125 : i32
    %lt3A_123 = arith.cmpi slt, %add3A_121, %lt3A_122 : i32
    %convert_element_type3A_124 = arith.extui %lt3A_123 : i1 to i32
    %cond3A_125 = arith.constant 0 : i32
    %cond3A_126 = arith.cmpi ne, %convert_element_type3A_124, %cond3A_125 : i32
    scf.if %cond3A_126 {
      %mul3A_169 = arith.constant 80 : i32
      %mul3A_170 = arith.muli %add3A_121, %mul3A_169 : i32
      "tpu.region"() ({
        %run_scoped3A = tpu.sem_alloc : memref<!tpu.dma_semaphore, #tpu.memory_space<semaphore_mem>>
        %dma_start3A_171 = arith.constant 0 : i32
        %dma_start3A_172 = tpu.memref_slice %arg6[%arg0, %mul3A_170, %dma_start3A_171] : memref<2x10000x128xf32, #tpu.memory_space<hbm>> -> memref<1x80x128xf32, #tpu.memory_space<hbm>>
        %dma_start3A_173 = tpu.memref_squeeze %dma_start3A_172 : memref<1x80x128xf32, #tpu.memory_space<hbm>> -> memref<80x128xf32, #tpu.memory_space<hbm>>
        %dma_start3A_174 = arith.constant 0 : i32
        %dma_start3A_175 = tpu.memref_slice %arg7[%mul3A_170, %dma_start3A_174] : memref<10000x128xf32, #tpu.memory_space<vmem_shared>> -> memref<80x128xf32, #tpu.memory_space<vmem_shared>>
        tpu.enqueue_dma source(%dma_start3A_175 : memref<80x128xf32, #tpu.memory_space<vmem_shared>>) target(%dma_start3A_173 : memref<80x128xf32, #tpu.memory_space<hbm>>) target_semaphore(%run_scoped3A : memref<!tpu.dma_semaphore, #tpu.memory_space<semaphore_mem>>)
        %dma_wait3A_176 = arith.constant 0 : i32
        %dma_wait3A_177 = tpu.memref_slice %arg6[%arg0, %mul3A_170, %dma_wait3A_176] : memref<2x10000x128xf32, #tpu.memory_space<hbm>> -> memref<1x80x128xf32, #tpu.memory_space<hbm>>
        %dma_wait3A_178 = tpu.memref_squeeze %dma_wait3A_177 : memref<1x80x128xf32, #tpu.memory_space<hbm>> -> memref<80x128xf32, #tpu.memory_space<hbm>>
        %dma_wait3A_179 = arith.constant 0 : i32
        %dma_wait3A_180 = tpu.memref_slice %arg7[%mul3A_170, %dma_wait3A_179] : memref<10000x128xf32, #tpu.memory_space<vmem_shared>> -> memref<80x128xf32, #tpu.memory_space<vmem_shared>>
        tpu.wait_dma2 semaphore(%run_scoped3A : memref<!tpu.dma_semaphore, #tpu.memory_space<semaphore_mem>>) src(%dma_wait3A_180 : memref<80x128xf32, #tpu.memory_space<vmem_shared>>) dst(%dma_wait3A_178 : memref<80x128xf32, #tpu.memory_space<hbm>>)
        tpu.yield
      }) : () -> ()
    } else {
    }
    %add3A_127 = arith.constant 32 : i32
    %add3A_128 = arith.addi %arg1, %add3A_127 : i32
    %lt3A_129 = arith.constant 125 : i32
    %lt3A_130 = arith.cmpi slt, %add3A_128, %lt3A_129 : i32
    %convert_element_type3A_131 = arith.extui %lt3A_130 : i1 to i32
    %cond3A_132 = arith.constant 0 : i32
    %cond3A_133 = arith.cmpi ne, %convert_element_type3A_131, %cond3A_132 : i32
    scf.if %cond3A_133 {
      %mul3A_169 = arith.constant 80 : i32
      %mul3A_170 = arith.muli %add3A_128, %mul3A_169 : i32
      "tpu.region"() ({
        %run_scoped3A = tpu.sem_alloc : memref<!tpu.dma_semaphore, #tpu.memory_space<semaphore_mem>>
        %dma_start3A_171 = arith.constant 0 : i32
        %dma_start3A_172 = tpu.memref_slice %arg6[%arg0, %mul3A_170, %dma_start3A_171] : memref<2x10000x128xf32, #tpu.memory_space<hbm>> -> memref<1x80x128xf32, #tpu.memory_space<hbm>>
        %dma_start3A_173 = tpu.memref_squeeze %dma_start3A_172 : memref<1x80x128xf32, #tpu.memory_space<hbm>> -> memref<80x128xf32, #tpu.memory_space<hbm>>
        %dma_start3A_174 = arith.constant 0 : i32
        %dma_start3A_175 = tpu.memref_slice %arg7[%mul3A_170, %dma_start3A_174] : memref<10000x128xf32, #tpu.memory_space<vmem_shared>> -> memref<80x128xf32, #tpu.memory_space<vmem_shared>>
        tpu.enqueue_dma source(%dma_start3A_175 : memref<80x128xf32, #tpu.memory_space<vmem_shared>>) target(%dma_start3A_173 : memref<80x128xf32, #tpu.memory_space<hbm>>) target_semaphore(%run_scoped3A : memref<!tpu.dma_semaphore, #tpu.memory_space<semaphore_mem>>)
        %dma_wait3A_176 = arith.constant 0 : i32
        %dma_wait3A_177 = tpu.memref_slice %arg6[%arg0, %mul3A_170, %dma_wait3A_176] : memref<2x10000x128xf32, #tpu.memory_space<hbm>> -> memref<1x80x128xf32, #tpu.memory_space<hbm>>
        %dma_wait3A_178 = tpu.memref_squeeze %dma_wait3A_177 : memref<1x80x128xf32, #tpu.memory_space<hbm>> -> memref<80x128xf32, #tpu.memory_space<hbm>>
        %dma_wait3A_179 = arith.constant 0 : i32
        %dma_wait3A_180 = tpu.memref_slice %arg7[%mul3A_170, %dma_wait3A_179] : memref<10000x128xf32, #tpu.memory_space<vmem_shared>> -> memref<80x128xf32, #tpu.memory_space<vmem_shared>>
        tpu.wait_dma2 semaphore(%run_scoped3A : memref<!tpu.dma_semaphore, #tpu.memory_space<semaphore_mem>>) src(%dma_wait3A_180 : memref<80x128xf32, #tpu.memory_space<vmem_shared>>) dst(%dma_wait3A_178 : memref<80x128xf32, #tpu.memory_space<hbm>>)
        tpu.yield
      }) : () -> ()
    } else {
    }
    %add3A_134 = arith.constant 48 : i32
    %add3A_135 = arith.addi %arg1, %add3A_134 : i32
    %lt3A_136 = arith.constant 125 : i32
    %lt3A_137 = arith.cmpi slt, %add3A_135, %lt3A_136 : i32
    %convert_element_type3A_138 = arith.extui %lt3A_137 : i1 to i32
    %cond3A_139 = arith.constant 0 : i32
    %cond3A_140 = arith.cmpi ne, %convert_element_type3A_138, %cond3A_139 : i32
    scf.if %cond3A_140 {
      %mul3A_169 = arith.constant 80 : i32
      %mul3A_170 = arith.muli %add3A_135, %mul3A_169 : i32
      "tpu.region"() ({
        %run_scoped3A = tpu.sem_alloc : memref<!tpu.dma_semaphore, #tpu.memory_space<semaphore_mem>>
        %dma_start3A_171 = arith.constant 0 : i32
        %dma_start3A_172 = tpu.memref_slice %arg6[%arg0, %mul3A_170, %dma_start3A_171] : memref<2x10000x128xf32, #tpu.memory_space<hbm>> -> memref<1x80x128xf32, #tpu.memory_space<hbm>>
        %dma_start3A_173 = tpu.memref_squeeze %dma_start3A_172 : memref<1x80x128xf32, #tpu.memory_space<hbm>> -> memref<80x128xf32, #tpu.memory_space<hbm>>
        %dma_start3A_174 = arith.constant 0 : i32
        %dma_start3A_175 = tpu.memref_slice %arg7[%mul3A_170, %dma_start3A_174] : memref<10000x128xf32, #tpu.memory_space<vmem_shared>> -> memref<80x128xf32, #tpu.memory_space<vmem_shared>>
        tpu.enqueue_dma source(%dma_start3A_175 : memref<80x128xf32, #tpu.memory_space<vmem_shared>>) target(%dma_start3A_173 : memref<80x128xf32, #tpu.memory_space<hbm>>) target_semaphore(%run_scoped3A : memref<!tpu.dma_semaphore, #tpu.memory_space<semaphore_mem>>)
        %dma_wait3A_176 = arith.constant 0 : i32
        %dma_wait3A_177 = tpu.memref_slice %arg6[%arg0, %mul3A_170, %dma_wait3A_176] : memref<2x10000x128xf32, #tpu.memory_space<hbm>> -> memref<1x80x128xf32, #tpu.memory_space<hbm>>
        %dma_wait3A_178 = tpu.memref_squeeze %dma_wait3A_177 : memref<1x80x128xf32, #tpu.memory_space<hbm>> -> memref<80x128xf32, #tpu.memory_space<hbm>>
        %dma_wait3A_179 = arith.constant 0 : i32
        %dma_wait3A_180 = tpu.memref_slice %arg7[%mul3A_170, %dma_wait3A_179] : memref<10000x128xf32, #tpu.memory_space<vmem_shared>> -> memref<80x128xf32, #tpu.memory_space<vmem_shared>>
        tpu.wait_dma2 semaphore(%run_scoped3A : memref<!tpu.dma_semaphore, #tpu.memory_space<semaphore_mem>>) src(%dma_wait3A_180 : memref<80x128xf32, #tpu.memory_space<vmem_shared>>) dst(%dma_wait3A_178 : memref<80x128xf32, #tpu.memory_space<hbm>>)
        tpu.yield
      }) : () -> ()
    } else {
    }
    %add3A_141 = arith.constant 64 : i32
    %add3A_142 = arith.addi %arg1, %add3A_141 : i32
    %lt3A_143 = arith.constant 125 : i32
    %lt3A_144 = arith.cmpi slt, %add3A_142, %lt3A_143 : i32
    %convert_element_type3A_145 = arith.extui %lt3A_144 : i1 to i32
    %cond3A_146 = arith.constant 0 : i32
    %cond3A_147 = arith.cmpi ne, %convert_element_type3A_145, %cond3A_146 : i32
    scf.if %cond3A_147 {
      %mul3A_169 = arith.constant 80 : i32
      %mul3A_170 = arith.muli %add3A_142, %mul3A_169 : i32
      "tpu.region"() ({
        %run_scoped3A = tpu.sem_alloc : memref<!tpu.dma_semaphore, #tpu.memory_space<semaphore_mem>>
        %dma_start3A_171 = arith.constant 0 : i32
        %dma_start3A_172 = tpu.memref_slice %arg6[%arg0, %mul3A_170, %dma_start3A_171] : memref<2x10000x128xf32, #tpu.memory_space<hbm>> -> memref<1x80x128xf32, #tpu.memory_space<hbm>>
        %dma_start3A_173 = tpu.memref_squeeze %dma_start3A_172 : memref<1x80x128xf32, #tpu.memory_space<hbm>> -> memref<80x128xf32, #tpu.memory_space<hbm>>
        %dma_start3A_174 = arith.constant 0 : i32
        %dma_start3A_175 = tpu.memref_slice %arg7[%mul3A_170, %dma_start3A_174] : memref<10000x128xf32, #tpu.memory_space<vmem_shared>> -> memref<80x128xf32, #tpu.memory_space<vmem_shared>>
        tpu.enqueue_dma source(%dma_start3A_175 : memref<80x128xf32, #tpu.memory_space<vmem_shared>>) target(%dma_start3A_173 : memref<80x128xf32, #tpu.memory_space<hbm>>) target_semaphore(%run_scoped3A : memref<!tpu.dma_semaphore, #tpu.memory_space<semaphore_mem>>)
        %dma_wait3A_176 = arith.constant 0 : i32
        %dma_wait3A_177 = tpu.memref_slice %arg6[%arg0, %mul3A_170, %dma_wait3A_176] : memref<2x10000x128xf32, #tpu.memory_space<hbm>> -> memref<1x80x128xf32, #tpu.memory_space<hbm>>
        %dma_wait3A_178 = tpu.memref_squeeze %dma_wait3A_177 : memref<1x80x128xf32, #tpu.memory_space<hbm>> -> memref<80x128xf32, #tpu.memory_space<hbm>>
        %dma_wait3A_179 = arith.constant 0 : i32
        %dma_wait3A_180 = tpu.memref_slice %arg7[%mul3A_170, %dma_wait3A_179] : memref<10000x128xf32, #tpu.memory_space<vmem_shared>> -> memref<80x128xf32, #tpu.memory_space<vmem_shared>>
        tpu.wait_dma2 semaphore(%run_scoped3A : memref<!tpu.dma_semaphore, #tpu.memory_space<semaphore_mem>>) src(%dma_wait3A_180 : memref<80x128xf32, #tpu.memory_space<vmem_shared>>) dst(%dma_wait3A_178 : memref<80x128xf32, #tpu.memory_space<hbm>>)
        tpu.yield
      }) : () -> ()
    } else {
    }
    %add3A_148 = arith.constant 80 : i32
    %add3A_149 = arith.addi %arg1, %add3A_148 : i32
    %lt3A_150 = arith.constant 125 : i32
    %lt3A_151 = arith.cmpi slt, %add3A_149, %lt3A_150 : i32
    %convert_element_type3A_152 = arith.extui %lt3A_151 : i1 to i32
    %cond3A_153 = arith.constant 0 : i32
    %cond3A_154 = arith.cmpi ne, %convert_element_type3A_152, %cond3A_153 : i32
    scf.if %cond3A_154 {
      %mul3A_169 = arith.constant 80 : i32
      %mul3A_170 = arith.muli %add3A_149, %mul3A_169 : i32
      "tpu.region"() ({
        %run_scoped3A = tpu.sem_alloc : memref<!tpu.dma_semaphore, #tpu.memory_space<semaphore_mem>>
        %dma_start3A_171 = arith.constant 0 : i32
        %dma_start3A_172 = tpu.memref_slice %arg6[%arg0, %mul3A_170, %dma_start3A_171] : memref<2x10000x128xf32, #tpu.memory_space<hbm>> -> memref<1x80x128xf32, #tpu.memory_space<hbm>>
        %dma_start3A_173 = tpu.memref_squeeze %dma_start3A_172 : memref<1x80x128xf32, #tpu.memory_space<hbm>> -> memref<80x128xf32, #tpu.memory_space<hbm>>
        %dma_start3A_174 = arith.constant 0 : i32
        %dma_start3A_175 = tpu.memref_slice %arg7[%mul3A_170, %dma_start3A_174] : memref<10000x128xf32, #tpu.memory_space<vmem_shared>> -> memref<80x128xf32, #tpu.memory_space<vmem_shared>>
        tpu.enqueue_dma source(%dma_start3A_175 : memref<80x128xf32, #tpu.memory_space<vmem_shared>>) target(%dma_start3A_173 : memref<80x128xf32, #tpu.memory_space<hbm>>) target_semaphore(%run_scoped3A : memref<!tpu.dma_semaphore, #tpu.memory_space<semaphore_mem>>)
        %dma_wait3A_176 = arith.constant 0 : i32
        %dma_wait3A_177 = tpu.memref_slice %arg6[%arg0, %mul3A_170, %dma_wait3A_176] : memref<2x10000x128xf32, #tpu.memory_space<hbm>> -> memref<1x80x128xf32, #tpu.memory_space<hbm>>
        %dma_wait3A_178 = tpu.memref_squeeze %dma_wait3A_177 : memref<1x80x128xf32, #tpu.memory_space<hbm>> -> memref<80x128xf32, #tpu.memory_space<hbm>>
        %dma_wait3A_179 = arith.constant 0 : i32
        %dma_wait3A_180 = tpu.memref_slice %arg7[%mul3A_170, %dma_wait3A_179] : memref<10000x128xf32, #tpu.memory_space<vmem_shared>> -> memref<80x128xf32, #tpu.memory_space<vmem_shared>>
        tpu.wait_dma2 semaphore(%run_scoped3A : memref<!tpu.dma_semaphore, #tpu.memory_space<semaphore_mem>>) src(%dma_wait3A_180 : memref<80x128xf32, #tpu.memory_space<vmem_shared>>) dst(%dma_wait3A_178 : memref<80x128xf32, #tpu.memory_space<hbm>>)
        tpu.yield
      }) : () -> ()
    } else {
    }
    %add3A_155 = arith.constant 96 : i32
    %add3A_156 = arith.addi %arg1, %add3A_155 : i32
    %lt3A_157 = arith.constant 125 : i32
    %lt3A_158 = arith.cmpi slt, %add3A_156, %lt3A_157 : i32
    %convert_element_type3A_159 = arith.extui %lt3A_158 : i1 to i32
    %cond3A_160 = arith.constant 0 : i32
    %cond3A_161 = arith.cmpi ne, %convert_element_type3A_159, %cond3A_160 : i32
    scf.if %cond3A_161 {
      %mul3A_169 = arith.constant 80 : i32
      %mul3A_170 = arith.muli %add3A_156, %mul3A_169 : i32
      "tpu.region"() ({
        %run_scoped3A = tpu.sem_alloc : memref<!tpu.dma_semaphore, #tpu.memory_space<semaphore_mem>>
        %dma_start3A_171 = arith.constant 0 : i32
        %dma_start3A_172 = tpu.memref_slice %arg6[%arg0, %mul3A_170, %dma_start3A_171] : memref<2x10000x128xf32, #tpu.memory_space<hbm>> -> memref<1x80x128xf32, #tpu.memory_space<hbm>>
        %dma_start3A_173 = tpu.memref_squeeze %dma_start3A_172 : memref<1x80x128xf32, #tpu.memory_space<hbm>> -> memref<80x128xf32, #tpu.memory_space<hbm>>
        %dma_start3A_174 = arith.constant 0 : i32
        %dma_start3A_175 = tpu.memref_slice %arg7[%mul3A_170, %dma_start3A_174] : memref<10000x128xf32, #tpu.memory_space<vmem_shared>> -> memref<80x128xf32, #tpu.memory_space<vmem_shared>>
        tpu.enqueue_dma source(%dma_start3A_175 : memref<80x128xf32, #tpu.memory_space<vmem_shared>>) target(%dma_start3A_173 : memref<80x128xf32, #tpu.memory_space<hbm>>) target_semaphore(%run_scoped3A : memref<!tpu.dma_semaphore, #tpu.memory_space<semaphore_mem>>)
        %dma_wait3A_176 = arith.constant 0 : i32
        %dma_wait3A_177 = tpu.memref_slice %arg6[%arg0, %mul3A_170, %dma_wait3A_176] : memref<2x10000x128xf32, #tpu.memory_space<hbm>> -> memref<1x80x128xf32, #tpu.memory_space<hbm>>
        %dma_wait3A_178 = tpu.memref_squeeze %dma_wait3A_177 : memref<1x80x128xf32, #tpu.memory_space<hbm>> -> memref<80x128xf32, #tpu.memory_space<hbm>>
        %dma_wait3A_179 = arith.constant 0 : i32
        %dma_wait3A_180 = tpu.memref_slice %arg7[%mul3A_170, %dma_wait3A_179] : memref<10000x128xf32, #tpu.memory_space<vmem_shared>> -> memref<80x128xf32, #tpu.memory_space<vmem_shared>>
        tpu.wait_dma2 semaphore(%run_scoped3A : memref<!tpu.dma_semaphore, #tpu.memory_space<semaphore_mem>>) src(%dma_wait3A_180 : memref<80x128xf32, #tpu.memory_space<vmem_shared>>) dst(%dma_wait3A_178 : memref<80x128xf32, #tpu.memory_space<hbm>>)
        tpu.yield
      }) : () -> ()
    } else {
    }
    %add3A_162 = arith.constant 112 : i32
    %add3A_163 = arith.addi %arg1, %add3A_162 : i32
    %lt3A_164 = arith.constant 125 : i32
    %lt3A_165 = arith.cmpi slt, %add3A_163, %lt3A_164 : i32
    %convert_element_type3A_166 = arith.extui %lt3A_165 : i1 to i32
    %cond3A_167 = arith.constant 0 : i32
    %cond3A_168 = arith.cmpi ne, %convert_element_type3A_166, %cond3A_167 : i32
    scf.if %cond3A_168 {
      %mul3A_169 = arith.constant 80 : i32
      %mul3A_170 = arith.muli %add3A_163, %mul3A_169 : i32
      "tpu.region"() ({
        %run_scoped3A = tpu.sem_alloc : memref<!tpu.dma_semaphore, #tpu.memory_space<semaphore_mem>>
        %dma_start3A_171 = arith.constant 0 : i32
        %dma_start3A_172 = tpu.memref_slice %arg6[%arg0, %mul3A_170, %dma_start3A_171] : memref<2x10000x128xf32, #tpu.memory_space<hbm>> -> memref<1x80x128xf32, #tpu.memory_space<hbm>>
        %dma_start3A_173 = tpu.memref_squeeze %dma_start3A_172 : memref<1x80x128xf32, #tpu.memory_space<hbm>> -> memref<80x128xf32, #tpu.memory_space<hbm>>
        %dma_start3A_174 = arith.constant 0 : i32
        %dma_start3A_175 = tpu.memref_slice %arg7[%mul3A_170, %dma_start3A_174] : memref<10000x128xf32, #tpu.memory_space<vmem_shared>> -> memref<80x128xf32, #tpu.memory_space<vmem_shared>>
        tpu.enqueue_dma source(%dma_start3A_175 : memref<80x128xf32, #tpu.memory_space<vmem_shared>>) target(%dma_start3A_173 : memref<80x128xf32, #tpu.memory_space<hbm>>) target_semaphore(%run_scoped3A : memref<!tpu.dma_semaphore, #tpu.memory_space<semaphore_mem>>)
        %dma_wait3A_176 = arith.constant 0 : i32
        %dma_wait3A_177 = tpu.memref_slice %arg6[%arg0, %mul3A_170, %dma_wait3A_176] : memref<2x10000x128xf32, #tpu.memory_space<hbm>> -> memref<1x80x128xf32, #tpu.memory_space<hbm>>
        %dma_wait3A_178 = tpu.memref_squeeze %dma_wait3A_177 : memref<1x80x128xf32, #tpu.memory_space<hbm>> -> memref<80x128xf32, #tpu.memory_space<hbm>>
        %dma_wait3A_179 = arith.constant 0 : i32
        %dma_wait3A_180 = tpu.memref_slice %arg7[%mul3A_170, %dma_wait3A_179] : memref<10000x128xf32, #tpu.memory_space<vmem_shared>> -> memref<80x128xf32, #tpu.memory_space<vmem_shared>>
        tpu.wait_dma2 semaphore(%run_scoped3A : memref<!tpu.dma_semaphore, #tpu.memory_space<semaphore_mem>>) src(%dma_wait3A_180 : memref<80x128xf32, #tpu.memory_space<vmem_shared>>) dst(%dma_wait3A_178 : memref<80x128xf32, #tpu.memory_space<hbm>>)
        tpu.yield
      }) : () -> ()
    } else {
    }
    return
  }
}

</mosaic_0001>

<sc_bundles>
// kernel: _sc_scatter.3.cloned.1.call-start
scs
__scs_entry_jumppad:
0x0: {  	(pc) =	sbr.rel $0x88, $3  }
0x1: {  	(tag) =	ssettag $0x0;
	lr =	simm.s32 $0x1  }
0x2: {  	[smem:$0x3F9D] =	sst lr;
	_ =	strace $0xD0000000  }
0x3: {  	_ = 	snop  }
0x4: {  	_ = 	snop  }
0x5: {  	_ = 	snop  }
0x6: {  	_ = 	snop  }
0x7: {  	_ = 	snop  }
__scs_overlays_trampoline_lowered:
0x8: {  	[smem:$0x3FAC] =	sst s0  }
0x9: {  	[smem:$0x3FAD] =	sst s1  }
0xa: {  	[smem:$0x3FAE] =	sst s2  }
0xb: {  	[smem:$0x3FAF] =	sst s3  }
0xc: {  	[smem:$0x3FB0] =	sst s4  }
0xd: {  	[smem:$0x3FB1] =	sst s5  }
0xe: {  	[smem:$0x3FB2] =	sst s6  }
0xf: {  	[smem:$0x3FB3] =	sst s7  }
0x10: {  	[smem:$0x3FB4] =	sst s8  }
0x11: {  	[smem:$0x3FB5] =	sst s9;
	s0 =	simm.s32 @!p0 $0x0  }
0x12: {  	s1 =	sld [smem:$0x3F9B];
	s0 =	simm.s32 @p0 $0x1  }
0x13: {  	[smem:$0x3FB6] =	sst s0;
	s0 =	simm.s32 @!p1 $0x0  }
0x14: {  	s2 =	sld [smem:$0x3F9A];
	s0 =	simm.s32 @p1 $0x1  }
0x15: {  	[smem:$0x3FB7] =	sst s0;
	s0 =	simm.s32 @!p2 $0x0  }
0x16: {  	s3 =	sld [smem:$0x3FDB];
	s0 =	simm.s32 @p2 $0x1  }
0x17: {  	s4 =	simm.s32 $0x1BF5;
	[smem:$0x3FB9] =	sst s0  }
0x18: {  	s0 =	sld [smem:$0x3F9C];
	_ =	swait.ge [sflag:s4], $0x0  }
0x19: {  	s7 =	sld [smem:$0x3F9D]  }
0x1a: {  	s8 =	sadd.s32 $0xFFFFE003, lr  }
0x1b: {  	s9 =	sadd.s32 $0xFFFFFEF7, lr;
	s5 =	simm.s32 $0xFFFFFFFF;
	p2 =	slt.u32 s8, $0xFFFFF086  }
0x1c: {  	p1 =	slt.u32 s9, $0xF7A;
	s5 =	simm.s32 @!p2 $0x0  }
0x1d: {  	s5 =	simm.s32 @p1 $0x1;
	p0 =	seq.s32 s7, s2  }
0x1e: {  	s7 =	smul.u32 @!p0 $0xF7A, s2;
	p2 =	seq.s32 @!p0 s5, $0x0  }
0x1f: {  	s9 =	smul.u32 $0xF7A, s1;
	s8 =	simm.s32 @!p0 $0x1BF5;
	p2 =	por !p2, p0  }
0x20: {  	[sflag:s8] =	ssyncset.s32 @!p0 $0xFFFFF086;
	s6 =	sadd.s32 @!p0 s3, s7;
	s7 =	simm.s32 @!p0 $0x108  }
0x21: {  	s3 =	sadd.s32 s3, s9;
	s6 =	sadd.s32 @!p0 $0x88, s6;
	s7 =	simm.s32 @p2 $0x1082  }
0x22: {  	[simem:s7], [sflag:s8] =	dma.local @!p0 [hbm:s6], $0xF7A  }
0x23: {  	s9 =	sor.u32 $0xD0000000, s2;
	s6 =	simm.s32 $0x108;
	_ =	swait.ge @!p0 [sflag:s8], $0x0  }
0x24: {  	s3 =	sadd.s32 $0x88, s3;
	s6 =	simm.s32 @!p1 $0x1082;
	[sflag:s4] =	ssyncset.s32 $0xFFFFF086  }
0x25: {  	[simem:s6], [sflag:s4] =	dma.local [hbm:s3], $0xF7A  }
0x26: {  	[smem:$0x3F9D] =	sst s1;
	(tag) =	ssettag s2;
	_ =	strace s9  }
0x27: {  	s1 =	sld [smem:$0x3FAD]  }
0x28: {  	s2 =	sld [smem:$0x3FAE]  }
0x29: {  	s4 =	sld [smem:$0x3FB0]  }
0x2a: {  	p0 =	seq.s32 s5, $0x0;
	s5 =	sld [smem:$0x3FB1]  }
0x2b: {  	s6 =	sld [smem:$0x3FB2]  }
0x2c: {  	s7 =	sld [smem:$0x3FB3]  }
0x2d: {  	s3 =	simm.s32 $0x108;
	s8 =	sld [smem:$0x3FB4]  }
0x2e: {  	s3 =	simm.s32 @!p0 $0x1082;
	s9 =	sld [smem:$0x3FB5]  }
0x2f: {  	lr =	sadd.s32 s0, s3;
	s0 =	sld [smem:$0x3FAC]  }
0x30: {  	s3 =	sld [smem:$0x3FAF]  }
0x31: {  	[smem:$0x3FB8] =	sst s10  }
0x32: {  	s10 =	sld [smem:$0x3FB6];
	_ =	sdelay $0x3  }
0x33: {  	p0 =	seq.s32 s10, $0x1;
	s10 =	sld [smem:$0x3FB8];
	_ =	sdelay $0x3  }
0x34: {  	[smem:$0x3FB8] =	sst s10  }
0x35: {  	s10 =	sld [smem:$0x3FB7];
	_ =	sdelay $0x3  }
0x36: {  	p1 =	seq.s32 s10, $0x1;
	s10 =	sld [smem:$0x3FB8];
	_ =	sdelay $0x3  }
0x37: {  	[smem:$0x3FB8] =	sst s10  }
0x38: {  	s10 =	sld [smem:$0x3FB9]  }
0x39: {  	_ = 	snop;
	(pc) =	sbr.ind lr, $3  }
0x3a: {  	_ = 	snop  }
0x3b: {  	_ = 	snop  }
0x3c: {  	p2 =	seq.s32 s10, $0x1;
	s10 =	sld [smem:$0x3FB8]  }
0x3d: {  	_ =	shalt  }
0x3e: {  	_ =	shalt  }
0x3f: {  	_ =	shalt  }
0x40: {  	_ =	shalt  }
0x41: {  	_ =	shalt  }
0x42: {  	_ =	shalt  }
0x43: {  	_ =	shalt  }
0x44: {  	_ =	shalt  }
0x45: {  	_ =	shalt  }
0x46: {  	_ =	shalt  }
0x47: {  	_ =	shalt  }
0x48: {  	_ =	shalt  }
0x49: {  	_ =	shalt  }
0x4a: {  	_ =	shalt  }
0x4b: {  	_ =	shalt  }
0x4c: {  	_ =	shalt  }
0x4d: {  	_ =	shalt  }
0x4e: {  	_ =	shalt  }
0x4f: {  	_ =	shalt  }
0x50: {  	_ =	shalt  }
0x51: {  	_ =	shalt  }
0x52: {  	_ =	shalt  }
0x53: {  	_ =	shalt  }
0x54: {  	_ =	shalt  }
0x55: {  	_ =	shalt  }
0x56: {  	_ =	shalt  }
0x57: {  	_ =	shalt  }
0x58: {  	_ =	shalt  }
0x59: {  	_ =	shalt  }
0x5a: {  	_ =	shalt  }
0x5b: {  	_ =	shalt  }
0x5c: {  	_ =	shalt  }
0x5d: {  	_ =	shalt  }
0x5e: {  	_ =	shalt  }
0x5f: {  	_ =	shalt  }
0x60: {  	_ =	shalt  }
0x61: {  	_ =	shalt  }
0x62: {  	_ =	shalt  }
0x63: {  	_ =	shalt  }
0x64: {  	_ =	shalt  }
0x65: {  	_ =	shalt  }
0x66: {  	_ =	shalt  }
0x67: {  	_ =	shalt  }
0x68: {  	_ =	shalt  }
0x69: {  	_ =	shalt  }
0x6a: {  	_ =	shalt  }
0x6b: {  	_ =	shalt  }
0x6c: {  	_ =	shalt  }
0x6d: {  	_ =	shalt  }
0x6e: {  	_ =	shalt  }
0x6f: {  	_ =	shalt  }
0x70: {  	_ =	shalt  }
0x71: {  	_ =	shalt  }
0x72: {  	_ =	shalt  }
0x73: {  	_ =	shalt  }
0x74: {  	_ =	shalt  }
0x75: {  	_ =	shalt  }
0x76: {  	_ =	shalt  }
0x77: {  	_ =	shalt  }
0x78: {  	_ =	shalt  }
0x79: {  	_ =	shalt  }
0x7a: {  	_ =	shalt  }
0x7b: {  	_ =	shalt  }
0x7c: {  	_ =	shalt  }
0x7d: {  	_ =	shalt  }
0x7e: {  	_ =	shalt  }
0x7f: {  	_ =	shalt  }
0x80: {  	_ =	shalt  }
0x81: {  	_ =	shalt  }
0x82: {  	_ =	shalt  }
0x83: {  	_ =	shalt  }
0x84: {  	_ =	shalt  }
0x85: {  	_ =	shalt  }
0x86: {  	_ =	shalt  }
0x87: {  	_ =	shalt  }
.Lfunc_end0:
.L_simem_size_0:
called_computation_lowered:
.L_overlay_start_0:
0x88: {  	s2 =	sld [smem:$0x3FD9]  }
0x89: {  	s3 =	sld [smem:$0x3FFE];
	_ =	sdelay $0x1  }
0x8a: {  	s1 =	srdreg.scid  }
0x8b: {  	s0 =	sand.u32 $0x1, s1  }
0x8c: {  	s18 =	sshll.u32 s0, $0xA;
	s2 =	sadd.s32 s3, s2  }
0x8d: {  	s2 =	sadd.s32 s2, s18  }
0x8e: {  	[smem:$0x3FC4] =	sst s2  }
0x8f: {  	_ = 	snop  }
0x90: {  	s2 =	sld [smem:$0x3FC9]  }
0x91: {  	s19 =	sld [smem:$0x3FC8]  }
0x92: {  	s4 =	sld [smem:$0x3FC7]  }
0x93: {  	s5 =	sld [smem:$0x3FC6]  }
0x94: {  	s6 =	sld [smem:$0x3FD0];
	(tm) =	ssettm $0x1  }
0x95: {  	s7 =	sld [smem:$0x3FFB];
	_ =	sdelay $0x3  }
0x96: {  	_ =	strace s7  }
0x97: {  	s7 =	sld [smem:$0x3FFC];
	_ =	sdelay $0x3  }
0x98: {  	_ =	strace s7  }
0x99: {  	s7 =	sld [smem:$0x3FFD];
	_ =	sdelay $0x3  }
0x9a: {  	_ =	strace s7  }
0x9b: {  	_ =	strace $0x8FFFFFFF  }
0x9c: {  	s20 =	sld [smem:$0x3FDB];
	_ =	sdelay $0x1  }
0x9d: {  	s8 =	simm.s32 $_scs_section_size  }
0x9e: {  	s9 =	simm.s32 $_size__tile_overlayer_lowered;
	s10 =	simm.s32 $_tile_overlayer_lowered  }
0x9f: {  	s23 =	simm.s32 $0x1BFF;
	s22 =	sshll.u32 s10, $0x1;
	s7 =	sadd.s32 s8, s20  }
0xa0: {  	s11 =	simm.s32 $0x0;
	s21 =	sshll.u32 s9, $0x1;
	s9 =	sadd.s32 s22, s7  }
0xa1: {  	[timem:s11], [sflag:s23] =	dma.local [hbm:s9], s21  }
0xa2: {  	_ =	swait.ge [sflag:s23], s21  }
0xa3: {  	s8 =	ssub.s32 $0x0, s21;
	[sflag:s23] =	ssyncset.done $0x0  }
0xa4: {  	[sflag:s23] =	ssyncadd.s32 s8;
	_ =	sdelay $0x1  }
0xa5: {  	s24 =	simm.s32 $0x1B8B  }
0xa6: {  	_ =	swait.ge [sflag:s24], $0x1  }
0xa7: {  	[sflag:s24] =	ssyncset.done $0x0  }
0xa8: {  	s25 =	simm.s32 $0x1B8E;
	[sflag:s24] =	ssyncadd.s32 $0xFFFFFFFF  }
0xa9: {  	s26 =	simm.s32 $execute0_lowered;
	[smem:$0x3FD2] =	sst s25  }
0xaa: {  	s8 =	sshll.u32 s26, $0x1;
	_ =	strace $0x80000046;
	[dreg:$0x1] =	wrdreg $0xFFFFFFFF  }
0xab: {  	s28 =	simm.s32 $_size_execute0_lowered;
	s7 =	sadd.s32 s7, s8;
	[dreg:$0x0] =	wrdreg $0x0  }
0xac: {  	s8 =	sshll.u32 s28, $0x1;
	[dreg:$0x2] =	wrdreg s7  }
0xad: {  	[dreg:$0x3] =	wrdreg s8  }
0xae: {  	[dreg:$0x4] =	wrdreg $0xC0  }
0xaf: {  	_ =	task [dreg:s11], $0x5FFFF  }
0xb0: {  	[dreg:$0x1] =	wrdreg $0xFFFFFFFF  }
0xb1: {  	[dreg:$0x0] =	wrdreg $0x60  }
0xb2: {  	[dreg:$0x2] =	wrdreg s2  }
0xb3: {  	[dreg:$0x3] =	wrdreg s19  }
0xb4: {  	[dreg:$0x4] =	wrdreg s4  }
0xb5: {  	[dreg:$0x5] =	wrdreg s5  }
0xb6: {  	[dreg:$0x6] =	wrdreg s6  }
0xb7: {  	[dreg:$0x7] =	wrdreg $0x0  }
0xb8: {  	[dreg:$0x8] =	wrdreg $0x9  }
0xb9: {  	_ =	task.clear_ibuf [dreg:s11], $0x9FFFF;
	_ =	strace $0x90000046  }
0xba: {  	s29 =	simm.s32 $0x9;
	_ =	strace $0x80000048  }
0xbb: {  	_ =	swait.ge [sflag:s29], $0x1  }
0xbc: {  	[sflag:s29] =	ssyncadd.s32 $0xFFFFFFFF  }
0xbd: {  	_ =	strace $0x90000048  }
0xbe: {  	_ =	sfence  }
0xbf: {  	s30 =	sld [smem:$0x0];
	_ =	sdelay $0x2  }
0xc0: {  	s31 =	sshll.u32 s1, $0xD;
	s1 =	sshrl.u32 s1, $0x2  }
0xc1: {  	s3 =	sand.u32 $0x4000, s31;
	s1 =	sadd.s32 s1, s30  }
0xc2: {  	s0 =	sor.u32 s3, s0;
	s1 =	sshll.u32 s1, $0x11  }
0xc3: {  	s0 =	sor.u32 s1, s0  }
0xc4: {  	s0 =	sadd.s32 $0x8F2B, s0  }
0xc5: {  	[sflag:s0] =	ssyncadd.remote.s32 $0x1  }
0xc6: {  	_ =	sfence.sel $0xFFFF  }
0xc7: {  	[dreg:$0x0] =	wrdreg $0xFFFFFFFF;
	(pc) =	sbr.abs _section_cstart, $3  }
0xc8: {  	[dreg:$0x1] =	wrdreg $0xFFFFFFFF  }
0xc9: {  	_ =	task.clear_ibuf [dreg:s11], $0x2FFFF;
	_ =	strace $0x9FFFFFFF  }
0xca: {  	(tm) =	ssettm $0x7FFFFFFF  }
0xcb: {  	_ =	shalt  }
tec
execute0_lowered:
.L_overlay_start_1:
0x0: {  	(tag) =	ssettag $0x1  }
0x1: {  	s0 =	rddreg [dreg:$0x0]  }
0x2: {  	s1 =	rddreg [dreg:$0x1]  }
0x3: {  	s3 =	srdreg.scid;
	s25 =	stileid.u32  }
0x4: {  	s2 =	rddreg [dreg:$0x2];
	s7 =	sand.u32 $0x1, s3;
	s10 =	smul.u32 $0x2800, s25  }
0x5: {  	s4 =	rddreg [dreg:$0x3];
	s9 =	sor.u32 $0x10, s25;
	s8 =	smul.u32 $0x138800, s7  }
0x6: {  	s5 =	rddreg [dreg:$0x4];
	s11 =	sor.u32 $0x20, s25;
	s12 =	smul.u32 $0x2800, s9  }
0x7: {  	s6 =	rddreg [dreg:$0x5];
	s13 =	sor.u32 $0x30, s25;
	s14 =	smul.u32 $0x2800, s11  }
0x8: {  	s28 =	simm.s32 $0x18C80;
	s16 =	sor.u32 $0x40, s25;
	s17 =	smul.u32 $0x2800, s13  }
0x9: {  	s19 =	sshll.u32 s25, $0x1;
	s20 =	sor.u32 $0x60, s25;
	s18 =	smul.u32 $0x2800, s16  }
0xa: {  	s22 =	sor.u32 $0x70, s25;
	p0 =	sgt.u32 s25, $0xC;
	s26 =	smul.u32 $0x2800, s20  }
0xb: {  	s3 =	ssub.s32 $0x2, s7;
	s19 =	sor.u32 s7, s19;
	s23 =	smul.u32 $0x2800, s22  }
0xc: {  	s7 =	simm.s32 $0x0;
	s9 =	smul.u32 $0xA000, s9;
	s15 =	sshrl.u32 s3, $0x1  }
0xd: {  	s20 =	smul.u32 $0xA000, s20;
	[smem:$0x7FF] =	sst s7;
	s3 =	ssub.s32 s3, s15  }
0xe: {  	s15 =	sor.u32 $0x50, s25;
	s10 =	sadd.s32 s10, s8;
	s12 =	sadd.s32 s8, s12  }
0xf: {  	s14 =	sadd.s32 s8, s14;
	s17 =	sadd.s32 s8, s17;
	s18 =	sadd.s32 s8, s18  }
0x10: {  	s24 =	sadd.s32 s8, s26;
	s21 =	smul.u32 $0x2800, s15;
	s10 =	sshrl.u32 s10, $0x3  }
0x11: {  	s26 =	sshrl.u32 s14, $0x3;
	s14 =	sshrl.u32 s17, $0x3;
	s17 =	sshrl.u32 s18, $0x3  }
0x12: {  	s3 =	smax.u32 s3, $0x1;
	s10 =	sadd.s32 s5, s10;
	s21 =	sadd.s32 s8, s21  }
0x13: {  	s8 =	sadd.s32 s8, s23;
	[dreg:$0x7] =	wrdreg s10;
	s23 =	sshrl.u32 s12, $0x3  }
0x14: {  	s12 =	sadd.s32 s5, s26;
	s26 =	smul.u32 $0xA000, s11;
	s10 =	sadd.s32 s5, s23  }
0x15: {  	[dreg:$0x9] =	wrdreg s12;
	s23 =	sshrl.u32 s24, $0x3;
	s24 =	smul.u32 $0xA000, s25  }
0x16: {  	s18 =	sshrl.u32 s21, $0x3;
	s8 =	sshrl.u32 s8, $0x3;
	s12 =	smul.u32 $0xA000, s13  }
0x17: {  	s13 =	sshrl.u32 s9, $0x2;
	s25 =	simm.s32 $0x1;
	[dreg:$0x8] =	wrdreg s10  }
0x18: {  	s10 =	sadd.s32 s5, s14;
	s21 =	sadd.s32 s5, s18;
	s14 =	smul.u32 $0xA000, s16  }
0x19: {  	s16 =	sadd.s32 s13, s6;
	[dreg:$0xa] =	wrdreg s10;
	s10 =	sadd.s32 s5, s17  }
0x1a: {  	[dreg:$0xc] =	wrdreg s21;
	s11 =	sshrl.u32 s24, $0x2;
	s17 =	smul.u32 $0xA000, s15  }
0x1b: {  	s18 =	sshrl.u32 s12, $0x2;
	s12 =	sshrl.u32 s20, $0x2;
	s15 =	smul.u32 $0x27100, s19  }
0x1c: {  	[dreg:$0xb] =	wrdreg s10;
	s10 =	sadd.s32 s5, s23;
	s5 =	sadd.s32 s5, s8  }
0x1d: {  	s29 =	sadd.s32 s11, s6;
	s31 =	sadd.s32 s18, s6;
	[dreg:$0xd] =	wrdreg s10  }
0x1e: {  	s21 =	sshrl.u32 s14, $0x2;
	s23 =	smul.u32 $0xA000, s22;
	[dreg:$0xe] =	wrdreg s5  }
0x1f: {  	s11 =	simm.s32 $0x4;
	_ =	strace $0x80000047;
	[smem:$0x7FD] =	sst s3  }
0x20: {  	s8 =	simm.s32 $0x0;
	s5 =	sshrl.u32 s26, $0x2;
	[dreg:$0xf] =	wrdreg s29  }
0x21: {  	s24 =	sshrl.u32 s17, $0x2;
	s26 =	smul.u32 $0x2710, s19;
	[dreg:$0x10] =	wrdreg s16  }
0x22: {  	s30 =	sadd.s32 s5, s6;
	s5 =	sadd.s32 s21, s6;
	[dreg:$0x12] =	wrdreg s31  }
0x23: {  	s9 =	sshrl.u32 s23, $0x2;
	[dreg:$0x13] =	wrdreg s5;
	s5 =	sadd.s32 s24, s6  }
0x24: {  	s13 =	sadd.s32 s9, s6;
	s14 =	sadd.s32 $0x50, s26;
	[dreg:$0x11] =	wrdreg s30  }
0x25: {  	s17 =	sshrl.u32 s26, $0x3;
	s22 =	sadd.s32 $0xA0, s26;
	[dreg:$0x14] =	wrdreg s5  }
0x26: {  	s23 =	sadd.s32 $0xF0, s26;
	s24 =	sadd.s32 $0x140, s26;
	[dreg:$0x16] =	wrdreg s13  }
0x27: {  	s26 =	sadd.s32 $0x190, s26;
	s5 =	sadd.s32 s12, s6;
	[dreg:$0x1c] =	wrdreg s22  }
0x28: {  	s20 =	smov.u32 s14;
	s10 =	sshrl.u32 s14, $0x3;
	[dreg:$0x1d] =	wrdreg s23  }
0x29: {  	s18 =	sadd.s32 s2, s17;
	s9 =	sadd.s32 s4, s17;
	[dreg:$0x1e] =	wrdreg s24  }
0x2a: {  	[dreg:$0x1f] =	wrdreg s26;
	s12 =	simm.s32 $0x13880;
	s13 =	simm.s32 $0x13A80  }
0x2b: {  	s26 =	simm.s32 $0x50;
	s17 =	simm.s32 $0x16480;
	[dreg:$0x15] =	wrdreg s5  }
0x2c: {  	s22 =	simm.s32 $0x3;
	s23 =	simm.s32 $0x9;
	[dreg:$0x17] =	wrdreg s18  }
0x2d: {  	s14 =	simm.s32 $0x6;
	s24 =	simm.s32 $0xA;
	[dreg:$0x18] =	wrdreg s9  }
0x2e: {  	s19 =	sadd.s32 s2, s10;
	s21 =	sadd.s32 s4, s10;
	s5 =	sadd.s32 s0, s15  }
0x2f: {  	s10 =	simm.s32 $0x13C80;
	s9 =	simm.s32 $0x2;
	[dreg:$0x19] =	wrdreg s19  }
0x30: {  	s18 =	simm.s32 $0x5;
	s15 =	simm.s32 $0x8;
	[dreg:$0x1a] =	wrdreg s21  }
0x31: {  	v0 =	vimm.f32 $0.0e+00;
	[dreg:$0x1b] =	wrdreg s5;
	s21 =	simm.s32 $0x13900;
	s19 =	simm.s32 $0x7  }
.LBB2_1:
0x32: {  	s3 =	simm.s32 $0x13D80  }
0x33: {  	[tilespmem:s3+$0xFFFFFF00] =	vst v0  }
0x34: {  	[tilespmem:s3+$0xF0] =	vst v0  }
0x35: {  	[tilespmem:s3+$0xE0] =	vst v0  }
0x36: {  	[tilespmem:s3+$0xD0] =	vst v0  }
0x37: {  	[tilespmem:s3+$0xC0] =	vst v0  }
0x38: {  	[tilespmem:s3+$0xB0] =	vst v0  }
0x39: {  	[tilespmem:s3+$0xA0] =	vst v0  }
0x3a: {  	[tilespmem:s3+$0x90] =	vst v0  }
0x3b: {  	[tilespmem:s3+$0x80] =	vst v0  }
0x3c: {  	[tilespmem:s3+$0x70] =	vst v0  }
0x3d: {  	[tilespmem:s3+$0x60] =	vst v0  }
0x3e: {  	[tilespmem:s3+$0x50] =	vst v0  }
0x3f: {  	[tilespmem:s3+$0x40] =	vst v0  }
0x40: {  	[tilespmem:s3+$0x30] =	vst v0  }
0x41: {  	[tilespmem:s3+$0x20] =	vst v0  }
0x42: {  	[tilespmem:s3+$0x10] =	vst v0  }
0x43: {  	[tilespmem:s3+$0x0] =	vst v0  }
0x44: {  	[tilespmem:s3+$0xFFFFFFF0] =	vst v0  }
0x45: {  	[tilespmem:s3+$0xFFFFFFE0] =	vst v0  }
0x46: {  	[tilespmem:s3+$0xFFFFFFD0] =	vst v0  }
0x47: {  	[tilespmem:s3+$0xFFFFFFC0] =	vst v0  }
0x48: {  	[tilespmem:s3+$0xFFFFFFB0] =	vst v0  }
0x49: {  	[tilespmem:s3+$0xFFFFFFA0] =	vst v0  }
0x4a: {  	[tilespmem:s3+$0xFFFFFF90] =	vst v0  }
0x4b: {  	[tilespmem:s3+$0xFFFFFF80] =	vst v0  }
0x4c: {  	[tilespmem:s3+$0xFFFFFF70] =	vst v0  }
0x4d: {  	[tilespmem:s3+$0xFFFFFF60] =	vst v0  }
0x4e: {  	[tilespmem:s3+$0xFFFFFF50] =	vst v0  }
0x4f: {  	[tilespmem:s3+$0xFFFFFF40] =	vst v0  }
0x50: {  	[tilespmem:s3+$0xFFFFFF30] =	vst v0  }
0x51: {  	s5 =	simm.s32 $0x0;
	[tilespmem:s3+$0xFFFFFF20] =	vst v0  }
.LBB2_2:
0x52: {  	s5 =	sadd.s32 $0x4, s5;
	[tilespmem:s3+$0xFFFFFF10] =	vst v0;
	s3 =	sadd.s32 $0x200, s3  }
0x53: {  	[tilespmem:s3+$0xFFFFFF00] =	vst v0;
	p1 =	slt.u32 s5, $0x4C  }
0x54: {  	[tilespmem:s3+$0xF0] =	vst v0  }
0x55: {  	[tilespmem:s3+$0xE0] =	vst v0  }
0x56: {  	[tilespmem:s3+$0xD0] =	vst v0  }
0x57: {  	[tilespmem:s3+$0xC0] =	vst v0  }
0x58: {  	[tilespmem:s3+$0xB0] =	vst v0  }
0x59: {  	[tilespmem:s3+$0xA0] =	vst v0  }
0x5a: {  	[tilespmem:s3+$0x90] =	vst v0  }
0x5b: {  	[tilespmem:s3+$0x80] =	vst v0  }
0x5c: {  	[tilespmem:s3+$0x70] =	vst v0  }
0x5d: {  	[tilespmem:s3+$0x60] =	vst v0  }
0x5e: {  	[tilespmem:s3+$0x50] =	vst v0  }
0x5f: {  	[tilespmem:s3+$0x40] =	vst v0  }
0x60: {  	[tilespmem:s3+$0x30] =	vst v0  }
0x61: {  	[tilespmem:s3+$0x20] =	vst v0  }
0x62: {  	[tilespmem:s3+$0x10] =	vst v0  }
0x63: {  	[tilespmem:s3+$0x0] =	vst v0  }
0x64: {  	[tilespmem:s3+$0xFFFFFFF0] =	vst v0  }
0x65: {  	[tilespmem:s3+$0xFFFFFFE0] =	vst v0  }
0x66: {  	[tilespmem:s3+$0xFFFFFFD0] =	vst v0  }
0x67: {  	[tilespmem:s3+$0xFFFFFFC0] =	vst v0  }
0x68: {  	[tilespmem:s3+$0xFFFFFFB0] =	vst v0  }
0x69: {  	[tilespmem:s3+$0xFFFFFFA0] =	vst v0  }
0x6a: {  	[tilespmem:s3+$0xFFFFFF90] =	vst v0  }
0x6b: {  	[tilespmem:s3+$0xFFFFFF80] =	vst v0  }
0x6c: {  	[tilespmem:s3+$0xFFFFFF70] =	vst v0  }
.Ltmp0:
0x6d: {  	[tilespmem:s3+$0xFFFFFF60] =	vst v0;
	(pc) =	sbr.rel @p1 .LBB2_2-.Ltmp0, $4  }
0x6e: {  	[tilespmem:s3+$0xFFFFFF50] =	vst v0  }
0x6f: {  	[tilespmem:s3+$0xFFFFFF40] =	vst v0  }
0x70: {  	[tilespmem:s3+$0xFFFFFF30] =	vst v0  }
0x71: {  	[tilespmem:s3+$0xFFFFFF20] =	vst v0  }
0x72: {  	[smem:$0x7FC] =	sst s8  }
0x73: {  	s5 =	simm.s32 $0xB;
	[tilespmem:s3+$0xFFFFFF10] =	vst v0  }
0x74: {  	[spmem:s29] =	stream.linear.scatter [tilespmem:s10], [sflag:$0xB], $0x2800, $0x38;
	[tilespmem:$0x1DC80] =	vst v63  }
0x75: {  	_ =	swait.ge [sflag:s5], $0x2800  }
0x76: {  	[sflag:s5] =	ssyncset.done $0x0  }
0x77: {  	[sflag:s5] =	ssyncadd.s32 $0xFFFFD800  }
0x78: {  	[spmem:s16] =	stream.linear.scatter [tilespmem:s10], [sflag:$0xB], $0x2800, $0x38;
	[tilespmem:$0x1DC80] =	vst v63  }
0x79: {  	_ =	swait.ge [sflag:s5], $0x2800  }
0x7a: {  	[sflag:s5] =	ssyncset.done $0x0  }
0x7b: {  	[sflag:s5] =	ssyncadd.s32 $0xFFFFD800  }
0x7c: {  	[spmem:s30] =	stream.linear.scatter [tilespmem:s10], [sflag:$0xB], $0x2800, $0x38;
	[tilespmem:$0x1DC80] =	vst v63  }
0x7d: {  	_ =	swait.ge [sflag:s5], $0x2800  }
0x7e: {  	[sflag:s5] =	ssyncset.done $0x0  }
0x7f: {  	[sflag:s5] =	ssyncadd.s32 $0xFFFFD800  }
0x80: {  	[spmem:s31] =	stream.linear.scatter [tilespmem:s10], [sflag:$0xB], $0x2800, $0x38;
	[tilespmem:$0x1DC80] =	vst v63  }
0x81: {  	_ =	swait.ge [sflag:s5], $0x2800  }
0x82: {  	[sflag:s5] =	ssyncset.done $0x0  }
0x83: {  	s8 =	rddreg [dreg:$0x13];
	[sflag:s5] =	ssyncadd.s32 $0xFFFFD800  }
0x84: {  	[spmem:s8] =	stream.linear.scatter [tilespmem:s10], [sflag:$0xB], $0x2800, $0x38;
	[tilespmem:$0x1DC80] =	vst v63  }
0x85: {  	_ =	swait.ge [sflag:s5], $0x2800  }
0x86: {  	[sflag:s5] =	ssyncset.done $0x0  }
0x87: {  	s16 =	rddreg [dreg:$0x14];
	[sflag:s5] =	ssyncadd.s32 $0xFFFFD800  }
0x88: {  	[spmem:s16] =	stream.linear.scatter [tilespmem:s10], [sflag:$0xB], $0x2800, $0x38;
	[tilespmem:$0x1DC80] =	vst v63  }
0x89: {  	_ =	swait.ge [sflag:s5], $0x2800  }
0x8a: {  	[sflag:s5] =	ssyncset.done $0x0  }
0x8b: {  	s29 =	rddreg [dreg:$0x15];
	[sflag:s5] =	ssyncadd.s32 $0xFFFFD800  }
0x8c: {  	[spmem:s29] =	stream.linear.scatter [tilespmem:s10], [sflag:$0xB], $0x2800, $0x38;
	[tilespmem:$0x1DC80] =	vst v63  }
0x8d: {  	_ =	swait.ge [sflag:s5], $0x2800  }
0x8e: {  	[sflag:s5] =	ssyncset.done $0x0  }
0x8f: {  	s3 =	simm.s32 @!p0 $0x13C80;
	[sflag:s5] =	ssyncadd.s32 $0xFFFFD800;
	s5 =	rddreg [dreg:$0x16]  }
0x90: {  	[spmem:s5] =	stream.linear.scatter @!p0 [tilespmem:s3], [sflag:$0xB], $0x2800, $0x38;
	[tilespmem:$0x1DC80] =	vst v63  }
0x91: {  	s3 =	simm.s32 @!p0 $0xB  }
0x92: {  	_ =	swait.ge @!p0 [sflag:s3], $0x2800  }
0x93: {  	[sflag:s3] =	ssyncset.done @!p0 $0x0  }
0x94: {  	[sflag:s3] =	ssyncadd.s32 @!p0 $0xFFFFD800  }
0x95: {  	[bflag:$0x0] =	sbarrier.arrive $0xFFFF  }
0x96: {  	s31 =	simm.s32 $0x0;
	s30 =	rddreg [dreg:$0x17]  }
0x97: {  	[tilespmem:s12], [sflag:$0x1] =	stream.linear.gather [hbm4b:s30+s31], $0x50, $0x38;
	[tilespmem:$0x1DC80] =	vst v63  }
0x98: {  	s5 =	rddreg [dreg:$0x18]  }
0x99: {  	[tilespmem:s13], [sflag:$0x1] =	stream.linear.gather [hbm4b:s5+s31], $0x50, $0x38;
	[tilespmem:$0x1DC80] =	vst v63  }
0x9a: {  	s8 =	rddreg [dreg:$0x19]  }
0x9b: {  	[tilespmem:s21], [sflag:$0x2] =	stream.linear.gather [hbm4b:s8+s31], $0x50, $0x38;
	[tilespmem:$0x1DC80] =	vst v63  }
0x9c: {  	s29 =	simm.s32 $0x13B00;
	s16 =	rddreg [dreg:$0x1a]  }
0x9d: {  	[tilespmem:s29], [sflag:$0x2] =	stream.linear.gather [hbm4b:s16+s31], $0x50, $0x38;
	[tilespmem:$0x1DC80] =	vst v63  }
0x9e: {  	_ =	swait.ge [sflag:s25], $0x50  }
0x9f: {  	[sflag:s25] =	ssyncset.done $0x0  }
0xa0: {  	[sflag:s25] =	ssyncadd.s32 $0xFFFFFFB0  }
0xa1: {  	_ =	swait.ge [sflag:s25], $0x50  }
0xa2: {  	[sflag:s25] =	ssyncset.done $0x0  }
0xa3: {  	s30 =	rddreg [dreg:$0x1b];
	[sflag:s25] =	ssyncadd.s32 $0xFFFFFFB0  }
0xa4: {  	[tilespmem:s10], [sflag:$0x5] =	stream.linear.gather [hbm4b:s30+s31], $0x2800, $0x38;
	[tilespmem:$0x1DC80] =	vst v63  }
0xa5: {  	_ = 	snop  }
0xa6: {  	[tilespmem:s28], [sflag:$0x7] =	stream.indirect.gather [hbm4b:s1+s26], $0x80, s12, s26, $0xb8;
	[tilespmem:$0x1DC80] =	vst v63  }
.LBB2_4:
0xa7: {  	s5 =	smul.u32 $0x140, s31  }
0xa8: {  	s3 =	rddreg [dreg:$0x1c]  }
0xa9: {  	s3 =	sadd.s32 s5, s3  }
0xaa: {  	s8 =	sshrl.u32 s3, $0x3  }
0xab: {  	s29 =	simm.s32 $0x13980;
	s16 =	sadd.s32 s2, s8  }
0xac: {  	[tilespmem:s29], [sflag:$0x3] =	stream.linear.gather [hbm4b:s16+s7], $0x50, $0x38;
	[tilespmem:$0x1DC80] =	vst v63  }
0xad: {  	s8 =	sadd.s32 s4, s8;
	s16 =	simm.s32 $0x13B80  }
0xae: {  	[tilespmem:s16], [sflag:$0x3] =	stream.linear.gather [hbm4b:s8+s7], $0x50, $0x38;
	[tilespmem:$0x1DC80] =	vst v63  }
0xaf: {  	_ =	swait.ge [sflag:s9], $0x50  }
0xb0: {  	[sflag:s9] =	ssyncset.done $0x0  }
0xb1: {  	[sflag:s9] =	ssyncadd.s32 $0xFFFFFFB0  }
0xb2: {  	_ =	swait.ge [sflag:s9], $0x50  }
0xb3: {  	p1 =	seq.s32 s31, $0x0;
	[sflag:s9] =	ssyncset.done $0x0  }
0xb4: {  	s16 =	simm.s32 $0x1B480;
	s8 =	simm.s32 @!p1 $0xA;
	[sflag:s9] =	ssyncadd.s32 $0xFFFFFFB0  }
0xb5: {  	[tilespmem:s16], [sflag:$0x8] =	stream.indirect.gather [hbm4b:s1+s26], $0x80, s21, s26, $0xb8;
	[tilespmem:$0x1DC80] =	vst v63  }
0xb6: {  	s16 =	sadd.s32 s5, s20;
	_ =	swait.ge @!p1 [sflag:s8], $0x2800  }
0xb7: {  	s16 =	sshll.u32 s16, $0x4;
	[sflag:s8] =	ssyncset.done @!p1 $0x0  }
0xb8: {  	s16 =	sadd.s32 s0, s16;
	[sflag:s8] =	ssyncadd.s32 @!p1 $0xFFFFD800  }
0xb9: {  	[tilespmem:s17], [sflag:$0x6] =	stream.linear.gather [hbm4b:s16+s7], $0x2800, $0x38;
	[tilespmem:$0x1DC80] =	vst v63  }
0xba: {  	_ =	swait.ge [sflag:s18], $0x2800  }
0xbb: {  	[sflag:s18] =	ssyncset.done $0x0  }
0xbc: {  	[sflag:s18] =	ssyncadd.s32 $0xFFFFD800  }
0xbd: {  	_ =	swait.ge [sflag:s19], $0x2800  }
0xbe: {  	[sflag:s19] =	ssyncset.done $0x0  }
0xbf: {  	s16 =	simm.s32 $0x18E80;
	[sflag:s19] =	ssyncadd.s32 $0xFFFFD800  }
0xc0: {  	s8 =	simm.s32 $0x13E80;
	v1 =	vld [tilespmem:s16+$0x180]  }
0xc1: {  	v2 =	vld [tilespmem:s8+$0x180]  }
0xc2: {  	v3 =	vld [tilespmem:s8+$0xFFFFFE00]  }
0xc3: {  	v4 =	vld [tilespmem:s16+$0xFFFFFE80]  }
0xc4: {  	v5 =	vld [tilespmem:s8+$0xFFFFFE80]  }
0xc5: {  	v6 =	vld [tilespmem:s16+$0xFFFFFF00]  }
0xc6: {  	v7 =	vld [tilespmem:s8+$0xFFFFFF00]  }
0xc7: {  	v8 =	vld [tilespmem:s8+$0xFFFFFF80]  }
0xc8: {  	v10 =	vld [tilespmem:s16+$0x0]  }
0xc9: {  	v11 =	vld [tilespmem:s8+$0x0]  }
0xca: {  	v12 =	vld [tilespmem:s16+$0x80]  }
0xcb: {  	v13 =	vld [tilespmem:s8+$0x80]  }
0xcc: {  	v14 =	vld [tilespmem:s16+$0x100]  }
0xcd: {  	v41 =	vld [tilespmem:s8+$0xFFFFFF10]  }
0xce: {  	v42 =	vld [tilespmem:s8+$0xFFFFFF90]  }
0xcf: {  	v43 =	vld [tilespmem:s8+$0x10]  }
0xd0: {  	v44 =	vld [tilespmem:s8+$0xFFFFFF20]  }
0xd1: {  	v45 =	vld [tilespmem:s8+$0xFFFFFFA0]  }
0xd2: {  	v46 =	vld [tilespmem:s8+$0x20]  }
0xd3: {  	v15 =	vld [tilespmem:s8+$0xA0]  }
0xd4: {  	v47 =	vld [tilespmem:s8+$0xFFFFFF30]  }
0xd5: {  	v48 =	vld [tilespmem:s8+$0xFFFFFFB0]  }
0xd6: {  	v49 =	vld [tilespmem:s8+$0x30]  }
0xd7: {  	v51 =	vld [tilespmem:s8+$0xFFFFFFC0]  }
0xd8: {  	v52 =	vld [tilespmem:s8+$0x40];
	v1 =	vmul.f32 v2, v1  }
0xd9: {  	v53 =	vld [tilespmem:s8+$0xC0]  }
0xda: {  	[tilespmem:s8+$0x180] =	vst v1;
	v1 =	vld [tilespmem:s8+$0x190]  }
0xdb: {  	v2 =	vld [tilespmem:s16+$0x190]  }
0xdc: {  	v54 =	vld [tilespmem:s8+$0xFFFFFF50]  }
0xdd: {  	v55 =	vld [tilespmem:s8+$0xFFFFFFD0]  }
0xde: {  	v56 =	vld [tilespmem:s8+$0xD0]  }
0xdf: {  	v57 =	vld [tilespmem:s8+$0xFFFFFE60]  }
0xe0: {  	v58 =	vld [tilespmem:s8+$0xFFFFFFE0];
	v1 =	vmul.f32 v1, v2  }
0xe1: {  	v59 =	vld [tilespmem:s8+$0x60]  }
0xe2: {  	[tilespmem:s8+$0x190] =	vst v1;
	v1 =	vld [tilespmem:s8+$0x1A0]  }
0xe3: {  	v9 =	vld [tilespmem:s16+$0x1A0]  }
0xe4: {  	v4 =	vmul.f32 v5, v4;
	v5 =	vld [tilespmem:s16+$0xFFFFFE00]  }
0xe5: {  	v60 =	vld [tilespmem:s8+$0xE0]  }
0xe6: {  	v2 =	vld [tilespmem:s16+$0xFFFFFF80]  }
0xe7: {  	v61 =	vld [tilespmem:s8+$0xFFFFFE70]  }
0xe8: {  	v1 =	vmul.f32 v1, v9;
	v9 =	vld [tilespmem:s8+$0x100]  }
0xe9: {  	v63 =	vld [tilespmem:s8+$0xFFFFFEF0];
	[tilespmem:s8+$0xFFFFFE80] =	vst v4;
	v3 =	vmul.f32 v3, v5  }
0xea: {  	[tilespmem:s8+$0x1A0] =	vst v1;
	v1 =	vmul.f32 v7, v6;
	v6 =	vld [tilespmem:s8+$0x1B0]  }
0xeb: {  	[tilespmem:s8+$0xFFFFFE00] =	vst v3;
	v2 =	vmul.f32 v8, v2;
	v4 =	vld [tilespmem:s16+$0x1B0]  }
0xec: {  	v7 =	vld [tilespmem:s16+$0xFFFFFE90];
	[tilespmem:s8+$0xFFFFFF00] =	vst v1;
	v1 =	vmul.f32 v11, v10  }
0xed: {  	[tilespmem:s8+$0xFFFFFF80] =	vst v2;
	v10 =	vld [tilespmem:s8+$0xFFFFFE10];
	v5 =	vmul.f32 v9, v14  }
0xee: {  	v2 =	vmul.f32 v13, v12;
	[tilespmem:s8+$0x0] =	vst v1;
	v1 =	vld [tilespmem:s16+$0xFFFFFF90]  }
0xef: {  	[tilespmem:s8+$0x100] =	vst v5;
	v5 =	vld [tilespmem:s16+$0xFFFFFE10]  }
0xf0: {  	[tilespmem:s8+$0x80] =	vst v2;
	v2 =	vld [tilespmem:s16+$0x10];
	v4 =	vmul.f32 v6, v4  }
0xf1: {  	v6 =	vld [tilespmem:s16+$0x110]  }
0xf2: {  	[tilespmem:s8+$0x1B0] =	vst v4;
	v4 =	vld [tilespmem:s8+$0x1C0]  }
0xf3: {  	v9 =	vld [tilespmem:s16+$0x1C0]  }
0xf4: {  	v5 =	vmul.f32 v10, v5;
	v10 =	vld [tilespmem:s8+$0x110]  }
0xf5: {  	v3 =	vld [tilespmem:s16+$0x90]  }
0xf6: {  	v11 =	vld [tilespmem:s8+$0xFFFFFE90];
	v1 =	vmul.f32 v42, v1  }
0xf7: {  	v8 =	vld [tilespmem:s16+$0xFFFFFF10];
	v2 =	vmul.f32 v43, v2  }
0xf8: {  	[tilespmem:s8+$0xFFFFFF90] =	vst v1;
	v4 =	vmul.f32 v4, v9;
	v9 =	vld [tilespmem:s8+$0x90]  }
0xf9: {  	[tilespmem:s8+$0x10] =	vst v2;
	v2 =	vmul.f32 v10, v6;
	v6 =	vld [tilespmem:s16+$0xFFFFFFA0]  }
0xfa: {  	v10 =	vld [tilespmem:s8+$0xFFFFFE20]  }
0xfb: {  	[tilespmem:s8+$0x1C0] =	vst v4;
	v4 =	vmul.f32 v11, v7;
	v7 =	vld [tilespmem:s8+$0x1D0]  }
0xfc: {  	v11 =	vld [tilespmem:s8+$0xFFFFFEA0]  }
0xfd: {  	[tilespmem:s8+$0xFFFFFE10] =	vst v5;
	v5 =	vmul.f32 v41, v8;
	v8 =	vld [tilespmem:s16+$0x1D0]  }
0xfe: {  	[tilespmem:s8+$0xFFFFFE90] =	vst v4;
	v4 =	vld [tilespmem:s16+$0xFFFFFE20]  }
0xff: {  	[tilespmem:s8+$0xFFFFFF10] =	vst v5;
	v5 =	vld [tilespmem:s16+$0xFFFFFEA0];
	v1 =	vmul.f32 v9, v3  }
0x100: {  	v3 =	vld [tilespmem:s16+$0xFFFFFF20]  }
0x101: {  	v9 =	vld [tilespmem:s16+$0x20];
	[tilespmem:s8+$0x90] =	vst v1  }
0x102: {  	[tilespmem:s8+$0x110] =	vst v2;
	v1 =	vmul.f32 v7, v8;
	v7 =	vld [tilespmem:s16+$0xA0]  }
0x103: {  	v8 =	vld [tilespmem:s16+$0x120]  }
0x104: {  	[tilespmem:s8+$0x1D0] =	vst v1;
	v1 =	vld [tilespmem:s8+$0x1E0];
	v5 =	vmul.f32 v11, v5  }
0x105: {  	v3 =	vmul.f32 v44, v3;
	v2 =	vld [tilespmem:s16+$0x1E0]  }
0x106: {  	v11 =	vld [tilespmem:s8+$0xFFFFFEB0];
	[tilespmem:s8+$0xFFFFFEA0] =	vst v5;
	v5 =	vmul.f32 v45, v6  }
0x107: {  	[tilespmem:s8+$0xFFFFFF20] =	vst v3;
	v3 =	vmul.f32 v46, v9;
	v9 =	vld [tilespmem:s16+$0xFFFFFEB0]  }
0x108: {  	[tilespmem:s8+$0xFFFFFFA0] =	vst v5;
	v5 =	vmul.f32 v15, v7;
	v7 =	vld [tilespmem:s16+$0xFFFFFF30]  }
0x109: {  	[tilespmem:s8+$0x20] =	vst v3;
	v3 =	vld [tilespmem:s16+$0xFFFFFFB0]  }
0x10a: {  	v1 =	vmul.f32 v1, v2;
	v2 =	vmul.f32 v10, v4;
	v4 =	vld [tilespmem:s8+$0x120]  }
0x10b: {  	[tilespmem:s8+$0xA0] =	vst v5;
	v5 =	vld [tilespmem:s16+$0x30]  }
0x10c: {  	[tilespmem:s8+$0x1E0] =	vst v1;
	v1 =	vld [tilespmem:s8+$0x1F0]  }
0x10d: {  	v9 =	vmul.f32 v11, v9;
	v11 =	vld [tilespmem:s8+$0x130]  }
0x10e: {  	[tilespmem:s8+$0xFFFFFE20] =	vst v2;
	v2 =	vld [tilespmem:s16+$0x1F0]  }
0x10f: {  	v6 =	vld [tilespmem:s16+$0xFFFFFE30];
	v4 =	vmul.f32 v4, v8  }
0x110: {  	v8 =	vld [tilespmem:s16+$0xB0]  }
0x111: {  	v7 =	vmul.f32 v47, v7;
	[tilespmem:s8+$0x120] =	vst v4;
	v4 =	vld [tilespmem:s8+$0xFFFFFE30]  }
0x112: {  	[tilespmem:s8+$0xFFFFFEB0] =	vst v9;
	v10 =	vld [tilespmem:s16+$0x130]  }
0x113: {  	v9 =	vld [tilespmem:s16+$0xFFFFFEC0];
	[tilespmem:s8+$0xFFFFFF30] =	vst v7;
	v1 =	vmul.f32 v1, v2  }
0x114: {  	v7 =	vld [tilespmem:s16+$0xFFFFFF40]  }
0x115: {  	v5 =	vmul.f32 v49, v5;
	[tilespmem:s8+$0x1F0] =	vst v1;
	v1 =	vld [tilespmem:s8+$0xF0]  }
0x116: {  	v4 =	vmul.f32 v4, v6;
	v6 =	vld [tilespmem:s8+$0xB0]  }
0x117: {  	[tilespmem:s8+$0x30] =	vst v5;
	v5 =	vmul.f32 v11, v10;
	v11 =	vld [tilespmem:s8+$0xFFFFFF40]  }
0x118: {  	[tilespmem:s8+$0xFFFFFE30] =	vst v4;
	v4 =	vld [tilespmem:s8+$0xFFFFFE40]  }
0x119: {  	v50 =	vld [tilespmem:s16+$0xFFFFFE40]  }
0x11a: {  	v3 =	vmul.f32 v48, v3;
	v10 =	vld [tilespmem:s8+$0xFFFFFEC0];
	[tilespmem:s8+$0x130] =	vst v5  }
0x11b: {  	v5 =	vld [tilespmem:s16+$0x140]  }
0x11c: {  	[tilespmem:s8+$0xFFFFFFB0] =	vst v3;
	v3 =	vmul.f32 v6, v8;
	v8 =	vld [tilespmem:s16+$0x40]  }
0x11d: {  	v6 =	vld [tilespmem:s16+$0xFFFFFFC0];
	v7 =	vmul.f32 v11, v7  }
0x11e: {  	v11 =	vld [tilespmem:s8+$0xFFFFFE50];
	[tilespmem:s8+$0xB0] =	vst v3;
	v4 =	vmul.f32 v4, v50  }
0x11f: {  	v3 =	vld [tilespmem:s16+$0xC0];
	[tilespmem:s8+$0xFFFFFF40] =	vst v7  }
0x120: {  	[tilespmem:s8+$0xFFFFFE40] =	vst v4;
	v4 =	vmul.f32 v10, v9;
	v9 =	vld [tilespmem:s8+$0x140]  }
0x121: {  	v7 =	vmul.f32 v52, v8;
	v8 =	vld [tilespmem:s16+$0xFFFFFF50]  }
0x122: {  	v10 =	vld [tilespmem:s16+$0xFFFFFE50];
	[tilespmem:s8+$0xFFFFFEC0] =	vst v4;
	v4 =	vmul.f32 v51, v6  }
0x123: {  	[tilespmem:s8+$0x40] =	vst v7;
	v6 =	vld [tilespmem:s16+$0xFFFFFED0]  }
0x124: {  	v3 =	vmul.f32 v53, v3;
	v7 =	vld [tilespmem:s16+$0x50];
	[tilespmem:s8+$0xFFFFFFC0] =	vst v4  }
0x125: {  	v4 =	vld [tilespmem:s16+$0xFFFFFFD0]  }
0x126: {  	v5 =	vmul.f32 v9, v5;
	[tilespmem:s8+$0xC0] =	vst v3;
	v9 =	vld [tilespmem:s8+$0xFFFFFED0]  }
0x127: {  	v8 =	vmul.f32 v54, v8;
	v3 =	vld [tilespmem:s16+$0xD0]  }
0x128: {  	v10 =	vmul.f32 v11, v10;
	v11 =	vld [tilespmem:s8+$0x50];
	[tilespmem:s8+$0x140] =	vst v5  }
0x129: {  	[tilespmem:s8+$0xFFFFFF50] =	vst v8;
	v5 =	vld [tilespmem:s16+$0x150]  }
0x12a: {  	[tilespmem:s8+$0xFFFFFE50] =	vst v10;
	v8 =	vld [tilespmem:s16+$0xFFFFFF60]  }
0x12b: {  	v10 =	vld [tilespmem:s16+$0xFFFFFE60];
	v6 =	vmul.f32 v9, v6  }
0x12c: {  	v9 =	vld [tilespmem:s8+$0x150];
	v4 =	vmul.f32 v55, v4  }
0x12d: {  	v7 =	vmul.f32 v11, v7;
	v11 =	vld [tilespmem:s8+$0xFFFFFF60];
	[tilespmem:s8+$0xFFFFFED0] =	vst v6  }
0x12e: {  	[tilespmem:s8+$0xFFFFFFD0] =	vst v4;
	v6 =	vld [tilespmem:s16+$0xFFFFFEE0]  }
0x12f: {  	v3 =	vmul.f32 v56, v3;
	v4 =	vld [tilespmem:s16+$0xFFFFFFE0];
	[tilespmem:s8+$0x50] =	vst v7  }
0x130: {  	v7 =	vld [tilespmem:s16+$0x60]  }
0x131: {  	[tilespmem:s8+$0xD0] =	vst v3;
	v10 =	vmul.f32 v57, v10;
	v5 =	vmul.f32 v9, v5;
	v9 =	vld [tilespmem:s8+$0xFFFFFEE0]  }
0x132: {  	v3 =	vld [tilespmem:s16+$0xE0]  }
0x133: {  	[tilespmem:s8+$0xFFFFFE60] =	vst v10;
	v10 =	vld [tilespmem:s8+$0xFFFFFF70]  }
0x134: {  	v8 =	vmul.f32 v11, v8;
	[tilespmem:s8+$0x150] =	vst v5;
	v11 =	vld [tilespmem:s16+$0xFFFFFE70];
	v4 =	vmul.f32 v58, v4  }
0x135: {  	v5 =	vld [tilespmem:s16+$0x160]  }
0x136: {  	v6 =	vmul.f32 v9, v6;
	v9 =	vld [tilespmem:s8+$0x160];
	[tilespmem:s8+$0xFFFFFFE0] =	vst v4  }
0x137: {  	[tilespmem:s8+$0xFFFFFF60] =	vst v8;
	v3 =	vmul.f32 v60, v3;
	v4 =	vld [tilespmem:s16+$0xFFFFFFF0]  }
0x138: {  	[tilespmem:s8+$0xFFFFFEE0] =	vst v6;
	v6 =	vmul.f32 v59, v7;
	v7 =	vld [tilespmem:s16+$0xFFFFFF70]  }
0x139: {  	[tilespmem:s8+$0xE0] =	vst v3;
	v62 =	vld [tilespmem:s16+$0xFFFFFEF0]  }
0x13a: {  	[tilespmem:s8+$0x60] =	vst v6;
	v6 =	vld [tilespmem:s16+$0xF0]  }
0x13b: {  	v8 =	vmul.f32 v9, v5;
	v5 =	vld [tilespmem:s16+$0x70]  }
0x13c: {  	v2 =	vmul.f32 v61, v11;
	v9 =	vld [tilespmem:s8+$0xFFFFFFF0]  }
0x13d: {  	[tilespmem:s8+$0x160] =	vst v8;
	v8 =	vld [tilespmem:s8+$0x70]  }
0x13e: {  	[tilespmem:s8+$0xFFFFFE70] =	vst v2;
	v2 =	vld [tilespmem:s8+$0x170]  }
0x13f: {  	s30 =	simm.s32 $0x0;
	s29 =	simm.s32 $0x13E80;
	v3 =	vld [tilespmem:s16+$0x170];
	v11 =	vmul.f32 v63, v62;
	s16 =	simm.s32 $0x19280  }
.LBB2_5:
0x140: {  	v12 =	vld [tilespmem:s16+$0x180];
	v7 =	vmul.f32 v10, v7;
	s8 =	sadd.s32 $0x400, s8  }
0x141: {  	s30 =	sadd.s32 $0x8, s30;
	v10 =	vld [tilespmem:s8+$0x180];
	[tilespmem:s29+$0xFFFFFEF0] =	vst v11;
	v4 =	vmul.f32 v9, v4  }
0x142: {  	p1 =	slt.u32 s30, $0x48;
	v9 =	vld [tilespmem:s8+$0xFFFFFE00];
	[tilespmem:s29+$0xFFFFFF70] =	vst v7;
	v5 =	vmul.f32 v8, v5  }
0x143: {  	v7 =	vld [tilespmem:s16+$0xFFFFFE80];
	[tilespmem:s29+$0xFFFFFFF0] =	vst v4;
	v1 =	vmul.f32 v1, v6  }
0x144: {  	v4 =	vld [tilespmem:s8+$0xFFFFFE80];
	[tilespmem:s29+$0x70] =	vst v5;
	v2 =	vmul.f32 v2, v3  }
0x145: {  	v3 =	vld [tilespmem:s16+$0xFFFFFF00];
	[tilespmem:s29+$0xF0] =	vst v1  }
0x146: {  	v1 =	vld [tilespmem:s8+$0xFFFFFF00];
	v5 =	vmul.f32 v10, v12;
	[tilespmem:s29+$0x170] =	vst v2;
	s29 =	smov.u32 s8  }
0x147: {  	v2 =	vld [tilespmem:s16+$0xFFFFFF80]  }
0x148: {  	[tilespmem:s8+$0x180] =	vst v5;
	v5 =	vld [tilespmem:s8+$0x190]  }
0x149: {  	v4 =	vmul.f32 v4, v7;
	v6 =	vld [tilespmem:s16+$0x190]  }
0x14a: {  	v7 =	vld [tilespmem:s8+$0xFFFFFF80]  }
0x14b: {  	[tilespmem:s8+$0xFFFFFE80] =	vst v4;
	v1 =	vmul.f32 v1, v3;
	v3 =	vld [tilespmem:s16+$0x0]  }
0x14c: {  	v4 =	vld [tilespmem:s8+$0x0]  }
0x14d: {  	[tilespmem:s8+$0xFFFFFF00] =	vst v1;
	v1 =	vld [tilespmem:s16+$0x80]  }
0x14e: {  	v8 =	vld [tilespmem:s8+$0x80];
	v5 =	vmul.f32 v5, v6  }
0x14f: {  	v2 =	vmul.f32 v7, v2;
	v6 =	vld [tilespmem:s16+$0x100]  }
0x150: {  	[tilespmem:s8+$0x190] =	vst v5;
	v5 =	vld [tilespmem:s8+$0x1A0]  }
0x151: {  	[tilespmem:s8+$0xFFFFFF80] =	vst v2;
	v2 =	vmul.f32 v4, v3;
	v3 =	vld [tilespmem:s16+$0x1A0]  }
0x152: {  	v4 =	vld [tilespmem:s8+$0x100]  }
0x153: {  	v7 =	vld [tilespmem:s16+$0xFFFFFE00];
	[tilespmem:s8+$0x0] =	vst v2;
	v1 =	vmul.f32 v8, v1  }
0x154: {  	v2 =	vld [tilespmem:s16+$0xFFFFFE90]  }
0x155: {  	v8 =	vld [tilespmem:s16+$0xFFFFFF10];
	[tilespmem:s8+$0x80] =	vst v1  }
0x156: {  	v1 =	vld [tilespmem:s16+$0xFFFFFF90];
	v3 =	vmul.f32 v5, v3  }
0x157: {  	v5 =	vld [tilespmem:s16+$0x10];
	v4 =	vmul.f32 v4, v6  }
0x158: {  	v6 =	vmul.f32 v9, v7;
	[tilespmem:s8+$0x1A0] =	vst v3;
	v3 =	vld [tilespmem:s8+$0x1B0]  }
0x159: {  	[tilespmem:s8+$0x100] =	vst v4;
	v4 =	vld [tilespmem:s16+$0x1B0]  }
0x15a: {  	[tilespmem:s8+$0xFFFFFE00] =	vst v6;
	v6 =	vld [tilespmem:s16+$0x90]  }
0x15b: {  	v7 =	vld [tilespmem:s16+$0xFFFFFE10]  }
0x15c: {  	v9 =	vld [tilespmem:s16+$0x110]  }
0x15d: {  	v10 =	vld [tilespmem:s8+$0xFFFFFE10]  }
0x15e: {  	v11 =	vld [tilespmem:s8+$0xFFFFFE90];
	v3 =	vmul.f32 v3, v4  }
0x15f: {  	v4 =	vld [tilespmem:s8+$0xFFFFFF10]  }
0x160: {  	[tilespmem:s8+$0x1B0] =	vst v3;
	v3 =	vld [tilespmem:s8+$0x1C0]  }
0x161: {  	v12 =	vld [tilespmem:s16+$0x1C0]  }
0x162: {  	v7 =	vmul.f32 v10, v7;
	v10 =	vld [tilespmem:s8+$0xFFFFFF90]  }
0x163: {  	v2 =	vmul.f32 v11, v2;
	v11 =	vld [tilespmem:s8+$0x10]  }
0x164: {  	[tilespmem:s8+$0xFFFFFE10] =	vst v7;
	v4 =	vmul.f32 v4, v8;
	v7 =	vld [tilespmem:s8+$0x90]  }
0x165: {  	[tilespmem:s8+$0xFFFFFE90] =	vst v2;
	v2 =	vld [tilespmem:s8+$0x110]  }
0x166: {  	v8 =	vld [tilespmem:s16+$0xFFFFFE20];
	[tilespmem:s8+$0xFFFFFF10] =	vst v4;
	v3 =	vmul.f32 v3, v12  }
0x167: {  	v4 =	vld [tilespmem:s16+$0xFFFFFEA0];
	v1 =	vmul.f32 v10, v1  }
0x168: {  	v5 =	vmul.f32 v11, v5;
	[tilespmem:s8+$0x1C0] =	vst v3;
	v3 =	vld [tilespmem:s8+$0x1D0]  }
0x169: {  	[tilespmem:s8+$0xFFFFFF90] =	vst v1;
	v1 =	vmul.f32 v7, v6;
	v6 =	vld [tilespmem:s16+$0x1D0]  }
0x16a: {  	v7 =	vld [tilespmem:s16+$0xFFFFFF20];
	[tilespmem:s8+$0x10] =	vst v5;
	v2 =	vmul.f32 v2, v9  }
0x16b: {  	v5 =	vld [tilespmem:s16+$0xFFFFFFA0];
	[tilespmem:s8+$0x90] =	vst v1  }
0x16c: {  	v1 =	vld [tilespmem:s16+$0x20];
	[tilespmem:s8+$0x110] =	vst v2  }
0x16d: {  	v2 =	vld [tilespmem:s16+$0xA0]  }
0x16e: {  	v9 =	vld [tilespmem:s16+$0x120];
	v3 =	vmul.f32 v3, v6  }
0x16f: {  	v6 =	vld [tilespmem:s8+$0xFFFFFE20]  }
0x170: {  	[tilespmem:s8+$0x1D0] =	vst v3;
	v3 =	vld [tilespmem:s8+$0x1E0]  }
0x171: {  	v10 =	vld [tilespmem:s16+$0x1E0]  }
0x172: {  	v11 =	vld [tilespmem:s8+$0xFFFFFEA0]  }
0x173: {  	v12 =	vld [tilespmem:s8+$0xFFFFFF20]  }
0x174: {  	v6 =	vmul.f32 v6, v8;
	v8 =	vld [tilespmem:s8+$0xFFFFFFA0]  }
0x175: {  	v13 =	vld [tilespmem:s8+$0x20]  }
0x176: {  	[tilespmem:s8+$0xFFFFFE20] =	vst v6;
	v6 =	vld [tilespmem:s8+$0xA0];
	v3 =	vmul.f32 v3, v10  }
0x177: {  	v4 =	vmul.f32 v11, v4;
	v10 =	vld [tilespmem:s8+$0x120]  }
0x178: {  	v7 =	vmul.f32 v12, v7;
	[tilespmem:s8+$0x1E0] =	vst v3;
	v3 =	vld [tilespmem:s8+$0x1F0]  }
0x179: {  	[tilespmem:s8+$0xFFFFFEA0] =	vst v4;
	v4 =	vmul.f32 v8, v5;
	v5 =	vld [tilespmem:s16+$0x1F0]  }
0x17a: {  	v8 =	vld [tilespmem:s16+$0xFFFFFE30];
	[tilespmem:s8+$0xFFFFFF20] =	vst v7;
	v1 =	vmul.f32 v13, v1  }
0x17b: {  	v7 =	vld [tilespmem:s16+$0xFFFFFEB0];
	[tilespmem:s8+$0xFFFFFFA0] =	vst v4;
	v2 =	vmul.f32 v6, v2  }
0x17c: {  	v4 =	vld [tilespmem:s16+$0xFFFFFF30];
	[tilespmem:s8+$0x20] =	vst v1;
	v1 =	vmul.f32 v10, v9  }
0x17d: {  	v6 =	vld [tilespmem:s16+$0xFFFFFFB0];
	[tilespmem:s8+$0xA0] =	vst v2  }
0x17e: {  	v2 =	vld [tilespmem:s16+$0x30];
	[tilespmem:s8+$0x120] =	vst v1;
	v1 =	vmul.f32 v3, v5  }
0x17f: {  	v3 =	vld [tilespmem:s16+$0xB0]  }
0x180: {  	v5 =	vld [tilespmem:s16+$0x130];
	[tilespmem:s8+$0x1F0] =	vst v1  }
0x181: {  	v1 =	vld [tilespmem:s8+$0xFFFFFE30]  }
0x182: {  	v9 =	vld [tilespmem:s8+$0xFFFFFEB0]  }
0x183: {  	v10 =	vld [tilespmem:s8+$0xFFFFFF30]  }
0x184: {  	v11 =	vld [tilespmem:s8+$0xFFFFFFB0]  }
0x185: {  	v12 =	vld [tilespmem:s8+$0x30]  }
0x186: {  	v1 =	vmul.f32 v1, v8;
	v8 =	vld [tilespmem:s8+$0xB0]  }
0x187: {  	v7 =	vmul.f32 v9, v7;
	v9 =	vld [tilespmem:s8+$0x130]  }
0x188: {  	[tilespmem:s8+$0xFFFFFE30] =	vst v1;
	v1 =	vld [tilespmem:s8+$0xFFFFFE40];
	v4 =	vmul.f32 v10, v4  }
0x189: {  	v10 =	vld [tilespmem:s16+$0xFFFFFE40];
	[tilespmem:s8+$0xFFFFFEB0] =	vst v7;
	v6 =	vmul.f32 v11, v6  }
0x18a: {  	v7 =	vld [tilespmem:s16+$0xFFFFFEC0];
	[tilespmem:s8+$0xFFFFFF30] =	vst v4;
	v2 =	vmul.f32 v12, v2  }
0x18b: {  	v4 =	vld [tilespmem:s16+$0xFFFFFF40];
	[tilespmem:s8+$0xFFFFFFB0] =	vst v6;
	v3 =	vmul.f32 v8, v3  }
0x18c: {  	v6 =	vld [tilespmem:s16+$0xFFFFFFC0];
	[tilespmem:s8+$0x30] =	vst v2;
	v2 =	vmul.f32 v9, v5  }
0x18d: {  	v5 =	vld [tilespmem:s16+$0x40];
	[tilespmem:s8+$0xB0] =	vst v3  }
0x18e: {  	v1 =	vmul.f32 v1, v10;
	v3 =	vld [tilespmem:s16+$0xC0];
	[tilespmem:s8+$0x130] =	vst v2  }
0x18f: {  	v2 =	vld [tilespmem:s16+$0x140]  }
0x190: {  	[tilespmem:s8+$0xFFFFFE40] =	vst v1;
	v1 =	vld [tilespmem:s8+$0xFFFFFEC0]  }
0x191: {  	v8 =	vld [tilespmem:s8+$0xFFFFFF40]  }
0x192: {  	v9 =	vld [tilespmem:s8+$0xFFFFFFC0]  }
0x193: {  	v10 =	vld [tilespmem:s8+$0x40]  }
0x194: {  	v11 =	vld [tilespmem:s8+$0xC0]  }
0x195: {  	v1 =	vmul.f32 v1, v7;
	v7 =	vld [tilespmem:s8+$0x140]  }
0x196: {  	v12 =	vld [tilespmem:s16+$0xFFFFFE50];
	v4 =	vmul.f32 v8, v4  }
0x197: {  	v8 =	vld [tilespmem:s8+$0xFFFFFE50];
	[tilespmem:s8+$0xFFFFFEC0] =	vst v1;
	v1 =	vmul.f32 v9, v6  }
0x198: {  	v6 =	vld [tilespmem:s16+$0xFFFFFED0];
	[tilespmem:s8+$0xFFFFFF40] =	vst v4;
	v4 =	vmul.f32 v10, v5  }
0x199: {  	v5 =	vld [tilespmem:s16+$0xFFFFFF50];
	[tilespmem:s8+$0xFFFFFFC0] =	vst v1;
	v1 =	vmul.f32 v11, v3  }
0x19a: {  	v3 =	vld [tilespmem:s16+$0xFFFFFFD0];
	[tilespmem:s8+$0x40] =	vst v4;
	v2 =	vmul.f32 v7, v2  }
0x19b: {  	v4 =	vld [tilespmem:s16+$0x50];
	[tilespmem:s8+$0xC0] =	vst v1  }
0x19c: {  	v1 =	vmul.f32 v8, v12;
	v7 =	vld [tilespmem:s16+$0xD0];
	[tilespmem:s8+$0x140] =	vst v2  }
0x19d: {  	v2 =	vld [tilespmem:s16+$0x150]  }
0x19e: {  	[tilespmem:s8+$0xFFFFFE50] =	vst v1;
	v1 =	vld [tilespmem:s8+$0xFFFFFED0]  }
0x19f: {  	v8 =	vld [tilespmem:s8+$0xFFFFFF50]  }
0x1a0: {  	v9 =	vld [tilespmem:s8+$0xFFFFFFD0]  }
0x1a1: {  	v10 =	vld [tilespmem:s8+$0x50]  }
0x1a2: {  	v11 =	vld [tilespmem:s8+$0xD0]  }
0x1a3: {  	v1 =	vmul.f32 v1, v6;
	v6 =	vld [tilespmem:s8+$0x150]  }
0x1a4: {  	v12 =	vld [tilespmem:s16+$0xFFFFFE60];
	v5 =	vmul.f32 v8, v5  }
0x1a5: {  	v8 =	vld [tilespmem:s8+$0xFFFFFE60];
	[tilespmem:s8+$0xFFFFFED0] =	vst v1;
	v1 =	vmul.f32 v9, v3  }
0x1a6: {  	v3 =	vld [tilespmem:s16+$0xFFFFFEE0];
	[tilespmem:s8+$0xFFFFFF50] =	vst v5;
	v4 =	vmul.f32 v10, v4  }
0x1a7: {  	v5 =	vld [tilespmem:s16+$0xFFFFFF60];
	[tilespmem:s8+$0xFFFFFFD0] =	vst v1;
	v1 =	vmul.f32 v11, v7  }
0x1a8: {  	v7 =	vld [tilespmem:s16+$0xFFFFFFE0];
	[tilespmem:s8+$0x50] =	vst v4;
	v2 =	vmul.f32 v6, v2  }
0x1a9: {  	v4 =	vld [tilespmem:s16+$0x60];
	[tilespmem:s8+$0xD0] =	vst v1  }
0x1aa: {  	v1 =	vmul.f32 v8, v12;
	v6 =	vld [tilespmem:s16+$0xE0];
	[tilespmem:s8+$0x150] =	vst v2  }
0x1ab: {  	v2 =	vld [tilespmem:s16+$0x160]  }
0x1ac: {  	[tilespmem:s8+$0xFFFFFE60] =	vst v1;
	v1 =	vld [tilespmem:s8+$0xFFFFFEE0]  }
0x1ad: {  	v8 =	vld [tilespmem:s8+$0xFFFFFF60]  }
0x1ae: {  	v9 =	vld [tilespmem:s8+$0xFFFFFFE0]  }
0x1af: {  	v10 =	vld [tilespmem:s8+$0x60]  }
0x1b0: {  	v11 =	vld [tilespmem:s8+$0xE0]  }
0x1b1: {  	v1 =	vmul.f32 v1, v3;
	v3 =	vld [tilespmem:s8+$0x160]  }
0x1b2: {  	v12 =	vld [tilespmem:s16+$0xFFFFFE70];
	v5 =	vmul.f32 v8, v5  }
0x1b3: {  	v8 =	vld [tilespmem:s8+$0xFFFFFE70];
	[tilespmem:s8+$0xFFFFFEE0] =	vst v1;
	v1 =	vmul.f32 v9, v7  }
0x1b4: {  	v13 =	vld [tilespmem:s16+$0xFFFFFEF0];
	[tilespmem:s8+$0xFFFFFF60] =	vst v5;
	v5 =	vmul.f32 v10, v4  }
0x1b5: {  	v7 =	vld [tilespmem:s16+$0xFFFFFF70];
	[tilespmem:s8+$0xFFFFFFE0] =	vst v1;
	v1 =	vmul.f32 v11, v6  }
0x1b6: {  	v4 =	vld [tilespmem:s16+$0xFFFFFFF0];
	[tilespmem:s8+$0x60] =	vst v5;
	v2 =	vmul.f32 v3, v2  }
0x1b7: {  	v5 =	vld [tilespmem:s16+$0x70];
	[tilespmem:s8+$0xE0] =	vst v1  }
0x1b8: {  	v1 =	vmul.f32 v8, v12;
	v6 =	vld [tilespmem:s16+$0xF0];
	[tilespmem:s8+$0x160] =	vst v2  }
0x1b9: {  	v3 =	vld [tilespmem:s16+$0x170]  }
0x1ba: {  	[tilespmem:s8+$0xFFFFFE70] =	vst v1;
	v2 =	vld [tilespmem:s8+$0xFFFFFEF0]  }
.Ltmp1:
0x1bb: {  	v10 =	vld [tilespmem:s8+$0xFFFFFF70];
	(pc) =	sbr.rel @p1 .LBB2_5-.Ltmp1, $4  }
0x1bc: {  	v9 =	vld [tilespmem:s8+$0xFFFFFFF0]  }
0x1bd: {  	v8 =	vld [tilespmem:s8+$0x70]  }
0x1be: {  	v1 =	vld [tilespmem:s8+$0xF0]  }
0x1bf: {  	s16 =	sadd.s32 $0x400, s16;
	v11 =	vmul.f32 v2, v13;
	v2 =	vld [tilespmem:s8+$0x170]  }
0x1c0: {  	v7 =	vmul.f32 v10, v7  }
0x1c1: {  	[tilespmem:s29+$0xFFFFFEF0] =	vst v11;
	v4 =	vmul.f32 v9, v4  }
0x1c2: {  	[tilespmem:s29+$0xFFFFFF70] =	vst v7;
	v5 =	vmul.f32 v8, v5  }
0x1c3: {  	[tilespmem:s29+$0xFFFFFFF0] =	vst v4;
	v1 =	vmul.f32 v1, v6  }
0x1c4: {  	[tilespmem:s29+$0x70] =	vst v5;
	v2 =	vmul.f32 v2, v3  }
0x1c5: {  	[tilespmem:s29+$0xF0] =	vst v1  }
0x1c6: {  	[tilespmem:s29+$0x170] =	vst v2  }
0x1c7: {  	[spmem:s6] =	stream.indirect.scatter.add.f32 [tilespmem:s10], [sflag:$0x9], $0x80, s13, s26, $0xb8;
	[tilespmem:$0x1DC80] =	vst v63  }
0x1c8: {  	s8 =	rddreg [dreg:$0x1d]  }
0x1c9: {  	s8 =	sadd.s32 s5, s8  }
0x1ca: {  	s16 =	sshrl.u32 s8, $0x3  }
0x1cb: {  	s30 =	simm.s32 $0x13A00;
	s29 =	sadd.s32 s2, s16  }
0x1cc: {  	[tilespmem:s30], [sflag:$0x4] =	stream.linear.gather [hbm4b:s29+s7], $0x50, $0x38;
	[tilespmem:$0x1DC80] =	vst v63  }
0x1cd: {  	s16 =	sadd.s32 s4, s16;
	s29 =	simm.s32 $0x13C00  }
0x1ce: {  	[tilespmem:s29], [sflag:$0x4] =	stream.linear.gather [hbm4b:s16+s7], $0x50, $0x38;
	[tilespmem:$0x1DC80] =	vst v63  }
0x1cf: {  	_ =	swait.ge [sflag:s22], $0x50  }
0x1d0: {  	[sflag:s22] =	ssyncset.done $0x0  }
0x1d1: {  	[sflag:s22] =	ssyncadd.s32 $0xFFFFFFB0  }
0x1d2: {  	_ =	swait.ge [sflag:s22], $0x50  }
0x1d3: {  	[sflag:s22] =	ssyncset.done $0x0  }
0x1d4: {  	s16 =	simm.s32 $0x13980;
	[sflag:s22] =	ssyncadd.s32 $0xFFFFFFB0  }
0x1d5: {  	[tilespmem:s28], [sflag:$0x7] =	stream.indirect.gather [hbm4b:s1+s26], $0x80, s16, s26, $0xb8;
	[tilespmem:$0x1DC80] =	vst v63  }
0x1d6: {  	_ =	swait.ge [sflag:s23], $0x2800  }
0x1d7: {  	s3 =	sshll.u32 s3, $0x4;
	[sflag:s23] =	ssyncset.done $0x0  }
0x1d8: {  	s3 =	sadd.s32 s0, s3;
	[sflag:s23] =	ssyncadd.s32 $0xFFFFD800  }
0x1d9: {  	[tilespmem:s10], [sflag:$0x5] =	stream.linear.gather [hbm4b:s3+s7], $0x2800, $0x38;
	[tilespmem:$0x1DC80] =	vst v63  }
0x1da: {  	_ =	swait.ge [sflag:s14], $0x2800  }
0x1db: {  	[sflag:s14] =	ssyncset.done $0x0  }
0x1dc: {  	[sflag:s14] =	ssyncadd.s32 $0xFFFFD800  }
0x1dd: {  	_ =	swait.ge [sflag:s15], $0x2800  }
0x1de: {  	[sflag:s15] =	ssyncset.done $0x0  }
0x1df: {  	s16 =	simm.s32 $0x1B680;
	[sflag:s15] =	ssyncadd.s32 $0xFFFFD800  }
0x1e0: {  	s3 =	simm.s32 $0x16680;
	v1 =	vld [tilespmem:s16+$0x180]  }
0x1e1: {  	v2 =	vld [tilespmem:s3+$0x180]  }
0x1e2: {  	v3 =	vld [tilespmem:s3+$0xFFFFFE00]  }
0x1e3: {  	v4 =	vld [tilespmem:s16+$0xFFFFFE80]  }
0x1e4: {  	v5 =	vld [tilespmem:s3+$0xFFFFFE80]  }
0x1e5: {  	v6 =	vld [tilespmem:s16+$0xFFFFFF00]  }
0x1e6: {  	v7 =	vld [tilespmem:s3+$0xFFFFFF00]  }
0x1e7: {  	v8 =	vld [tilespmem:s3+$0xFFFFFF80]  }
0x1e8: {  	v10 =	vld [tilespmem:s16+$0x0]  }
0x1e9: {  	v11 =	vld [tilespmem:s3+$0x0]  }
0x1ea: {  	v12 =	vld [tilespmem:s16+$0x80]  }
0x1eb: {  	v13 =	vld [tilespmem:s3+$0x80]  }
0x1ec: {  	v14 =	vld [tilespmem:s16+$0x100]  }
0x1ed: {  	v41 =	vld [tilespmem:s3+$0xFFFFFF10]  }
0x1ee: {  	v42 =	vld [tilespmem:s3+$0xFFFFFF90]  }
0x1ef: {  	v43 =	vld [tilespmem:s3+$0x10]  }
0x1f0: {  	v44 =	vld [tilespmem:s3+$0xFFFFFF20]  }
0x1f1: {  	v45 =	vld [tilespmem:s3+$0xFFFFFFA0]  }
0x1f2: {  	v46 =	vld [tilespmem:s3+$0x20]  }
0x1f3: {  	v15 =	vld [tilespmem:s3+$0xA0]  }
0x1f4: {  	v47 =	vld [tilespmem:s3+$0xFFFFFF30]  }
0x1f5: {  	v48 =	vld [tilespmem:s3+$0xFFFFFFB0]  }
0x1f6: {  	v49 =	vld [tilespmem:s3+$0x30]  }
0x1f7: {  	v51 =	vld [tilespmem:s3+$0xFFFFFFC0]  }
0x1f8: {  	v52 =	vld [tilespmem:s3+$0x40];
	v1 =	vmul.f32 v2, v1  }
0x1f9: {  	v53 =	vld [tilespmem:s3+$0xC0]  }
0x1fa: {  	[tilespmem:s3+$0x180] =	vst v1;
	v1 =	vld [tilespmem:s3+$0x190]  }
0x1fb: {  	v2 =	vld [tilespmem:s16+$0x190]  }
0x1fc: {  	v54 =	vld [tilespmem:s3+$0xFFFFFF50]  }
0x1fd: {  	v55 =	vld [tilespmem:s3+$0xFFFFFFD0]  }
0x1fe: {  	v56 =	vld [tilespmem:s3+$0xD0]  }
0x1ff: {  	v57 =	vld [tilespmem:s3+$0xFFFFFE60]  }
0x200: {  	v58 =	vld [tilespmem:s3+$0xFFFFFFE0];
	v1 =	vmul.f32 v1, v2  }
0x201: {  	v59 =	vld [tilespmem:s3+$0x60]  }
0x202: {  	[tilespmem:s3+$0x190] =	vst v1;
	v1 =	vld [tilespmem:s3+$0x1A0]  }
0x203: {  	v9 =	vld [tilespmem:s16+$0x1A0]  }
0x204: {  	v4 =	vmul.f32 v5, v4;
	v5 =	vld [tilespmem:s16+$0xFFFFFE00]  }
0x205: {  	v60 =	vld [tilespmem:s3+$0xE0]  }
0x206: {  	v2 =	vld [tilespmem:s16+$0xFFFFFF80]  }
0x207: {  	v61 =	vld [tilespmem:s3+$0xFFFFFE70]  }
0x208: {  	v1 =	vmul.f32 v1, v9;
	v9 =	vld [tilespmem:s3+$0x100]  }
0x209: {  	v63 =	vld [tilespmem:s3+$0xFFFFFEF0];
	[tilespmem:s3+$0xFFFFFE80] =	vst v4;
	v3 =	vmul.f32 v3, v5  }
0x20a: {  	[tilespmem:s3+$0x1A0] =	vst v1;
	v1 =	vmul.f32 v7, v6;
	v6 =	vld [tilespmem:s3+$0x1B0]  }
0x20b: {  	[tilespmem:s3+$0xFFFFFE00] =	vst v3;
	v2 =	vmul.f32 v8, v2;
	v4 =	vld [tilespmem:s16+$0x1B0]  }
0x20c: {  	v7 =	vld [tilespmem:s16+$0xFFFFFE90];
	[tilespmem:s3+$0xFFFFFF00] =	vst v1;
	v1 =	vmul.f32 v11, v10  }
0x20d: {  	[tilespmem:s3+$0xFFFFFF80] =	vst v2;
	v10 =	vld [tilespmem:s3+$0xFFFFFE10];
	v5 =	vmul.f32 v9, v14  }
0x20e: {  	v2 =	vmul.f32 v13, v12;
	[tilespmem:s3+$0x0] =	vst v1;
	v1 =	vld [tilespmem:s16+$0xFFFFFF90]  }
0x20f: {  	[tilespmem:s3+$0x100] =	vst v5;
	v5 =	vld [tilespmem:s16+$0xFFFFFE10]  }
0x210: {  	[tilespmem:s3+$0x80] =	vst v2;
	v2 =	vld [tilespmem:s16+$0x10];
	v4 =	vmul.f32 v6, v4  }
0x211: {  	v6 =	vld [tilespmem:s16+$0x110]  }
0x212: {  	[tilespmem:s3+$0x1B0] =	vst v4;
	v4 =	vld [tilespmem:s3+$0x1C0]  }
0x213: {  	v9 =	vld [tilespmem:s16+$0x1C0]  }
0x214: {  	v5 =	vmul.f32 v10, v5;
	v10 =	vld [tilespmem:s3+$0x110]  }
0x215: {  	v3 =	vld [tilespmem:s16+$0x90]  }
0x216: {  	v11 =	vld [tilespmem:s3+$0xFFFFFE90];
	v1 =	vmul.f32 v42, v1  }
0x217: {  	v8 =	vld [tilespmem:s16+$0xFFFFFF10];
	v2 =	vmul.f32 v43, v2  }
0x218: {  	[tilespmem:s3+$0xFFFFFF90] =	vst v1;
	v4 =	vmul.f32 v4, v9;
	v9 =	vld [tilespmem:s3+$0x90]  }
0x219: {  	[tilespmem:s3+$0x10] =	vst v2;
	v2 =	vmul.f32 v10, v6;
	v6 =	vld [tilespmem:s16+$0xFFFFFFA0]  }
0x21a: {  	v10 =	vld [tilespmem:s3+$0xFFFFFE20]  }
0x21b: {  	[tilespmem:s3+$0x1C0] =	vst v4;
	v4 =	vmul.f32 v11, v7;
	v7 =	vld [tilespmem:s3+$0x1D0]  }
0x21c: {  	v11 =	vld [tilespmem:s3+$0xFFFFFEA0]  }
0x21d: {  	[tilespmem:s3+$0xFFFFFE10] =	vst v5;
	v5 =	vmul.f32 v41, v8;
	v8 =	vld [tilespmem:s16+$0x1D0]  }
0x21e: {  	[tilespmem:s3+$0xFFFFFE90] =	vst v4;
	v4 =	vld [tilespmem:s16+$0xFFFFFE20]  }
0x21f: {  	[tilespmem:s3+$0xFFFFFF10] =	vst v5;
	v5 =	vld [tilespmem:s16+$0xFFFFFEA0];
	v1 =	vmul.f32 v9, v3  }
0x220: {  	v3 =	vld [tilespmem:s16+$0xFFFFFF20]  }
0x221: {  	v9 =	vld [tilespmem:s16+$0x20];
	[tilespmem:s3+$0x90] =	vst v1  }
0x222: {  	[tilespmem:s3+$0x110] =	vst v2;
	v1 =	vmul.f32 v7, v8;
	v7 =	vld [tilespmem:s16+$0xA0]  }
0x223: {  	v8 =	vld [tilespmem:s16+$0x120]  }
0x224: {  	[tilespmem:s3+$0x1D0] =	vst v1;
	v1 =	vld [tilespmem:s3+$0x1E0];
	v5 =	vmul.f32 v11, v5  }
0x225: {  	v3 =	vmul.f32 v44, v3;
	v2 =	vld [tilespmem:s16+$0x1E0]  }
0x226: {  	v11 =	vld [tilespmem:s3+$0xFFFFFEB0];
	[tilespmem:s3+$0xFFFFFEA0] =	vst v5;
	v5 =	vmul.f32 v45, v6  }
0x227: {  	[tilespmem:s3+$0xFFFFFF20] =	vst v3;
	v3 =	vmul.f32 v46, v9;
	v9 =	vld [tilespmem:s16+$0xFFFFFEB0]  }
0x228: {  	[tilespmem:s3+$0xFFFFFFA0] =	vst v5;
	v5 =	vmul.f32 v15, v7;
	v7 =	vld [tilespmem:s16+$0xFFFFFF30]  }
0x229: {  	[tilespmem:s3+$0x20] =	vst v3;
	v3 =	vld [tilespmem:s16+$0xFFFFFFB0]  }
0x22a: {  	v1 =	vmul.f32 v1, v2;
	v2 =	vmul.f32 v10, v4;
	v4 =	vld [tilespmem:s3+$0x120]  }
0x22b: {  	[tilespmem:s3+$0xA0] =	vst v5;
	v5 =	vld [tilespmem:s16+$0x30]  }
0x22c: {  	[tilespmem:s3+$0x1E0] =	vst v1;
	v1 =	vld [tilespmem:s3+$0x1F0]  }
0x22d: {  	v9 =	vmul.f32 v11, v9;
	v11 =	vld [tilespmem:s3+$0x130]  }
0x22e: {  	[tilespmem:s3+$0xFFFFFE20] =	vst v2;
	v2 =	vld [tilespmem:s16+$0x1F0]  }
0x22f: {  	v6 =	vld [tilespmem:s16+$0xFFFFFE30];
	v4 =	vmul.f32 v4, v8  }
0x230: {  	v8 =	vld [tilespmem:s16+$0xB0]  }
0x231: {  	v7 =	vmul.f32 v47, v7;
	[tilespmem:s3+$0x120] =	vst v4;
	v4 =	vld [tilespmem:s3+$0xFFFFFE30]  }
0x232: {  	[tilespmem:s3+$0xFFFFFEB0] =	vst v9;
	v10 =	vld [tilespmem:s16+$0x130]  }
0x233: {  	v9 =	vld [tilespmem:s16+$0xFFFFFEC0];
	[tilespmem:s3+$0xFFFFFF30] =	vst v7;
	v1 =	vmul.f32 v1, v2  }
0x234: {  	v7 =	vld [tilespmem:s16+$0xFFFFFF40]  }
0x235: {  	v5 =	vmul.f32 v49, v5;
	[tilespmem:s3+$0x1F0] =	vst v1;
	v1 =	vld [tilespmem:s3+$0xF0]  }
0x236: {  	v4 =	vmul.f32 v4, v6;
	v6 =	vld [tilespmem:s3+$0xB0]  }
0x237: {  	[tilespmem:s3+$0x30] =	vst v5;
	v5 =	vmul.f32 v11, v10;
	v11 =	vld [tilespmem:s3+$0xFFFFFF40]  }
0x238: {  	[tilespmem:s3+$0xFFFFFE30] =	vst v4;
	v4 =	vld [tilespmem:s3+$0xFFFFFE40]  }
0x239: {  	v50 =	vld [tilespmem:s16+$0xFFFFFE40]  }
0x23a: {  	v3 =	vmul.f32 v48, v3;
	v10 =	vld [tilespmem:s3+$0xFFFFFEC0];
	[tilespmem:s3+$0x130] =	vst v5  }
0x23b: {  	v5 =	vld [tilespmem:s16+$0x140]  }
0x23c: {  	[tilespmem:s3+$0xFFFFFFB0] =	vst v3;
	v3 =	vmul.f32 v6, v8;
	v8 =	vld [tilespmem:s16+$0x40]  }
0x23d: {  	v6 =	vld [tilespmem:s16+$0xFFFFFFC0];
	v7 =	vmul.f32 v11, v7  }
0x23e: {  	v11 =	vld [tilespmem:s3+$0xFFFFFE50];
	[tilespmem:s3+$0xB0] =	vst v3;
	v4 =	vmul.f32 v4, v50  }
0x23f: {  	v3 =	vld [tilespmem:s16+$0xC0];
	[tilespmem:s3+$0xFFFFFF40] =	vst v7  }
0x240: {  	[tilespmem:s3+$0xFFFFFE40] =	vst v4;
	v4 =	vmul.f32 v10, v9;
	v9 =	vld [tilespmem:s3+$0x140]  }
0x241: {  	v7 =	vmul.f32 v52, v8;
	v8 =	vld [tilespmem:s16+$0xFFFFFF50]  }
0x242: {  	v10 =	vld [tilespmem:s16+$0xFFFFFE50];
	[tilespmem:s3+$0xFFFFFEC0] =	vst v4;
	v4 =	vmul.f32 v51, v6  }
0x243: {  	[tilespmem:s3+$0x40] =	vst v7;
	v6 =	vld [tilespmem:s16+$0xFFFFFED0]  }
0x244: {  	v3 =	vmul.f32 v53, v3;
	v7 =	vld [tilespmem:s16+$0x50];
	[tilespmem:s3+$0xFFFFFFC0] =	vst v4  }
0x245: {  	v4 =	vld [tilespmem:s16+$0xFFFFFFD0]  }
0x246: {  	v5 =	vmul.f32 v9, v5;
	[tilespmem:s3+$0xC0] =	vst v3;
	v9 =	vld [tilespmem:s3+$0xFFFFFED0]  }
0x247: {  	v8 =	vmul.f32 v54, v8;
	v3 =	vld [tilespmem:s16+$0xD0]  }
0x248: {  	v10 =	vmul.f32 v11, v10;
	v11 =	vld [tilespmem:s3+$0x50];
	[tilespmem:s3+$0x140] =	vst v5  }
0x249: {  	[tilespmem:s3+$0xFFFFFF50] =	vst v8;
	v5 =	vld [tilespmem:s16+$0x150]  }
0x24a: {  	[tilespmem:s3+$0xFFFFFE50] =	vst v10;
	v8 =	vld [tilespmem:s16+$0xFFFFFF60]  }
0x24b: {  	v10 =	vld [tilespmem:s16+$0xFFFFFE60];
	v6 =	vmul.f32 v9, v6  }
0x24c: {  	v9 =	vld [tilespmem:s3+$0x150];
	v4 =	vmul.f32 v55, v4  }
0x24d: {  	v7 =	vmul.f32 v11, v7;
	v11 =	vld [tilespmem:s3+$0xFFFFFF60];
	[tilespmem:s3+$0xFFFFFED0] =	vst v6  }
0x24e: {  	[tilespmem:s3+$0xFFFFFFD0] =	vst v4;
	v6 =	vld [tilespmem:s16+$0xFFFFFEE0]  }
0x24f: {  	v3 =	vmul.f32 v56, v3;
	v4 =	vld [tilespmem:s16+$0xFFFFFFE0];
	[tilespmem:s3+$0x50] =	vst v7  }
0x250: {  	v7 =	vld [tilespmem:s16+$0x60]  }
0x251: {  	[tilespmem:s3+$0xD0] =	vst v3;
	v10 =	vmul.f32 v57, v10;
	v5 =	vmul.f32 v9, v5;
	v9 =	vld [tilespmem:s3+$0xFFFFFEE0]  }
0x252: {  	v3 =	vld [tilespmem:s16+$0xE0]  }
0x253: {  	[tilespmem:s3+$0xFFFFFE60] =	vst v10;
	v10 =	vld [tilespmem:s3+$0xFFFFFF70]  }
0x254: {  	v8 =	vmul.f32 v11, v8;
	[tilespmem:s3+$0x150] =	vst v5;
	v11 =	vld [tilespmem:s16+$0xFFFFFE70];
	v4 =	vmul.f32 v58, v4  }
0x255: {  	v5 =	vld [tilespmem:s16+$0x160]  }
0x256: {  	v6 =	vmul.f32 v9, v6;
	v9 =	vld [tilespmem:s3+$0x160];
	[tilespmem:s3+$0xFFFFFFE0] =	vst v4  }
0x257: {  	[tilespmem:s3+$0xFFFFFF60] =	vst v8;
	v3 =	vmul.f32 v60, v3;
	v4 =	vld [tilespmem:s16+$0xFFFFFFF0]  }
0x258: {  	[tilespmem:s3+$0xFFFFFEE0] =	vst v6;
	v6 =	vmul.f32 v59, v7;
	v7 =	vld [tilespmem:s16+$0xFFFFFF70]  }
0x259: {  	[tilespmem:s3+$0xE0] =	vst v3;
	v62 =	vld [tilespmem:s16+$0xFFFFFEF0]  }
0x25a: {  	[tilespmem:s3+$0x60] =	vst v6;
	v6 =	vld [tilespmem:s16+$0xF0]  }
0x25b: {  	v8 =	vmul.f32 v9, v5;
	v5 =	vld [tilespmem:s16+$0x70]  }
0x25c: {  	v2 =	vmul.f32 v61, v11;
	v9 =	vld [tilespmem:s3+$0xFFFFFFF0]  }
0x25d: {  	[tilespmem:s3+$0x160] =	vst v8;
	v8 =	vld [tilespmem:s3+$0x70]  }
0x25e: {  	[tilespmem:s3+$0xFFFFFE70] =	vst v2;
	v2 =	vld [tilespmem:s3+$0x170]  }
0x25f: {  	s30 =	simm.s32 $0x0;
	s29 =	simm.s32 $0x16680;
	v3 =	vld [tilespmem:s16+$0x170];
	v11 =	vmul.f32 v63, v62;
	s16 =	simm.s32 $0x1BA80  }
.LBB2_7:
0x260: {  	v12 =	vld [tilespmem:s16+$0x180];
	v7 =	vmul.f32 v10, v7;
	s3 =	sadd.s32 $0x400, s3  }
0x261: {  	s30 =	sadd.s32 $0x8, s30;
	v10 =	vld [tilespmem:s3+$0x180];
	[tilespmem:s29+$0xFFFFFEF0] =	vst v11;
	v4 =	vmul.f32 v9, v4  }
0x262: {  	p1 =	slt.u32 s30, $0x48;
	v9 =	vld [tilespmem:s3+$0xFFFFFE00];
	[tilespmem:s29+$0xFFFFFF70] =	vst v7;
	v5 =	vmul.f32 v8, v5  }
0x263: {  	v7 =	vld [tilespmem:s16+$0xFFFFFE80];
	[tilespmem:s29+$0xFFFFFFF0] =	vst v4;
	v1 =	vmul.f32 v1, v6  }
0x264: {  	v4 =	vld [tilespmem:s3+$0xFFFFFE80];
	[tilespmem:s29+$0x70] =	vst v5;
	v2 =	vmul.f32 v2, v3  }
0x265: {  	v3 =	vld [tilespmem:s16+$0xFFFFFF00];
	[tilespmem:s29+$0xF0] =	vst v1  }
0x266: {  	v1 =	vld [tilespmem:s3+$0xFFFFFF00];
	v5 =	vmul.f32 v10, v12;
	[tilespmem:s29+$0x170] =	vst v2;
	s29 =	smov.u32 s3  }
0x267: {  	v2 =	vld [tilespmem:s16+$0xFFFFFF80]  }
0x268: {  	[tilespmem:s3+$0x180] =	vst v5;
	v5 =	vld [tilespmem:s3+$0x190]  }
0x269: {  	v4 =	vmul.f32 v4, v7;
	v6 =	vld [tilespmem:s16+$0x190]  }
0x26a: {  	v7 =	vld [tilespmem:s3+$0xFFFFFF80]  }
0x26b: {  	[tilespmem:s3+$0xFFFFFE80] =	vst v4;
	v1 =	vmul.f32 v1, v3;
	v3 =	vld [tilespmem:s16+$0x0]  }
0x26c: {  	v4 =	vld [tilespmem:s3+$0x0]  }
0x26d: {  	[tilespmem:s3+$0xFFFFFF00] =	vst v1;
	v1 =	vld [tilespmem:s16+$0x80]  }
0x26e: {  	v8 =	vld [tilespmem:s3+$0x80];
	v5 =	vmul.f32 v5, v6  }
0x26f: {  	v2 =	vmul.f32 v7, v2;
	v6 =	vld [tilespmem:s16+$0x100]  }
0x270: {  	[tilespmem:s3+$0x190] =	vst v5;
	v5 =	vld [tilespmem:s3+$0x1A0]  }
0x271: {  	[tilespmem:s3+$0xFFFFFF80] =	vst v2;
	v2 =	vmul.f32 v4, v3;
	v3 =	vld [tilespmem:s16+$0x1A0]  }
0x272: {  	v4 =	vld [tilespmem:s3+$0x100]  }
0x273: {  	v7 =	vld [tilespmem:s16+$0xFFFFFE00];
	[tilespmem:s3+$0x0] =	vst v2;
	v1 =	vmul.f32 v8, v1  }
0x274: {  	v2 =	vld [tilespmem:s16+$0xFFFFFE90]  }
0x275: {  	v8 =	vld [tilespmem:s16+$0xFFFFFF10];
	[tilespmem:s3+$0x80] =	vst v1  }
0x276: {  	v1 =	vld [tilespmem:s16+$0xFFFFFF90];
	v3 =	vmul.f32 v5, v3  }
0x277: {  	v5 =	vld [tilespmem:s16+$0x10];
	v4 =	vmul.f32 v4, v6  }
0x278: {  	v6 =	vmul.f32 v9, v7;
	[tilespmem:s3+$0x1A0] =	vst v3;
	v3 =	vld [tilespmem:s3+$0x1B0]  }
0x279: {  	[tilespmem:s3+$0x100] =	vst v4;
	v4 =	vld [tilespmem:s16+$0x1B0]  }
0x27a: {  	[tilespmem:s3+$0xFFFFFE00] =	vst v6;
	v6 =	vld [tilespmem:s16+$0x90]  }
0x27b: {  	v7 =	vld [tilespmem:s16+$0xFFFFFE10]  }
0x27c: {  	v9 =	vld [tilespmem:s16+$0x110]  }
0x27d: {  	v10 =	vld [tilespmem:s3+$0xFFFFFE10]  }
0x27e: {  	v11 =	vld [tilespmem:s3+$0xFFFFFE90];
	v3 =	vmul.f32 v3, v4  }
0x27f: {  	v4 =	vld [tilespmem:s3+$0xFFFFFF10]  }
0x280: {  	[tilespmem:s3+$0x1B0] =	vst v3;
	v3 =	vld [tilespmem:s3+$0x1C0]  }
0x281: {  	v12 =	vld [tilespmem:s16+$0x1C0]  }
0x282: {  	v7 =	vmul.f32 v10, v7;
	v10 =	vld [tilespmem:s3+$0xFFFFFF90]  }
0x283: {  	v2 =	vmul.f32 v11, v2;
	v11 =	vld [tilespmem:s3+$0x10]  }
0x284: {  	[tilespmem:s3+$0xFFFFFE10] =	vst v7;
	v4 =	vmul.f32 v4, v8;
	v7 =	vld [tilespmem:s3+$0x90]  }
0x285: {  	[tilespmem:s3+$0xFFFFFE90] =	vst v2;
	v2 =	vld [tilespmem:s3+$0x110]  }
0x286: {  	v8 =	vld [tilespmem:s16+$0xFFFFFE20];
	[tilespmem:s3+$0xFFFFFF10] =	vst v4;
	v3 =	vmul.f32 v3, v12  }
0x287: {  	v4 =	vld [tilespmem:s16+$0xFFFFFEA0];
	v1 =	vmul.f32 v10, v1  }
0x288: {  	v5 =	vmul.f32 v11, v5;
	[tilespmem:s3+$0x1C0] =	vst v3;
	v3 =	vld [tilespmem:s3+$0x1D0]  }
0x289: {  	[tilespmem:s3+$0xFFFFFF90] =	vst v1;
	v1 =	vmul.f32 v7, v6;
	v6 =	vld [tilespmem:s16+$0x1D0]  }
0x28a: {  	v7 =	vld [tilespmem:s16+$0xFFFFFF20];
	[tilespmem:s3+$0x10] =	vst v5;
	v2 =	vmul.f32 v2, v9  }
0x28b: {  	v5 =	vld [tilespmem:s16+$0xFFFFFFA0];
	[tilespmem:s3+$0x90] =	vst v1  }
0x28c: {  	v1 =	vld [tilespmem:s16+$0x20];
	[tilespmem:s3+$0x110] =	vst v2  }
0x28d: {  	v2 =	vld [tilespmem:s16+$0xA0]  }
0x28e: {  	v9 =	vld [tilespmem:s16+$0x120];
	v3 =	vmul.f32 v3, v6  }
0x28f: {  	v6 =	vld [tilespmem:s3+$0xFFFFFE20]  }
0x290: {  	[tilespmem:s3+$0x1D0] =	vst v3;
	v3 =	vld [tilespmem:s3+$0x1E0]  }
0x291: {  	v10 =	vld [tilespmem:s16+$0x1E0]  }
0x292: {  	v11 =	vld [tilespmem:s3+$0xFFFFFEA0]  }
0x293: {  	v12 =	vld [tilespmem:s3+$0xFFFFFF20]  }
0x294: {  	v6 =	vmul.f32 v6, v8;
	v8 =	vld [tilespmem:s3+$0xFFFFFFA0]  }
0x295: {  	v13 =	vld [tilespmem:s3+$0x20]  }
0x296: {  	[tilespmem:s3+$0xFFFFFE20] =	vst v6;
	v6 =	vld [tilespmem:s3+$0xA0];
	v3 =	vmul.f32 v3, v10  }
0x297: {  	v4 =	vmul.f32 v11, v4;
	v10 =	vld [tilespmem:s3+$0x120]  }
0x298: {  	v7 =	vmul.f32 v12, v7;
	[tilespmem:s3+$0x1E0] =	vst v3;
	v3 =	vld [tilespmem:s3+$0x1F0]  }
0x299: {  	[tilespmem:s3+$0xFFFFFEA0] =	vst v4;
	v4 =	vmul.f32 v8, v5;
	v5 =	vld [tilespmem:s16+$0x1F0]  }
0x29a: {  	v8 =	vld [tilespmem:s16+$0xFFFFFE30];
	[tilespmem:s3+$0xFFFFFF20] =	vst v7;
	v1 =	vmul.f32 v13, v1  }
0x29b: {  	v7 =	vld [tilespmem:s16+$0xFFFFFEB0];
	[tilespmem:s3+$0xFFFFFFA0] =	vst v4;
	v2 =	vmul.f32 v6, v2  }
0x29c: {  	v4 =	vld [tilespmem:s16+$0xFFFFFF30];
	[tilespmem:s3+$0x20] =	vst v1;
	v1 =	vmul.f32 v10, v9  }
0x29d: {  	v6 =	vld [tilespmem:s16+$0xFFFFFFB0];
	[tilespmem:s3+$0xA0] =	vst v2  }
0x29e: {  	v2 =	vld [tilespmem:s16+$0x30];
	[tilespmem:s3+$0x120] =	vst v1;
	v1 =	vmul.f32 v3, v5  }
0x29f: {  	v3 =	vld [tilespmem:s16+$0xB0]  }
0x2a0: {  	v5 =	vld [tilespmem:s16+$0x130];
	[tilespmem:s3+$0x1F0] =	vst v1  }
0x2a1: {  	v1 =	vld [tilespmem:s3+$0xFFFFFE30]  }
0x2a2: {  	v9 =	vld [tilespmem:s3+$0xFFFFFEB0]  }
0x2a3: {  	v10 =	vld [tilespmem:s3+$0xFFFFFF30]  }
0x2a4: {  	v11 =	vld [tilespmem:s3+$0xFFFFFFB0]  }
0x2a5: {  	v12 =	vld [tilespmem:s3+$0x30]  }
0x2a6: {  	v1 =	vmul.f32 v1, v8;
	v8 =	vld [tilespmem:s3+$0xB0]  }
0x2a7: {  	v7 =	vmul.f32 v9, v7;
	v9 =	vld [tilespmem:s3+$0x130]  }
0x2a8: {  	[tilespmem:s3+$0xFFFFFE30] =	vst v1;
	v1 =	vld [tilespmem:s3+$0xFFFFFE40];
	v4 =	vmul.f32 v10, v4  }
0x2a9: {  	v10 =	vld [tilespmem:s16+$0xFFFFFE40];
	[tilespmem:s3+$0xFFFFFEB0] =	vst v7;
	v6 =	vmul.f32 v11, v6  }
0x2aa: {  	v7 =	vld [tilespmem:s16+$0xFFFFFEC0];
	[tilespmem:s3+$0xFFFFFF30] =	vst v4;
	v2 =	vmul.f32 v12, v2  }
0x2ab: {  	v4 =	vld [tilespmem:s16+$0xFFFFFF40];
	[tilespmem:s3+$0xFFFFFFB0] =	vst v6;
	v3 =	vmul.f32 v8, v3  }
0x2ac: {  	v6 =	vld [tilespmem:s16+$0xFFFFFFC0];
	[tilespmem:s3+$0x30] =	vst v2;
	v2 =	vmul.f32 v9, v5  }
0x2ad: {  	v5 =	vld [tilespmem:s16+$0x40];
	[tilespmem:s3+$0xB0] =	vst v3  }
0x2ae: {  	v1 =	vmul.f32 v1, v10;
	v3 =	vld [tilespmem:s16+$0xC0];
	[tilespmem:s3+$0x130] =	vst v2  }
0x2af: {  	v2 =	vld [tilespmem:s16+$0x140]  }
0x2b0: {  	[tilespmem:s3+$0xFFFFFE40] =	vst v1;
	v1 =	vld [tilespmem:s3+$0xFFFFFEC0]  }
0x2b1: {  	v8 =	vld [tilespmem:s3+$0xFFFFFF40]  }
0x2b2: {  	v9 =	vld [tilespmem:s3+$0xFFFFFFC0]  }
0x2b3: {  	v10 =	vld [tilespmem:s3+$0x40]  }
0x2b4: {  	v11 =	vld [tilespmem:s3+$0xC0]  }
0x2b5: {  	v1 =	vmul.f32 v1, v7;
	v7 =	vld [tilespmem:s3+$0x140]  }
0x2b6: {  	v12 =	vld [tilespmem:s16+$0xFFFFFE50];
	v4 =	vmul.f32 v8, v4  }
0x2b7: {  	v8 =	vld [tilespmem:s3+$0xFFFFFE50];
	[tilespmem:s3+$0xFFFFFEC0] =	vst v1;
	v1 =	vmul.f32 v9, v6  }
0x2b8: {  	v6 =	vld [tilespmem:s16+$0xFFFFFED0];
	[tilespmem:s3+$0xFFFFFF40] =	vst v4;
	v4 =	vmul.f32 v10, v5  }
0x2b9: {  	v5 =	vld [tilespmem:s16+$0xFFFFFF50];
	[tilespmem:s3+$0xFFFFFFC0] =	vst v1;
	v1 =	vmul.f32 v11, v3  }
0x2ba: {  	v3 =	vld [tilespmem:s16+$0xFFFFFFD0];
	[tilespmem:s3+$0x40] =	vst v4;
	v2 =	vmul.f32 v7, v2  }
0x2bb: {  	v4 =	vld [tilespmem:s16+$0x50];
	[tilespmem:s3+$0xC0] =	vst v1  }
0x2bc: {  	v1 =	vmul.f32 v8, v12;
	v7 =	vld [tilespmem:s16+$0xD0];
	[tilespmem:s3+$0x140] =	vst v2  }
0x2bd: {  	v2 =	vld [tilespmem:s16+$0x150]  }
0x2be: {  	[tilespmem:s3+$0xFFFFFE50] =	vst v1;
	v1 =	vld [tilespmem:s3+$0xFFFFFED0]  }
0x2bf: {  	v8 =	vld [tilespmem:s3+$0xFFFFFF50]  }
0x2c0: {  	v9 =	vld [tilespmem:s3+$0xFFFFFFD0]  }
0x2c1: {  	v10 =	vld [tilespmem:s3+$0x50]  }
0x2c2: {  	v11 =	vld [tilespmem:s3+$0xD0]  }
0x2c3: {  	v1 =	vmul.f32 v1, v6;
	v6 =	vld [tilespmem:s3+$0x150]  }
0x2c4: {  	v12 =	vld [tilespmem:s16+$0xFFFFFE60];
	v5 =	vmul.f32 v8, v5  }
0x2c5: {  	v8 =	vld [tilespmem:s3+$0xFFFFFE60];
	[tilespmem:s3+$0xFFFFFED0] =	vst v1;
	v1 =	vmul.f32 v9, v3  }
0x2c6: {  	v3 =	vld [tilespmem:s16+$0xFFFFFEE0];
	[tilespmem:s3+$0xFFFFFF50] =	vst v5;
	v4 =	vmul.f32 v10, v4  }
0x2c7: {  	v5 =	vld [tilespmem:s16+$0xFFFFFF60];
	[tilespmem:s3+$0xFFFFFFD0] =	vst v1;
	v1 =	vmul.f32 v11, v7  }
0x2c8: {  	v7 =	vld [tilespmem:s16+$0xFFFFFFE0];
	[tilespmem:s3+$0x50] =	vst v4;
	v2 =	vmul.f32 v6, v2  }
0x2c9: {  	v4 =	vld [tilespmem:s16+$0x60];
	[tilespmem:s3+$0xD0] =	vst v1  }
0x2ca: {  	v1 =	vmul.f32 v8, v12;
	v6 =	vld [tilespmem:s16+$0xE0];
	[tilespmem:s3+$0x150] =	vst v2  }
0x2cb: {  	v2 =	vld [tilespmem:s16+$0x160]  }
0x2cc: {  	[tilespmem:s3+$0xFFFFFE60] =	vst v1;
	v1 =	vld [tilespmem:s3+$0xFFFFFEE0]  }
0x2cd: {  	v8 =	vld [tilespmem:s3+$0xFFFFFF60]  }
0x2ce: {  	v9 =	vld [tilespmem:s3+$0xFFFFFFE0]  }
0x2cf: {  	v10 =	vld [tilespmem:s3+$0x60]  }
0x2d0: {  	v11 =	vld [tilespmem:s3+$0xE0]  }
0x2d1: {  	v1 =	vmul.f32 v1, v3;
	v3 =	vld [tilespmem:s3+$0x160]  }
0x2d2: {  	v12 =	vld [tilespmem:s16+$0xFFFFFE70];
	v5 =	vmul.f32 v8, v5  }
0x2d3: {  	v8 =	vld [tilespmem:s3+$0xFFFFFE70];
	[tilespmem:s3+$0xFFFFFEE0] =	vst v1;
	v1 =	vmul.f32 v9, v7  }
0x2d4: {  	v13 =	vld [tilespmem:s16+$0xFFFFFEF0];
	[tilespmem:s3+$0xFFFFFF60] =	vst v5;
	v5 =	vmul.f32 v10, v4  }
0x2d5: {  	v7 =	vld [tilespmem:s16+$0xFFFFFF70];
	[tilespmem:s3+$0xFFFFFFE0] =	vst v1;
	v1 =	vmul.f32 v11, v6  }
0x2d6: {  	v4 =	vld [tilespmem:s16+$0xFFFFFFF0];
	[tilespmem:s3+$0x60] =	vst v5;
	v2 =	vmul.f32 v3, v2  }
0x2d7: {  	v5 =	vld [tilespmem:s16+$0x70];
	[tilespmem:s3+$0xE0] =	vst v1  }
0x2d8: {  	v1 =	vmul.f32 v8, v12;
	v6 =	vld [tilespmem:s16+$0xF0];
	[tilespmem:s3+$0x160] =	vst v2  }
0x2d9: {  	v3 =	vld [tilespmem:s16+$0x170]  }
0x2da: {  	[tilespmem:s3+$0xFFFFFE70] =	vst v1;
	v2 =	vld [tilespmem:s3+$0xFFFFFEF0]  }
.Ltmp2:
0x2db: {  	v10 =	vld [tilespmem:s3+$0xFFFFFF70];
	(pc) =	sbr.rel @p1 .LBB2_7-.Ltmp2, $4  }
0x2dc: {  	v9 =	vld [tilespmem:s3+$0xFFFFFFF0]  }
0x2dd: {  	v8 =	vld [tilespmem:s3+$0x70]  }
0x2de: {  	v1 =	vld [tilespmem:s3+$0xF0]  }
0x2df: {  	s16 =	sadd.s32 $0x400, s16;
	v11 =	vmul.f32 v2, v13;
	v2 =	vld [tilespmem:s3+$0x170]  }
0x2e0: {  	v7 =	vmul.f32 v10, v7  }
0x2e1: {  	[tilespmem:s29+$0xFFFFFEF0] =	vst v11;
	v4 =	vmul.f32 v9, v4  }
0x2e2: {  	[tilespmem:s29+$0xFFFFFF70] =	vst v7;
	v5 =	vmul.f32 v8, v5  }
0x2e3: {  	[tilespmem:s29+$0xFFFFFFF0] =	vst v4;
	v1 =	vmul.f32 v1, v6  }
0x2e4: {  	[tilespmem:s29+$0x70] =	vst v5;
	v2 =	vmul.f32 v2, v3  }
0x2e5: {  	[tilespmem:s29+$0xF0] =	vst v1  }
0x2e6: {  	s3 =	simm.s32 $0x13B00;
	[tilespmem:s29+$0x170] =	vst v2  }
0x2e7: {  	[spmem:s6] =	stream.indirect.scatter.add.f32 [tilespmem:s17], [sflag:$0xA], $0x80, s3, s26, $0xb8;
	[tilespmem:$0x1DC80] =	vst v63  }
0x2e8: {  	s16 =	rddreg [dreg:$0x1e]  }
0x2e9: {  	s3 =	sadd.s32 s5, s16  }
0x2ea: {  	s16 =	sshrl.u32 s3, $0x3  }
0x2eb: {  	s29 =	sadd.s32 s2, s16  }
0x2ec: {  	[tilespmem:s12], [sflag:$0x1] =	stream.linear.gather [hbm4b:s29+s7], $0x50, $0x38;
	[tilespmem:$0x1DC80] =	vst v63  }
0x2ed: {  	s16 =	sadd.s32 s4, s16  }
0x2ee: {  	[tilespmem:s13], [sflag:$0x1] =	stream.linear.gather [hbm4b:s16+s7], $0x50, $0x38;
	[tilespmem:$0x1DC80] =	vst v63  }
0x2ef: {  	_ =	swait.ge [sflag:s11], $0x50  }
0x2f0: {  	[sflag:s11] =	ssyncset.done $0x0  }
0x2f1: {  	[sflag:s11] =	ssyncadd.s32 $0xFFFFFFB0  }
0x2f2: {  	_ =	swait.ge [sflag:s11], $0x50  }
0x2f3: {  	[sflag:s11] =	ssyncset.done $0x0  }
0x2f4: {  	s29 =	simm.s32 $0x13A00;
	s16 =	simm.s32 $0x1B480;
	[sflag:s11] =	ssyncadd.s32 $0xFFFFFFB0  }
0x2f5: {  	[tilespmem:s16], [sflag:$0x8] =	stream.indirect.gather [hbm4b:s1+s26], $0x80, s29, s26, $0xb8;
	[tilespmem:$0x1DC80] =	vst v63  }
0x2f6: {  	_ =	swait.ge [sflag:s24], $0x2800  }
0x2f7: {  	s8 =	sshll.u32 s8, $0x4;
	[sflag:s24] =	ssyncset.done $0x0  }
0x2f8: {  	s8 =	sadd.s32 s0, s8;
	[sflag:s24] =	ssyncadd.s32 $0xFFFFD800  }
0x2f9: {  	[tilespmem:s17], [sflag:$0x6] =	stream.linear.gather [hbm4b:s8+s7], $0x2800, $0x38;
	[tilespmem:$0x1DC80] =	vst v63  }
0x2fa: {  	_ =	swait.ge [sflag:s18], $0x2800  }
0x2fb: {  	[sflag:s18] =	ssyncset.done $0x0  }
0x2fc: {  	[sflag:s18] =	ssyncadd.s32 $0xFFFFD800  }
0x2fd: {  	_ =	swait.ge [sflag:s19], $0x2800  }
0x2fe: {  	[sflag:s19] =	ssyncset.done $0x0  }
0x2ff: {  	s16 =	simm.s32 $0x18E80;
	[sflag:s19] =	ssyncadd.s32 $0xFFFFD800  }
0x300: {  	s8 =	simm.s32 $0x13E80;
	v1 =	vld [tilespmem:s16+$0x180]  }
0x301: {  	v2 =	vld [tilespmem:s8+$0x180]  }
0x302: {  	v3 =	vld [tilespmem:s8+$0xFFFFFE00]  }
0x303: {  	v4 =	vld [tilespmem:s16+$0xFFFFFE80]  }
0x304: {  	v5 =	vld [tilespmem:s8+$0xFFFFFE80]  }
0x305: {  	v6 =	vld [tilespmem:s16+$0xFFFFFF00]  }
0x306: {  	v7 =	vld [tilespmem:s8+$0xFFFFFF00]  }
0x307: {  	v8 =	vld [tilespmem:s8+$0xFFFFFF80]  }
0x308: {  	v10 =	vld [tilespmem:s16+$0x0]  }
0x309: {  	v11 =	vld [tilespmem:s8+$0x0]  }
0x30a: {  	v12 =	vld [tilespmem:s16+$0x80]  }
0x30b: {  	v13 =	vld [tilespmem:s8+$0x80]  }
0x30c: {  	v14 =	vld [tilespmem:s16+$0x100]  }
0x30d: {  	v41 =	vld [tilespmem:s8+$0xFFFFFF10]  }
0x30e: {  	v42 =	vld [tilespmem:s8+$0xFFFFFF90]  }
0x30f: {  	v43 =	vld [tilespmem:s8+$0x10]  }
0x310: {  	v44 =	vld [tilespmem:s8+$0xFFFFFF20]  }
0x311: {  	v45 =	vld [tilespmem:s8+$0xFFFFFFA0]  }
0x312: {  	v46 =	vld [tilespmem:s8+$0x20]  }
0x313: {  	v15 =	vld [tilespmem:s8+$0xA0]  }
0x314: {  	v47 =	vld [tilespmem:s8+$0xFFFFFF30]  }
0x315: {  	v48 =	vld [tilespmem:s8+$0xFFFFFFB0]  }
0x316: {  	v49 =	vld [tilespmem:s8+$0x30]  }
0x317: {  	v51 =	vld [tilespmem:s8+$0xFFFFFFC0]  }
0x318: {  	v52 =	vld [tilespmem:s8+$0x40];
	v1 =	vmul.f32 v2, v1  }
0x319: {  	v53 =	vld [tilespmem:s8+$0xC0]  }
0x31a: {  	[tilespmem:s8+$0x180] =	vst v1;
	v1 =	vld [tilespmem:s8+$0x190]  }
0x31b: {  	v2 =	vld [tilespmem:s16+$0x190]  }
0x31c: {  	v54 =	vld [tilespmem:s8+$0xFFFFFF50]  }
0x31d: {  	v55 =	vld [tilespmem:s8+$0xFFFFFFD0]  }
0x31e: {  	v56 =	vld [tilespmem:s8+$0xD0]  }
0x31f: {  	v57 =	vld [tilespmem:s8+$0xFFFFFE60]  }
0x320: {  	v58 =	vld [tilespmem:s8+$0xFFFFFFE0];
	v1 =	vmul.f32 v1, v2  }
0x321: {  	v59 =	vld [tilespmem:s8+$0x60]  }
0x322: {  	[tilespmem:s8+$0x190] =	vst v1;
	v1 =	vld [tilespmem:s8+$0x1A0]  }
0x323: {  	v9 =	vld [tilespmem:s16+$0x1A0]  }
0x324: {  	v4 =	vmul.f32 v5, v4;
	v5 =	vld [tilespmem:s16+$0xFFFFFE00]  }
0x325: {  	v60 =	vld [tilespmem:s8+$0xE0]  }
0x326: {  	v2 =	vld [tilespmem:s16+$0xFFFFFF80]  }
0x327: {  	v61 =	vld [tilespmem:s8+$0xFFFFFE70]  }
0x328: {  	v1 =	vmul.f32 v1, v9;
	v9 =	vld [tilespmem:s8+$0x100]  }
0x329: {  	v63 =	vld [tilespmem:s8+$0xFFFFFEF0];
	[tilespmem:s8+$0xFFFFFE80] =	vst v4;
	v3 =	vmul.f32 v3, v5  }
0x32a: {  	[tilespmem:s8+$0x1A0] =	vst v1;
	v1 =	vmul.f32 v7, v6;
	v6 =	vld [tilespmem:s8+$0x1B0]  }
0x32b: {  	[tilespmem:s8+$0xFFFFFE00] =	vst v3;
	v2 =	vmul.f32 v8, v2;
	v4 =	vld [tilespmem:s16+$0x1B0]  }
0x32c: {  	v7 =	vld [tilespmem:s16+$0xFFFFFE90];
	[tilespmem:s8+$0xFFFFFF00] =	vst v1;
	v1 =	vmul.f32 v11, v10  }
0x32d: {  	[tilespmem:s8+$0xFFFFFF80] =	vst v2;
	v10 =	vld [tilespmem:s8+$0xFFFFFE10];
	v5 =	vmul.f32 v9, v14  }
0x32e: {  	v2 =	vmul.f32 v13, v12;
	[tilespmem:s8+$0x0] =	vst v1;
	v1 =	vld [tilespmem:s16+$0xFFFFFF90]  }
0x32f: {  	[tilespmem:s8+$0x100] =	vst v5;
	v5 =	vld [tilespmem:s16+$0xFFFFFE10]  }
0x330: {  	[tilespmem:s8+$0x80] =	vst v2;
	v2 =	vld [tilespmem:s16+$0x10];
	v4 =	vmul.f32 v6, v4  }
0x331: {  	v6 =	vld [tilespmem:s16+$0x110]  }
0x332: {  	[tilespmem:s8+$0x1B0] =	vst v4;
	v4 =	vld [tilespmem:s8+$0x1C0]  }
0x333: {  	v9 =	vld [tilespmem:s16+$0x1C0]  }
0x334: {  	v5 =	vmul.f32 v10, v5;
	v10 =	vld [tilespmem:s8+$0x110]  }
0x335: {  	v3 =	vld [tilespmem:s16+$0x90]  }
0x336: {  	v11 =	vld [tilespmem:s8+$0xFFFFFE90];
	v1 =	vmul.f32 v42, v1  }
0x337: {  	v8 =	vld [tilespmem:s16+$0xFFFFFF10];
	v2 =	vmul.f32 v43, v2  }
0x338: {  	[tilespmem:s8+$0xFFFFFF90] =	vst v1;
	v4 =	vmul.f32 v4, v9;
	v9 =	vld [tilespmem:s8+$0x90]  }
0x339: {  	[tilespmem:s8+$0x10] =	vst v2;
	v2 =	vmul.f32 v10, v6;
	v6 =	vld [tilespmem:s16+$0xFFFFFFA0]  }
0x33a: {  	v10 =	vld [tilespmem:s8+$0xFFFFFE20]  }
0x33b: {  	[tilespmem:s8+$0x1C0] =	vst v4;
	v4 =	vmul.f32 v11, v7;
	v7 =	vld [tilespmem:s8+$0x1D0]  }
0x33c: {  	v11 =	vld [tilespmem:s8+$0xFFFFFEA0]  }
0x33d: {  	[tilespmem:s8+$0xFFFFFE10] =	vst v5;
	v5 =	vmul.f32 v41, v8;
	v8 =	vld [tilespmem:s16+$0x1D0]  }
0x33e: {  	[tilespmem:s8+$0xFFFFFE90] =	vst v4;
	v4 =	vld [tilespmem:s16+$0xFFFFFE20]  }
0x33f: {  	[tilespmem:s8+$0xFFFFFF10] =	vst v5;
	v5 =	vld [tilespmem:s16+$0xFFFFFEA0];
	v1 =	vmul.f32 v9, v3  }
0x340: {  	v3 =	vld [tilespmem:s16+$0xFFFFFF20]  }
0x341: {  	v9 =	vld [tilespmem:s16+$0x20];
	[tilespmem:s8+$0x90] =	vst v1  }
0x342: {  	[tilespmem:s8+$0x110] =	vst v2;
	v1 =	vmul.f32 v7, v8;
	v7 =	vld [tilespmem:s16+$0xA0]  }
0x343: {  	v8 =	vld [tilespmem:s16+$0x120]  }
0x344: {  	[tilespmem:s8+$0x1D0] =	vst v1;
	v1 =	vld [tilespmem:s8+$0x1E0];
	v5 =	vmul.f32 v11, v5  }
0x345: {  	v3 =	vmul.f32 v44, v3;
	v2 =	vld [tilespmem:s16+$0x1E0]  }
0x346: {  	v11 =	vld [tilespmem:s8+$0xFFFFFEB0];
	[tilespmem:s8+$0xFFFFFEA0] =	vst v5;
	v5 =	vmul.f32 v45, v6  }
0x347: {  	[tilespmem:s8+$0xFFFFFF20] =	vst v3;
	v3 =	vmul.f32 v46, v9;
	v9 =	vld [tilespmem:s16+$0xFFFFFEB0]  }
0x348: {  	[tilespmem:s8+$0xFFFFFFA0] =	vst v5;
	v5 =	vmul.f32 v15, v7;
	v7 =	vld [tilespmem:s16+$0xFFFFFF30]  }
0x349: {  	[tilespmem:s8+$0x20] =	vst v3;
	v3 =	vld [tilespmem:s16+$0xFFFFFFB0]  }
0x34a: {  	v1 =	vmul.f32 v1, v2;
	v2 =	vmul.f32 v10, v4;
	v4 =	vld [tilespmem:s8+$0x120]  }
0x34b: {  	[tilespmem:s8+$0xA0] =	vst v5;
	v5 =	vld [tilespmem:s16+$0x30]  }
0x34c: {  	[tilespmem:s8+$0x1E0] =	vst v1;
	v1 =	vld [tilespmem:s8+$0x1F0]  }
0x34d: {  	v9 =	vmul.f32 v11, v9;
	v11 =	vld [tilespmem:s8+$0x130]  }
0x34e: {  	[tilespmem:s8+$0xFFFFFE20] =	vst v2;
	v2 =	vld [tilespmem:s16+$0x1F0]  }
0x34f: {  	v6 =	vld [tilespmem:s16+$0xFFFFFE30];
	v4 =	vmul.f32 v4, v8  }
0x350: {  	v8 =	vld [tilespmem:s16+$0xB0]  }
0x351: {  	v7 =	vmul.f32 v47, v7;
	[tilespmem:s8+$0x120] =	vst v4;
	v4 =	vld [tilespmem:s8+$0xFFFFFE30]  }
0x352: {  	[tilespmem:s8+$0xFFFFFEB0] =	vst v9;
	v10 =	vld [tilespmem:s16+$0x130]  }
0x353: {  	v9 =	vld [tilespmem:s16+$0xFFFFFEC0];
	[tilespmem:s8+$0xFFFFFF30] =	vst v7;
	v1 =	vmul.f32 v1, v2  }
0x354: {  	v7 =	vld [tilespmem:s16+$0xFFFFFF40]  }
0x355: {  	v5 =	vmul.f32 v49, v5;
	[tilespmem:s8+$0x1F0] =	vst v1;
	v1 =	vld [tilespmem:s8+$0xF0]  }
0x356: {  	v4 =	vmul.f32 v4, v6;
	v6 =	vld [tilespmem:s8+$0xB0]  }
0x357: {  	[tilespmem:s8+$0x30] =	vst v5;
	v5 =	vmul.f32 v11, v10;
	v11 =	vld [tilespmem:s8+$0xFFFFFF40]  }
0x358: {  	[tilespmem:s8+$0xFFFFFE30] =	vst v4;
	v4 =	vld [tilespmem:s8+$0xFFFFFE40]  }
0x359: {  	v50 =	vld [tilespmem:s16+$0xFFFFFE40]  }
0x35a: {  	v3 =	vmul.f32 v48, v3;
	v10 =	vld [tilespmem:s8+$0xFFFFFEC0];
	[tilespmem:s8+$0x130] =	vst v5  }
0x35b: {  	v5 =	vld [tilespmem:s16+$0x140]  }
0x35c: {  	[tilespmem:s8+$0xFFFFFFB0] =	vst v3;
	v3 =	vmul.f32 v6, v8;
	v8 =	vld [tilespmem:s16+$0x40]  }
0x35d: {  	v6 =	vld [tilespmem:s16+$0xFFFFFFC0];
	v7 =	vmul.f32 v11, v7  }
0x35e: {  	v11 =	vld [tilespmem:s8+$0xFFFFFE50];
	[tilespmem:s8+$0xB0] =	vst v3;
	v4 =	vmul.f32 v4, v50  }
0x35f: {  	v3 =	vld [tilespmem:s16+$0xC0];
	[tilespmem:s8+$0xFFFFFF40] =	vst v7  }
0x360: {  	[tilespmem:s8+$0xFFFFFE40] =	vst v4;
	v4 =	vmul.f32 v10, v9;
	v9 =	vld [tilespmem:s8+$0x140]  }
0x361: {  	v7 =	vmul.f32 v52, v8;
	v8 =	vld [tilespmem:s16+$0xFFFFFF50]  }
0x362: {  	v10 =	vld [tilespmem:s16+$0xFFFFFE50];
	[tilespmem:s8+$0xFFFFFEC0] =	vst v4;
	v4 =	vmul.f32 v51, v6  }
0x363: {  	[tilespmem:s8+$0x40] =	vst v7;
	v6 =	vld [tilespmem:s16+$0xFFFFFED0]  }
0x364: {  	v3 =	vmul.f32 v53, v3;
	v7 =	vld [tilespmem:s16+$0x50];
	[tilespmem:s8+$0xFFFFFFC0] =	vst v4  }
0x365: {  	v4 =	vld [tilespmem:s16+$0xFFFFFFD0]  }
0x366: {  	v5 =	vmul.f32 v9, v5;
	[tilespmem:s8+$0xC0] =	vst v3;
	v9 =	vld [tilespmem:s8+$0xFFFFFED0]  }
0x367: {  	v8 =	vmul.f32 v54, v8;
	v3 =	vld [tilespmem:s16+$0xD0]  }
0x368: {  	v10 =	vmul.f32 v11, v10;
	v11 =	vld [tilespmem:s8+$0x50];
	[tilespmem:s8+$0x140] =	vst v5  }
0x369: {  	[tilespmem:s8+$0xFFFFFF50] =	vst v8;
	v5 =	vld [tilespmem:s16+$0x150]  }
0x36a: {  	[tilespmem:s8+$0xFFFFFE50] =	vst v10;
	v8 =	vld [tilespmem:s16+$0xFFFFFF60]  }
0x36b: {  	v10 =	vld [tilespmem:s16+$0xFFFFFE60];
	v6 =	vmul.f32 v9, v6  }
0x36c: {  	v9 =	vld [tilespmem:s8+$0x150];
	v4 =	vmul.f32 v55, v4  }
0x36d: {  	v7 =	vmul.f32 v11, v7;
	v11 =	vld [tilespmem:s8+$0xFFFFFF60];
	[tilespmem:s8+$0xFFFFFED0] =	vst v6  }
0x36e: {  	[tilespmem:s8+$0xFFFFFFD0] =	vst v4;
	v6 =	vld [tilespmem:s16+$0xFFFFFEE0]  }
0x36f: {  	v3 =	vmul.f32 v56, v3;
	v4 =	vld [tilespmem:s16+$0xFFFFFFE0];
	[tilespmem:s8+$0x50] =	vst v7  }
0x370: {  	v7 =	vld [tilespmem:s16+$0x60]  }
0x371: {  	[tilespmem:s8+$0xD0] =	vst v3;
	v10 =	vmul.f32 v57, v10;
	v5 =	vmul.f32 v9, v5;
	v9 =	vld [tilespmem:s8+$0xFFFFFEE0]  }
0x372: {  	v3 =	vld [tilespmem:s16+$0xE0]  }
0x373: {  	[tilespmem:s8+$0xFFFFFE60] =	vst v10;
	v10 =	vld [tilespmem:s8+$0xFFFFFF70]  }
0x374: {  	v8 =	vmul.f32 v11, v8;
	[tilespmem:s8+$0x150] =	vst v5;
	v11 =	vld [tilespmem:s16+$0xFFFFFE70];
	v4 =	vmul.f32 v58, v4  }
0x375: {  	v5 =	vld [tilespmem:s16+$0x160]  }
0x376: {  	v6 =	vmul.f32 v9, v6;
	v9 =	vld [tilespmem:s8+$0x160];
	[tilespmem:s8+$0xFFFFFFE0] =	vst v4  }
0x377: {  	[tilespmem:s8+$0xFFFFFF60] =	vst v8;
	v3 =	vmul.f32 v60, v3;
	v4 =	vld [tilespmem:s16+$0xFFFFFFF0]  }
0x378: {  	[tilespmem:s8+$0xFFFFFEE0] =	vst v6;
	v6 =	vmul.f32 v59, v7;
	v7 =	vld [tilespmem:s16+$0xFFFFFF70]  }
0x379: {  	[tilespmem:s8+$0xE0] =	vst v3;
	v62 =	vld [tilespmem:s16+$0xFFFFFEF0]  }
0x37a: {  	[tilespmem:s8+$0x60] =	vst v6;
	v6 =	vld [tilespmem:s16+$0xF0]  }
0x37b: {  	v8 =	vmul.f32 v9, v5;
	v5 =	vld [tilespmem:s16+$0x70]  }
0x37c: {  	v2 =	vmul.f32 v61, v11;
	v9 =	vld [tilespmem:s8+$0xFFFFFFF0]  }
0x37d: {  	[tilespmem:s8+$0x160] =	vst v8;
	v8 =	vld [tilespmem:s8+$0x70]  }
0x37e: {  	[tilespmem:s8+$0xFFFFFE70] =	vst v2;
	v2 =	vld [tilespmem:s8+$0x170]  }
0x37f: {  	s30 =	simm.s32 $0x0;
	s29 =	simm.s32 $0x13E80;
	v3 =	vld [tilespmem:s16+$0x170];
	v11 =	vmul.f32 v63, v62;
	s16 =	simm.s32 $0x19280  }
.LBB2_9:
0x380: {  	v12 =	vld [tilespmem:s16+$0x180];
	v7 =	vmul.f32 v10, v7;
	s8 =	sadd.s32 $0x400, s8  }
0x381: {  	s30 =	sadd.s32 $0x8, s30;
	v10 =	vld [tilespmem:s8+$0x180];
	[tilespmem:s29+$0xFFFFFEF0] =	vst v11;
	v4 =	vmul.f32 v9, v4  }
0x382: {  	p1 =	slt.u32 s30, $0x48;
	v9 =	vld [tilespmem:s8+$0xFFFFFE00];
	[tilespmem:s29+$0xFFFFFF70] =	vst v7;
	v5 =	vmul.f32 v8, v5  }
0x383: {  	v7 =	vld [tilespmem:s16+$0xFFFFFE80];
	[tilespmem:s29+$0xFFFFFFF0] =	vst v4;
	v1 =	vmul.f32 v1, v6  }
0x384: {  	v4 =	vld [tilespmem:s8+$0xFFFFFE80];
	[tilespmem:s29+$0x70] =	vst v5;
	v2 =	vmul.f32 v2, v3  }
0x385: {  	v3 =	vld [tilespmem:s16+$0xFFFFFF00];
	[tilespmem:s29+$0xF0] =	vst v1  }
0x386: {  	v1 =	vld [tilespmem:s8+$0xFFFFFF00];
	v5 =	vmul.f32 v10, v12;
	[tilespmem:s29+$0x170] =	vst v2;
	s29 =	smov.u32 s8  }
0x387: {  	v2 =	vld [tilespmem:s16+$0xFFFFFF80]  }
0x388: {  	[tilespmem:s8+$0x180] =	vst v5;
	v5 =	vld [tilespmem:s8+$0x190]  }
0x389: {  	v4 =	vmul.f32 v4, v7;
	v6 =	vld [tilespmem:s16+$0x190]  }
0x38a: {  	v7 =	vld [tilespmem:s8+$0xFFFFFF80]  }
0x38b: {  	[tilespmem:s8+$0xFFFFFE80] =	vst v4;
	v1 =	vmul.f32 v1, v3;
	v3 =	vld [tilespmem:s16+$0x0]  }
0x38c: {  	v4 =	vld [tilespmem:s8+$0x0]  }
0x38d: {  	[tilespmem:s8+$0xFFFFFF00] =	vst v1;
	v1 =	vld [tilespmem:s16+$0x80]  }
0x38e: {  	v8 =	vld [tilespmem:s8+$0x80];
	v5 =	vmul.f32 v5, v6  }
0x38f: {  	v2 =	vmul.f32 v7, v2;
	v6 =	vld [tilespmem:s16+$0x100]  }
0x390: {  	[tilespmem:s8+$0x190] =	vst v5;
	v5 =	vld [tilespmem:s8+$0x1A0]  }
0x391: {  	[tilespmem:s8+$0xFFFFFF80] =	vst v2;
	v2 =	vmul.f32 v4, v3;
	v3 =	vld [tilespmem:s16+$0x1A0]  }
0x392: {  	v4 =	vld [tilespmem:s8+$0x100]  }
0x393: {  	v7 =	vld [tilespmem:s16+$0xFFFFFE00];
	[tilespmem:s8+$0x0] =	vst v2;
	v1 =	vmul.f32 v8, v1  }
0x394: {  	v2 =	vld [tilespmem:s16+$0xFFFFFE90]  }
0x395: {  	v8 =	vld [tilespmem:s16+$0xFFFFFF10];
	[tilespmem:s8+$0x80] =	vst v1  }
0x396: {  	v1 =	vld [tilespmem:s16+$0xFFFFFF90];
	v3 =	vmul.f32 v5, v3  }
0x397: {  	v5 =	vld [tilespmem:s16+$0x10];
	v4 =	vmul.f32 v4, v6  }
0x398: {  	v6 =	vmul.f32 v9, v7;
	[tilespmem:s8+$0x1A0] =	vst v3;
	v3 =	vld [tilespmem:s8+$0x1B0]  }
0x399: {  	[tilespmem:s8+$0x100] =	vst v4;
	v4 =	vld [tilespmem:s16+$0x1B0]  }
0x39a: {  	[tilespmem:s8+$0xFFFFFE00] =	vst v6;
	v6 =	vld [tilespmem:s16+$0x90]  }
0x39b: {  	v7 =	vld [tilespmem:s16+$0xFFFFFE10]  }
0x39c: {  	v9 =	vld [tilespmem:s16+$0x110]  }
0x39d: {  	v10 =	vld [tilespmem:s8+$0xFFFFFE10]  }
0x39e: {  	v11 =	vld [tilespmem:s8+$0xFFFFFE90];
	v3 =	vmul.f32 v3, v4  }
0x39f: {  	v4 =	vld [tilespmem:s8+$0xFFFFFF10]  }
0x3a0: {  	[tilespmem:s8+$0x1B0] =	vst v3;
	v3 =	vld [tilespmem:s8+$0x1C0]  }
0x3a1: {  	v12 =	vld [tilespmem:s16+$0x1C0]  }
0x3a2: {  	v7 =	vmul.f32 v10, v7;
	v10 =	vld [tilespmem:s8+$0xFFFFFF90]  }
0x3a3: {  	v2 =	vmul.f32 v11, v2;
	v11 =	vld [tilespmem:s8+$0x10]  }
0x3a4: {  	[tilespmem:s8+$0xFFFFFE10] =	vst v7;
	v4 =	vmul.f32 v4, v8;
	v7 =	vld [tilespmem:s8+$0x90]  }
0x3a5: {  	[tilespmem:s8+$0xFFFFFE90] =	vst v2;
	v2 =	vld [tilespmem:s8+$0x110]  }
0x3a6: {  	v8 =	vld [tilespmem:s16+$0xFFFFFE20];
	[tilespmem:s8+$0xFFFFFF10] =	vst v4;
	v3 =	vmul.f32 v3, v12  }
0x3a7: {  	v4 =	vld [tilespmem:s16+$0xFFFFFEA0];
	v1 =	vmul.f32 v10, v1  }
0x3a8: {  	v5 =	vmul.f32 v11, v5;
	[tilespmem:s8+$0x1C0] =	vst v3;
	v3 =	vld [tilespmem:s8+$0x1D0]  }
0x3a9: {  	[tilespmem:s8+$0xFFFFFF90] =	vst v1;
	v1 =	vmul.f32 v7, v6;
	v6 =	vld [tilespmem:s16+$0x1D0]  }
0x3aa: {  	v7 =	vld [tilespmem:s16+$0xFFFFFF20];
	[tilespmem:s8+$0x10] =	vst v5;
	v2 =	vmul.f32 v2, v9  }
0x3ab: {  	v5 =	vld [tilespmem:s16+$0xFFFFFFA0];
	[tilespmem:s8+$0x90] =	vst v1  }
0x3ac: {  	v1 =	vld [tilespmem:s16+$0x20];
	[tilespmem:s8+$0x110] =	vst v2  }
0x3ad: {  	v2 =	vld [tilespmem:s16+$0xA0]  }
0x3ae: {  	v9 =	vld [tilespmem:s16+$0x120];
	v3 =	vmul.f32 v3, v6  }
0x3af: {  	v6 =	vld [tilespmem:s8+$0xFFFFFE20]  }
0x3b0: {  	[tilespmem:s8+$0x1D0] =	vst v3;
	v3 =	vld [tilespmem:s8+$0x1E0]  }
0x3b1: {  	v10 =	vld [tilespmem:s16+$0x1E0]  }
0x3b2: {  	v11 =	vld [tilespmem:s8+$0xFFFFFEA0]  }
0x3b3: {  	v12 =	vld [tilespmem:s8+$0xFFFFFF20]  }
0x3b4: {  	v6 =	vmul.f32 v6, v8;
	v8 =	vld [tilespmem:s8+$0xFFFFFFA0]  }
0x3b5: {  	v13 =	vld [tilespmem:s8+$0x20]  }
0x3b6: {  	[tilespmem:s8+$0xFFFFFE20] =	vst v6;
	v6 =	vld [tilespmem:s8+$0xA0];
	v3 =	vmul.f32 v3, v10  }
0x3b7: {  	v4 =	vmul.f32 v11, v4;
	v10 =	vld [tilespmem:s8+$0x120]  }
0x3b8: {  	v7 =	vmul.f32 v12, v7;
	[tilespmem:s8+$0x1E0] =	vst v3;
	v3 =	vld [tilespmem:s8+$0x1F0]  }
0x3b9: {  	[tilespmem:s8+$0xFFFFFEA0] =	vst v4;
	v4 =	vmul.f32 v8, v5;
	v5 =	vld [tilespmem:s16+$0x1F0]  }
0x3ba: {  	v8 =	vld [tilespmem:s16+$0xFFFFFE30];
	[tilespmem:s8+$0xFFFFFF20] =	vst v7;
	v1 =	vmul.f32 v13, v1  }
0x3bb: {  	v7 =	vld [tilespmem:s16+$0xFFFFFEB0];
	[tilespmem:s8+$0xFFFFFFA0] =	vst v4;
	v2 =	vmul.f32 v6, v2  }
0x3bc: {  	v4 =	vld [tilespmem:s16+$0xFFFFFF30];
	[tilespmem:s8+$0x20] =	vst v1;
	v1 =	vmul.f32 v10, v9  }
0x3bd: {  	v6 =	vld [tilespmem:s16+$0xFFFFFFB0];
	[tilespmem:s8+$0xA0] =	vst v2  }
0x3be: {  	v2 =	vld [tilespmem:s16+$0x30];
	[tilespmem:s8+$0x120] =	vst v1;
	v1 =	vmul.f32 v3, v5  }
0x3bf: {  	v3 =	vld [tilespmem:s16+$0xB0]  }
0x3c0: {  	v5 =	vld [tilespmem:s16+$0x130];
	[tilespmem:s8+$0x1F0] =	vst v1  }
0x3c1: {  	v1 =	vld [tilespmem:s8+$0xFFFFFE30]  }
0x3c2: {  	v9 =	vld [tilespmem:s8+$0xFFFFFEB0]  }
0x3c3: {  	v10 =	vld [tilespmem:s8+$0xFFFFFF30]  }
0x3c4: {  	v11 =	vld [tilespmem:s8+$0xFFFFFFB0]  }
0x3c5: {  	v12 =	vld [tilespmem:s8+$0x30]  }
0x3c6: {  	v1 =	vmul.f32 v1, v8;
	v8 =	vld [tilespmem:s8+$0xB0]  }
0x3c7: {  	v7 =	vmul.f32 v9, v7;
	v9 =	vld [tilespmem:s8+$0x130]  }
0x3c8: {  	[tilespmem:s8+$0xFFFFFE30] =	vst v1;
	v1 =	vld [tilespmem:s8+$0xFFFFFE40];
	v4 =	vmul.f32 v10, v4  }
0x3c9: {  	v10 =	vld [tilespmem:s16+$0xFFFFFE40];
	[tilespmem:s8+$0xFFFFFEB0] =	vst v7;
	v6 =	vmul.f32 v11, v6  }
0x3ca: {  	v7 =	vld [tilespmem:s16+$0xFFFFFEC0];
	[tilespmem:s8+$0xFFFFFF30] =	vst v4;
	v2 =	vmul.f32 v12, v2  }
0x3cb: {  	v4 =	vld [tilespmem:s16+$0xFFFFFF40];
	[tilespmem:s8+$0xFFFFFFB0] =	vst v6;
	v3 =	vmul.f32 v8, v3  }
0x3cc: {  	v6 =	vld [tilespmem:s16+$0xFFFFFFC0];
	[tilespmem:s8+$0x30] =	vst v2;
	v2 =	vmul.f32 v9, v5  }
0x3cd: {  	v5 =	vld [tilespmem:s16+$0x40];
	[tilespmem:s8+$0xB0] =	vst v3  }
0x3ce: {  	v1 =	vmul.f32 v1, v10;
	v3 =	vld [tilespmem:s16+$0xC0];
	[tilespmem:s8+$0x130] =	vst v2  }
0x3cf: {  	v2 =	vld [tilespmem:s16+$0x140]  }
0x3d0: {  	[tilespmem:s8+$0xFFFFFE40] =	vst v1;
	v1 =	vld [tilespmem:s8+$0xFFFFFEC0]  }
0x3d1: {  	v8 =	vld [tilespmem:s8+$0xFFFFFF40]  }
0x3d2: {  	v9 =	vld [tilespmem:s8+$0xFFFFFFC0]  }
0x3d3: {  	v10 =	vld [tilespmem:s8+$0x40]  }
0x3d4: {  	v11 =	vld [tilespmem:s8+$0xC0]  }
0x3d5: {  	v1 =	vmul.f32 v1, v7;
	v7 =	vld [tilespmem:s8+$0x140]  }
0x3d6: {  	v12 =	vld [tilespmem:s16+$0xFFFFFE50];
	v4 =	vmul.f32 v8, v4  }
0x3d7: {  	v8 =	vld [tilespmem:s8+$0xFFFFFE50];
	[tilespmem:s8+$0xFFFFFEC0] =	vst v1;
	v1 =	vmul.f32 v9, v6  }
0x3d8: {  	v6 =	vld [tilespmem:s16+$0xFFFFFED0];
	[tilespmem:s8+$0xFFFFFF40] =	vst v4;
	v4 =	vmul.f32 v10, v5  }
0x3d9: {  	v5 =	vld [tilespmem:s16+$0xFFFFFF50];
	[tilespmem:s8+$0xFFFFFFC0] =	vst v1;
	v1 =	vmul.f32 v11, v3  }
0x3da: {  	v3 =	vld [tilespmem:s16+$0xFFFFFFD0];
	[tilespmem:s8+$0x40] =	vst v4;
	v2 =	vmul.f32 v7, v2  }
0x3db: {  	v4 =	vld [tilespmem:s16+$0x50];
	[tilespmem:s8+$0xC0] =	vst v1  }
0x3dc: {  	v1 =	vmul.f32 v8, v12;
	v7 =	vld [tilespmem:s16+$0xD0];
	[tilespmem:s8+$0x140] =	vst v2  }
0x3dd: {  	v2 =	vld [tilespmem:s16+$0x150]  }
0x3de: {  	[tilespmem:s8+$0xFFFFFE50] =	vst v1;
	v1 =	vld [tilespmem:s8+$0xFFFFFED0]  }
0x3df: {  	v8 =	vld [tilespmem:s8+$0xFFFFFF50]  }
0x3e0: {  	v9 =	vld [tilespmem:s8+$0xFFFFFFD0]  }
0x3e1: {  	v10 =	vld [tilespmem:s8+$0x50]  }
0x3e2: {  	v11 =	vld [tilespmem:s8+$0xD0]  }
0x3e3: {  	v1 =	vmul.f32 v1, v6;
	v6 =	vld [tilespmem:s8+$0x150]  }
0x3e4: {  	v12 =	vld [tilespmem:s16+$0xFFFFFE60];
	v5 =	vmul.f32 v8, v5  }
0x3e5: {  	v8 =	vld [tilespmem:s8+$0xFFFFFE60];
	[tilespmem:s8+$0xFFFFFED0] =	vst v1;
	v1 =	vmul.f32 v9, v3  }
0x3e6: {  	v3 =	vld [tilespmem:s16+$0xFFFFFEE0];
	[tilespmem:s8+$0xFFFFFF50] =	vst v5;
	v4 =	vmul.f32 v10, v4  }
0x3e7: {  	v5 =	vld [tilespmem:s16+$0xFFFFFF60];
	[tilespmem:s8+$0xFFFFFFD0] =	vst v1;
	v1 =	vmul.f32 v11, v7  }
0x3e8: {  	v7 =	vld [tilespmem:s16+$0xFFFFFFE0];
	[tilespmem:s8+$0x50] =	vst v4;
	v2 =	vmul.f32 v6, v2  }
0x3e9: {  	v4 =	vld [tilespmem:s16+$0x60];
	[tilespmem:s8+$0xD0] =	vst v1  }
0x3ea: {  	v1 =	vmul.f32 v8, v12;
	v6 =	vld [tilespmem:s16+$0xE0];
	[tilespmem:s8+$0x150] =	vst v2  }
0x3eb: {  	v2 =	vld [tilespmem:s16+$0x160]  }
0x3ec: {  	[tilespmem:s8+$0xFFFFFE60] =	vst v1;
	v1 =	vld [tilespmem:s8+$0xFFFFFEE0]  }
0x3ed: {  	v8 =	vld [tilespmem:s8+$0xFFFFFF60]  }
0x3ee: {  	v9 =	vld [tilespmem:s8+$0xFFFFFFE0]  }
0x3ef: {  	v10 =	vld [tilespmem:s8+$0x60]  }
0x3f0: {  	v11 =	vld [tilespmem:s8+$0xE0]  }
0x3f1: {  	v1 =	vmul.f32 v1, v3;
	v3 =	vld [tilespmem:s8+$0x160]  }
0x3f2: {  	v12 =	vld [tilespmem:s16+$0xFFFFFE70];
	v5 =	vmul.f32 v8, v5  }
0x3f3: {  	v8 =	vld [tilespmem:s8+$0xFFFFFE70];
	[tilespmem:s8+$0xFFFFFEE0] =	vst v1;
	v1 =	vmul.f32 v9, v7  }
0x3f4: {  	v13 =	vld [tilespmem:s16+$0xFFFFFEF0];
	[tilespmem:s8+$0xFFFFFF60] =	vst v5;
	v5 =	vmul.f32 v10, v4  }
0x3f5: {  	v7 =	vld [tilespmem:s16+$0xFFFFFF70];
	[tilespmem:s8+$0xFFFFFFE0] =	vst v1;
	v1 =	vmul.f32 v11, v6  }
0x3f6: {  	v4 =	vld [tilespmem:s16+$0xFFFFFFF0];
	[tilespmem:s8+$0x60] =	vst v5;
	v2 =	vmul.f32 v3, v2  }
0x3f7: {  	v5 =	vld [tilespmem:s16+$0x70];
	[tilespmem:s8+$0xE0] =	vst v1  }
0x3f8: {  	v1 =	vmul.f32 v8, v12;
	v6 =	vld [tilespmem:s16+$0xF0];
	[tilespmem:s8+$0x160] =	vst v2  }
0x3f9: {  	v3 =	vld [tilespmem:s16+$0x170]  }
0x3fa: {  	[tilespmem:s8+$0xFFFFFE70] =	vst v1;
	v2 =	vld [tilespmem:s8+$0xFFFFFEF0]  }
.Ltmp3:
0x3fb: {  	v10 =	vld [tilespmem:s8+$0xFFFFFF70];
	(pc) =	sbr.rel @p1 .LBB2_9-.Ltmp3, $4  }
0x3fc: {  	v9 =	vld [tilespmem:s8+$0xFFFFFFF0]  }
0x3fd: {  	v8 =	vld [tilespmem:s8+$0x70]  }
0x3fe: {  	v1 =	vld [tilespmem:s8+$0xF0]  }
0x3ff: {  	s16 =	sadd.s32 $0x400, s16;
	v11 =	vmul.f32 v2, v13;
	v2 =	vld [tilespmem:s8+$0x170]  }
0x400: {  	v7 =	vmul.f32 v10, v7  }
0x401: {  	[tilespmem:s29+$0xFFFFFEF0] =	vst v11;
	v4 =	vmul.f32 v9, v4  }
0x402: {  	[tilespmem:s29+$0xFFFFFF70] =	vst v7;
	v5 =	vmul.f32 v8, v5  }
0x403: {  	[tilespmem:s29+$0xFFFFFFF0] =	vst v4;
	v1 =	vmul.f32 v1, v6  }
0x404: {  	[tilespmem:s29+$0x70] =	vst v5;
	v2 =	vmul.f32 v2, v3  }
0x405: {  	[tilespmem:s29+$0xF0] =	vst v1  }
0x406: {  	s8 =	simm.s32 $0x13B80;
	[tilespmem:s29+$0x170] =	vst v2  }
0x407: {  	[spmem:s6] =	stream.indirect.scatter.add.f32 [tilespmem:s10], [sflag:$0x9], $0x80, s8, s26, $0xb8;
	[tilespmem:$0x1DC80] =	vst v63  }
0x408: {  	p1 =	seq.s32 s31, $0x1E;
	s8 =	rddreg [dreg:$0x1f]  }
0x409: {  	s5 =	sadd.s32 @!p1 s5, s8  }
0x40a: {  	s5 =	sshrl.u32 @!p1 s5, $0x3  }
0x40b: {  	s16 =	simm.s32 @!p1 $0x0;
	s29 =	simm.s32 @!p1 $0x13900;
	s8 =	sadd.s32 @!p1 s2, s5  }
0x40c: {  	[tilespmem:s29], [sflag:$0x2] =	stream.linear.gather @!p1 [hbm4b:s8+s16], $0x50, $0x38;
	[tilespmem:$0x1DC80] =	vst v63  }
0x40d: {  	s5 =	sadd.s32 @!p1 s4, s5;
	s8 =	simm.s32 @!p1 $0x13B00  }
0x40e: {  	[tilespmem:s8], [sflag:$0x2] =	stream.linear.gather @!p1 [hbm4b:s5+s16], $0x50, $0x38;
	[tilespmem:$0x1DC80] =	vst v63  }
0x40f: {  	_ =	swait.ge [sflag:s25], $0x50  }
0x410: {  	[sflag:s25] =	ssyncset.done $0x0  }
0x411: {  	[sflag:s25] =	ssyncadd.s32 $0xFFFFFFB0  }
0x412: {  	_ =	swait.ge [sflag:s25], $0x50  }
0x413: {  	[sflag:s25] =	ssyncset.done $0x0  }
0x414: {  	[sflag:s25] =	ssyncadd.s32 $0xFFFFFFB0  }
0x415: {  	[tilespmem:s28], [sflag:$0x7] =	stream.indirect.gather [hbm4b:s1+s26], $0x80, s12, s26, $0xb8;
	[tilespmem:$0x1DC80] =	vst v63  }
0x416: {  	_ =	swait.ge [sflag:s23], $0x2800  }
0x417: {  	s3 =	sshll.u32 s3, $0x4;
	[sflag:s23] =	ssyncset.done $0x0  }
0x418: {  	s3 =	sadd.s32 s0, s3;
	[sflag:s23] =	ssyncadd.s32 $0xFFFFD800  }
0x419: {  	[tilespmem:s10], [sflag:$0x5] =	stream.linear.gather [hbm4b:s3+s7], $0x2800, $0x38;
	[tilespmem:$0x1DC80] =	vst v63  }
0x41a: {  	_ =	swait.ge [sflag:s14], $0x2800  }
0x41b: {  	[sflag:s14] =	ssyncset.done $0x0  }
0x41c: {  	[sflag:s14] =	ssyncadd.s32 $0xFFFFD800  }
0x41d: {  	_ =	swait.ge [sflag:s15], $0x2800  }
0x41e: {  	[sflag:s15] =	ssyncset.done $0x0  }
0x41f: {  	s30 =	simm.s32 $0x1B680;
	[sflag:s15] =	ssyncadd.s32 $0xFFFFD800  }
0x420: {  	s3 =	simm.s32 $0x16680;
	v1 =	vld [tilespmem:s30+$0x180]  }
0x421: {  	v2 =	vld [tilespmem:s3+$0x180]  }
0x422: {  	v3 =	vld [tilespmem:s3+$0xFFFFFE00]  }
0x423: {  	v4 =	vld [tilespmem:s30+$0xFFFFFE80]  }
0x424: {  	v5 =	vld [tilespmem:s3+$0xFFFFFE80]  }
0x425: {  	v6 =	vld [tilespmem:s30+$0xFFFFFF00]  }
0x426: {  	v7 =	vld [tilespmem:s3+$0xFFFFFF00]  }
0x427: {  	v8 =	vld [tilespmem:s3+$0xFFFFFF80]  }
0x428: {  	v10 =	vld [tilespmem:s30+$0x0]  }
0x429: {  	v11 =	vld [tilespmem:s3+$0x0]  }
0x42a: {  	v12 =	vld [tilespmem:s30+$0x80]  }
0x42b: {  	v13 =	vld [tilespmem:s3+$0x80]  }
0x42c: {  	v14 =	vld [tilespmem:s30+$0x100]  }
0x42d: {  	v41 =	vld [tilespmem:s3+$0xFFFFFF10]  }
0x42e: {  	v42 =	vld [tilespmem:s3+$0xFFFFFF90]  }
0x42f: {  	v43 =	vld [tilespmem:s3+$0x10]  }
0x430: {  	v44 =	vld [tilespmem:s3+$0xFFFFFF20]  }
0x431: {  	v45 =	vld [tilespmem:s3+$0xFFFFFFA0]  }
0x432: {  	v46 =	vld [tilespmem:s3+$0x20]  }
0x433: {  	v15 =	vld [tilespmem:s3+$0xA0]  }
0x434: {  	v47 =	vld [tilespmem:s3+$0xFFFFFF30]  }
0x435: {  	v48 =	vld [tilespmem:s3+$0xFFFFFFB0]  }
0x436: {  	v49 =	vld [tilespmem:s3+$0x30]  }
0x437: {  	v51 =	vld [tilespmem:s3+$0xFFFFFFC0]  }
0x438: {  	v52 =	vld [tilespmem:s3+$0x40];
	v1 =	vmul.f32 v2, v1  }
0x439: {  	v53 =	vld [tilespmem:s3+$0xC0]  }
0x43a: {  	[tilespmem:s3+$0x180] =	vst v1;
	v1 =	vld [tilespmem:s3+$0x190]  }
0x43b: {  	v2 =	vld [tilespmem:s30+$0x190]  }
0x43c: {  	v54 =	vld [tilespmem:s3+$0xFFFFFF50]  }
0x43d: {  	v55 =	vld [tilespmem:s3+$0xFFFFFFD0]  }
0x43e: {  	v56 =	vld [tilespmem:s3+$0xD0]  }
0x43f: {  	v57 =	vld [tilespmem:s3+$0xFFFFFE60]  }
0x440: {  	v58 =	vld [tilespmem:s3+$0xFFFFFFE0];
	v1 =	vmul.f32 v1, v2  }
0x441: {  	v59 =	vld [tilespmem:s3+$0x60]  }
0x442: {  	[tilespmem:s3+$0x190] =	vst v1;
	v1 =	vld [tilespmem:s3+$0x1A0]  }
0x443: {  	v9 =	vld [tilespmem:s30+$0x1A0]  }
0x444: {  	v4 =	vmul.f32 v5, v4;
	v5 =	vld [tilespmem:s30+$0xFFFFFE00]  }
0x445: {  	v60 =	vld [tilespmem:s3+$0xE0]  }
0x446: {  	v2 =	vld [tilespmem:s30+$0xFFFFFF80]  }
0x447: {  	v61 =	vld [tilespmem:s3+$0xFFFFFE70]  }
0x448: {  	v1 =	vmul.f32 v1, v9;
	v9 =	vld [tilespmem:s3+$0x100]  }
0x449: {  	v63 =	vld [tilespmem:s3+$0xFFFFFEF0];
	[tilespmem:s3+$0xFFFFFE80] =	vst v4;
	v3 =	vmul.f32 v3, v5  }
0x44a: {  	[tilespmem:s3+$0x1A0] =	vst v1;
	v1 =	vmul.f32 v7, v6;
	v6 =	vld [tilespmem:s3+$0x1B0]  }
0x44b: {  	[tilespmem:s3+$0xFFFFFE00] =	vst v3;
	v2 =	vmul.f32 v8, v2;
	v4 =	vld [tilespmem:s30+$0x1B0]  }
0x44c: {  	v7 =	vld [tilespmem:s30+$0xFFFFFE90];
	[tilespmem:s3+$0xFFFFFF00] =	vst v1;
	v1 =	vmul.f32 v11, v10  }
0x44d: {  	[tilespmem:s3+$0xFFFFFF80] =	vst v2;
	v10 =	vld [tilespmem:s3+$0xFFFFFE10];
	v5 =	vmul.f32 v9, v14  }
0x44e: {  	v2 =	vmul.f32 v13, v12;
	[tilespmem:s3+$0x0] =	vst v1;
	v1 =	vld [tilespmem:s30+$0xFFFFFF90]  }
0x44f: {  	[tilespmem:s3+$0x100] =	vst v5;
	v5 =	vld [tilespmem:s30+$0xFFFFFE10]  }
0x450: {  	[tilespmem:s3+$0x80] =	vst v2;
	v2 =	vld [tilespmem:s30+$0x10];
	v4 =	vmul.f32 v6, v4  }
0x451: {  	v6 =	vld [tilespmem:s30+$0x110]  }
0x452: {  	[tilespmem:s3+$0x1B0] =	vst v4;
	v4 =	vld [tilespmem:s3+$0x1C0]  }
0x453: {  	v9 =	vld [tilespmem:s30+$0x1C0]  }
0x454: {  	v5 =	vmul.f32 v10, v5;
	v10 =	vld [tilespmem:s3+$0x110]  }
0x455: {  	v3 =	vld [tilespmem:s30+$0x90]  }
0x456: {  	v11 =	vld [tilespmem:s3+$0xFFFFFE90];
	v1 =	vmul.f32 v42, v1  }
0x457: {  	v8 =	vld [tilespmem:s30+$0xFFFFFF10];
	v2 =	vmul.f32 v43, v2  }
0x458: {  	[tilespmem:s3+$0xFFFFFF90] =	vst v1;
	v4 =	vmul.f32 v4, v9;
	v9 =	vld [tilespmem:s3+$0x90]  }
0x459: {  	[tilespmem:s3+$0x10] =	vst v2;
	v2 =	vmul.f32 v10, v6;
	v6 =	vld [tilespmem:s30+$0xFFFFFFA0]  }
0x45a: {  	v10 =	vld [tilespmem:s3+$0xFFFFFE20]  }
0x45b: {  	[tilespmem:s3+$0x1C0] =	vst v4;
	v4 =	vmul.f32 v11, v7;
	v7 =	vld [tilespmem:s3+$0x1D0]  }
0x45c: {  	v11 =	vld [tilespmem:s3+$0xFFFFFEA0]  }
0x45d: {  	[tilespmem:s3+$0xFFFFFE10] =	vst v5;
	v5 =	vmul.f32 v41, v8;
	v8 =	vld [tilespmem:s30+$0x1D0]  }
0x45e: {  	[tilespmem:s3+$0xFFFFFE90] =	vst v4;
	v4 =	vld [tilespmem:s30+$0xFFFFFE20]  }
0x45f: {  	[tilespmem:s3+$0xFFFFFF10] =	vst v5;
	v5 =	vld [tilespmem:s30+$0xFFFFFEA0];
	v1 =	vmul.f32 v9, v3  }
0x460: {  	v3 =	vld [tilespmem:s30+$0xFFFFFF20]  }
0x461: {  	v9 =	vld [tilespmem:s30+$0x20];
	[tilespmem:s3+$0x90] =	vst v1  }
0x462: {  	[tilespmem:s3+$0x110] =	vst v2;
	v1 =	vmul.f32 v7, v8;
	v7 =	vld [tilespmem:s30+$0xA0]  }
0x463: {  	v8 =	vld [tilespmem:s30+$0x120]  }
0x464: {  	[tilespmem:s3+$0x1D0] =	vst v1;
	v1 =	vld [tilespmem:s3+$0x1E0];
	v5 =	vmul.f32 v11, v5  }
0x465: {  	v3 =	vmul.f32 v44, v3;
	v2 =	vld [tilespmem:s30+$0x1E0]  }
0x466: {  	v11 =	vld [tilespmem:s3+$0xFFFFFEB0];
	[tilespmem:s3+$0xFFFFFEA0] =	vst v5;
	v5 =	vmul.f32 v45, v6  }
0x467: {  	[tilespmem:s3+$0xFFFFFF20] =	vst v3;
	v3 =	vmul.f32 v46, v9;
	v9 =	vld [tilespmem:s30+$0xFFFFFEB0]  }
0x468: {  	[tilespmem:s3+$0xFFFFFFA0] =	vst v5;
	v5 =	vmul.f32 v15, v7;
	v7 =	vld [tilespmem:s30+$0xFFFFFF30]  }
0x469: {  	[tilespmem:s3+$0x20] =	vst v3;
	v3 =	vld [tilespmem:s30+$0xFFFFFFB0]  }
0x46a: {  	v1 =	vmul.f32 v1, v2;
	v2 =	vmul.f32 v10, v4;
	v4 =	vld [tilespmem:s3+$0x120]  }
0x46b: {  	[tilespmem:s3+$0xA0] =	vst v5;
	v5 =	vld [tilespmem:s30+$0x30]  }
0x46c: {  	[tilespmem:s3+$0x1E0] =	vst v1;
	v1 =	vld [tilespmem:s3+$0x1F0]  }
0x46d: {  	v9 =	vmul.f32 v11, v9;
	v11 =	vld [tilespmem:s3+$0x130]  }
0x46e: {  	[tilespmem:s3+$0xFFFFFE20] =	vst v2;
	v2 =	vld [tilespmem:s30+$0x1F0]  }
0x46f: {  	v6 =	vld [tilespmem:s30+$0xFFFFFE30];
	v4 =	vmul.f32 v4, v8  }
0x470: {  	v8 =	vld [tilespmem:s30+$0xB0]  }
0x471: {  	v7 =	vmul.f32 v47, v7;
	[tilespmem:s3+$0x120] =	vst v4;
	v4 =	vld [tilespmem:s3+$0xFFFFFE30]  }
0x472: {  	[tilespmem:s3+$0xFFFFFEB0] =	vst v9;
	v10 =	vld [tilespmem:s30+$0x130]  }
0x473: {  	v9 =	vld [tilespmem:s30+$0xFFFFFEC0];
	[tilespmem:s3+$0xFFFFFF30] =	vst v7;
	v1 =	vmul.f32 v1, v2  }
0x474: {  	v7 =	vld [tilespmem:s30+$0xFFFFFF40]  }
0x475: {  	v5 =	vmul.f32 v49, v5;
	[tilespmem:s3+$0x1F0] =	vst v1;
	v1 =	vld [tilespmem:s3+$0xF0]  }
0x476: {  	v4 =	vmul.f32 v4, v6;
	v6 =	vld [tilespmem:s3+$0xB0]  }
0x477: {  	[tilespmem:s3+$0x30] =	vst v5;
	v5 =	vmul.f32 v11, v10;
	v11 =	vld [tilespmem:s3+$0xFFFFFF40]  }
0x478: {  	[tilespmem:s3+$0xFFFFFE30] =	vst v4;
	v4 =	vld [tilespmem:s3+$0xFFFFFE40]  }
0x479: {  	v50 =	vld [tilespmem:s30+$0xFFFFFE40]  }
0x47a: {  	v3 =	vmul.f32 v48, v3;
	v10 =	vld [tilespmem:s3+$0xFFFFFEC0];
	[tilespmem:s3+$0x130] =	vst v5  }
0x47b: {  	v5 =	vld [tilespmem:s30+$0x140]  }
0x47c: {  	[tilespmem:s3+$0xFFFFFFB0] =	vst v3;
	v3 =	vmul.f32 v6, v8;
	v8 =	vld [tilespmem:s30+$0x40]  }
0x47d: {  	v6 =	vld [tilespmem:s30+$0xFFFFFFC0];
	v7 =	vmul.f32 v11, v7  }
0x47e: {  	v11 =	vld [tilespmem:s3+$0xFFFFFE50];
	[tilespmem:s3+$0xB0] =	vst v3;
	v4 =	vmul.f32 v4, v50  }
0x47f: {  	v3 =	vld [tilespmem:s30+$0xC0];
	[tilespmem:s3+$0xFFFFFF40] =	vst v7  }
0x480: {  	[tilespmem:s3+$0xFFFFFE40] =	vst v4;
	v4 =	vmul.f32 v10, v9;
	v9 =	vld [tilespmem:s3+$0x140]  }
0x481: {  	v7 =	vmul.f32 v52, v8;
	v8 =	vld [tilespmem:s30+$0xFFFFFF50]  }
0x482: {  	v10 =	vld [tilespmem:s30+$0xFFFFFE50];
	[tilespmem:s3+$0xFFFFFEC0] =	vst v4;
	v4 =	vmul.f32 v51, v6  }
0x483: {  	[tilespmem:s3+$0x40] =	vst v7;
	v6 =	vld [tilespmem:s30+$0xFFFFFED0]  }
0x484: {  	v3 =	vmul.f32 v53, v3;
	v7 =	vld [tilespmem:s30+$0x50];
	[tilespmem:s3+$0xFFFFFFC0] =	vst v4  }
0x485: {  	v4 =	vld [tilespmem:s30+$0xFFFFFFD0]  }
0x486: {  	v5 =	vmul.f32 v9, v5;
	[tilespmem:s3+$0xC0] =	vst v3;
	v9 =	vld [tilespmem:s3+$0xFFFFFED0]  }
0x487: {  	v8 =	vmul.f32 v54, v8;
	v3 =	vld [tilespmem:s30+$0xD0]  }
0x488: {  	v10 =	vmul.f32 v11, v10;
	v11 =	vld [tilespmem:s3+$0x50];
	[tilespmem:s3+$0x140] =	vst v5  }
0x489: {  	[tilespmem:s3+$0xFFFFFF50] =	vst v8;
	v5 =	vld [tilespmem:s30+$0x150]  }
0x48a: {  	[tilespmem:s3+$0xFFFFFE50] =	vst v10;
	v8 =	vld [tilespmem:s30+$0xFFFFFF60]  }
0x48b: {  	v10 =	vld [tilespmem:s30+$0xFFFFFE60];
	v6 =	vmul.f32 v9, v6  }
0x48c: {  	v9 =	vld [tilespmem:s3+$0x150];
	v4 =	vmul.f32 v55, v4  }
0x48d: {  	v7 =	vmul.f32 v11, v7;
	v11 =	vld [tilespmem:s3+$0xFFFFFF60];
	[tilespmem:s3+$0xFFFFFED0] =	vst v6  }
0x48e: {  	[tilespmem:s3+$0xFFFFFFD0] =	vst v4;
	v6 =	vld [tilespmem:s30+$0xFFFFFEE0]  }
0x48f: {  	v3 =	vmul.f32 v56, v3;
	v4 =	vld [tilespmem:s30+$0xFFFFFFE0];
	[tilespmem:s3+$0x50] =	vst v7  }
0x490: {  	v7 =	vld [tilespmem:s30+$0x60]  }
0x491: {  	[tilespmem:s3+$0xD0] =	vst v3;
	v10 =	vmul.f32 v57, v10;
	v5 =	vmul.f32 v9, v5;
	v9 =	vld [tilespmem:s3+$0xFFFFFEE0]  }
0x492: {  	v3 =	vld [tilespmem:s30+$0xE0]  }
0x493: {  	[tilespmem:s3+$0xFFFFFE60] =	vst v10;
	v10 =	vld [tilespmem:s3+$0xFFFFFF70]  }
0x494: {  	v8 =	vmul.f32 v11, v8;
	[tilespmem:s3+$0x150] =	vst v5;
	v11 =	vld [tilespmem:s30+$0xFFFFFE70];
	v4 =	vmul.f32 v58, v4  }
0x495: {  	v5 =	vld [tilespmem:s30+$0x160]  }
0x496: {  	v6 =	vmul.f32 v9, v6;
	v9 =	vld [tilespmem:s3+$0x160];
	[tilespmem:s3+$0xFFFFFFE0] =	vst v4  }
0x497: {  	[tilespmem:s3+$0xFFFFFF60] =	vst v8;
	v3 =	vmul.f32 v60, v3;
	v4 =	vld [tilespmem:s30+$0xFFFFFFF0]  }
0x498: {  	[tilespmem:s3+$0xFFFFFEE0] =	vst v6;
	v6 =	vmul.f32 v59, v7;
	v7 =	vld [tilespmem:s30+$0xFFFFFF70]  }
0x499: {  	[tilespmem:s3+$0xE0] =	vst v3;
	v62 =	vld [tilespmem:s30+$0xFFFFFEF0]  }
0x49a: {  	[tilespmem:s3+$0x60] =	vst v6;
	v6 =	vld [tilespmem:s30+$0xF0]  }
0x49b: {  	v8 =	vmul.f32 v9, v5;
	v5 =	vld [tilespmem:s30+$0x70]  }
0x49c: {  	v2 =	vmul.f32 v61, v11;
	v9 =	vld [tilespmem:s3+$0xFFFFFFF0]  }
0x49d: {  	[tilespmem:s3+$0x160] =	vst v8;
	v8 =	vld [tilespmem:s3+$0x70]  }
0x49e: {  	[tilespmem:s3+$0xFFFFFE70] =	vst v2;
	v2 =	vld [tilespmem:s3+$0x170]  }
0x49f: {  	s8 =	simm.s32 $0x0;
	s16 =	simm.s32 $0x1BA80;
	s5 =	simm.s32 $0x16680;
	v3 =	vld [tilespmem:s30+$0x170];
	v11 =	vmul.f32 v63, v62  }
.LBB2_11:
0x4a0: {  	v12 =	vld [tilespmem:s16+$0x180];
	v7 =	vmul.f32 v10, v7;
	s3 =	sadd.s32 $0x400, s3  }
0x4a1: {  	s8 =	sadd.s32 $0x8, s8;
	v10 =	vld [tilespmem:s3+$0x180];
	[tilespmem:s5+$0xFFFFFEF0] =	vst v11;
	v4 =	vmul.f32 v9, v4  }
0x4a2: {  	p1 =	slt.u32 s8, $0x48;
	v9 =	vld [tilespmem:s3+$0xFFFFFE00];
	[tilespmem:s5+$0xFFFFFF70] =	vst v7;
	v5 =	vmul.f32 v8, v5  }
0x4a3: {  	v7 =	vld [tilespmem:s16+$0xFFFFFE80];
	[tilespmem:s5+$0xFFFFFFF0] =	vst v4;
	v1 =	vmul.f32 v1, v6  }
0x4a4: {  	v4 =	vld [tilespmem:s3+$0xFFFFFE80];
	[tilespmem:s5+$0x70] =	vst v5;
	v2 =	vmul.f32 v2, v3  }
0x4a5: {  	v3 =	vld [tilespmem:s16+$0xFFFFFF00];
	[tilespmem:s5+$0xF0] =	vst v1  }
0x4a6: {  	v1 =	vld [tilespmem:s3+$0xFFFFFF00];
	v5 =	vmul.f32 v10, v12;
	[tilespmem:s5+$0x170] =	vst v2;
	s5 =	smov.u32 s3  }
0x4a7: {  	v2 =	vld [tilespmem:s16+$0xFFFFFF80]  }
0x4a8: {  	[tilespmem:s3+$0x180] =	vst v5;
	v5 =	vld [tilespmem:s3+$0x190]  }
0x4a9: {  	v4 =	vmul.f32 v4, v7;
	v6 =	vld [tilespmem:s16+$0x190]  }
0x4aa: {  	v7 =	vld [tilespmem:s3+$0xFFFFFF80]  }
0x4ab: {  	[tilespmem:s3+$0xFFFFFE80] =	vst v4;
	v1 =	vmul.f32 v1, v3;
	v3 =	vld [tilespmem:s16+$0x0]  }
0x4ac: {  	v4 =	vld [tilespmem:s3+$0x0]  }
0x4ad: {  	[tilespmem:s3+$0xFFFFFF00] =	vst v1;
	v1 =	vld [tilespmem:s16+$0x80]  }
0x4ae: {  	v8 =	vld [tilespmem:s3+$0x80];
	v5 =	vmul.f32 v5, v6  }
0x4af: {  	v2 =	vmul.f32 v7, v2;
	v6 =	vld [tilespmem:s16+$0x100]  }
0x4b0: {  	[tilespmem:s3+$0x190] =	vst v5;
	v5 =	vld [tilespmem:s3+$0x1A0]  }
0x4b1: {  	[tilespmem:s3+$0xFFFFFF80] =	vst v2;
	v2 =	vmul.f32 v4, v3;
	v3 =	vld [tilespmem:s16+$0x1A0]  }
0x4b2: {  	v4 =	vld [tilespmem:s3+$0x100]  }
0x4b3: {  	v7 =	vld [tilespmem:s16+$0xFFFFFE00];
	[tilespmem:s3+$0x0] =	vst v2;
	v1 =	vmul.f32 v8, v1  }
0x4b4: {  	v2 =	vld [tilespmem:s16+$0xFFFFFE90]  }
0x4b5: {  	v8 =	vld [tilespmem:s16+$0xFFFFFF10];
	[tilespmem:s3+$0x80] =	vst v1  }
0x4b6: {  	v1 =	vld [tilespmem:s16+$0xFFFFFF90];
	v3 =	vmul.f32 v5, v3  }
0x4b7: {  	v5 =	vld [tilespmem:s16+$0x10];
	v4 =	vmul.f32 v4, v6  }
0x4b8: {  	v6 =	vmul.f32 v9, v7;
	[tilespmem:s3+$0x1A0] =	vst v3;
	v3 =	vld [tilespmem:s3+$0x1B0]  }
0x4b9: {  	[tilespmem:s3+$0x100] =	vst v4;
	v4 =	vld [tilespmem:s16+$0x1B0]  }
0x4ba: {  	[tilespmem:s3+$0xFFFFFE00] =	vst v6;
	v6 =	vld [tilespmem:s16+$0x90]  }
0x4bb: {  	v7 =	vld [tilespmem:s16+$0xFFFFFE10]  }
0x4bc: {  	v9 =	vld [tilespmem:s16+$0x110]  }
0x4bd: {  	v10 =	vld [tilespmem:s3+$0xFFFFFE10]  }
0x4be: {  	v11 =	vld [tilespmem:s3+$0xFFFFFE90];
	v3 =	vmul.f32 v3, v4  }
0x4bf: {  	v4 =	vld [tilespmem:s3+$0xFFFFFF10]  }
0x4c0: {  	[tilespmem:s3+$0x1B0] =	vst v3;
	v3 =	vld [tilespmem:s3+$0x1C0]  }
0x4c1: {  	v12 =	vld [tilespmem:s16+$0x1C0]  }
0x4c2: {  	v7 =	vmul.f32 v10, v7;
	v10 =	vld [tilespmem:s3+$0xFFFFFF90]  }
0x4c3: {  	v2 =	vmul.f32 v11, v2;
	v11 =	vld [tilespmem:s3+$0x10]  }
0x4c4: {  	[tilespmem:s3+$0xFFFFFE10] =	vst v7;
	v4 =	vmul.f32 v4, v8;
	v7 =	vld [tilespmem:s3+$0x90]  }
0x4c5: {  	[tilespmem:s3+$0xFFFFFE90] =	vst v2;
	v2 =	vld [tilespmem:s3+$0x110]  }
0x4c6: {  	v8 =	vld [tilespmem:s16+$0xFFFFFE20];
	[tilespmem:s3+$0xFFFFFF10] =	vst v4;
	v3 =	vmul.f32 v3, v12  }
0x4c7: {  	v4 =	vld [tilespmem:s16+$0xFFFFFEA0];
	v1 =	vmul.f32 v10, v1  }
0x4c8: {  	v5 =	vmul.f32 v11, v5;
	[tilespmem:s3+$0x1C0] =	vst v3;
	v3 =	vld [tilespmem:s3+$0x1D0]  }
0x4c9: {  	[tilespmem:s3+$0xFFFFFF90] =	vst v1;
	v1 =	vmul.f32 v7, v6;
	v6 =	vld [tilespmem:s16+$0x1D0]  }
0x4ca: {  	v7 =	vld [tilespmem:s16+$0xFFFFFF20];
	[tilespmem:s3+$0x10] =	vst v5;
	v2 =	vmul.f32 v2, v9  }
0x4cb: {  	v5 =	vld [tilespmem:s16+$0xFFFFFFA0];
	[tilespmem:s3+$0x90] =	vst v1  }
0x4cc: {  	v1 =	vld [tilespmem:s16+$0x20];
	[tilespmem:s3+$0x110] =	vst v2  }
0x4cd: {  	v2 =	vld [tilespmem:s16+$0xA0]  }
0x4ce: {  	v9 =	vld [tilespmem:s16+$0x120];
	v3 =	vmul.f32 v3, v6  }
0x4cf: {  	v6 =	vld [tilespmem:s3+$0xFFFFFE20]  }
0x4d0: {  	[tilespmem:s3+$0x1D0] =	vst v3;
	v3 =	vld [tilespmem:s3+$0x1E0]  }
0x4d1: {  	v10 =	vld [tilespmem:s16+$0x1E0]  }
0x4d2: {  	v11 =	vld [tilespmem:s3+$0xFFFFFEA0]  }
0x4d3: {  	v12 =	vld [tilespmem:s3+$0xFFFFFF20]  }
0x4d4: {  	v6 =	vmul.f32 v6, v8;
	v8 =	vld [tilespmem:s3+$0xFFFFFFA0]  }
0x4d5: {  	v13 =	vld [tilespmem:s3+$0x20]  }
0x4d6: {  	[tilespmem:s3+$0xFFFFFE20] =	vst v6;
	v6 =	vld [tilespmem:s3+$0xA0];
	v3 =	vmul.f32 v3, v10  }
0x4d7: {  	v4 =	vmul.f32 v11, v4;
	v10 =	vld [tilespmem:s3+$0x120]  }
0x4d8: {  	v7 =	vmul.f32 v12, v7;
	[tilespmem:s3+$0x1E0] =	vst v3;
	v3 =	vld [tilespmem:s3+$0x1F0]  }
0x4d9: {  	[tilespmem:s3+$0xFFFFFEA0] =	vst v4;
	v4 =	vmul.f32 v8, v5;
	v5 =	vld [tilespmem:s16+$0x1F0]  }
0x4da: {  	v8 =	vld [tilespmem:s16+$0xFFFFFE30];
	[tilespmem:s3+$0xFFFFFF20] =	vst v7;
	v1 =	vmul.f32 v13, v1  }
0x4db: {  	v7 =	vld [tilespmem:s16+$0xFFFFFEB0];
	[tilespmem:s3+$0xFFFFFFA0] =	vst v4;
	v2 =	vmul.f32 v6, v2  }
0x4dc: {  	v4 =	vld [tilespmem:s16+$0xFFFFFF30];
	[tilespmem:s3+$0x20] =	vst v1;
	v1 =	vmul.f32 v10, v9  }
0x4dd: {  	v6 =	vld [tilespmem:s16+$0xFFFFFFB0];
	[tilespmem:s3+$0xA0] =	vst v2  }
0x4de: {  	v2 =	vld [tilespmem:s16+$0x30];
	[tilespmem:s3+$0x120] =	vst v1;
	v1 =	vmul.f32 v3, v5  }
0x4df: {  	v3 =	vld [tilespmem:s16+$0xB0]  }
0x4e0: {  	v5 =	vld [tilespmem:s16+$0x130];
	[tilespmem:s3+$0x1F0] =	vst v1  }
0x4e1: {  	v1 =	vld [tilespmem:s3+$0xFFFFFE30]  }
0x4e2: {  	v9 =	vld [tilespmem:s3+$0xFFFFFEB0]  }
0x4e3: {  	v10 =	vld [tilespmem:s3+$0xFFFFFF30]  }
0x4e4: {  	v11 =	vld [tilespmem:s3+$0xFFFFFFB0]  }
0x4e5: {  	v12 =	vld [tilespmem:s3+$0x30]  }
0x4e6: {  	v1 =	vmul.f32 v1, v8;
	v8 =	vld [tilespmem:s3+$0xB0]  }
0x4e7: {  	v7 =	vmul.f32 v9, v7;
	v9 =	vld [tilespmem:s3+$0x130]  }
0x4e8: {  	[tilespmem:s3+$0xFFFFFE30] =	vst v1;
	v1 =	vld [tilespmem:s3+$0xFFFFFE40];
	v4 =	vmul.f32 v10, v4  }
0x4e9: {  	v10 =	vld [tilespmem:s16+$0xFFFFFE40];
	[tilespmem:s3+$0xFFFFFEB0] =	vst v7;
	v6 =	vmul.f32 v11, v6  }
0x4ea: {  	v7 =	vld [tilespmem:s16+$0xFFFFFEC0];
	[tilespmem:s3+$0xFFFFFF30] =	vst v4;
	v2 =	vmul.f32 v12, v2  }
0x4eb: {  	v4 =	vld [tilespmem:s16+$0xFFFFFF40];
	[tilespmem:s3+$0xFFFFFFB0] =	vst v6;
	v3 =	vmul.f32 v8, v3  }
0x4ec: {  	v6 =	vld [tilespmem:s16+$0xFFFFFFC0];
	[tilespmem:s3+$0x30] =	vst v2;
	v2 =	vmul.f32 v9, v5  }
0x4ed: {  	v5 =	vld [tilespmem:s16+$0x40];
	[tilespmem:s3+$0xB0] =	vst v3  }
0x4ee: {  	v1 =	vmul.f32 v1, v10;
	v3 =	vld [tilespmem:s16+$0xC0];
	[tilespmem:s3+$0x130] =	vst v2  }
0x4ef: {  	v2 =	vld [tilespmem:s16+$0x140]  }
0x4f0: {  	[tilespmem:s3+$0xFFFFFE40] =	vst v1;
	v1 =	vld [tilespmem:s3+$0xFFFFFEC0]  }
0x4f1: {  	v8 =	vld [tilespmem:s3+$0xFFFFFF40]  }
0x4f2: {  	v9 =	vld [tilespmem:s3+$0xFFFFFFC0]  }
0x4f3: {  	v10 =	vld [tilespmem:s3+$0x40]  }
0x4f4: {  	v11 =	vld [tilespmem:s3+$0xC0]  }
0x4f5: {  	v1 =	vmul.f32 v1, v7;
	v7 =	vld [tilespmem:s3+$0x140]  }
0x4f6: {  	v12 =	vld [tilespmem:s16+$0xFFFFFE50];
	v4 =	vmul.f32 v8, v4  }
0x4f7: {  	v8 =	vld [tilespmem:s3+$0xFFFFFE50];
	[tilespmem:s3+$0xFFFFFEC0] =	vst v1;
	v1 =	vmul.f32 v9, v6  }
0x4f8: {  	v6 =	vld [tilespmem:s16+$0xFFFFFED0];
	[tilespmem:s3+$0xFFFFFF40] =	vst v4;
	v4 =	vmul.f32 v10, v5  }
0x4f9: {  	v5 =	vld [tilespmem:s16+$0xFFFFFF50];
	[tilespmem:s3+$0xFFFFFFC0] =	vst v1;
	v1 =	vmul.f32 v11, v3  }
0x4fa: {  	v3 =	vld [tilespmem:s16+$0xFFFFFFD0];
	[tilespmem:s3+$0x40] =	vst v4;
	v2 =	vmul.f32 v7, v2  }
0x4fb: {  	v4 =	vld [tilespmem:s16+$0x50];
	[tilespmem:s3+$0xC0] =	vst v1  }
0x4fc: {  	v1 =	vmul.f32 v8, v12;
	v7 =	vld [tilespmem:s16+$0xD0];
	[tilespmem:s3+$0x140] =	vst v2  }
0x4fd: {  	v2 =	vld [tilespmem:s16+$0x150]  }
0x4fe: {  	[tilespmem:s3+$0xFFFFFE50] =	vst v1;
	v1 =	vld [tilespmem:s3+$0xFFFFFED0]  }
0x4ff: {  	v8 =	vld [tilespmem:s3+$0xFFFFFF50]  }
0x500: {  	v9 =	vld [tilespmem:s3+$0xFFFFFFD0]  }
0x501: {  	v10 =	vld [tilespmem:s3+$0x50]  }
0x502: {  	v11 =	vld [tilespmem:s3+$0xD0]  }
0x503: {  	v1 =	vmul.f32 v1, v6;
	v6 =	vld [tilespmem:s3+$0x150]  }
0x504: {  	v12 =	vld [tilespmem:s16+$0xFFFFFE60];
	v5 =	vmul.f32 v8, v5  }
0x505: {  	v8 =	vld [tilespmem:s3+$0xFFFFFE60];
	[tilespmem:s3+$0xFFFFFED0] =	vst v1;
	v1 =	vmul.f32 v9, v3  }
0x506: {  	v3 =	vld [tilespmem:s16+$0xFFFFFEE0];
	[tilespmem:s3+$0xFFFFFF50] =	vst v5;
	v4 =	vmul.f32 v10, v4  }
0x507: {  	v5 =	vld [tilespmem:s16+$0xFFFFFF60];
	[tilespmem:s3+$0xFFFFFFD0] =	vst v1;
	v1 =	vmul.f32 v11, v7  }
0x508: {  	v7 =	vld [tilespmem:s16+$0xFFFFFFE0];
	[tilespmem:s3+$0x50] =	vst v4;
	v2 =	vmul.f32 v6, v2  }
0x509: {  	v4 =	vld [tilespmem:s16+$0x60];
	[tilespmem:s3+$0xD0] =	vst v1  }
0x50a: {  	v1 =	vmul.f32 v8, v12;
	v6 =	vld [tilespmem:s16+$0xE0];
	[tilespmem:s3+$0x150] =	vst v2  }
0x50b: {  	v2 =	vld [tilespmem:s16+$0x160]  }
0x50c: {  	[tilespmem:s3+$0xFFFFFE60] =	vst v1;
	v1 =	vld [tilespmem:s3+$0xFFFFFEE0]  }
0x50d: {  	v8 =	vld [tilespmem:s3+$0xFFFFFF60]  }
0x50e: {  	v9 =	vld [tilespmem:s3+$0xFFFFFFE0]  }
0x50f: {  	v10 =	vld [tilespmem:s3+$0x60]  }
0x510: {  	v11 =	vld [tilespmem:s3+$0xE0]  }
0x511: {  	v1 =	vmul.f32 v1, v3;
	v3 =	vld [tilespmem:s3+$0x160]  }
0x512: {  	v12 =	vld [tilespmem:s16+$0xFFFFFE70];
	v5 =	vmul.f32 v8, v5  }
0x513: {  	v8 =	vld [tilespmem:s3+$0xFFFFFE70];
	[tilespmem:s3+$0xFFFFFEE0] =	vst v1;
	v1 =	vmul.f32 v9, v7  }
0x514: {  	v13 =	vld [tilespmem:s16+$0xFFFFFEF0];
	[tilespmem:s3+$0xFFFFFF60] =	vst v5;
	v5 =	vmul.f32 v10, v4  }
0x515: {  	v7 =	vld [tilespmem:s16+$0xFFFFFF70];
	[tilespmem:s3+$0xFFFFFFE0] =	vst v1;
	v1 =	vmul.f32 v11, v6  }
0x516: {  	v4 =	vld [tilespmem:s16+$0xFFFFFFF0];
	[tilespmem:s3+$0x60] =	vst v5;
	v2 =	vmul.f32 v3, v2  }
0x517: {  	v5 =	vld [tilespmem:s16+$0x70];
	[tilespmem:s3+$0xE0] =	vst v1  }
0x518: {  	v1 =	vmul.f32 v8, v12;
	v6 =	vld [tilespmem:s16+$0xF0];
	[tilespmem:s3+$0x160] =	vst v2  }
0x519: {  	v3 =	vld [tilespmem:s16+$0x170]  }
0x51a: {  	[tilespmem:s3+$0xFFFFFE70] =	vst v1;
	v2 =	vld [tilespmem:s3+$0xFFFFFEF0]  }
.Ltmp4:
0x51b: {  	v10 =	vld [tilespmem:s3+$0xFFFFFF70];
	(pc) =	sbr.rel @p1 .LBB2_11-.Ltmp4, $4  }
0x51c: {  	v9 =	vld [tilespmem:s3+$0xFFFFFFF0]  }
0x51d: {  	v8 =	vld [tilespmem:s3+$0x70]  }
0x51e: {  	v1 =	vld [tilespmem:s3+$0xF0]  }
0x51f: {  	s16 =	sadd.s32 $0x400, s16;
	v11 =	vmul.f32 v2, v13;
	v2 =	vld [tilespmem:s3+$0x170]  }
0x520: {  	v7 =	vmul.f32 v10, v7  }
0x521: {  	s31 =	sadd.s32 $0x1, s31;
	[tilespmem:s5+$0xFFFFFEF0] =	vst v11;
	v4 =	vmul.f32 v9, v4  }
0x522: {  	p1 =	sne.s32 s31, $0x1F;
	[tilespmem:s5+$0xFFFFFF70] =	vst v7;
	v5 =	vmul.f32 v8, v5  }
.Ltmp5:
0x523: {  	[tilespmem:s5+$0xFFFFFFF0] =	vst v4;
	v1 =	vmul.f32 v1, v6;
	(pc) =	sbr.rel @p1 .LBB2_4-.Ltmp5, $4  }
0x524: {  	[tilespmem:s5+$0x70] =	vst v5;
	v2 =	vmul.f32 v2, v3  }
0x525: {  	[tilespmem:s5+$0xF0] =	vst v1  }
0x526: {  	s3 =	simm.s32 $0x13C00;
	[tilespmem:s5+$0x170] =	vst v2  }
0x527: {  	[spmem:s6] =	stream.indirect.scatter.add.f32 [tilespmem:s17], [sflag:$0xA], $0x80, s3, s26, $0xb8;
	[tilespmem:$0x1DC80] =	vst v63  }
0x528: {  	_ =	swait.ge [sflag:s24], $0x2800  }
0x529: {  	[sflag:s24] =	ssyncset.done $0x0  }
0x52a: {  	[sflag:s24] =	ssyncadd.s32 $0xFFFFD800  }
0x52b: {  	_ =	swait.ge [sflag:s18], $0x2800  }
0x52c: {  	[sflag:s18] =	ssyncset.done $0x0  }
0x52d: {  	[sflag:s18] =	ssyncadd.s32 $0xFFFFD800  }
0x52e: {  	_ =	swait.ge [sflag:s19], $0x2800  }
0x52f: {  	[sflag:s19] =	ssyncset.done $0x0  }
0x530: {  	s5 =	simm.s32 $0x18E80;
	[sflag:s19] =	ssyncadd.s32 $0xFFFFD800  }
0x531: {  	s3 =	simm.s32 $0x13E80;
	v1 =	vld [tilespmem:s5+$0x180]  }
0x532: {  	v2 =	vld [tilespmem:s3+$0x180]  }
0x533: {  	v3 =	vld [tilespmem:s3+$0xFFFFFE00]  }
0x534: {  	v4 =	vld [tilespmem:s5+$0xFFFFFE80]  }
0x535: {  	v5 =	vld [tilespmem:s3+$0xFFFFFE80]  }
0x536: {  	v6 =	vld [tilespmem:s5+$0xFFFFFF00]  }
0x537: {  	v7 =	vld [tilespmem:s3+$0xFFFFFF00]  }
0x538: {  	v8 =	vld [tilespmem:s3+$0xFFFFFF80]  }
0x539: {  	v10 =	vld [tilespmem:s5+$0x0]  }
0x53a: {  	v11 =	vld [tilespmem:s3+$0x0]  }
0x53b: {  	v12 =	vld [tilespmem:s5+$0x80]  }
0x53c: {  	v13 =	vld [tilespmem:s3+$0x80]  }
0x53d: {  	v14 =	vld [tilespmem:s5+$0x100]  }
0x53e: {  	v41 =	vld [tilespmem:s3+$0xFFFFFF10]  }
0x53f: {  	v42 =	vld [tilespmem:s3+$0xFFFFFF90]  }
0x540: {  	v43 =	vld [tilespmem:s3+$0x10]  }
0x541: {  	v44 =	vld [tilespmem:s3+$0xFFFFFF20]  }
0x542: {  	v45 =	vld [tilespmem:s3+$0xFFFFFFA0]  }
0x543: {  	v46 =	vld [tilespmem:s3+$0x20]  }
0x544: {  	v15 =	vld [tilespmem:s3+$0xA0]  }
0x545: {  	v47 =	vld [tilespmem:s3+$0xFFFFFF30]  }
0x546: {  	v48 =	vld [tilespmem:s3+$0xFFFFFFB0]  }
0x547: {  	v49 =	vld [tilespmem:s3+$0x30]  }
0x548: {  	v51 =	vld [tilespmem:s3+$0xFFFFFFC0]  }
0x549: {  	v52 =	vld [tilespmem:s3+$0x40];
	v1 =	vmul.f32 v2, v1  }
0x54a: {  	v53 =	vld [tilespmem:s3+$0xC0]  }
0x54b: {  	[tilespmem:s3+$0x180] =	vst v1;
	v1 =	vld [tilespmem:s3+$0x190]  }
0x54c: {  	v2 =	vld [tilespmem:s5+$0x190]  }
0x54d: {  	v54 =	vld [tilespmem:s3+$0xFFFFFF50]  }
0x54e: {  	v55 =	vld [tilespmem:s3+$0xFFFFFFD0]  }
0x54f: {  	v56 =	vld [tilespmem:s3+$0xD0]  }
0x550: {  	v57 =	vld [tilespmem:s3+$0xFFFFFE60]  }
0x551: {  	v58 =	vld [tilespmem:s3+$0xFFFFFFE0];
	v1 =	vmul.f32 v1, v2  }
0x552: {  	v59 =	vld [tilespmem:s3+$0x60]  }
0x553: {  	[tilespmem:s3+$0x190] =	vst v1;
	v1 =	vld [tilespmem:s3+$0x1A0]  }
0x554: {  	v9 =	vld [tilespmem:s5+$0x1A0]  }
0x555: {  	v4 =	vmul.f32 v5, v4;
	v5 =	vld [tilespmem:s5+$0xFFFFFE00]  }
0x556: {  	v60 =	vld [tilespmem:s3+$0xE0]  }
0x557: {  	v2 =	vld [tilespmem:s5+$0xFFFFFF80]  }
0x558: {  	v61 =	vld [tilespmem:s3+$0xFFFFFE70]  }
0x559: {  	v1 =	vmul.f32 v1, v9;
	v9 =	vld [tilespmem:s3+$0x100]  }
0x55a: {  	v63 =	vld [tilespmem:s3+$0xFFFFFEF0];
	[tilespmem:s3+$0xFFFFFE80] =	vst v4;
	v3 =	vmul.f32 v3, v5  }
0x55b: {  	[tilespmem:s3+$0x1A0] =	vst v1;
	v1 =	vmul.f32 v7, v6;
	v6 =	vld [tilespmem:s3+$0x1B0]  }
0x55c: {  	[tilespmem:s3+$0xFFFFFE00] =	vst v3;
	v2 =	vmul.f32 v8, v2;
	v4 =	vld [tilespmem:s5+$0x1B0]  }
0x55d: {  	v7 =	vld [tilespmem:s5+$0xFFFFFE90];
	[tilespmem:s3+$0xFFFFFF00] =	vst v1;
	v1 =	vmul.f32 v11, v10  }
0x55e: {  	[tilespmem:s3+$0xFFFFFF80] =	vst v2;
	v10 =	vld [tilespmem:s3+$0xFFFFFE10];
	v5 =	vmul.f32 v9, v14  }
0x55f: {  	v2 =	vmul.f32 v13, v12;
	[tilespmem:s3+$0x0] =	vst v1;
	v1 =	vld [tilespmem:s5+$0xFFFFFF90]  }
0x560: {  	[tilespmem:s3+$0x100] =	vst v5;
	v5 =	vld [tilespmem:s5+$0xFFFFFE10]  }
0x561: {  	[tilespmem:s3+$0x80] =	vst v2;
	v2 =	vld [tilespmem:s5+$0x10];
	v4 =	vmul.f32 v6, v4  }
0x562: {  	v6 =	vld [tilespmem:s5+$0x110]  }
0x563: {  	[tilespmem:s3+$0x1B0] =	vst v4;
	v4 =	vld [tilespmem:s3+$0x1C0]  }
0x564: {  	v9 =	vld [tilespmem:s5+$0x1C0]  }
0x565: {  	v5 =	vmul.f32 v10, v5;
	v10 =	vld [tilespmem:s3+$0x110]  }
0x566: {  	v3 =	vld [tilespmem:s5+$0x90]  }
0x567: {  	v11 =	vld [tilespmem:s3+$0xFFFFFE90];
	v1 =	vmul.f32 v42, v1  }
0x568: {  	v8 =	vld [tilespmem:s5+$0xFFFFFF10];
	v2 =	vmul.f32 v43, v2  }
0x569: {  	[tilespmem:s3+$0xFFFFFF90] =	vst v1;
	v4 =	vmul.f32 v4, v9;
	v9 =	vld [tilespmem:s3+$0x90]  }
0x56a: {  	[tilespmem:s3+$0x10] =	vst v2;
	v2 =	vmul.f32 v10, v6;
	v6 =	vld [tilespmem:s5+$0xFFFFFFA0]  }
0x56b: {  	v10 =	vld [tilespmem:s3+$0xFFFFFE20]  }
0x56c: {  	[tilespmem:s3+$0x1C0] =	vst v4;
	v4 =	vmul.f32 v11, v7;
	v7 =	vld [tilespmem:s3+$0x1D0]  }
0x56d: {  	v11 =	vld [tilespmem:s3+$0xFFFFFEA0]  }
0x56e: {  	[tilespmem:s3+$0xFFFFFE10] =	vst v5;
	v5 =	vmul.f32 v41, v8;
	v8 =	vld [tilespmem:s5+$0x1D0]  }
0x56f: {  	[tilespmem:s3+$0xFFFFFE90] =	vst v4;
	v4 =	vld [tilespmem:s5+$0xFFFFFE20]  }
0x570: {  	[tilespmem:s3+$0xFFFFFF10] =	vst v5;
	v5 =	vld [tilespmem:s5+$0xFFFFFEA0];
	v1 =	vmul.f32 v9, v3  }
0x571: {  	v3 =	vld [tilespmem:s5+$0xFFFFFF20]  }
0x572: {  	v9 =	vld [tilespmem:s5+$0x20];
	[tilespmem:s3+$0x90] =	vst v1  }
0x573: {  	[tilespmem:s3+$0x110] =	vst v2;
	v1 =	vmul.f32 v7, v8;
	v7 =	vld [tilespmem:s5+$0xA0]  }
0x574: {  	v8 =	vld [tilespmem:s5+$0x120]  }
0x575: {  	[tilespmem:s3+$0x1D0] =	vst v1;
	v1 =	vld [tilespmem:s3+$0x1E0];
	v5 =	vmul.f32 v11, v5  }
0x576: {  	v3 =	vmul.f32 v44, v3;
	v2 =	vld [tilespmem:s5+$0x1E0]  }
0x577: {  	v11 =	vld [tilespmem:s3+$0xFFFFFEB0];
	[tilespmem:s3+$0xFFFFFEA0] =	vst v5;
	v5 =	vmul.f32 v45, v6  }
0x578: {  	[tilespmem:s3+$0xFFFFFF20] =	vst v3;
	v3 =	vmul.f32 v46, v9;
	v9 =	vld [tilespmem:s5+$0xFFFFFEB0]  }
0x579: {  	[tilespmem:s3+$0xFFFFFFA0] =	vst v5;
	v5 =	vmul.f32 v15, v7;
	v7 =	vld [tilespmem:s5+$0xFFFFFF30]  }
0x57a: {  	[tilespmem:s3+$0x20] =	vst v3;
	v3 =	vld [tilespmem:s5+$0xFFFFFFB0]  }
0x57b: {  	v1 =	vmul.f32 v1, v2;
	v2 =	vmul.f32 v10, v4;
	v4 =	vld [tilespmem:s3+$0x120]  }
0x57c: {  	[tilespmem:s3+$0xA0] =	vst v5;
	v5 =	vld [tilespmem:s5+$0x30]  }
0x57d: {  	[tilespmem:s3+$0x1E0] =	vst v1;
	v1 =	vld [tilespmem:s3+$0x1F0]  }
0x57e: {  	v9 =	vmul.f32 v11, v9;
	v11 =	vld [tilespmem:s3+$0x130]  }
0x57f: {  	[tilespmem:s3+$0xFFFFFE20] =	vst v2;
	v2 =	vld [tilespmem:s5+$0x1F0]  }
0x580: {  	v6 =	vld [tilespmem:s5+$0xFFFFFE30];
	v4 =	vmul.f32 v4, v8  }
0x581: {  	v8 =	vld [tilespmem:s5+$0xB0]  }
0x582: {  	v7 =	vmul.f32 v47, v7;
	[tilespmem:s3+$0x120] =	vst v4;
	v4 =	vld [tilespmem:s3+$0xFFFFFE30]  }
0x583: {  	[tilespmem:s3+$0xFFFFFEB0] =	vst v9;
	v10 =	vld [tilespmem:s5+$0x130]  }
0x584: {  	v9 =	vld [tilespmem:s5+$0xFFFFFEC0];
	[tilespmem:s3+$0xFFFFFF30] =	vst v7;
	v1 =	vmul.f32 v1, v2  }
0x585: {  	v7 =	vld [tilespmem:s5+$0xFFFFFF40]  }
0x586: {  	v5 =	vmul.f32 v49, v5;
	[tilespmem:s3+$0x1F0] =	vst v1;
	v1 =	vld [tilespmem:s3+$0xF0]  }
0x587: {  	v4 =	vmul.f32 v4, v6;
	v6 =	vld [tilespmem:s3+$0xB0]  }
0x588: {  	[tilespmem:s3+$0x30] =	vst v5;
	v5 =	vmul.f32 v11, v10;
	v11 =	vld [tilespmem:s3+$0xFFFFFF40]  }
0x589: {  	[tilespmem:s3+$0xFFFFFE30] =	vst v4;
	v4 =	vld [tilespmem:s3+$0xFFFFFE40]  }
0x58a: {  	v50 =	vld [tilespmem:s5+$0xFFFFFE40]  }
0x58b: {  	v3 =	vmul.f32 v48, v3;
	v10 =	vld [tilespmem:s3+$0xFFFFFEC0];
	[tilespmem:s3+$0x130] =	vst v5  }
0x58c: {  	v5 =	vld [tilespmem:s5+$0x140]  }
0x58d: {  	[tilespmem:s3+$0xFFFFFFB0] =	vst v3;
	v3 =	vmul.f32 v6, v8;
	v8 =	vld [tilespmem:s5+$0x40]  }
0x58e: {  	v6 =	vld [tilespmem:s5+$0xFFFFFFC0];
	v7 =	vmul.f32 v11, v7  }
0x58f: {  	v11 =	vld [tilespmem:s3+$0xFFFFFE50];
	[tilespmem:s3+$0xB0] =	vst v3;
	v4 =	vmul.f32 v4, v50  }
0x590: {  	v3 =	vld [tilespmem:s5+$0xC0];
	[tilespmem:s3+$0xFFFFFF40] =	vst v7  }
0x591: {  	[tilespmem:s3+$0xFFFFFE40] =	vst v4;
	v4 =	vmul.f32 v10, v9;
	v9 =	vld [tilespmem:s3+$0x140]  }
0x592: {  	v7 =	vmul.f32 v52, v8;
	v8 =	vld [tilespmem:s5+$0xFFFFFF50]  }
0x593: {  	v10 =	vld [tilespmem:s5+$0xFFFFFE50];
	[tilespmem:s3+$0xFFFFFEC0] =	vst v4;
	v4 =	vmul.f32 v51, v6  }
0x594: {  	[tilespmem:s3+$0x40] =	vst v7;
	v6 =	vld [tilespmem:s5+$0xFFFFFED0]  }
0x595: {  	v3 =	vmul.f32 v53, v3;
	v7 =	vld [tilespmem:s5+$0x50];
	[tilespmem:s3+$0xFFFFFFC0] =	vst v4  }
0x596: {  	v4 =	vld [tilespmem:s5+$0xFFFFFFD0]  }
0x597: {  	v5 =	vmul.f32 v9, v5;
	[tilespmem:s3+$0xC0] =	vst v3;
	v9 =	vld [tilespmem:s3+$0xFFFFFED0]  }
0x598: {  	v8 =	vmul.f32 v54, v8;
	v3 =	vld [tilespmem:s5+$0xD0]  }
0x599: {  	v10 =	vmul.f32 v11, v10;
	v11 =	vld [tilespmem:s3+$0x50];
	[tilespmem:s3+$0x140] =	vst v5  }
0x59a: {  	[tilespmem:s3+$0xFFFFFF50] =	vst v8;
	v5 =	vld [tilespmem:s5+$0x150]  }
0x59b: {  	[tilespmem:s3+$0xFFFFFE50] =	vst v10;
	v8 =	vld [tilespmem:s5+$0xFFFFFF60]  }
0x59c: {  	v10 =	vld [tilespmem:s5+$0xFFFFFE60];
	v6 =	vmul.f32 v9, v6  }
0x59d: {  	v9 =	vld [tilespmem:s3+$0x150];
	v4 =	vmul.f32 v55, v4  }
0x59e: {  	v7 =	vmul.f32 v11, v7;
	v11 =	vld [tilespmem:s3+$0xFFFFFF60];
	[tilespmem:s3+$0xFFFFFED0] =	vst v6  }
0x59f: {  	[tilespmem:s3+$0xFFFFFFD0] =	vst v4;
	v6 =	vld [tilespmem:s5+$0xFFFFFEE0]  }
0x5a0: {  	v3 =	vmul.f32 v56, v3;
	v4 =	vld [tilespmem:s5+$0xFFFFFFE0];
	[tilespmem:s3+$0x50] =	vst v7  }
0x5a1: {  	v7 =	vld [tilespmem:s5+$0x60]  }
0x5a2: {  	[tilespmem:s3+$0xD0] =	vst v3;
	v10 =	vmul.f32 v57, v10;
	v5 =	vmul.f32 v9, v5;
	v9 =	vld [tilespmem:s3+$0xFFFFFEE0]  }
0x5a3: {  	v3 =	vld [tilespmem:s5+$0xE0]  }
0x5a4: {  	[tilespmem:s3+$0xFFFFFE60] =	vst v10;
	v10 =	vld [tilespmem:s3+$0xFFFFFF70]  }
0x5a5: {  	v8 =	vmul.f32 v11, v8;
	[tilespmem:s3+$0x150] =	vst v5;
	v11 =	vld [tilespmem:s5+$0xFFFFFE70];
	v4 =	vmul.f32 v58, v4  }
0x5a6: {  	v5 =	vld [tilespmem:s5+$0x160]  }
0x5a7: {  	v6 =	vmul.f32 v9, v6;
	v9 =	vld [tilespmem:s3+$0x160];
	[tilespmem:s3+$0xFFFFFFE0] =	vst v4  }
0x5a8: {  	[tilespmem:s3+$0xFFFFFF60] =	vst v8;
	v3 =	vmul.f32 v60, v3;
	v4 =	vld [tilespmem:s5+$0xFFFFFFF0]  }
0x5a9: {  	[tilespmem:s3+$0xFFFFFEE0] =	vst v6;
	v6 =	vmul.f32 v59, v7;
	v7 =	vld [tilespmem:s5+$0xFFFFFF70]  }
0x5aa: {  	[tilespmem:s3+$0xE0] =	vst v3;
	v62 =	vld [tilespmem:s5+$0xFFFFFEF0]  }
0x5ab: {  	[tilespmem:s3+$0x60] =	vst v6;
	v6 =	vld [tilespmem:s5+$0xF0]  }
0x5ac: {  	v8 =	vmul.f32 v9, v5;
	v5 =	vld [tilespmem:s5+$0x70]  }
0x5ad: {  	v2 =	vmul.f32 v61, v11;
	v9 =	vld [tilespmem:s3+$0xFFFFFFF0]  }
0x5ae: {  	[tilespmem:s3+$0x160] =	vst v8;
	v8 =	vld [tilespmem:s3+$0x70]  }
0x5af: {  	[tilespmem:s3+$0xFFFFFE70] =	vst v2;
	v2 =	vld [tilespmem:s3+$0x170]  }
0x5b0: {  	s8 =	simm.s32 $0x0;
	s16 =	simm.s32 $0x19280;
	v3 =	vld [tilespmem:s5+$0x170];
	v11 =	vmul.f32 v63, v62;
	s5 =	simm.s32 $0x13E80  }
.LBB2_14:
0x5b1: {  	v12 =	vld [tilespmem:s16+$0x180];
	v7 =	vmul.f32 v10, v7;
	s3 =	sadd.s32 $0x400, s3  }
0x5b2: {  	s8 =	sadd.s32 $0x8, s8;
	v10 =	vld [tilespmem:s3+$0x180];
	[tilespmem:s5+$0xFFFFFEF0] =	vst v11;
	v4 =	vmul.f32 v9, v4  }
0x5b3: {  	p1 =	slt.u32 s8, $0x48;
	v9 =	vld [tilespmem:s3+$0xFFFFFE00];
	[tilespmem:s5+$0xFFFFFF70] =	vst v7;
	v5 =	vmul.f32 v8, v5  }
0x5b4: {  	v7 =	vld [tilespmem:s16+$0xFFFFFE80];
	[tilespmem:s5+$0xFFFFFFF0] =	vst v4;
	v1 =	vmul.f32 v1, v6  }
0x5b5: {  	v4 =	vld [tilespmem:s3+$0xFFFFFE80];
	[tilespmem:s5+$0x70] =	vst v5;
	v2 =	vmul.f32 v2, v3  }
0x5b6: {  	v3 =	vld [tilespmem:s16+$0xFFFFFF00];
	[tilespmem:s5+$0xF0] =	vst v1  }
0x5b7: {  	v1 =	vld [tilespmem:s3+$0xFFFFFF00];
	v5 =	vmul.f32 v10, v12;
	[tilespmem:s5+$0x170] =	vst v2;
	s5 =	smov.u32 s3  }
0x5b8: {  	v2 =	vld [tilespmem:s16+$0xFFFFFF80]  }
0x5b9: {  	[tilespmem:s3+$0x180] =	vst v5;
	v5 =	vld [tilespmem:s3+$0x190]  }
0x5ba: {  	v4 =	vmul.f32 v4, v7;
	v6 =	vld [tilespmem:s16+$0x190]  }
0x5bb: {  	v7 =	vld [tilespmem:s3+$0xFFFFFF80]  }
0x5bc: {  	[tilespmem:s3+$0xFFFFFE80] =	vst v4;
	v1 =	vmul.f32 v1, v3;
	v3 =	vld [tilespmem:s16+$0x0]  }
0x5bd: {  	v4 =	vld [tilespmem:s3+$0x0]  }
0x5be: {  	[tilespmem:s3+$0xFFFFFF00] =	vst v1;
	v1 =	vld [tilespmem:s16+$0x80]  }
0x5bf: {  	v8 =	vld [tilespmem:s3+$0x80];
	v5 =	vmul.f32 v5, v6  }
0x5c0: {  	v2 =	vmul.f32 v7, v2;
	v6 =	vld [tilespmem:s16+$0x100]  }
0x5c1: {  	[tilespmem:s3+$0x190] =	vst v5;
	v5 =	vld [tilespmem:s3+$0x1A0]  }
0x5c2: {  	[tilespmem:s3+$0xFFFFFF80] =	vst v2;
	v2 =	vmul.f32 v4, v3;
	v3 =	vld [tilespmem:s16+$0x1A0]  }
0x5c3: {  	v4 =	vld [tilespmem:s3+$0x100]  }
0x5c4: {  	v7 =	vld [tilespmem:s16+$0xFFFFFE00];
	[tilespmem:s3+$0x0] =	vst v2;
	v1 =	vmul.f32 v8, v1  }
0x5c5: {  	v2 =	vld [tilespmem:s16+$0xFFFFFE90]  }
0x5c6: {  	v8 =	vld [tilespmem:s16+$0xFFFFFF10];
	[tilespmem:s3+$0x80] =	vst v1  }
0x5c7: {  	v1 =	vld [tilespmem:s16+$0xFFFFFF90];
	v3 =	vmul.f32 v5, v3  }
0x5c8: {  	v5 =	vld [tilespmem:s16+$0x10];
	v4 =	vmul.f32 v4, v6  }
0x5c9: {  	v6 =	vmul.f32 v9, v7;
	[tilespmem:s3+$0x1A0] =	vst v3;
	v3 =	vld [tilespmem:s3+$0x1B0]  }
0x5ca: {  	[tilespmem:s3+$0x100] =	vst v4;
	v4 =	vld [tilespmem:s16+$0x1B0]  }
0x5cb: {  	[tilespmem:s3+$0xFFFFFE00] =	vst v6;
	v6 =	vld [tilespmem:s16+$0x90]  }
0x5cc: {  	v7 =	vld [tilespmem:s16+$0xFFFFFE10]  }
0x5cd: {  	v9 =	vld [tilespmem:s16+$0x110]  }
0x5ce: {  	v10 =	vld [tilespmem:s3+$0xFFFFFE10]  }
0x5cf: {  	v11 =	vld [tilespmem:s3+$0xFFFFFE90];
	v3 =	vmul.f32 v3, v4  }
0x5d0: {  	v4 =	vld [tilespmem:s3+$0xFFFFFF10]  }
0x5d1: {  	[tilespmem:s3+$0x1B0] =	vst v3;
	v3 =	vld [tilespmem:s3+$0x1C0]  }
0x5d2: {  	v12 =	vld [tilespmem:s16+$0x1C0]  }
0x5d3: {  	v7 =	vmul.f32 v10, v7;
	v10 =	vld [tilespmem:s3+$0xFFFFFF90]  }
0x5d4: {  	v2 =	vmul.f32 v11, v2;
	v11 =	vld [tilespmem:s3+$0x10]  }
0x5d5: {  	[tilespmem:s3+$0xFFFFFE10] =	vst v7;
	v4 =	vmul.f32 v4, v8;
	v7 =	vld [tilespmem:s3+$0x90]  }
0x5d6: {  	[tilespmem:s3+$0xFFFFFE90] =	vst v2;
	v2 =	vld [tilespmem:s3+$0x110]  }
0x5d7: {  	v8 =	vld [tilespmem:s16+$0xFFFFFE20];
	[tilespmem:s3+$0xFFFFFF10] =	vst v4;
	v3 =	vmul.f32 v3, v12  }
0x5d8: {  	v4 =	vld [tilespmem:s16+$0xFFFFFEA0];
	v1 =	vmul.f32 v10, v1  }
0x5d9: {  	v5 =	vmul.f32 v11, v5;
	[tilespmem:s3+$0x1C0] =	vst v3;
	v3 =	vld [tilespmem:s3+$0x1D0]  }
0x5da: {  	[tilespmem:s3+$0xFFFFFF90] =	vst v1;
	v1 =	vmul.f32 v7, v6;
	v6 =	vld [tilespmem:s16+$0x1D0]  }
0x5db: {  	v7 =	vld [tilespmem:s16+$0xFFFFFF20];
	[tilespmem:s3+$0x10] =	vst v5;
	v2 =	vmul.f32 v2, v9  }
0x5dc: {  	v5 =	vld [tilespmem:s16+$0xFFFFFFA0];
	[tilespmem:s3+$0x90] =	vst v1  }
0x5dd: {  	v1 =	vld [tilespmem:s16+$0x20];
	[tilespmem:s3+$0x110] =	vst v2  }
0x5de: {  	v2 =	vld [tilespmem:s16+$0xA0]  }
0x5df: {  	v9 =	vld [tilespmem:s16+$0x120];
	v3 =	vmul.f32 v3, v6  }
0x5e0: {  	v6 =	vld [tilespmem:s3+$0xFFFFFE20]  }
0x5e1: {  	[tilespmem:s3+$0x1D0] =	vst v3;
	v3 =	vld [tilespmem:s3+$0x1E0]  }
0x5e2: {  	v10 =	vld [tilespmem:s16+$0x1E0]  }
0x5e3: {  	v11 =	vld [tilespmem:s3+$0xFFFFFEA0]  }
0x5e4: {  	v12 =	vld [tilespmem:s3+$0xFFFFFF20]  }
0x5e5: {  	v6 =	vmul.f32 v6, v8;
	v8 =	vld [tilespmem:s3+$0xFFFFFFA0]  }
0x5e6: {  	v13 =	vld [tilespmem:s3+$0x20]  }
0x5e7: {  	[tilespmem:s3+$0xFFFFFE20] =	vst v6;
	v6 =	vld [tilespmem:s3+$0xA0];
	v3 =	vmul.f32 v3, v10  }
0x5e8: {  	v4 =	vmul.f32 v11, v4;
	v10 =	vld [tilespmem:s3+$0x120]  }
0x5e9: {  	v7 =	vmul.f32 v12, v7;
	[tilespmem:s3+$0x1E0] =	vst v3;
	v3 =	vld [tilespmem:s3+$0x1F0]  }
0x5ea: {  	[tilespmem:s3+$0xFFFFFEA0] =	vst v4;
	v4 =	vmul.f32 v8, v5;
	v5 =	vld [tilespmem:s16+$0x1F0]  }
0x5eb: {  	v8 =	vld [tilespmem:s16+$0xFFFFFE30];
	[tilespmem:s3+$0xFFFFFF20] =	vst v7;
	v1 =	vmul.f32 v13, v1  }
0x5ec: {  	v7 =	vld [tilespmem:s16+$0xFFFFFEB0];
	[tilespmem:s3+$0xFFFFFFA0] =	vst v4;
	v2 =	vmul.f32 v6, v2  }
0x5ed: {  	v4 =	vld [tilespmem:s16+$0xFFFFFF30];
	[tilespmem:s3+$0x20] =	vst v1;
	v1 =	vmul.f32 v10, v9  }
0x5ee: {  	v6 =	vld [tilespmem:s16+$0xFFFFFFB0];
	[tilespmem:s3+$0xA0] =	vst v2  }
0x5ef: {  	v2 =	vld [tilespmem:s16+$0x30];
	[tilespmem:s3+$0x120] =	vst v1;
	v1 =	vmul.f32 v3, v5  }
0x5f0: {  	v3 =	vld [tilespmem:s16+$0xB0]  }
0x5f1: {  	v5 =	vld [tilespmem:s16+$0x130];
	[tilespmem:s3+$0x1F0] =	vst v1  }
0x5f2: {  	v1 =	vld [tilespmem:s3+$0xFFFFFE30]  }
0x5f3: {  	v9 =	vld [tilespmem:s3+$0xFFFFFEB0]  }
0x5f4: {  	v10 =	vld [tilespmem:s3+$0xFFFFFF30]  }
0x5f5: {  	v11 =	vld [tilespmem:s3+$0xFFFFFFB0]  }
0x5f6: {  	v12 =	vld [tilespmem:s3+$0x30]  }
0x5f7: {  	v1 =	vmul.f32 v1, v8;
	v8 =	vld [tilespmem:s3+$0xB0]  }
0x5f8: {  	v7 =	vmul.f32 v9, v7;
	v9 =	vld [tilespmem:s3+$0x130]  }
0x5f9: {  	[tilespmem:s3+$0xFFFFFE30] =	vst v1;
	v1 =	vld [tilespmem:s3+$0xFFFFFE40];
	v4 =	vmul.f32 v10, v4  }
0x5fa: {  	v10 =	vld [tilespmem:s16+$0xFFFFFE40];
	[tilespmem:s3+$0xFFFFFEB0] =	vst v7;
	v6 =	vmul.f32 v11, v6  }
0x5fb: {  	v7 =	vld [tilespmem:s16+$0xFFFFFEC0];
	[tilespmem:s3+$0xFFFFFF30] =	vst v4;
	v2 =	vmul.f32 v12, v2  }
0x5fc: {  	v4 =	vld [tilespmem:s16+$0xFFFFFF40];
	[tilespmem:s3+$0xFFFFFFB0] =	vst v6;
	v3 =	vmul.f32 v8, v3  }
0x5fd: {  	v6 =	vld [tilespmem:s16+$0xFFFFFFC0];
	[tilespmem:s3+$0x30] =	vst v2;
	v2 =	vmul.f32 v9, v5  }
0x5fe: {  	v5 =	vld [tilespmem:s16+$0x40];
	[tilespmem:s3+$0xB0] =	vst v3  }
0x5ff: {  	v1 =	vmul.f32 v1, v10;
	v3 =	vld [tilespmem:s16+$0xC0];
	[tilespmem:s3+$0x130] =	vst v2  }
0x600: {  	v2 =	vld [tilespmem:s16+$0x140]  }
0x601: {  	[tilespmem:s3+$0xFFFFFE40] =	vst v1;
	v1 =	vld [tilespmem:s3+$0xFFFFFEC0]  }
0x602: {  	v8 =	vld [tilespmem:s3+$0xFFFFFF40]  }
0x603: {  	v9 =	vld [tilespmem:s3+$0xFFFFFFC0]  }
0x604: {  	v10 =	vld [tilespmem:s3+$0x40]  }
0x605: {  	v11 =	vld [tilespmem:s3+$0xC0]  }
0x606: {  	v1 =	vmul.f32 v1, v7;
	v7 =	vld [tilespmem:s3+$0x140]  }
0x607: {  	v12 =	vld [tilespmem:s16+$0xFFFFFE50];
	v4 =	vmul.f32 v8, v4  }
0x608: {  	v8 =	vld [tilespmem:s3+$0xFFFFFE50];
	[tilespmem:s3+$0xFFFFFEC0] =	vst v1;
	v1 =	vmul.f32 v9, v6  }
0x609: {  	v6 =	vld [tilespmem:s16+$0xFFFFFED0];
	[tilespmem:s3+$0xFFFFFF40] =	vst v4;
	v4 =	vmul.f32 v10, v5  }
0x60a: {  	v5 =	vld [tilespmem:s16+$0xFFFFFF50];
	[tilespmem:s3+$0xFFFFFFC0] =	vst v1;
	v1 =	vmul.f32 v11, v3  }
0x60b: {  	v3 =	vld [tilespmem:s16+$0xFFFFFFD0];
	[tilespmem:s3+$0x40] =	vst v4;
	v2 =	vmul.f32 v7, v2  }
0x60c: {  	v4 =	vld [tilespmem:s16+$0x50];
	[tilespmem:s3+$0xC0] =	vst v1  }
0x60d: {  	v1 =	vmul.f32 v8, v12;
	v7 =	vld [tilespmem:s16+$0xD0];
	[tilespmem:s3+$0x140] =	vst v2  }
0x60e: {  	v2 =	vld [tilespmem:s16+$0x150]  }
0x60f: {  	[tilespmem:s3+$0xFFFFFE50] =	vst v1;
	v1 =	vld [tilespmem:s3+$0xFFFFFED0]  }
0x610: {  	v8 =	vld [tilespmem:s3+$0xFFFFFF50]  }
0x611: {  	v9 =	vld [tilespmem:s3+$0xFFFFFFD0]  }
0x612: {  	v10 =	vld [tilespmem:s3+$0x50]  }
0x613: {  	v11 =	vld [tilespmem:s3+$0xD0]  }
0x614: {  	v1 =	vmul.f32 v1, v6;
	v6 =	vld [tilespmem:s3+$0x150]  }
0x615: {  	v12 =	vld [tilespmem:s16+$0xFFFFFE60];
	v5 =	vmul.f32 v8, v5  }
0x616: {  	v8 =	vld [tilespmem:s3+$0xFFFFFE60];
	[tilespmem:s3+$0xFFFFFED0] =	vst v1;
	v1 =	vmul.f32 v9, v3  }
0x617: {  	v3 =	vld [tilespmem:s16+$0xFFFFFEE0];
	[tilespmem:s3+$0xFFFFFF50] =	vst v5;
	v4 =	vmul.f32 v10, v4  }
0x618: {  	v5 =	vld [tilespmem:s16+$0xFFFFFF60];
	[tilespmem:s3+$0xFFFFFFD0] =	vst v1;
	v1 =	vmul.f32 v11, v7  }
0x619: {  	v7 =	vld [tilespmem:s16+$0xFFFFFFE0];
	[tilespmem:s3+$0x50] =	vst v4;
	v2 =	vmul.f32 v6, v2  }
0x61a: {  	v4 =	vld [tilespmem:s16+$0x60];
	[tilespmem:s3+$0xD0] =	vst v1  }
0x61b: {  	v1 =	vmul.f32 v8, v12;
	v6 =	vld [tilespmem:s16+$0xE0];
	[tilespmem:s3+$0x150] =	vst v2  }
0x61c: {  	v2 =	vld [tilespmem:s16+$0x160]  }
0x61d: {  	[tilespmem:s3+$0xFFFFFE60] =	vst v1;
	v1 =	vld [tilespmem:s3+$0xFFFFFEE0]  }
0x61e: {  	v8 =	vld [tilespmem:s3+$0xFFFFFF60]  }
0x61f: {  	v9 =	vld [tilespmem:s3+$0xFFFFFFE0]  }
0x620: {  	v10 =	vld [tilespmem:s3+$0x60]  }
0x621: {  	v11 =	vld [tilespmem:s3+$0xE0]  }
0x622: {  	v1 =	vmul.f32 v1, v3;
	v3 =	vld [tilespmem:s3+$0x160]  }
0x623: {  	v12 =	vld [tilespmem:s16+$0xFFFFFE70];
	v5 =	vmul.f32 v8, v5  }
0x624: {  	v8 =	vld [tilespmem:s3+$0xFFFFFE70];
	[tilespmem:s3+$0xFFFFFEE0] =	vst v1;
	v1 =	vmul.f32 v9, v7  }
0x625: {  	v13 =	vld [tilespmem:s16+$0xFFFFFEF0];
	[tilespmem:s3+$0xFFFFFF60] =	vst v5;
	v5 =	vmul.f32 v10, v4  }
0x626: {  	v7 =	vld [tilespmem:s16+$0xFFFFFF70];
	[tilespmem:s3+$0xFFFFFFE0] =	vst v1;
	v1 =	vmul.f32 v11, v6  }
0x627: {  	v4 =	vld [tilespmem:s16+$0xFFFFFFF0];
	[tilespmem:s3+$0x60] =	vst v5;
	v2 =	vmul.f32 v3, v2  }
0x628: {  	v5 =	vld [tilespmem:s16+$0x70];
	[tilespmem:s3+$0xE0] =	vst v1  }
0x629: {  	v1 =	vmul.f32 v8, v12;
	v6 =	vld [tilespmem:s16+$0xF0];
	[tilespmem:s3+$0x160] =	vst v2  }
0x62a: {  	v3 =	vld [tilespmem:s16+$0x170]  }
0x62b: {  	[tilespmem:s3+$0xFFFFFE70] =	vst v1;
	v2 =	vld [tilespmem:s3+$0xFFFFFEF0]  }
.Ltmp6:
0x62c: {  	v10 =	vld [tilespmem:s3+$0xFFFFFF70];
	(pc) =	sbr.rel @p1 .LBB2_14-.Ltmp6, $4  }
0x62d: {  	v9 =	vld [tilespmem:s3+$0xFFFFFFF0]  }
0x62e: {  	v8 =	vld [tilespmem:s3+$0x70]  }
0x62f: {  	v1 =	vld [tilespmem:s3+$0xF0]  }
0x630: {  	s16 =	sadd.s32 $0x400, s16;
	v11 =	vmul.f32 v2, v13;
	v2 =	vld [tilespmem:s3+$0x170]  }
0x631: {  	v7 =	vmul.f32 v10, v7  }
0x632: {  	[tilespmem:s5+$0xFFFFFEF0] =	vst v11;
	v4 =	vmul.f32 v9, v4  }
0x633: {  	[tilespmem:s5+$0xFFFFFF70] =	vst v7;
	v5 =	vmul.f32 v8, v5  }
0x634: {  	[tilespmem:s5+$0xFFFFFFF0] =	vst v4;
	v1 =	vmul.f32 v1, v6  }
0x635: {  	[tilespmem:s5+$0x70] =	vst v5;
	v2 =	vmul.f32 v2, v3  }
0x636: {  	[tilespmem:s5+$0xF0] =	vst v1  }
0x637: {  	[tilespmem:s5+$0x170] =	vst v2  }
0x638: {  	[spmem:s6] =	stream.indirect.scatter.add.f32 [tilespmem:s10], [sflag:$0x9], $0x80, s13, s26, $0xb8;
	[tilespmem:$0x1DC80] =	vst v63  }
0x639: {  	_ =	swait.ge [sflag:s23], $0x2800  }
0x63a: {  	[sflag:s23] =	ssyncset.done $0x0  }
0x63b: {  	[sflag:s23] =	ssyncadd.s32 $0xFFFFD800  }
0x63c: {  	s3 =	stileid.u32;
	[bflag:$0x0] =	sbarrier.arrive $0xFFFF  }
0x63d: {  	s3 =	sshll.u32 s3, $0x6;
	s29 =	rddreg [dreg:$0xf]  }
0x63e: {  	s3 =	sor.u32 $0x1C0B, s3;
	s8 =	rddreg [dreg:$0x7];
	s21 =	sshrl.u32 s29, $0x3  }
0x63f: {  	[hbm:s8], [sflag:s3] =	dma.local [spmem:s21], $0x500  }
0x640: {  	s21 =	simm.s32 $0xB  }
0x641: {  	_ =	swait.ge [sflag:s21], $0x500  }
0x642: {  	[sflag:s21] =	ssyncset.done $0x0;
	s16 =	rddreg [dreg:$0x10]  }
0x643: {  	s8 =	rddreg [dreg:$0x8];
	[sflag:s21] =	ssyncadd.s32 $0xFFFFFB00;
	s5 =	sshrl.u32 s16, $0x3  }
0x644: {  	[hbm:s8], [sflag:s3] =	dma.local [spmem:s5], $0x500  }
0x645: {  	_ =	swait.ge [sflag:s21], $0x500  }
0x646: {  	[sflag:s21] =	ssyncset.done $0x0;
	s30 =	rddreg [dreg:$0x11]  }
0x647: {  	s8 =	rddreg [dreg:$0x9];
	[sflag:s21] =	ssyncadd.s32 $0xFFFFFB00;
	s5 =	sshrl.u32 s30, $0x3  }
0x648: {  	[hbm:s8], [sflag:s3] =	dma.local [spmem:s5], $0x500  }
0x649: {  	_ =	swait.ge [sflag:s21], $0x500  }
0x64a: {  	[sflag:s21] =	ssyncset.done $0x0;
	s31 =	rddreg [dreg:$0x12]  }
0x64b: {  	s8 =	rddreg [dreg:$0xa];
	[sflag:s21] =	ssyncadd.s32 $0xFFFFFB00;
	s5 =	sshrl.u32 s31, $0x3  }
0x64c: {  	[hbm:s8], [sflag:s3] =	dma.local [spmem:s5], $0x500  }
0x64d: {  	_ =	swait.ge [sflag:s21], $0x500  }
0x64e: {  	[sflag:s21] =	ssyncset.done $0x0;
	s8 =	rddreg [dreg:$0x13]  }
0x64f: {  	[sflag:s21] =	ssyncadd.s32 $0xFFFFFB00;
	s5 =	sshrl.u32 s8, $0x3;
	s8 =	rddreg [dreg:$0xb]  }
0x650: {  	[hbm:s8], [sflag:s3] =	dma.local [spmem:s5], $0x500  }
0x651: {  	_ =	swait.ge [sflag:s21], $0x500  }
0x652: {  	[sflag:s21] =	ssyncset.done $0x0;
	s8 =	rddreg [dreg:$0x14]  }
0x653: {  	[sflag:s21] =	ssyncadd.s32 $0xFFFFFB00;
	s5 =	sshrl.u32 s8, $0x3;
	s8 =	rddreg [dreg:$0xc]  }
0x654: {  	[hbm:s8], [sflag:s3] =	dma.local [spmem:s5], $0x500  }
0x655: {  	_ =	swait.ge [sflag:s21], $0x500  }
0x656: {  	[sflag:s21] =	ssyncset.done $0x0;
	s8 =	rddreg [dreg:$0x15]  }
0x657: {  	[sflag:s21] =	ssyncadd.s32 $0xFFFFFB00;
	s5 =	sshrl.u32 s8, $0x3;
	s8 =	rddreg [dreg:$0xd]  }
0x658: {  	[hbm:s8], [sflag:s3] =	dma.local [spmem:s5], $0x500  }
0x659: {  	_ =	swait.ge [sflag:s21], $0x500  }
0x65a: {  	[sflag:s21] =	ssyncset.done $0x0;
	s5 =	rddreg [dreg:$0x16]  }
0x65b: {  	s8 =	rddreg [dreg:$0xe];
	[sflag:s21] =	ssyncadd.s32 $0xFFFFFB00;
	s5 =	sshrl.u32 @!p0 s5, $0x3  }
0x65c: {  	[hbm:s8], [sflag:s3] =	dma.local @!p0 [spmem:s5], $0x500  }
0x65d: {  	s3 =	simm.s32 @!p0 $0xB  }
0x65e: {  	_ =	swait.ge @!p0 [sflag:s3], $0x500  }
0x65f: {  	s5 =	sld [smem:$0x7FC]  }
0x660: {  	s21 =	sld [smem:$0x7FD];
	_ =	sdelay $0x1  }
0x661: {  	s8 =	sadd.s32 $0x1, s5  }
0x662: {  	p1 =	sne.s32 s8, s21  }
.Ltmp7:
0x663: {  	_ = 	snop;
	(pc) =	sbr.rel @p1 .LBB2_1-.Ltmp7, $3  }
0x664: {  	_ =	sdelay $0x1  }
0x665: {  	[sflag:s3] =	ssyncset.done @!p0 $0x0  }
0x666: {  	[sflag:s3] =	ssyncadd.s32 @!p0 $0xFFFFFB00;
	s21 =	simm.s32 $0x13900  }
0x667: {  	_ =	sfence.sel $0x180000  }
0x668: {  	[bflag:$0x0] =	sbarrier.arrive $0xFFFF  }
0x669: {  	_ =	strace $0x90000047  }
0x66a: {  	s0 =	stileid.u32;
	[bflag:$0x2] =	sbarrier.arrive $0xFFFF  }
0x66b: {  	p0 =	sne.s32 s0, $0x0;
	s0 =	rddreg [dreg:$0x6]  }
0x66c: {  	s0 =	sadd.s32 @!p0 $0x100000, s0  }
0x66d: {  	[sflag:s0] =	ssyncadd.tile.s32 @!p0 $0x1;
	_ =	shalt  }
.Lfunc_end2:
_tile_overlayer_lowered:
.L_overlay_start_2:
0x66e: {  	(tag) =	ssettag $0x2  }
0x66f: {  	s0 =	rddreg [dreg:$0x0];
	s2 =	stileid.u32  }
0x670: {  	s1 =	rddreg [dreg:$0x1];
	p0 =	sne.s32 s2, $0x0  }
0x671: {  	s3 =	rddreg [dreg:$0x2];
	[bflag:$0x3] =	sbarrier.arrive $0xFFFF;
	s2 =	simm.s32 @!p0 $0x1C0B  }
0x672: {  	[timem:s3], [sflag:s2] =	dma.local @!p0 [hbm:s0], s1  }
0x673: {  	s0 =	simm.s32 @!p0 $0xB  }
0x674: {  	_ =	swait.ge @!p0 [sflag:s0], s1  }
0x675: {  	s1 =	ssub.s32 @!p0 $0x0, s1;
	[sflag:s0] =	ssyncset.done @!p0 $0x0  }
0x676: {  	[sflag:s0] =	ssyncadd.s32 @!p0 s1  }
0x677: {  	[bflag:$0x3] =	sbarrier.arrive $0xFFFF  }
0x678: {  	_ =	shalt  }

</sc_bundles>
